<compile_context>
chip_gen: v7x
topology: tpu7x:2x2x1
jax: 0.10.2.dev20260603
libtpu: 0.0.44.dev20260713+nightly
codegen_flags: <defaults>
</compile_context>

<pallas_src>
import math
import functools

import jax
import jax.numpy as jnp
from jax import lax
from jax.experimental import pallas as pl
from jax.experimental.pallas import tpu as pltpu
from jax.experimental.pallas import tpu_sc as plsc
from jax._src.pallas import mpmd as _pl_mpmd

CLIP = 1.0
BOUND = 0.1


def _rsqrt16(x):
    xi = plsc.bitcast(x, jnp.int32)
    y = plsc.bitcast(jnp.int32(0x5F3759DF) - (xi >> 1), jnp.float32)
    for _ in range(3):
        y = y * (1.5 - 0.5 * x * y * y)
    return y


def _make_sc_scatter(V, B):
    NW, L = 32, 16
    span = ((V + NW - 1) // NW + L - 1) // L * L
    tail = V - (NW - 1) * span
    assert 0 < tail <= span and tail % L == 0 and span % 8 == 0
    n_grp = B // L

    mesh = plsc.VectorSubcoreMesh(core_axis_name="c", subcore_axis_name="s")

    @functools.partial(
        pl.kernel,
        out_type=jax.ShapeDtypeStruct((V,), jnp.float32),
        mesh=mesh,
        scratch_types=[
            pltpu.VMEM((B,), jnp.int32),
            pltpu.VMEM((B,), jnp.int32),
            pltpu.VMEM((span,), jnp.float32),
        ],
        compiler_params=pltpu.CompilerParams(needs_layout_passes=False),
    )
    def sc_scatter(ids_hbm, cnts_hbm, out_hbm, ids_v, cnts_v, slice_v):
        wid = lax.axis_index("c") * 16 + lax.axis_index("s")
        base = wid * span

        pltpu.sync_copy(ids_hbm, ids_v)
        pltpu.sync_copy(cnts_hbm, cnts_v)

        def scan_body(j, _):
            idv = ids_v[pl.ds(j * L, L)]
            cv = cnts_v[pl.ds(j * L, L)].astype(jnp.float32)
            local = idv - base
            msk = (idv >= base) & (idv < base + span)
            plsc.store_scatter(slice_v, [local], cv, mask=msk)
            return 0

        lax.fori_loop(0, n_grp, scan_body, 0, unroll=4)

        @pl.when(wid < NW - 1)
        def _():
            pltpu.sync_copy(slice_v, out_hbm.at[pl.ds(base, span)])

        @pl.when(wid == NW - 1)
        def _():
            pltpu.sync_copy(
                slice_v.at[pl.ds(0, tail)], out_hbm.at[pl.ds(base, tail)]
            )

    return sc_scatter


def _make_sc_fixup(V, D, B, min_w2):
    NW, L = 32, 16
    CH = B // NW
    assert CH % L == 0 and CH % 8 == 0

    mesh = plsc.VectorSubcoreMesh(core_axis_name="c", subcore_axis_name="s")

    _scratch = [
        pltpu.VMEM((1, CH), jnp.int32),
        pltpu.VMEM((CH,), jnp.float32),
        pltpu.VMEM((CH, D), jnp.float32),
        pltpu.VMEM((CH, D), jnp.float32),
        pltpu.VMEM((CH, D), jnp.float32),
        pltpu.SemaphoreType.DMA,
        pltpu.SemaphoreType.DMA,
        pltpu.SemaphoreType.DMA,
    ]

    def sc_fixup(
        ids_hbm, cf_hbm, w_hbm, g_hbm, out0_hbm, out_hbm,
        ids2d_v, cnt_slab, wbuf, gbuf, obuf, sem_w, sem_g, sem_c,
    ):
        del out0_hbm
        wid = lax.axis_index("c") * 16 + lax.axis_index("s")

        pltpu.sync_copy(ids_hbm.at[pl.ds(wid * CH, CH)], ids2d_v.at[0])
        idx_ref = ids2d_v.at[0]
        ca = pltpu.async_copy(cf_hbm.at[idx_ref], cnt_slab, sem_c)
        cw = pltpu.async_copy(w_hbm.at[idx_ref], wbuf, sem_w)
        cg = pltpu.async_copy(g_hbm.at[idx_ref], gbuf, sem_g)
        ca.wait()
        cw.wait()
        cg.wait()

        lane = lax.iota(jnp.int32, L)

        def sub_body(s, _):
            row = lane + s * L
            cnt16 = cnt_slab[pl.ds(s * L, L)]
            w2 = jnp.zeros((L,), jnp.float32)
            g2 = jnp.zeros((L,), jnp.float32)
            for c in range(D):
                cvec = (jnp.full((L,), c, jnp.int32) + lane) & (D - 1)
                wv = plsc.load_gather(wbuf, [row, cvec])
                gv = plsc.load_gather(gbuf, [row, cvec])
                w2 = w2 + wv * wv
                g2 = g2 + gv * gv
            a2 = jnp.maximum(w2, min_w2)
            ct = cnt16 * (a2 * _rsqrt16(a2))
            ct2 = ct * ct
            mm = jnp.maximum(jnp.maximum(g2, 1e-30), ct2)
            scale = ct * _rsqrt16(mm)
            for c in range(D):
                cvec = (jnp.full((L,), c, jnp.int32) + lane) & (D - 1)
                gv = plsc.load_gather(gbuf, [row, cvec])
                plsc.store_scatter(obuf, [row, cvec], gv * scale)
            return 0

        lax.fori_loop(0, CH // L, sub_body, 0)
        pltpu.async_copy(obuf, out_hbm.at[idx_ref], sem_w).wait()

    return _pl_mpmd._mpmd_map(
        [(mesh, sc_fixup)],
        out_types=jax.ShapeDtypeStruct((V, D), jnp.float32),
        input_output_aliases={4: 0},
        scratch_types=_scratch,
        compiler_params=pltpu.CompilerParams(needs_layout_passes=False),
    )


def _tc_body(min_w2, D, w_ref, g_ref, o_ref):
    w = w_ref[...]
    g = g_ref[...]
    j = jnp.ones((D, D), jnp.float32)
    w2 = jax.lax.dot(w * w, j)
    g2 = jax.lax.dot(g * g, j)
    ct2 = jnp.maximum(w2, min_w2)
    mm = jnp.maximum(jnp.maximum(g2, 1e-30), ct2)
    scale = jnp.sqrt(ct2) * jax.lax.rsqrt(mm)
    o_ref[...] = g * scale


def kernel(w, g, ids, cnts):
    V, D = w.shape
    B = ids.shape[0]
    min_w2 = (CLIP * math.sqrt(D) * BOUND) ** 2

    R = 10000
    nblk = V // R
    assert nblk * R == V and R % 8 == 0

    cnts_full = _make_sc_scatter(V, B)(ids, cnts)

    out0 = pl.pallas_call(
        functools.partial(_tc_body, min_w2, D),
        grid=(nblk,),
        in_specs=[
            pl.BlockSpec((R, D), lambda i: (i, 0)),
            pl.BlockSpec((R, D), lambda i: (i, 0)),
        ],
        out_specs=pl.BlockSpec((R, D), lambda i: (i, 0)),
        out_shape=jax.ShapeDtypeStruct((V, D), jnp.float32),
        compiler_params=pltpu.CompilerParams(
            dimension_semantics=("parallel",)
        ),
    )(w, g)

    return _make_sc_fixup(V, D, B, min_w2)(ids, cnts_full, w, g, out0)

# --- scband reference (transcript-rebuilt; emitter-appended) ---
"""Pipeline reference for scband-cowclip-111669149942 (READ-ONLY COPY).

The authoritative reference and input builder live on the scoring server;
editing this copy changes nothing except your own understanding.
"""

import jax, jax.numpy as jnp
import numpy as np
import math

V, D, B = 100000, 128, 4096
CLIP = 1.0
BOUND = 0.1
SPARSE_EMBED_DIM = 128


def setup_inputs(seed: int = 0) -> dict:
    key = jax.random.key(seed)
    k1, k2, k3, k4 = jax.random.split(key, 4)
    w = jax.random.normal(k1, (V, D), dtype=jnp.float32)
    g = jax.random.normal(k2, (V, D), dtype=jnp.float32) * 0.01
    ids = jax.random.randint(k3, (B,), 0, V, dtype=jnp.int32)
    cnts = jax.random.randint(k4, (B,), 0, 50, dtype=jnp.int32)
    return {"w": w, "g": g, "ids": ids, "cnts": cnts}


def reference(w, g, ids, cnts):
    # Faithful translation of Cowclip.cow_clip (dense-gradient branch, const=False)
    ratio = CLIP
    min_w = CLIP * math.sqrt(SPARSE_EMBED_DIM) * BOUND  # lower_bound in train_step
    values = g
    clipnorm = jnp.sqrt(jnp.sum(w * w, axis=-1))  # tf.norm(w, axis=-1)
    clipnorm = jnp.maximum(clipnorm, min_w)
    # tf.tensor_scatter_nd_update(ones, ids, cnts) -> overwrite counts at unique ids
    cnts_full = jnp.ones((w.shape[0],), dtype=jnp.int32).at[ids].set(cnts)
    clipnorm = clipnorm * cnts_full.astype(jnp.float32)
    clip_t = ratio * clipnorm
    l2sum_row = jnp.sum(values * values, axis=-1)
    pred = l2sum_row > 0
    l2sum_row_safe = jnp.where(pred, l2sum_row, jnp.ones_like(l2sum_row))
    l2norm_row = jnp.sqrt(l2sum_row_safe)
    intermediate = values * clip_t[:, None]
    g_clip = intermediate / jnp.maximum(l2norm_row, clip_t)[:, None]
    return g_clip

if __name__ == "__main__":
    import jax
    _d = setup_inputs()
    print(jax.jit(kernel)(*tuple(_d.values())))

</pallas_src>

<mosaic_0001>
#map = affine_map<(d0, d1) -> (0)>
#map1 = affine_map<(d0, d1) -> (0, 0)>
module attributes {stable_mosaic.version = 14 : i64} {
  func.func @sc_fixup(%arg0: i32, %arg1: i32, %arg2: memref<4096xi32, #tpu.memory_space<hbm>>, %arg3: memref<100000xf32, #tpu.memory_space<hbm>>, %arg4: memref<100000x128xf32, #tpu.memory_space<hbm>>, %arg5: memref<100000x128xf32, #tpu.memory_space<hbm>>, %arg6: memref<100000x128xf32, #tpu.memory_space<hbm>>, %arg7: memref<100000x128xf32, #tpu.memory_space<hbm>>, %arg8: memref<1x128xi32, #tpu.memory_space<vmem>>, %arg9: memref<128xf32, #tpu.memory_space<vmem>>, %arg10: memref<128x128xf32, #tpu.memory_space<vmem>>, %arg11: memref<128x128xf32, #tpu.memory_space<vmem>>, %arg12: memref<128x128xf32, #tpu.memory_space<vmem>>, %arg13: memref<!tpu.dma_semaphore, #tpu.memory_space<semaphore_mem>>, %arg14: memref<!tpu.dma_semaphore, #tpu.memory_space<semaphore_mem>>, %arg15: memref<!tpu.dma_semaphore, #tpu.memory_space<semaphore_mem>>) attributes {dimension_semantics = [#tpu.dimension_semantics<core_parallel>, #tpu.dimension_semantics<subcore_parallel>], iteration_bounds = array<i64: 2, 16>, scalar_prefetch = 0 : i64, scratch_operands = 8 : i64, tpu.core_type = #tpu.core_type<sc_vector_subcore>, window_params = [{transform_indices = #map}, {transform_indices = #map}, {transform_indices = #map1}, {transform_indices = #map1}, {transform_indices = #map1}, {transform_indices = #map1}]} {
    %mul3A = arith.constant 16 : i32
    %mul3A_0 = arith.muli %arg0, %mul3A : i32
    %add3A = arith.addi %mul3A_0, %arg1 : i32
    %mul3A_1 = arith.constant 128 : i32
    %mul3A_2 = arith.muli %add3A, %mul3A_1 : i32
    %run_scoped3A = arith.constant 0 : i32
    "tpu.region"() ({
      %run_scoped3A_61 = tpu.sem_alloc : memref<!tpu.dma_semaphore, #tpu.memory_space<semaphore_mem>>
      %dma_start3A_62 = arith.constant 0 : i32
      %dma_start3A_63 = tpu.memref_slice %arg8[%run_scoped3A, %dma_start3A_62] : memref<1x128xi32, #tpu.memory_space<vmem>> -> memref<1x128xi32, #tpu.memory_space<vmem>>
      %dma_start3A_64 = tpu.memref_squeeze %dma_start3A_63 : memref<1x128xi32, #tpu.memory_space<vmem>> -> memref<128xi32, #tpu.memory_space<vmem>>
      %dma_start3A_65 = tpu.memref_slice %arg2[%mul3A_2] : memref<4096xi32, #tpu.memory_space<hbm>> -> memref<128xi32, #tpu.memory_space<hbm>>
      %dma_start3A_66 = arith.constant 0 : i32
      %dma_start3A_67 = tpu.memref_slice %arg8[%run_scoped3A, %dma_start3A_66] : memref<1x128xi32, #tpu.memory_space<vmem>> -> memref<1x128xi32, #tpu.memory_space<vmem>>
      %dma_start3A_68 = tpu.memref_squeeze %dma_start3A_67 : memref<1x128xi32, #tpu.memory_space<vmem>> -> memref<128xi32, #tpu.memory_space<vmem>>
      %dma_start3A_69 = tpu.memref_slice %arg2[%mul3A_2] : memref<4096xi32, #tpu.memory_space<hbm>> -> memref<128xi32, #tpu.memory_space<hbm>>
      tpu.enqueue_dma source(%dma_start3A_69 : memref<128xi32, #tpu.memory_space<hbm>>) target(%dma_start3A_68 : memref<128xi32, #tpu.memory_space<vmem>>) target_semaphore(%run_scoped3A_61 : memref<!tpu.dma_semaphore, #tpu.memory_space<semaphore_mem>>)
      %dma_wait3A_70 = arith.constant 0 : i32
      %dma_wait3A_71 = tpu.memref_slice %arg8[%run_scoped3A, %dma_wait3A_70] : memref<1x128xi32, #tpu.memory_space<vmem>> -> memref<1x128xi32, #tpu.memory_space<vmem>>
      %dma_wait3A_72 = tpu.memref_squeeze %dma_wait3A_71 : memref<1x128xi32, #tpu.memory_space<vmem>> -> memref<128xi32, #tpu.memory_space<vmem>>
      %dma_wait3A_73 = tpu.memref_slice %arg2[%mul3A_2] : memref<4096xi32, #tpu.memory_space<hbm>> -> memref<128xi32, #tpu.memory_space<hbm>>
      %dma_wait3A_74 = arith.constant 0 : i32
      %dma_wait3A_75 = tpu.memref_slice %arg8[%run_scoped3A, %dma_wait3A_74] : memref<1x128xi32, #tpu.memory_space<vmem>> -> memref<1x128xi32, #tpu.memory_space<vmem>>
      %dma_wait3A_76 = tpu.memref_squeeze %dma_wait3A_75 : memref<1x128xi32, #tpu.memory_space<vmem>> -> memref<128xi32, #tpu.memory_space<vmem>>
      %dma_wait3A_77 = tpu.memref_slice %arg2[%mul3A_2] : memref<4096xi32, #tpu.memory_space<hbm>> -> memref<128xi32, #tpu.memory_space<hbm>>
      tpu.wait_dma2 semaphore(%run_scoped3A_61 : memref<!tpu.dma_semaphore, #tpu.memory_space<semaphore_mem>>) src(%dma_wait3A_77 : memref<128xi32, #tpu.memory_space<hbm>>) dst(%dma_wait3A_76 : memref<128xi32, #tpu.memory_space<vmem>>)
      tpu.yield
    }) : () -> ()
    %dma_start3A = arith.constant 0 : i32
    %dma_start3A_3 = arith.constant 0 : i32
    %dma_start3A_4 = tpu.memref_slice %arg8[%dma_start3A, %dma_start3A_3] : memref<1x128xi32, #tpu.memory_space<vmem>> -> memref<1x128xi32, #tpu.memory_space<vmem>>
    %dma_start3A_5 = tpu.memref_squeeze %dma_start3A_4 : memref<1x128xi32, #tpu.memory_space<vmem>> -> memref<128xi32, #tpu.memory_space<vmem>>
    %dma_start3A_6 = arith.constant 0 : i32
    %dma_start3A_7 = tpu.memref_slice %arg3[%dma_start3A_6] : memref<100000xf32, #tpu.memory_space<hbm>> -> memref<100000xf32, #tpu.memory_space<hbm>>
    tpu.enqueue_indirect_dma source(%dma_start3A_7 : memref<100000xf32, #tpu.memory_space<hbm>>) target(%arg9 : memref<128xf32, #tpu.memory_space<vmem>>) offsets(%dma_start3A_5 : memref<128xi32, #tpu.memory_space<vmem>>) semaphore(%arg15 : memref<!tpu.dma_semaphore, #tpu.memory_space<semaphore_mem>>)
    %dma_start3A_8 = arith.constant 0 : i32
    %dma_start3A_9 = arith.constant 0 : i32
    %dma_start3A_10 = tpu.memref_slice %arg8[%dma_start3A_8, %dma_start3A_9] : memref<1x128xi32, #tpu.memory_space<vmem>> -> memref<1x128xi32, #tpu.memory_space<vmem>>
    %dma_start3A_11 = tpu.memref_squeeze %dma_start3A_10 : memref<1x128xi32, #tpu.memory_space<vmem>> -> memref<128xi32, #tpu.memory_space<vmem>>
    %dma_start3A_12 = arith.constant 0 : i32
    %dma_start3A_13 = arith.constant 0 : i32
    %dma_start3A_14 = tpu.memref_slice %arg4[%dma_start3A_12, %dma_start3A_13] : memref<100000x128xf32, #tpu.memory_space<hbm>> -> memref<100000x128xf32, #tpu.memory_space<hbm>>
    tpu.enqueue_indirect_dma source(%dma_start3A_14 : memref<100000x128xf32, #tpu.memory_space<hbm>>) target(%arg10 : memref<128x128xf32, #tpu.memory_space<vmem>>) offsets(%dma_start3A_11 : memref<128xi32, #tpu.memory_space<vmem>>) semaphore(%arg13 : memref<!tpu.dma_semaphore, #tpu.memory_space<semaphore_mem>>)
    %dma_start3A_15 = arith.constant 0 : i32
    %dma_start3A_16 = arith.constant 0 : i32
    %dma_start3A_17 = tpu.memref_slice %arg8[%dma_start3A_15, %dma_start3A_16] : memref<1x128xi32, #tpu.memory_space<vmem>> -> memref<1x128xi32, #tpu.memory_space<vmem>>
    %dma_start3A_18 = tpu.memref_squeeze %dma_start3A_17 : memref<1x128xi32, #tpu.memory_space<vmem>> -> memref<128xi32, #tpu.memory_space<vmem>>
    %dma_start3A_19 = arith.constant 0 : i32
    %dma_start3A_20 = arith.constant 0 : i32
    %dma_start3A_21 = tpu.memref_slice %arg5[%dma_start3A_19, %dma_start3A_20] : memref<100000x128xf32, #tpu.memory_space<hbm>> -> memref<100000x128xf32, #tpu.memory_space<hbm>>
    tpu.enqueue_indirect_dma source(%dma_start3A_21 : memref<100000x128xf32, #tpu.memory_space<hbm>>) target(%arg11 : memref<128x128xf32, #tpu.memory_space<vmem>>) offsets(%dma_start3A_18 : memref<128xi32, #tpu.memory_space<vmem>>) semaphore(%arg14 : memref<!tpu.dma_semaphore, #tpu.memory_space<semaphore_mem>>)
    %dma_wait3A = arith.constant 0 : i32
    %dma_wait3A_22 = arith.constant 0 : i32
    %dma_wait3A_23 = tpu.memref_slice %arg8[%dma_wait3A, %dma_wait3A_22] : memref<1x128xi32, #tpu.memory_space<vmem>> -> memref<1x128xi32, #tpu.memory_space<vmem>>
    %dma_wait3A_24 = tpu.memref_squeeze %dma_wait3A_23 : memref<1x128xi32, #tpu.memory_space<vmem>> -> memref<128xi32, #tpu.memory_space<vmem>>
    %dma_wait3A_25 = arith.constant 0 : i32
    %dma_wait3A_26 = tpu.memref_slice %arg3[%dma_wait3A_25] : memref<100000xf32, #tpu.memory_space<hbm>> -> memref<100000xf32, #tpu.memory_space<hbm>>
    tpu.wait_indirect_dma semaphore(%arg15 : memref<!tpu.dma_semaphore, #tpu.memory_space<semaphore_mem>>) src(%dma_wait3A_26 : memref<100000xf32, #tpu.memory_space<hbm>>) dst(%arg9 : memref<128xf32, #tpu.memory_space<vmem>>)
    %dma_wait3A_27 = arith.constant 0 : i32
    %dma_wait3A_28 = arith.constant 0 : i32
    %dma_wait3A_29 = tpu.memref_slice %arg8[%dma_wait3A_27, %dma_wait3A_28] : memref<1x128xi32, #tpu.memory_space<vmem>> -> memref<1x128xi32, #tpu.memory_space<vmem>>
    %dma_wait3A_30 = tpu.memref_squeeze %dma_wait3A_29 : memref<1x128xi32, #tpu.memory_space<vmem>> -> memref<128xi32, #tpu.memory_space<vmem>>
    %dma_wait3A_31 = arith.constant 0 : i32
    %dma_wait3A_32 = arith.constant 0 : i32
    %dma_wait3A_33 = tpu.memref_slice %arg4[%dma_wait3A_31, %dma_wait3A_32] : memref<100000x128xf32, #tpu.memory_space<hbm>> -> memref<100000x128xf32, #tpu.memory_space<hbm>>
    tpu.wait_indirect_dma semaphore(%arg13 : memref<!tpu.dma_semaphore, #tpu.memory_space<semaphore_mem>>) src(%dma_wait3A_33 : memref<100000x128xf32, #tpu.memory_space<hbm>>) dst(%arg10 : memref<128x128xf32, #tpu.memory_space<vmem>>)
    %dma_wait3A_34 = arith.constant 0 : i32
    %dma_wait3A_35 = arith.constant 0 : i32
    %dma_wait3A_36 = tpu.memref_slice %arg8[%dma_wait3A_34, %dma_wait3A_35] : memref<1x128xi32, #tpu.memory_space<vmem>> -> memref<1x128xi32, #tpu.memory_space<vmem>>
    %dma_wait3A_37 = tpu.memref_squeeze %dma_wait3A_36 : memref<1x128xi32, #tpu.memory_space<vmem>> -> memref<128xi32, #tpu.memory_space<vmem>>
    %dma_wait3A_38 = arith.constant 0 : i32
    %dma_wait3A_39 = arith.constant 0 : i32
    %dma_wait3A_40 = tpu.memref_slice %arg5[%dma_wait3A_38, %dma_wait3A_39] : memref<100000x128xf32, #tpu.memory_space<hbm>> -> memref<100000x128xf32, #tpu.memory_space<hbm>>
    tpu.wait_indirect_dma semaphore(%arg14 : memref<!tpu.dma_semaphore, #tpu.memory_space<semaphore_mem>>) src(%dma_wait3A_40 : memref<100000x128xf32, #tpu.memory_space<hbm>>) dst(%arg11 : memref<128x128xf32, #tpu.memory_space<vmem>>)
    %iota3A = tpu.iota {dimensions = array<i32: 0>} : vector<16xi32>
    %scan3A = arith.constant 0 : i32
    %scan3A_41 = arith.constant 0 : i32
    %scan3A_42 = arith.constant 8 : i32
    %scan3A_43 = arith.addi %scan3A_41, %scan3A_42 : i32
    %scan3A_44 = arith.constant 1 : i32
    %scan3A_45 = scf.for %scan3A_61 = %scan3A_41 to %scan3A_43 step %scan3A_44 iter_args(%scan3A_62 = %scan3A) -> (i32)  : i32 {
      %mul3A_63 = arith.constant 16 : i32
      %mul3A_64 = arith.muli %scan3A_61, %mul3A_63 : i32
      %add3A_65 = vector.broadcast %mul3A_64 : i32 to vector<16xi32>
      %add3A_66 = arith.addi %iota3A, %add3A_65 : vector<16xi32>
      %mul3A_67 = arith.constant 16 : i32
      %mul3A_68 = arith.muli %scan3A_61, %mul3A_67 : i32
      %get3A = arith.index_cast %mul3A_68 : i32 to index
      %get3A_69 = tpu.vector_load %arg9[%get3A] {strides = array<i32>} : memref<128xf32, #tpu.memory_space<vmem>>, vector<16xf32>,
      %broadcast_in_dim3A = arith.constant 0.000000e+00 : f32
      %broadcast_in_dim3A_70 = vector.broadcast %broadcast_in_dim3A : f32 to vector<16xf32>
      %broadcast_in_dim3A_71 = arith.constant 0.000000e+00 : f32
      %broadcast_in_dim3A_72 = vector.broadcast %broadcast_in_dim3A_71 : f32 to vector<16xf32>
      %broadcast_in_dim3A_73 = arith.constant 0 : i32
      %broadcast_in_dim3A_74 = vector.broadcast %broadcast_in_dim3A_73 : i32 to vector<16xi32>
      %add3A_75 = arith.addi %broadcast_in_dim3A_74, %iota3A : vector<16xi32>
      %and3A = arith.constant 127 : i32
      %and3A_76 = vector.broadcast %and3A : i32 to vector<16xi32>
      %and3A_77 = arith.andi %add3A_75, %and3A_76 : vector<16xi32>
      %gather3A = tpu.vector_load_idx %arg10[%add3A_66, %and3A_77] : memref<128x128xf32, #tpu.memory_space<vmem>>[vector<16xi32>, vector<16xi32>], vector<16xf32>,
      %gather3A_78 = tpu.vector_load_idx %arg11[%add3A_66, %and3A_77] : memref<128x128xf32, #tpu.memory_space<vmem>>[vector<16xi32>, vector<16xi32>], vector<16xf32>,
      %mul3A_79 = arith.mulf %gather3A, %gather3A : vector<16xf32>
      %add3A_80 = arith.addf %broadcast_in_dim3A_70, %mul3A_79 : vector<16xf32>
      %mul3A_81 = arith.mulf %gather3A_78, %gather3A_78 : vector<16xf32>
      %add3A_82 = arith.addf %broadcast_in_dim3A_72, %mul3A_81 : vector<16xf32>
      %broadcast_in_dim3A_83 = arith.constant 1 : i32
      %broadcast_in_dim3A_84 = vector.broadcast %broadcast_in_dim3A_83 : i32 to vector<16xi32>
      %add3A_85 = arith.addi %broadcast_in_dim3A_84, %iota3A : vector<16xi32>
      %and3A_86 = arith.constant 127 : i32
      %and3A_87 = vector.broadcast %and3A_86 : i32 to vector<16xi32>
      %and3A_88 = arith.andi %add3A_85, %and3A_87 : vector<16xi32>
      %gather3A_89 = tpu.vector_load_idx %arg10[%add3A_66, %and3A_88] : memref<128x128xf32, #tpu.memory_space<vmem>>[vector<16xi32>, vector<16xi32>], vector<16xf32>,
      %gather3A_90 = tpu.vector_load_idx %arg11[%add3A_66, %and3A_88] : memref<128x128xf32, #tpu.memory_space<vmem>>[vector<16xi32>, vector<16xi32>], vector<16xf32>,
      %mul3A_91 = arith.mulf %gather3A_89, %gather3A_89 : vector<16xf32>
      %add3A_92 = arith.addf %add3A_80, %mul3A_91 : vector<16xf32>
      %mul3A_93 = arith.mulf %gather3A_90, %gather3A_90 : vector<16xf32>
      %add3A_94 = arith.addf %add3A_82, %mul3A_93 : vector<16xf32>
      %broadcast_in_dim3A_95 = arith.constant 2 : i32
      %broadcast_in_dim3A_96 = vector.broadcast %broadcast_in_dim3A_95 : i32 to vector<16xi32>
      %add3A_97 = arith.addi %broadcast_in_dim3A_96, %iota3A : vector<16xi32>
      %and3A_98 = arith.constant 127 : i32
      %and3A_99 = vector.broadcast %and3A_98 : i32 to vector<16xi32>
      %and3A_100 = arith.andi %add3A_97, %and3A_99 : vector<16xi32>
      %gather3A_101 = tpu.vector_load_idx %arg10[%add3A_66, %and3A_100] : memref<128x128xf32, #tpu.memory_space<vmem>>[vector<16xi32>, vector<16xi32>], vector<16xf32>,
      %gather3A_102 = tpu.vector_load_idx %arg11[%add3A_66, %and3A_100] : memref<128x128xf32, #tpu.memory_space<vmem>>[vector<16xi32>, vector<16xi32>], vector<16xf32>,
      %mul3A_103 = arith.mulf %gather3A_101, %gather3A_101 : vector<16xf32>
      %add3A_104 = arith.addf %add3A_92, %mul3A_103 : vector<16xf32>
      %mul3A_105 = arith.mulf %gather3A_102, %gather3A_102 : vector<16xf32>
      %add3A_106 = arith.addf %add3A_94, %mul3A_105 : vector<16xf32>
      %broadcast_in_dim3A_107 = arith.constant 3 : i32
      %broadcast_in_dim3A_108 = vector.broadcast %broadcast_in_dim3A_107 : i32 to vector<16xi32>
      %add3A_109 = arith.addi %broadcast_in_dim3A_108, %iota3A : vector<16xi32>
      %and3A_110 = arith.constant 127 : i32
      %and3A_111 = vector.broadcast %and3A_110 : i32 to vector<16xi32>
      %and3A_112 = arith.andi %add3A_109, %and3A_111 : vector<16xi32>
      %gather3A_113 = tpu.vector_load_idx %arg10[%add3A_66, %and3A_112] : memref<128x128xf32, #tpu.memory_space<vmem>>[vector<16xi32>, vector<16xi32>], vector<16xf32>,
      %gather3A_114 = tpu.vector_load_idx %arg11[%add3A_66, %and3A_112] : memref<128x128xf32, #tpu.memory_space<vmem>>[vector<16xi32>, vector<16xi32>], vector<16xf32>,
      %mul3A_115 = arith.mulf %gather3A_113, %gather3A_113 : vector<16xf32>
      %add3A_116 = arith.addf %add3A_104, %mul3A_115 : vector<16xf32>
      %mul3A_117 = arith.mulf %gather3A_114, %gather3A_114 : vector<16xf32>
      %add3A_118 = arith.addf %add3A_106, %mul3A_117 : vector<16xf32>
      %broadcast_in_dim3A_119 = arith.constant 4 : i32
      %broadcast_in_dim3A_120 = vector.broadcast %broadcast_in_dim3A_119 : i32 to vector<16xi32>
      %add3A_121 = arith.addi %broadcast_in_dim3A_120, %iota3A : vector<16xi32>
      %and3A_122 = arith.constant 127 : i32
      %and3A_123 = vector.broadcast %and3A_122 : i32 to vector<16xi32>
      %and3A_124 = arith.andi %add3A_121, %and3A_123 : vector<16xi32>
      %gather3A_125 = tpu.vector_load_idx %arg10[%add3A_66, %and3A_124] : memref<128x128xf32, #tpu.memory_space<vmem>>[vector<16xi32>, vector<16xi32>], vector<16xf32>,
      %gather3A_126 = tpu.vector_load_idx %arg11[%add3A_66, %and3A_124] : memref<128x128xf32, #tpu.memory_space<vmem>>[vector<16xi32>, vector<16xi32>], vector<16xf32>,
      %mul3A_127 = arith.mulf %gather3A_125, %gather3A_125 : vector<16xf32>
      %add3A_128 = arith.addf %add3A_116, %mul3A_127 : vector<16xf32>
      %mul3A_129 = arith.mulf %gather3A_126, %gather3A_126 : vector<16xf32>
      %add3A_130 = arith.addf %add3A_118, %mul3A_129 : vector<16xf32>
      %broadcast_in_dim3A_131 = arith.constant 5 : i32
      %broadcast_in_dim3A_132 = vector.broadcast %broadcast_in_dim3A_131 : i32 to vector<16xi32>
      %add3A_133 = arith.addi %broadcast_in_dim3A_132, %iota3A : vector<16xi32>
      %and3A_134 = arith.constant 127 : i32
      %and3A_135 = vector.broadcast %and3A_134 : i32 to vector<16xi32>
      %and3A_136 = arith.andi %add3A_133, %and3A_135 : vector<16xi32>
      %gather3A_137 = tpu.vector_load_idx %arg10[%add3A_66, %and3A_136] : memref<128x128xf32, #tpu.memory_space<vmem>>[vector<16xi32>, vector<16xi32>], vector<16xf32>,
      %gather3A_138 = tpu.vector_load_idx %arg11[%add3A_66, %and3A_136] : memref<128x128xf32, #tpu.memory_space<vmem>>[vector<16xi32>, vector<16xi32>], vector<16xf32>,
      %mul3A_139 = arith.mulf %gather3A_137, %gather3A_137 : vector<16xf32>
      %add3A_140 = arith.addf %add3A_128, %mul3A_139 : vector<16xf32>
      %mul3A_141 = arith.mulf %gather3A_138, %gather3A_138 : vector<16xf32>
      %add3A_142 = arith.addf %add3A_130, %mul3A_141 : vector<16xf32>
      %broadcast_in_dim3A_143 = arith.constant 6 : i32
      %broadcast_in_dim3A_144 = vector.broadcast %broadcast_in_dim3A_143 : i32 to vector<16xi32>
      %add3A_145 = arith.addi %broadcast_in_dim3A_144, %iota3A : vector<16xi32>
      %and3A_146 = arith.constant 127 : i32
      %and3A_147 = vector.broadcast %and3A_146 : i32 to vector<16xi32>
      %and3A_148 = arith.andi %add3A_145, %and3A_147 : vector<16xi32>
      %gather3A_149 = tpu.vector_load_idx %arg10[%add3A_66, %and3A_148] : memref<128x128xf32, #tpu.memory_space<vmem>>[vector<16xi32>, vector<16xi32>], vector<16xf32>,
      %gather3A_150 = tpu.vector_load_idx %arg11[%add3A_66, %and3A_148] : memref<128x128xf32, #tpu.memory_space<vmem>>[vector<16xi32>, vector<16xi32>], vector<16xf32>,
      %mul3A_151 = arith.mulf %gather3A_149, %gather3A_149 : vector<16xf32>
      %add3A_152 = arith.addf %add3A_140, %mul3A_151 : vector<16xf32>
      %mul3A_153 = arith.mulf %gather3A_150, %gather3A_150 : vector<16xf32>
      %add3A_154 = arith.addf %add3A_142, %mul3A_153 : vector<16xf32>
      %broadcast_in_dim3A_155 = arith.constant 7 : i32
      %broadcast_in_dim3A_156 = vector.broadcast %broadcast_in_dim3A_155 : i32 to vector<16xi32>
      %add3A_157 = arith.addi %broadcast_in_dim3A_156, %iota3A : vector<16xi32>
      %and3A_158 = arith.constant 127 : i32
      %and3A_159 = vector.broadcast %and3A_158 : i32 to vector<16xi32>
      %and3A_160 = arith.andi %add3A_157, %and3A_159 : vector<16xi32>
      %gather3A_161 = tpu.vector_load_idx %arg10[%add3A_66, %and3A_160] : memref<128x128xf32, #tpu.memory_space<vmem>>[vector<16xi32>, vector<16xi32>], vector<16xf32>,
      %gather3A_162 = tpu.vector_load_idx %arg11[%add3A_66, %and3A_160] : memref<128x128xf32, #tpu.memory_space<vmem>>[vector<16xi32>, vector<16xi32>], vector<16xf32>,
      %mul3A_163 = arith.mulf %gather3A_161, %gather3A_161 : vector<16xf32>
      %add3A_164 = arith.addf %add3A_152, %mul3A_163 : vector<16xf32>
      %mul3A_165 = arith.mulf %gather3A_162, %gather3A_162 : vector<16xf32>
      %add3A_166 = arith.addf %add3A_154, %mul3A_165 : vector<16xf32>
      %broadcast_in_dim3A_167 = arith.constant 8 : i32
      %broadcast_in_dim3A_168 = vector.broadcast %broadcast_in_dim3A_167 : i32 to vector<16xi32>
      %add3A_169 = arith.addi %broadcast_in_dim3A_168, %iota3A : vector<16xi32>
      %and3A_170 = arith.constant 127 : i32
      %and3A_171 = vector.broadcast %and3A_170 : i32 to vector<16xi32>
      %and3A_172 = arith.andi %add3A_169, %and3A_171 : vector<16xi32>
      %gather3A_173 = tpu.vector_load_idx %arg10[%add3A_66, %and3A_172] : memref<128x128xf32, #tpu.memory_space<vmem>>[vector<16xi32>, vector<16xi32>], vector<16xf32>,
      %gather3A_174 = tpu.vector_load_idx %arg11[%add3A_66, %and3A_172] : memref<128x128xf32, #tpu.memory_space<vmem>>[vector<16xi32>, vector<16xi32>], vector<16xf32>,
      %mul3A_175 = arith.mulf %gather3A_173, %gather3A_173 : vector<16xf32>
      %add3A_176 = arith.addf %add3A_164, %mul3A_175 : vector<16xf32>
      %mul3A_177 = arith.mulf %gather3A_174, %gather3A_174 : vector<16xf32>
      %add3A_178 = arith.addf %add3A_166, %mul3A_177 : vector<16xf32>
      %broadcast_in_dim3A_179 = arith.constant 9 : i32
      %broadcast_in_dim3A_180 = vector.broadcast %broadcast_in_dim3A_179 : i32 to vector<16xi32>
      %add3A_181 = arith.addi %broadcast_in_dim3A_180, %iota3A : vector<16xi32>
      %and3A_182 = arith.constant 127 : i32
      %and3A_183 = vector.broadcast %and3A_182 : i32 to vector<16xi32>
      %and3A_184 = arith.andi %add3A_181, %and3A_183 : vector<16xi32>
      %gather3A_185 = tpu.vector_load_idx %arg10[%add3A_66, %and3A_184] : memref<128x128xf32, #tpu.memory_space<vmem>>[vector<16xi32>, vector<16xi32>], vector<16xf32>,
      %gather3A_186 = tpu.vector_load_idx %arg11[%add3A_66, %and3A_184] : memref<128x128xf32, #tpu.memory_space<vmem>>[vector<16xi32>, vector<16xi32>], vector<16xf32>,
      %mul3A_187 = arith.mulf %gather3A_185, %gather3A_185 : vector<16xf32>
      %add3A_188 = arith.addf %add3A_176, %mul3A_187 : vector<16xf32>
      %mul3A_189 = arith.mulf %gather3A_186, %gather3A_186 : vector<16xf32>
      %add3A_190 = arith.addf %add3A_178, %mul3A_189 : vector<16xf32>
      %broadcast_in_dim3A_191 = arith.constant 10 : i32
      %broadcast_in_dim3A_192 = vector.broadcast %broadcast_in_dim3A_191 : i32 to vector<16xi32>
      %add3A_193 = arith.addi %broadcast_in_dim3A_192, %iota3A : vector<16xi32>
      %and3A_194 = arith.constant 127 : i32
      %and3A_195 = vector.broadcast %and3A_194 : i32 to vector<16xi32>
      %and3A_196 = arith.andi %add3A_193, %and3A_195 : vector<16xi32>
      %gather3A_197 = tpu.vector_load_idx %arg10[%add3A_66, %and3A_196] : memref<128x128xf32, #tpu.memory_space<vmem>>[vector<16xi32>, vector<16xi32>], vector<16xf32>,
      %gather3A_198 = tpu.vector_load_idx %arg11[%add3A_66, %and3A_196] : memref<128x128xf32, #tpu.memory_space<vmem>>[vector<16xi32>, vector<16xi32>], vector<16xf32>,
      %mul3A_199 = arith.mulf %gather3A_197, %gather3A_197 : vector<16xf32>
      %add3A_200 = arith.addf %add3A_188, %mul3A_199 : vector<16xf32>
      %mul3A_201 = arith.mulf %gather3A_198, %gather3A_198 : vector<16xf32>
      %add3A_202 = arith.addf %add3A_190, %mul3A_201 : vector<16xf32>
      %broadcast_in_dim3A_203 = arith.constant 11 : i32
      %broadcast_in_dim3A_204 = vector.broadcast %broadcast_in_dim3A_203 : i32 to vector<16xi32>
      %add3A_205 = arith.addi %broadcast_in_dim3A_204, %iota3A : vector<16xi32>
      %and3A_206 = arith.constant 127 : i32
      %and3A_207 = vector.broadcast %and3A_206 : i32 to vector<16xi32>
      %and3A_208 = arith.andi %add3A_205, %and3A_207 : vector<16xi32>
      %gather3A_209 = tpu.vector_load_idx %arg10[%add3A_66, %and3A_208] : memref<128x128xf32, #tpu.memory_space<vmem>>[vector<16xi32>, vector<16xi32>], vector<16xf32>,
      %gather3A_210 = tpu.vector_load_idx %arg11[%add3A_66, %and3A_208] : memref<128x128xf32, #tpu.memory_space<vmem>>[vector<16xi32>, vector<16xi32>], vector<16xf32>,
      %mul3A_211 = arith.mulf %gather3A_209, %gather3A_209 : vector<16xf32>
      %add3A_212 = arith.addf %add3A_200, %mul3A_211 : vector<16xf32>
      %mul3A_213 = arith.mulf %gather3A_210, %gather3A_210 : vector<16xf32>
      %add3A_214 = arith.addf %add3A_202, %mul3A_213 : vector<16xf32>
      %broadcast_in_dim3A_215 = arith.constant 12 : i32
      %broadcast_in_dim3A_216 = vector.broadcast %broadcast_in_dim3A_215 : i32 to vector<16xi32>
      %add3A_217 = arith.addi %broadcast_in_dim3A_216, %iota3A : vector<16xi32>
      %and3A_218 = arith.constant 127 : i32
      %and3A_219 = vector.broadcast %and3A_218 : i32 to vector<16xi32>
      %and3A_220 = arith.andi %add3A_217, %and3A_219 : vector<16xi32>
      %gather3A_221 = tpu.vector_load_idx %arg10[%add3A_66, %and3A_220] : memref<128x128xf32, #tpu.memory_space<vmem>>[vector<16xi32>, vector<16xi32>], vector<16xf32>,
      %gather3A_222 = tpu.vector_load_idx %arg11[%add3A_66, %and3A_220] : memref<128x128xf32, #tpu.memory_space<vmem>>[vector<16xi32>, vector<16xi32>], vector<16xf32>,
      %mul3A_223 = arith.mulf %gather3A_221, %gather3A_221 : vector<16xf32>
      %add3A_224 = arith.addf %add3A_212, %mul3A_223 : vector<16xf32>
      %mul3A_225 = arith.mulf %gather3A_222, %gather3A_222 : vector<16xf32>
      %add3A_226 = arith.addf %add3A_214, %mul3A_225 : vector<16xf32>
      %broadcast_in_dim3A_227 = arith.constant 13 : i32
      %broadcast_in_dim3A_228 = vector.broadcast %broadcast_in_dim3A_227 : i32 to vector<16xi32>
      %add3A_229 = arith.addi %broadcast_in_dim3A_228, %iota3A : vector<16xi32>
      %and3A_230 = arith.constant 127 : i32
      %and3A_231 = vector.broadcast %and3A_230 : i32 to vector<16xi32>
      %and3A_232 = arith.andi %add3A_229, %and3A_231 : vector<16xi32>
      %gather3A_233 = tpu.vector_load_idx %arg10[%add3A_66, %and3A_232] : memref<128x128xf32, #tpu.memory_space<vmem>>[vector<16xi32>, vector<16xi32>], vector<16xf32>,
      %gather3A_234 = tpu.vector_load_idx %arg11[%add3A_66, %and3A_232] : memref<128x128xf32, #tpu.memory_space<vmem>>[vector<16xi32>, vector<16xi32>], vector<16xf32>,
      %mul3A_235 = arith.mulf %gather3A_233, %gather3A_233 : vector<16xf32>
      %add3A_236 = arith.addf %add3A_224, %mul3A_235 : vector<16xf32>
      %mul3A_237 = arith.mulf %gather3A_234, %gather3A_234 : vector<16xf32>
      %add3A_238 = arith.addf %add3A_226, %mul3A_237 : vector<16xf32>
      %broadcast_in_dim3A_239 = arith.constant 14 : i32
      %broadcast_in_dim3A_240 = vector.broadcast %broadcast_in_dim3A_239 : i32 to vector<16xi32>
      %add3A_241 = arith.addi %broadcast_in_dim3A_240, %iota3A : vector<16xi32>
      %and3A_242 = arith.constant 127 : i32
      %and3A_243 = vector.broadcast %and3A_242 : i32 to vector<16xi32>
      %and3A_244 = arith.andi %add3A_241, %and3A_243 : vector<16xi32>
      %gather3A_245 = tpu.vector_load_idx %arg10[%add3A_66, %and3A_244] : memref<128x128xf32, #tpu.memory_space<vmem>>[vector<16xi32>, vector<16xi32>], vector<16xf32>,
      %gather3A_246 = tpu.vector_load_idx %arg11[%add3A_66, %and3A_244] : memref<128x128xf32, #tpu.memory_space<vmem>>[vector<16xi32>, vector<16xi32>], vector<16xf32>,
      %mul3A_247 = arith.mulf %gather3A_245, %gather3A_245 : vector<16xf32>
      %add3A_248 = arith.addf %add3A_236, %mul3A_247 : vector<16xf32>
      %mul3A_249 = arith.mulf %gather3A_246, %gather3A_246 : vector<16xf32>
      %add3A_250 = arith.addf %add3A_238, %mul3A_249 : vector<16xf32>
      %broadcast_in_dim3A_251 = arith.constant 15 : i32
      %broadcast_in_dim3A_252 = vector.broadcast %broadcast_in_dim3A_251 : i32 to vector<16xi32>
      %add3A_253 = arith.addi %broadcast_in_dim3A_252, %iota3A : vector<16xi32>
      %and3A_254 = arith.constant 127 : i32
      %and3A_255 = vector.broadcast %and3A_254 : i32 to vector<16xi32>
      %and3A_256 = arith.andi %add3A_253, %and3A_255 : vector<16xi32>
      %gather3A_257 = tpu.vector_load_idx %arg10[%add3A_66, %and3A_256] : memref<128x128xf32, #tpu.memory_space<vmem>>[vector<16xi32>, vector<16xi32>], vector<16xf32>,
      %gather3A_258 = tpu.vector_load_idx %arg11[%add3A_66, %and3A_256] : memref<128x128xf32, #tpu.memory_space<vmem>>[vector<16xi32>, vector<16xi32>], vector<16xf32>,
      %mul3A_259 = arith.mulf %gather3A_257, %gather3A_257 : vector<16xf32>
      %add3A_260 = arith.addf %add3A_248, %mul3A_259 : vector<16xf32>
      %mul3A_261 = arith.mulf %gather3A_258, %gather3A_258 : vector<16xf32>
      %add3A_262 = arith.addf %add3A_250, %mul3A_261 : vector<16xf32>
      %broadcast_in_dim3A_263 = arith.constant 16 : i32
      %broadcast_in_dim3A_264 = vector.broadcast %broadcast_in_dim3A_263 : i32 to vector<16xi32>
      %add3A_265 = arith.addi %broadcast_in_dim3A_264, %iota3A : vector<16xi32>
      %and3A_266 = arith.constant 127 : i32
      %and3A_267 = vector.broadcast %and3A_266 : i32 to vector<16xi32>
      %and3A_268 = arith.andi %add3A_265, %and3A_267 : vector<16xi32>
      %gather3A_269 = tpu.vector_load_idx %arg10[%add3A_66, %and3A_268] : memref<128x128xf32, #tpu.memory_space<vmem>>[vector<16xi32>, vector<16xi32>], vector<16xf32>,
      %gather3A_270 = tpu.vector_load_idx %arg11[%add3A_66, %and3A_268] : memref<128x128xf32, #tpu.memory_space<vmem>>[vector<16xi32>, vector<16xi32>], vector<16xf32>,
      %mul3A_271 = arith.mulf %gather3A_269, %gather3A_269 : vector<16xf32>
      %add3A_272 = arith.addf %add3A_260, %mul3A_271 : vector<16xf32>
      %mul3A_273 = arith.mulf %gather3A_270, %gather3A_270 : vector<16xf32>
      %add3A_274 = arith.addf %add3A_262, %mul3A_273 : vector<16xf32>
      %broadcast_in_dim3A_275 = arith.constant 17 : i32
      %broadcast_in_dim3A_276 = vector.broadcast %broadcast_in_dim3A_275 : i32 to vector<16xi32>
      %add3A_277 = arith.addi %broadcast_in_dim3A_276, %iota3A : vector<16xi32>
      %and3A_278 = arith.constant 127 : i32
      %and3A_279 = vector.broadcast %and3A_278 : i32 to vector<16xi32>
      %and3A_280 = arith.andi %add3A_277, %and3A_279 : vector<16xi32>
      %gather3A_281 = tpu.vector_load_idx %arg10[%add3A_66, %and3A_280] : memref<128x128xf32, #tpu.memory_space<vmem>>[vector<16xi32>, vector<16xi32>], vector<16xf32>,
      %gather3A_282 = tpu.vector_load_idx %arg11[%add3A_66, %and3A_280] : memref<128x128xf32, #tpu.memory_space<vmem>>[vector<16xi32>, vector<16xi32>], vector<16xf32>,
      %mul3A_283 = arith.mulf %gather3A_281, %gather3A_281 : vector<16xf32>
      %add3A_284 = arith.addf %add3A_272, %mul3A_283 : vector<16xf32>
      %mul3A_285 = arith.mulf %gather3A_282, %gather3A_282 : vector<16xf32>
      %add3A_286 = arith.addf %add3A_274, %mul3A_285 : vector<16xf32>
      %broadcast_in_dim3A_287 = arith.constant 18 : i32
      %broadcast_in_dim3A_288 = vector.broadcast %broadcast_in_dim3A_287 : i32 to vector<16xi32>
      %add3A_289 = arith.addi %broadcast_in_dim3A_288, %iota3A : vector<16xi32>
      %and3A_290 = arith.constant 127 : i32
      %and3A_291 = vector.broadcast %and3A_290 : i32 to vector<16xi32>
      %and3A_292 = arith.andi %add3A_289, %and3A_291 : vector<16xi32>
      %gather3A_293 = tpu.vector_load_idx %arg10[%add3A_66, %and3A_292] : memref<128x128xf32, #tpu.memory_space<vmem>>[vector<16xi32>, vector<16xi32>], vector<16xf32>,
      %gather3A_294 = tpu.vector_load_idx %arg11[%add3A_66, %and3A_292] : memref<128x128xf32, #tpu.memory_space<vmem>>[vector<16xi32>, vector<16xi32>], vector<16xf32>,
      %mul3A_295 = arith.mulf %gather3A_293, %gather3A_293 : vector<16xf32>
      %add3A_296 = arith.addf %add3A_284, %mul3A_295 : vector<16xf32>
      %mul3A_297 = arith.mulf %gather3A_294, %gather3A_294 : vector<16xf32>
      %add3A_298 = arith.addf %add3A_286, %mul3A_297 : vector<16xf32>
      %broadcast_in_dim3A_299 = arith.constant 19 : i32
      %broadcast_in_dim3A_300 = vector.broadcast %broadcast_in_dim3A_299 : i32 to vector<16xi32>
      %add3A_301 = arith.addi %broadcast_in_dim3A_300, %iota3A : vector<16xi32>
      %and3A_302 = arith.constant 127 : i32
      %and3A_303 = vector.broadcast %and3A_302 : i32 to vector<16xi32>
      %and3A_304 = arith.andi %add3A_301, %and3A_303 : vector<16xi32>
      %gather3A_305 = tpu.vector_load_idx %arg10[%add3A_66, %and3A_304] : memref<128x128xf32, #tpu.memory_space<vmem>>[vector<16xi32>, vector<16xi32>], vector<16xf32>,
      %gather3A_306 = tpu.vector_load_idx %arg11[%add3A_66, %and3A_304] : memref<128x128xf32, #tpu.memory_space<vmem>>[vector<16xi32>, vector<16xi32>], vector<16xf32>,
      %mul3A_307 = arith.mulf %gather3A_305, %gather3A_305 : vector<16xf32>
      %add3A_308 = arith.addf %add3A_296, %mul3A_307 : vector<16xf32>
      %mul3A_309 = arith.mulf %gather3A_306, %gather3A_306 : vector<16xf32>
      %add3A_310 = arith.addf %add3A_298, %mul3A_309 : vector<16xf32>
      %broadcast_in_dim3A_311 = arith.constant 20 : i32
      %broadcast_in_dim3A_312 = vector.broadcast %broadcast_in_dim3A_311 : i32 to vector<16xi32>
      %add3A_313 = arith.addi %broadcast_in_dim3A_312, %iota3A : vector<16xi32>
      %and3A_314 = arith.constant 127 : i32
      %and3A_315 = vector.broadcast %and3A_314 : i32 to vector<16xi32>
      %and3A_316 = arith.andi %add3A_313, %and3A_315 : vector<16xi32>
      %gather3A_317 = tpu.vector_load_idx %arg10[%add3A_66, %and3A_316] : memref<128x128xf32, #tpu.memory_space<vmem>>[vector<16xi32>, vector<16xi32>], vector<16xf32>,
      %gather3A_318 = tpu.vector_load_idx %arg11[%add3A_66, %and3A_316] : memref<128x128xf32, #tpu.memory_space<vmem>>[vector<16xi32>, vector<16xi32>], vector<16xf32>,
      %mul3A_319 = arith.mulf %gather3A_317, %gather3A_317 : vector<16xf32>
      %add3A_320 = arith.addf %add3A_308, %mul3A_319 : vector<16xf32>
      %mul3A_321 = arith.mulf %gather3A_318, %gather3A_318 : vector<16xf32>
      %add3A_322 = arith.addf %add3A_310, %mul3A_321 : vector<16xf32>
      %broadcast_in_dim3A_323 = arith.constant 21 : i32
      %broadcast_in_dim3A_324 = vector.broadcast %broadcast_in_dim3A_323 : i32 to vector<16xi32>
      %add3A_325 = arith.addi %broadcast_in_dim3A_324, %iota3A : vector<16xi32>
      %and3A_326 = arith.constant 127 : i32
      %and3A_327 = vector.broadcast %and3A_326 : i32 to vector<16xi32>
      %and3A_328 = arith.andi %add3A_325, %and3A_327 : vector<16xi32>
      %gather3A_329 = tpu.vector_load_idx %arg10[%add3A_66, %and3A_328] : memref<128x128xf32, #tpu.memory_space<vmem>>[vector<16xi32>, vector<16xi32>], vector<16xf32>,
      %gather3A_330 = tpu.vector_load_idx %arg11[%add3A_66, %and3A_328] : memref<128x128xf32, #tpu.memory_space<vmem>>[vector<16xi32>, vector<16xi32>], vector<16xf32>,
      %mul3A_331 = arith.mulf %gather3A_329, %gather3A_329 : vector<16xf32>
      %add3A_332 = arith.addf %add3A_320, %mul3A_331 : vector<16xf32>
      %mul3A_333 = arith.mulf %gather3A_330, %gather3A_330 : vector<16xf32>
      %add3A_334 = arith.addf %add3A_322, %mul3A_333 : vector<16xf32>
      %broadcast_in_dim3A_335 = arith.constant 22 : i32
      %broadcast_in_dim3A_336 = vector.broadcast %broadcast_in_dim3A_335 : i32 to vector<16xi32>
      %add3A_337 = arith.addi %broadcast_in_dim3A_336, %iota3A : vector<16xi32>
      %and3A_338 = arith.constant 127 : i32
      %and3A_339 = vector.broadcast %and3A_338 : i32 to vector<16xi32>
      %and3A_340 = arith.andi %add3A_337, %and3A_339 : vector<16xi32>
      %gather3A_341 = tpu.vector_load_idx %arg10[%add3A_66, %and3A_340] : memref<128x128xf32, #tpu.memory_space<vmem>>[vector<16xi32>, vector<16xi32>], vector<16xf32>,
      %gather3A_342 = tpu.vector_load_idx %arg11[%add3A_66, %and3A_340] : memref<128x128xf32, #tpu.memory_space<vmem>>[vector<16xi32>, vector<16xi32>], vector<16xf32>,
      %mul3A_343 = arith.mulf %gather3A_341, %gather3A_341 : vector<16xf32>
      %add3A_344 = arith.addf %add3A_332, %mul3A_343 : vector<16xf32>
      %mul3A_345 = arith.mulf %gather3A_342, %gather3A_342 : vector<16xf32>
      %add3A_346 = arith.addf %add3A_334, %mul3A_345 : vector<16xf32>
      %broadcast_in_dim3A_347 = arith.constant 23 : i32
      %broadcast_in_dim3A_348 = vector.broadcast %broadcast_in_dim3A_347 : i32 to vector<16xi32>
      %add3A_349 = arith.addi %broadcast_in_dim3A_348, %iota3A : vector<16xi32>
      %and3A_350 = arith.constant 127 : i32
      %and3A_351 = vector.broadcast %and3A_350 : i32 to vector<16xi32>
      %and3A_352 = arith.andi %add3A_349, %and3A_351 : vector<16xi32>
      %gather3A_353 = tpu.vector_load_idx %arg10[%add3A_66, %and3A_352] : memref<128x128xf32, #tpu.memory_space<vmem>>[vector<16xi32>, vector<16xi32>], vector<16xf32>,
      %gather3A_354 = tpu.vector_load_idx %arg11[%add3A_66, %and3A_352] : memref<128x128xf32, #tpu.memory_space<vmem>>[vector<16xi32>, vector<16xi32>], vector<16xf32>,
      %mul3A_355 = arith.mulf %gather3A_353, %gather3A_353 : vector<16xf32>
      %add3A_356 = arith.addf %add3A_344, %mul3A_355 : vector<16xf32>
      %mul3A_357 = arith.mulf %gather3A_354, %gather3A_354 : vector<16xf32>
      %add3A_358 = arith.addf %add3A_346, %mul3A_357 : vector<16xf32>
      %broadcast_in_dim3A_359 = arith.constant 24 : i32
      %broadcast_in_dim3A_360 = vector.broadcast %broadcast_in_dim3A_359 : i32 to vector<16xi32>
      %add3A_361 = arith.addi %broadcast_in_dim3A_360, %iota3A : vector<16xi32>
      %and3A_362 = arith.constant 127 : i32
      %and3A_363 = vector.broadcast %and3A_362 : i32 to vector<16xi32>
      %and3A_364 = arith.andi %add3A_361, %and3A_363 : vector<16xi32>
      %gather3A_365 = tpu.vector_load_idx %arg10[%add3A_66, %and3A_364] : memref<128x128xf32, #tpu.memory_space<vmem>>[vector<16xi32>, vector<16xi32>], vector<16xf32>,
      %gather3A_366 = tpu.vector_load_idx %arg11[%add3A_66, %and3A_364] : memref<128x128xf32, #tpu.memory_space<vmem>>[vector<16xi32>, vector<16xi32>], vector<16xf32>,
      %mul3A_367 = arith.mulf %gather3A_365, %gather3A_365 : vector<16xf32>
      %add3A_368 = arith.addf %add3A_356, %mul3A_367 : vector<16xf32>
      %mul3A_369 = arith.mulf %gather3A_366, %gather3A_366 : vector<16xf32>
      %add3A_370 = arith.addf %add3A_358, %mul3A_369 : vector<16xf32>
      %broadcast_in_dim3A_371 = arith.constant 25 : i32
      %broadcast_in_dim3A_372 = vector.broadcast %broadcast_in_dim3A_371 : i32 to vector<16xi32>
      %add3A_373 = arith.addi %broadcast_in_dim3A_372, %iota3A : vector<16xi32>
      %and3A_374 = arith.constant 127 : i32
      %and3A_375 = vector.broadcast %and3A_374 : i32 to vector<16xi32>
      %and3A_376 = arith.andi %add3A_373, %and3A_375 : vector<16xi32>
      %gather3A_377 = tpu.vector_load_idx %arg10[%add3A_66, %and3A_376] : memref<128x128xf32, #tpu.memory_space<vmem>>[vector<16xi32>, vector<16xi32>], vector<16xf32>,
      %gather3A_378 = tpu.vector_load_idx %arg11[%add3A_66, %and3A_376] : memref<128x128xf32, #tpu.memory_space<vmem>>[vector<16xi32>, vector<16xi32>], vector<16xf32>,
      %mul3A_379 = arith.mulf %gather3A_377, %gather3A_377 : vector<16xf32>
      %add3A_380 = arith.addf %add3A_368, %mul3A_379 : vector<16xf32>
      %mul3A_381 = arith.mulf %gather3A_378, %gather3A_378 : vector<16xf32>
      %add3A_382 = arith.addf %add3A_370, %mul3A_381 : vector<16xf32>
      %broadcast_in_dim3A_383 = arith.constant 26 : i32
      %broadcast_in_dim3A_384 = vector.broadcast %broadcast_in_dim3A_383 : i32 to vector<16xi32>
      %add3A_385 = arith.addi %broadcast_in_dim3A_384, %iota3A : vector<16xi32>
      %and3A_386 = arith.constant 127 : i32
      %and3A_387 = vector.broadcast %and3A_386 : i32 to vector<16xi32>
      %and3A_388 = arith.andi %add3A_385, %and3A_387 : vector<16xi32>
      %gather3A_389 = tpu.vector_load_idx %arg10[%add3A_66, %and3A_388] : memref<128x128xf32, #tpu.memory_space<vmem>>[vector<16xi32>, vector<16xi32>], vector<16xf32>,
      %gather3A_390 = tpu.vector_load_idx %arg11[%add3A_66, %and3A_388] : memref<128x128xf32, #tpu.memory_space<vmem>>[vector<16xi32>, vector<16xi32>], vector<16xf32>,
      %mul3A_391 = arith.mulf %gather3A_389, %gather3A_389 : vector<16xf32>
      %add3A_392 = arith.addf %add3A_380, %mul3A_391 : vector<16xf32>
      %mul3A_393 = arith.mulf %gather3A_390, %gather3A_390 : vector<16xf32>
      %add3A_394 = arith.addf %add3A_382, %mul3A_393 : vector<16xf32>
      %broadcast_in_dim3A_395 = arith.constant 27 : i32
      %broadcast_in_dim3A_396 = vector.broadcast %broadcast_in_dim3A_395 : i32 to vector<16xi32>
      %add3A_397 = arith.addi %broadcast_in_dim3A_396, %iota3A : vector<16xi32>
      %and3A_398 = arith.constant 127 : i32
      %and3A_399 = vector.broadcast %and3A_398 : i32 to vector<16xi32>
      %and3A_400 = arith.andi %add3A_397, %and3A_399 : vector<16xi32>
      %gather3A_401 = tpu.vector_load_idx %arg10[%add3A_66, %and3A_400] : memref<128x128xf32, #tpu.memory_space<vmem>>[vector<16xi32>, vector<16xi32>], vector<16xf32>,
      %gather3A_402 = tpu.vector_load_idx %arg11[%add3A_66, %and3A_400] : memref<128x128xf32, #tpu.memory_space<vmem>>[vector<16xi32>, vector<16xi32>], vector<16xf32>,
      %mul3A_403 = arith.mulf %gather3A_401, %gather3A_401 : vector<16xf32>
      %add3A_404 = arith.addf %add3A_392, %mul3A_403 : vector<16xf32>
      %mul3A_405 = arith.mulf %gather3A_402, %gather3A_402 : vector<16xf32>
      %add3A_406 = arith.addf %add3A_394, %mul3A_405 : vector<16xf32>
      %broadcast_in_dim3A_407 = arith.constant 28 : i32
      %broadcast_in_dim3A_408 = vector.broadcast %broadcast_in_dim3A_407 : i32 to vector<16xi32>
      %add3A_409 = arith.addi %broadcast_in_dim3A_408, %iota3A : vector<16xi32>
      %and3A_410 = arith.constant 127 : i32
      %and3A_411 = vector.broadcast %and3A_410 : i32 to vector<16xi32>
      %and3A_412 = arith.andi %add3A_409, %and3A_411 : vector<16xi32>
      %gather3A_413 = tpu.vector_load_idx %arg10[%add3A_66, %and3A_412] : memref<128x128xf32, #tpu.memory_space<vmem>>[vector<16xi32>, vector<16xi32>], vector<16xf32>,
      %gather3A_414 = tpu.vector_load_idx %arg11[%add3A_66, %and3A_412] : memref<128x128xf32, #tpu.memory_space<vmem>>[vector<16xi32>, vector<16xi32>], vector<16xf32>,
      %mul3A_415 = arith.mulf %gather3A_413, %gather3A_413 : vector<16xf32>
      %add3A_416 = arith.addf %add3A_404, %mul3A_415 : vector<16xf32>
      %mul3A_417 = arith.mulf %gather3A_414, %gather3A_414 : vector<16xf32>
      %add3A_418 = arith.addf %add3A_406, %mul3A_417 : vector<16xf32>
      %broadcast_in_dim3A_419 = arith.constant 29 : i32
      %broadcast_in_dim3A_420 = vector.broadcast %broadcast_in_dim3A_419 : i32 to vector<16xi32>
      %add3A_421 = arith.addi %broadcast_in_dim3A_420, %iota3A : vector<16xi32>
      %and3A_422 = arith.constant 127 : i32
      %and3A_423 = vector.broadcast %and3A_422 : i32 to vector<16xi32>
      %and3A_424 = arith.andi %add3A_421, %and3A_423 : vector<16xi32>
      %gather3A_425 = tpu.vector_load_idx %arg10[%add3A_66, %and3A_424] : memref<128x128xf32, #tpu.memory_space<vmem>>[vector<16xi32>, vector<16xi32>], vector<16xf32>,
      %gather3A_426 = tpu.vector_load_idx %arg11[%add3A_66, %and3A_424] : memref<128x128xf32, #tpu.memory_space<vmem>>[vector<16xi32>, vector<16xi32>], vector<16xf32>,
      %mul3A_427 = arith.mulf %gather3A_425, %gather3A_425 : vector<16xf32>
      %add3A_428 = arith.addf %add3A_416, %mul3A_427 : vector<16xf32>
      %mul3A_429 = arith.mulf %gather3A_426, %gather3A_426 : vector<16xf32>
      %add3A_430 = arith.addf %add3A_418, %mul3A_429 : vector<16xf32>
      %broadcast_in_dim3A_431 = arith.constant 30 : i32
      %broadcast_in_dim3A_432 = vector.broadcast %broadcast_in_dim3A_431 : i32 to vector<16xi32>
      %add3A_433 = arith.addi %broadcast_in_dim3A_432, %iota3A : vector<16xi32>
      %and3A_434 = arith.constant 127 : i32
      %and3A_435 = vector.broadcast %and3A_434 : i32 to vector<16xi32>
      %and3A_436 = arith.andi %add3A_433, %and3A_435 : vector<16xi32>
      %gather3A_437 = tpu.vector_load_idx %arg10[%add3A_66, %and3A_436] : memref<128x128xf32, #tpu.memory_space<vmem>>[vector<16xi32>, vector<16xi32>], vector<16xf32>,
      %gather3A_438 = tpu.vector_load_idx %arg11[%add3A_66, %and3A_436] : memref<128x128xf32, #tpu.memory_space<vmem>>[vector<16xi32>, vector<16xi32>], vector<16xf32>,
      %mul3A_439 = arith.mulf %gather3A_437, %gather3A_437 : vector<16xf32>
      %add3A_440 = arith.addf %add3A_428, %mul3A_439 : vector<16xf32>
      %mul3A_441 = arith.mulf %gather3A_438, %gather3A_438 : vector<16xf32>
      %add3A_442 = arith.addf %add3A_430, %mul3A_441 : vector<16xf32>
      %broadcast_in_dim3A_443 = arith.constant 31 : i32
      %broadcast_in_dim3A_444 = vector.broadcast %broadcast_in_dim3A_443 : i32 to vector<16xi32>
      %add3A_445 = arith.addi %broadcast_in_dim3A_444, %iota3A : vector<16xi32>
      %and3A_446 = arith.constant 127 : i32
      %and3A_447 = vector.broadcast %and3A_446 : i32 to vector<16xi32>
      %and3A_448 = arith.andi %add3A_445, %and3A_447 : vector<16xi32>
      %gather3A_449 = tpu.vector_load_idx %arg10[%add3A_66, %and3A_448] : memref<128x128xf32, #tpu.memory_space<vmem>>[vector<16xi32>, vector<16xi32>], vector<16xf32>,
      %gather3A_450 = tpu.vector_load_idx %arg11[%add3A_66, %and3A_448] : memref<128x128xf32, #tpu.memory_space<vmem>>[vector<16xi32>, vector<16xi32>], vector<16xf32>,
      %mul3A_451 = arith.mulf %gather3A_449, %gather3A_449 : vector<16xf32>
      %add3A_452 = arith.addf %add3A_440, %mul3A_451 : vector<16xf32>
      %mul3A_453 = arith.mulf %gather3A_450, %gather3A_450 : vector<16xf32>
      %add3A_454 = arith.addf %add3A_442, %mul3A_453 : vector<16xf32>
      %broadcast_in_dim3A_455 = arith.constant 32 : i32
      %broadcast_in_dim3A_456 = vector.broadcast %broadcast_in_dim3A_455 : i32 to vector<16xi32>
      %add3A_457 = arith.addi %broadcast_in_dim3A_456, %iota3A : vector<16xi32>
      %and3A_458 = arith.constant 127 : i32
      %and3A_459 = vector.broadcast %and3A_458 : i32 to vector<16xi32>
      %and3A_460 = arith.andi %add3A_457, %and3A_459 : vector<16xi32>
      %gather3A_461 = tpu.vector_load_idx %arg10[%add3A_66, %and3A_460] : memref<128x128xf32, #tpu.memory_space<vmem>>[vector<16xi32>, vector<16xi32>], vector<16xf32>,
      %gather3A_462 = tpu.vector_load_idx %arg11[%add3A_66, %and3A_460] : memref<128x128xf32, #tpu.memory_space<vmem>>[vector<16xi32>, vector<16xi32>], vector<16xf32>,
      %mul3A_463 = arith.mulf %gather3A_461, %gather3A_461 : vector<16xf32>
      %add3A_464 = arith.addf %add3A_452, %mul3A_463 : vector<16xf32>
      %mul3A_465 = arith.mulf %gather3A_462, %gather3A_462 : vector<16xf32>
      %add3A_466 = arith.addf %add3A_454, %mul3A_465 : vector<16xf32>
      %broadcast_in_dim3A_467 = arith.constant 33 : i32
      %broadcast_in_dim3A_468 = vector.broadcast %broadcast_in_dim3A_467 : i32 to vector<16xi32>
      %add3A_469 = arith.addi %broadcast_in_dim3A_468, %iota3A : vector<16xi32>
      %and3A_470 = arith.constant 127 : i32
      %and3A_471 = vector.broadcast %and3A_470 : i32 to vector<16xi32>
      %and3A_472 = arith.andi %add3A_469, %and3A_471 : vector<16xi32>
      %gather3A_473 = tpu.vector_load_idx %arg10[%add3A_66, %and3A_472] : memref<128x128xf32, #tpu.memory_space<vmem>>[vector<16xi32>, vector<16xi32>], vector<16xf32>,
      %gather3A_474 = tpu.vector_load_idx %arg11[%add3A_66, %and3A_472] : memref<128x128xf32, #tpu.memory_space<vmem>>[vector<16xi32>, vector<16xi32>], vector<16xf32>,
      %mul3A_475 = arith.mulf %gather3A_473, %gather3A_473 : vector<16xf32>
      %add3A_476 = arith.addf %add3A_464, %mul3A_475 : vector<16xf32>
      %mul3A_477 = arith.mulf %gather3A_474, %gather3A_474 : vector<16xf32>
      %add3A_478 = arith.addf %add3A_466, %mul3A_477 : vector<16xf32>
      %broadcast_in_dim3A_479 = arith.constant 34 : i32
      %broadcast_in_dim3A_480 = vector.broadcast %broadcast_in_dim3A_479 : i32 to vector<16xi32>
      %add3A_481 = arith.addi %broadcast_in_dim3A_480, %iota3A : vector<16xi32>
      %and3A_482 = arith.constant 127 : i32
      %and3A_483 = vector.broadcast %and3A_482 : i32 to vector<16xi32>
      %and3A_484 = arith.andi %add3A_481, %and3A_483 : vector<16xi32>
      %gather3A_485 = tpu.vector_load_idx %arg10[%add3A_66, %and3A_484] : memref<128x128xf32, #tpu.memory_space<vmem>>[vector<16xi32>, vector<16xi32>], vector<16xf32>,
      %gather3A_486 = tpu.vector_load_idx %arg11[%add3A_66, %and3A_484] : memref<128x128xf32, #tpu.memory_space<vmem>>[vector<16xi32>, vector<16xi32>], vector<16xf32>,
      %mul3A_487 = arith.mulf %gather3A_485, %gather3A_485 : vector<16xf32>
      %add3A_488 = arith.addf %add3A_476, %mul3A_487 : vector<16xf32>
      %mul3A_489 = arith.mulf %gather3A_486, %gather3A_486 : vector<16xf32>
      %add3A_490 = arith.addf %add3A_478, %mul3A_489 : vector<16xf32>
      %broadcast_in_dim3A_491 = arith.constant 35 : i32
      %broadcast_in_dim3A_492 = vector.broadcast %broadcast_in_dim3A_491 : i32 to vector<16xi32>
      %add3A_493 = arith.addi %broadcast_in_dim3A_492, %iota3A : vector<16xi32>
      %and3A_494 = arith.constant 127 : i32
      %and3A_495 = vector.broadcast %and3A_494 : i32 to vector<16xi32>
      %and3A_496 = arith.andi %add3A_493, %and3A_495 : vector<16xi32>
      %gather3A_497 = tpu.vector_load_idx %arg10[%add3A_66, %and3A_496] : memref<128x128xf32, #tpu.memory_space<vmem>>[vector<16xi32>, vector<16xi32>], vector<16xf32>,
      %gather3A_498 = tpu.vector_load_idx %arg11[%add3A_66, %and3A_496] : memref<128x128xf32, #tpu.memory_space<vmem>>[vector<16xi32>, vector<16xi32>], vector<16xf32>,
      %mul3A_499 = arith.mulf %gather3A_497, %gather3A_497 : vector<16xf32>
      %add3A_500 = arith.addf %add3A_488, %mul3A_499 : vector<16xf32>
      %mul3A_501 = arith.mulf %gather3A_498, %gather3A_498 : vector<16xf32>
      %add3A_502 = arith.addf %add3A_490, %mul3A_501 : vector<16xf32>
      %broadcast_in_dim3A_503 = arith.constant 36 : i32
      %broadcast_in_dim3A_504 = vector.broadcast %broadcast_in_dim3A_503 : i32 to vector<16xi32>
      %add3A_505 = arith.addi %broadcast_in_dim3A_504, %iota3A : vector<16xi32>
      %and3A_506 = arith.constant 127 : i32
      %and3A_507 = vector.broadcast %and3A_506 : i32 to vector<16xi32>
      %and3A_508 = arith.andi %add3A_505, %and3A_507 : vector<16xi32>
      %gather3A_509 = tpu.vector_load_idx %arg10[%add3A_66, %and3A_508] : memref<128x128xf32, #tpu.memory_space<vmem>>[vector<16xi32>, vector<16xi32>], vector<16xf32>,
      %gather3A_510 = tpu.vector_load_idx %arg11[%add3A_66, %and3A_508] : memref<128x128xf32, #tpu.memory_space<vmem>>[vector<16xi32>, vector<16xi32>], vector<16xf32>,
      %mul3A_511 = arith.mulf %gather3A_509, %gather3A_509 : vector<16xf32>
      %add3A_512 = arith.addf %add3A_500, %mul3A_511 : vector<16xf32>
      %mul3A_513 = arith.mulf %gather3A_510, %gather3A_510 : vector<16xf32>
      %add3A_514 = arith.addf %add3A_502, %mul3A_513 : vector<16xf32>
      %broadcast_in_dim3A_515 = arith.constant 37 : i32
      %broadcast_in_dim3A_516 = vector.broadcast %broadcast_in_dim3A_515 : i32 to vector<16xi32>
      %add3A_517 = arith.addi %broadcast_in_dim3A_516, %iota3A : vector<16xi32>
      %and3A_518 = arith.constant 127 : i32
      %and3A_519 = vector.broadcast %and3A_518 : i32 to vector<16xi32>
      %and3A_520 = arith.andi %add3A_517, %and3A_519 : vector<16xi32>
      %gather3A_521 = tpu.vector_load_idx %arg10[%add3A_66, %and3A_520] : memref<128x128xf32, #tpu.memory_space<vmem>>[vector<16xi32>, vector<16xi32>], vector<16xf32>,
      %gather3A_522 = tpu.vector_load_idx %arg11[%add3A_66, %and3A_520] : memref<128x128xf32, #tpu.memory_space<vmem>>[vector<16xi32>, vector<16xi32>], vector<16xf32>,
      %mul3A_523 = arith.mulf %gather3A_521, %gather3A_521 : vector<16xf32>
      %add3A_524 = arith.addf %add3A_512, %mul3A_523 : vector<16xf32>
      %mul3A_525 = arith.mulf %gather3A_522, %gather3A_522 : vector<16xf32>
      %add3A_526 = arith.addf %add3A_514, %mul3A_525 : vector<16xf32>
      %broadcast_in_dim3A_527 = arith.constant 38 : i32
      %broadcast_in_dim3A_528 = vector.broadcast %broadcast_in_dim3A_527 : i32 to vector<16xi32>
      %add3A_529 = arith.addi %broadcast_in_dim3A_528, %iota3A : vector<16xi32>
      %and3A_530 = arith.constant 127 : i32
      %and3A_531 = vector.broadcast %and3A_530 : i32 to vector<16xi32>
      %and3A_532 = arith.andi %add3A_529, %and3A_531 : vector<16xi32>
      %gather3A_533 = tpu.vector_load_idx %arg10[%add3A_66, %and3A_532] : memref<128x128xf32, #tpu.memory_space<vmem>>[vector<16xi32>, vector<16xi32>], vector<16xf32>,
      %gather3A_534 = tpu.vector_load_idx %arg11[%add3A_66, %and3A_532] : memref<128x128xf32, #tpu.memory_space<vmem>>[vector<16xi32>, vector<16xi32>], vector<16xf32>,
      %mul3A_535 = arith.mulf %gather3A_533, %gather3A_533 : vector<16xf32>
      %add3A_536 = arith.addf %add3A_524, %mul3A_535 : vector<16xf32>
      %mul3A_537 = arith.mulf %gather3A_534, %gather3A_534 : vector<16xf32>
      %add3A_538 = arith.addf %add3A_526, %mul3A_537 : vector<16xf32>
      %broadcast_in_dim3A_539 = arith.constant 39 : i32
      %broadcast_in_dim3A_540 = vector.broadcast %broadcast_in_dim3A_539 : i32 to vector<16xi32>
      %add3A_541 = arith.addi %broadcast_in_dim3A_540, %iota3A : vector<16xi32>
      %and3A_542 = arith.constant 127 : i32
      %and3A_543 = vector.broadcast %and3A_542 : i32 to vector<16xi32>
      %and3A_544 = arith.andi %add3A_541, %and3A_543 : vector<16xi32>
      %gather3A_545 = tpu.vector_load_idx %arg10[%add3A_66, %and3A_544] : memref<128x128xf32, #tpu.memory_space<vmem>>[vector<16xi32>, vector<16xi32>], vector<16xf32>,
      %gather3A_546 = tpu.vector_load_idx %arg11[%add3A_66, %and3A_544] : memref<128x128xf32, #tpu.memory_space<vmem>>[vector<16xi32>, vector<16xi32>], vector<16xf32>,
      %mul3A_547 = arith.mulf %gather3A_545, %gather3A_545 : vector<16xf32>
      %add3A_548 = arith.addf %add3A_536, %mul3A_547 : vector<16xf32>
      %mul3A_549 = arith.mulf %gather3A_546, %gather3A_546 : vector<16xf32>
      %add3A_550 = arith.addf %add3A_538, %mul3A_549 : vector<16xf32>
      %broadcast_in_dim3A_551 = arith.constant 40 : i32
      %broadcast_in_dim3A_552 = vector.broadcast %broadcast_in_dim3A_551 : i32 to vector<16xi32>
      %add3A_553 = arith.addi %broadcast_in_dim3A_552, %iota3A : vector<16xi32>
      %and3A_554 = arith.constant 127 : i32
      %and3A_555 = vector.broadcast %and3A_554 : i32 to vector<16xi32>
      %and3A_556 = arith.andi %add3A_553, %and3A_555 : vector<16xi32>
      %gather3A_557 = tpu.vector_load_idx %arg10[%add3A_66, %and3A_556] : memref<128x128xf32, #tpu.memory_space<vmem>>[vector<16xi32>, vector<16xi32>], vector<16xf32>,
      %gather3A_558 = tpu.vector_load_idx %arg11[%add3A_66, %and3A_556] : memref<128x128xf32, #tpu.memory_space<vmem>>[vector<16xi32>, vector<16xi32>], vector<16xf32>,
      %mul3A_559 = arith.mulf %gather3A_557, %gather3A_557 : vector<16xf32>
      %add3A_560 = arith.addf %add3A_548, %mul3A_559 : vector<16xf32>
      %mul3A_561 = arith.mulf %gather3A_558, %gather3A_558 : vector<16xf32>
      %add3A_562 = arith.addf %add3A_550, %mul3A_561 : vector<16xf32>
      %broadcast_in_dim3A_563 = arith.constant 41 : i32
      %broadcast_in_dim3A_564 = vector.broadcast %broadcast_in_dim3A_563 : i32 to vector<16xi32>
      %add3A_565 = arith.addi %broadcast_in_dim3A_564, %iota3A : vector<16xi32>
      %and3A_566 = arith.constant 127 : i32
      %and3A_567 = vector.broadcast %and3A_566 : i32 to vector<16xi32>
      %and3A_568 = arith.andi %add3A_565, %and3A_567 : vector<16xi32>
      %gather3A_569 = tpu.vector_load_idx %arg10[%add3A_66, %and3A_568] : memref<128x128xf32, #tpu.memory_space<vmem>>[vector<16xi32>, vector<16xi32>], vector<16xf32>,
      %gather3A_570 = tpu.vector_load_idx %arg11[%add3A_66, %and3A_568] : memref<128x128xf32, #tpu.memory_space<vmem>>[vector<16xi32>, vector<16xi32>], vector<16xf32>,
      %mul3A_571 = arith.mulf %gather3A_569, %gather3A_569 : vector<16xf32>
      %add3A_572 = arith.addf %add3A_560, %mul3A_571 : vector<16xf32>
      %mul3A_573 = arith.mulf %gather3A_570, %gather3A_570 : vector<16xf32>
      %add3A_574 = arith.addf %add3A_562, %mul3A_573 : vector<16xf32>
      %broadcast_in_dim3A_575 = arith.constant 42 : i32
      %broadcast_in_dim3A_576 = vector.broadcast %broadcast_in_dim3A_575 : i32 to vector<16xi32>
      %add3A_577 = arith.addi %broadcast_in_dim3A_576, %iota3A : vector<16xi32>
      %and3A_578 = arith.constant 127 : i32
      %and3A_579 = vector.broadcast %and3A_578 : i32 to vector<16xi32>
      %and3A_580 = arith.andi %add3A_577, %and3A_579 : vector<16xi32>
      %gather3A_581 = tpu.vector_load_idx %arg10[%add3A_66, %and3A_580] : memref<128x128xf32, #tpu.memory_space<vmem>>[vector<16xi32>, vector<16xi32>], vector<16xf32>,
      %gather3A_582 = tpu.vector_load_idx %arg11[%add3A_66, %and3A_580] : memref<128x128xf32, #tpu.memory_space<vmem>>[vector<16xi32>, vector<16xi32>], vector<16xf32>,
      %mul3A_583 = arith.mulf %gather3A_581, %gather3A_581 : vector<16xf32>
      %add3A_584 = arith.addf %add3A_572, %mul3A_583 : vector<16xf32>
      %mul3A_585 = arith.mulf %gather3A_582, %gather3A_582 : vector<16xf32>
      %add3A_586 = arith.addf %add3A_574, %mul3A_585 : vector<16xf32>
      %broadcast_in_dim3A_587 = arith.constant 43 : i32
      %broadcast_in_dim3A_588 = vector.broadcast %broadcast_in_dim3A_587 : i32 to vector<16xi32>
      %add3A_589 = arith.addi %broadcast_in_dim3A_588, %iota3A : vector<16xi32>
      %and3A_590 = arith.constant 127 : i32
      %and3A_591 = vector.broadcast %and3A_590 : i32 to vector<16xi32>
      %and3A_592 = arith.andi %add3A_589, %and3A_591 : vector<16xi32>
      %gather3A_593 = tpu.vector_load_idx %arg10[%add3A_66, %and3A_592] : memref<128x128xf32, #tpu.memory_space<vmem>>[vector<16xi32>, vector<16xi32>], vector<16xf32>,
      %gather3A_594 = tpu.vector_load_idx %arg11[%add3A_66, %and3A_592] : memref<128x128xf32, #tpu.memory_space<vmem>>[vector<16xi32>, vector<16xi32>], vector<16xf32>,
      %mul3A_595 = arith.mulf %gather3A_593, %gather3A_593 : vector<16xf32>
      %add3A_596 = arith.addf %add3A_584, %mul3A_595 : vector<16xf32>
      %mul3A_597 = arith.mulf %gather3A_594, %gather3A_594 : vector<16xf32>
      %add3A_598 = arith.addf %add3A_586, %mul3A_597 : vector<16xf32>
      %broadcast_in_dim3A_599 = arith.constant 44 : i32
      %broadcast_in_dim3A_600 = vector.broadcast %broadcast_in_dim3A_599 : i32 to vector<16xi32>
      %add3A_601 = arith.addi %broadcast_in_dim3A_600, %iota3A : vector<16xi32>
      %and3A_602 = arith.constant 127 : i32
      %and3A_603 = vector.broadcast %and3A_602 : i32 to vector<16xi32>
      %and3A_604 = arith.andi %add3A_601, %and3A_603 : vector<16xi32>
      %gather3A_605 = tpu.vector_load_idx %arg10[%add3A_66, %and3A_604] : memref<128x128xf32, #tpu.memory_space<vmem>>[vector<16xi32>, vector<16xi32>], vector<16xf32>,
      %gather3A_606 = tpu.vector_load_idx %arg11[%add3A_66, %and3A_604] : memref<128x128xf32, #tpu.memory_space<vmem>>[vector<16xi32>, vector<16xi32>], vector<16xf32>,
      %mul3A_607 = arith.mulf %gather3A_605, %gather3A_605 : vector<16xf32>
      %add3A_608 = arith.addf %add3A_596, %mul3A_607 : vector<16xf32>
      %mul3A_609 = arith.mulf %gather3A_606, %gather3A_606 : vector<16xf32>
      %add3A_610 = arith.addf %add3A_598, %mul3A_609 : vector<16xf32>
      %broadcast_in_dim3A_611 = arith.constant 45 : i32
      %broadcast_in_dim3A_612 = vector.broadcast %broadcast_in_dim3A_611 : i32 to vector<16xi32>
      %add3A_613 = arith.addi %broadcast_in_dim3A_612, %iota3A : vector<16xi32>
      %and3A_614 = arith.constant 127 : i32
      %and3A_615 = vector.broadcast %and3A_614 : i32 to vector<16xi32>
      %and3A_616 = arith.andi %add3A_613, %and3A_615 : vector<16xi32>
      %gather3A_617 = tpu.vector_load_idx %arg10[%add3A_66, %and3A_616] : memref<128x128xf32, #tpu.memory_space<vmem>>[vector<16xi32>, vector<16xi32>], vector<16xf32>,
      %gather3A_618 = tpu.vector_load_idx %arg11[%add3A_66, %and3A_616] : memref<128x128xf32, #tpu.memory_space<vmem>>[vector<16xi32>, vector<16xi32>], vector<16xf32>,
      %mul3A_619 = arith.mulf %gather3A_617, %gather3A_617 : vector<16xf32>
      %add3A_620 = arith.addf %add3A_608, %mul3A_619 : vector<16xf32>
      %mul3A_621 = arith.mulf %gather3A_618, %gather3A_618 : vector<16xf32>
      %add3A_622 = arith.addf %add3A_610, %mul3A_621 : vector<16xf32>
      %broadcast_in_dim3A_623 = arith.constant 46 : i32
      %broadcast_in_dim3A_624 = vector.broadcast %broadcast_in_dim3A_623 : i32 to vector<16xi32>
      %add3A_625 = arith.addi %broadcast_in_dim3A_624, %iota3A : vector<16xi32>
      %and3A_626 = arith.constant 127 : i32
      %and3A_627 = vector.broadcast %and3A_626 : i32 to vector<16xi32>
      %and3A_628 = arith.andi %add3A_625, %and3A_627 : vector<16xi32>
      %gather3A_629 = tpu.vector_load_idx %arg10[%add3A_66, %and3A_628] : memref<128x128xf32, #tpu.memory_space<vmem>>[vector<16xi32>, vector<16xi32>], vector<16xf32>,
      %gather3A_630 = tpu.vector_load_idx %arg11[%add3A_66, %and3A_628] : memref<128x128xf32, #tpu.memory_space<vmem>>[vector<16xi32>, vector<16xi32>], vector<16xf32>,
      %mul3A_631 = arith.mulf %gather3A_629, %gather3A_629 : vector<16xf32>
      %add3A_632 = arith.addf %add3A_620, %mul3A_631 : vector<16xf32>
      %mul3A_633 = arith.mulf %gather3A_630, %gather3A_630 : vector<16xf32>
      %add3A_634 = arith.addf %add3A_622, %mul3A_633 : vector<16xf32>
      %broadcast_in_dim3A_635 = arith.constant 47 : i32
      %broadcast_in_dim3A_636 = vector.broadcast %broadcast_in_dim3A_635 : i32 to vector<16xi32>
      %add3A_637 = arith.addi %broadcast_in_dim3A_636, %iota3A : vector<16xi32>
      %and3A_638 = arith.constant 127 : i32
      %and3A_639 = vector.broadcast %and3A_638 : i32 to vector<16xi32>
      %and3A_640 = arith.andi %add3A_637, %and3A_639 : vector<16xi32>
      %gather3A_641 = tpu.vector_load_idx %arg10[%add3A_66, %and3A_640] : memref<128x128xf32, #tpu.memory_space<vmem>>[vector<16xi32>, vector<16xi32>], vector<16xf32>,
      %gather3A_642 = tpu.vector_load_idx %arg11[%add3A_66, %and3A_640] : memref<128x128xf32, #tpu.memory_space<vmem>>[vector<16xi32>, vector<16xi32>], vector<16xf32>,
      %mul3A_643 = arith.mulf %gather3A_641, %gather3A_641 : vector<16xf32>
      %add3A_644 = arith.addf %add3A_632, %mul3A_643 : vector<16xf32>
      %mul3A_645 = arith.mulf %gather3A_642, %gather3A_642 : vector<16xf32>
      %add3A_646 = arith.addf %add3A_634, %mul3A_645 : vector<16xf32>
      %broadcast_in_dim3A_647 = arith.constant 48 : i32
      %broadcast_in_dim3A_648 = vector.broadcast %broadcast_in_dim3A_647 : i32 to vector<16xi32>
      %add3A_649 = arith.addi %broadcast_in_dim3A_648, %iota3A : vector<16xi32>
      %and3A_650 = arith.constant 127 : i32
      %and3A_651 = vector.broadcast %and3A_650 : i32 to vector<16xi32>
      %and3A_652 = arith.andi %add3A_649, %and3A_651 : vector<16xi32>
      %gather3A_653 = tpu.vector_load_idx %arg10[%add3A_66, %and3A_652] : memref<128x128xf32, #tpu.memory_space<vmem>>[vector<16xi32>, vector<16xi32>], vector<16xf32>,
      %gather3A_654 = tpu.vector_load_idx %arg11[%add3A_66, %and3A_652] : memref<128x128xf32, #tpu.memory_space<vmem>>[vector<16xi32>, vector<16xi32>], vector<16xf32>,
      %mul3A_655 = arith.mulf %gather3A_653, %gather3A_653 : vector<16xf32>
      %add3A_656 = arith.addf %add3A_644, %mul3A_655 : vector<16xf32>
      %mul3A_657 = arith.mulf %gather3A_654, %gather3A_654 : vector<16xf32>
      %add3A_658 = arith.addf %add3A_646, %mul3A_657 : vector<16xf32>
      %broadcast_in_dim3A_659 = arith.constant 49 : i32
      %broadcast_in_dim3A_660 = vector.broadcast %broadcast_in_dim3A_659 : i32 to vector<16xi32>
      %add3A_661 = arith.addi %broadcast_in_dim3A_660, %iota3A : vector<16xi32>
      %and3A_662 = arith.constant 127 : i32
      %and3A_663 = vector.broadcast %and3A_662 : i32 to vector<16xi32>
      %and3A_664 = arith.andi %add3A_661, %and3A_663 : vector<16xi32>
      %gather3A_665 = tpu.vector_load_idx %arg10[%add3A_66, %and3A_664] : memref<128x128xf32, #tpu.memory_space<vmem>>[vector<16xi32>, vector<16xi32>], vector<16xf32>,
      %gather3A_666 = tpu.vector_load_idx %arg11[%add3A_66, %and3A_664] : memref<128x128xf32, #tpu.memory_space<vmem>>[vector<16xi32>, vector<16xi32>], vector<16xf32>,
      %mul3A_667 = arith.mulf %gather3A_665, %gather3A_665 : vector<16xf32>
      %add3A_668 = arith.addf %add3A_656, %mul3A_667 : vector<16xf32>
      %mul3A_669 = arith.mulf %gather3A_666, %gather3A_666 : vector<16xf32>
      %add3A_670 = arith.addf %add3A_658, %mul3A_669 : vector<16xf32>
      %broadcast_in_dim3A_671 = arith.constant 50 : i32
      %broadcast_in_dim3A_672 = vector.broadcast %broadcast_in_dim3A_671 : i32 to vector<16xi32>
      %add3A_673 = arith.addi %broadcast_in_dim3A_672, %iota3A : vector<16xi32>
      %and3A_674 = arith.constant 127 : i32
      %and3A_675 = vector.broadcast %and3A_674 : i32 to vector<16xi32>
      %and3A_676 = arith.andi %add3A_673, %and3A_675 : vector<16xi32>
      %gather3A_677 = tpu.vector_load_idx %arg10[%add3A_66, %and3A_676] : memref<128x128xf32, #tpu.memory_space<vmem>>[vector<16xi32>, vector<16xi32>], vector<16xf32>,
      %gather3A_678 = tpu.vector_load_idx %arg11[%add3A_66, %and3A_676] : memref<128x128xf32, #tpu.memory_space<vmem>>[vector<16xi32>, vector<16xi32>], vector<16xf32>,
      %mul3A_679 = arith.mulf %gather3A_677, %gather3A_677 : vector<16xf32>
      %add3A_680 = arith.addf %add3A_668, %mul3A_679 : vector<16xf32>
      %mul3A_681 = arith.mulf %gather3A_678, %gather3A_678 : vector<16xf32>
      %add3A_682 = arith.addf %add3A_670, %mul3A_681 : vector<16xf32>
      %broadcast_in_dim3A_683 = arith.constant 51 : i32
      %broadcast_in_dim3A_684 = vector.broadcast %broadcast_in_dim3A_683 : i32 to vector<16xi32>
      %add3A_685 = arith.addi %broadcast_in_dim3A_684, %iota3A : vector<16xi32>
      %and3A_686 = arith.constant 127 : i32
      %and3A_687 = vector.broadcast %and3A_686 : i32 to vector<16xi32>
      %and3A_688 = arith.andi %add3A_685, %and3A_687 : vector<16xi32>
      %gather3A_689 = tpu.vector_load_idx %arg10[%add3A_66, %and3A_688] : memref<128x128xf32, #tpu.memory_space<vmem>>[vector<16xi32>, vector<16xi32>], vector<16xf32>,
      %gather3A_690 = tpu.vector_load_idx %arg11[%add3A_66, %and3A_688] : memref<128x128xf32, #tpu.memory_space<vmem>>[vector<16xi32>, vector<16xi32>], vector<16xf32>,
      %mul3A_691 = arith.mulf %gather3A_689, %gather3A_689 : vector<16xf32>
      %add3A_692 = arith.addf %add3A_680, %mul3A_691 : vector<16xf32>
      %mul3A_693 = arith.mulf %gather3A_690, %gather3A_690 : vector<16xf32>
      %add3A_694 = arith.addf %add3A_682, %mul3A_693 : vector<16xf32>
      %broadcast_in_dim3A_695 = arith.constant 52 : i32
      %broadcast_in_dim3A_696 = vector.broadcast %broadcast_in_dim3A_695 : i32 to vector<16xi32>
      %add3A_697 = arith.addi %broadcast_in_dim3A_696, %iota3A : vector<16xi32>
      %and3A_698 = arith.constant 127 : i32
      %and3A_699 = vector.broadcast %and3A_698 : i32 to vector<16xi32>
      %and3A_700 = arith.andi %add3A_697, %and3A_699 : vector<16xi32>
      %gather3A_701 = tpu.vector_load_idx %arg10[%add3A_66, %and3A_700] : memref<128x128xf32, #tpu.memory_space<vmem>>[vector<16xi32>, vector<16xi32>], vector<16xf32>,
      %gather3A_702 = tpu.vector_load_idx %arg11[%add3A_66, %and3A_700] : memref<128x128xf32, #tpu.memory_space<vmem>>[vector<16xi32>, vector<16xi32>], vector<16xf32>,
      %mul3A_703 = arith.mulf %gather3A_701, %gather3A_701 : vector<16xf32>
      %add3A_704 = arith.addf %add3A_692, %mul3A_703 : vector<16xf32>
      %mul3A_705 = arith.mulf %gather3A_702, %gather3A_702 : vector<16xf32>
      %add3A_706 = arith.addf %add3A_694, %mul3A_705 : vector<16xf32>
      %broadcast_in_dim3A_707 = arith.constant 53 : i32
      %broadcast_in_dim3A_708 = vector.broadcast %broadcast_in_dim3A_707 : i32 to vector<16xi32>
      %add3A_709 = arith.addi %broadcast_in_dim3A_708, %iota3A : vector<16xi32>
      %and3A_710 = arith.constant 127 : i32
      %and3A_711 = vector.broadcast %and3A_710 : i32 to vector<16xi32>
      %and3A_712 = arith.andi %add3A_709, %and3A_711 : vector<16xi32>
      %gather3A_713 = tpu.vector_load_idx %arg10[%add3A_66, %and3A_712] : memref<128x128xf32, #tpu.memory_space<vmem>>[vector<16xi32>, vector<16xi32>], vector<16xf32>,
      %gather3A_714 = tpu.vector_load_idx %arg11[%add3A_66, %and3A_712] : memref<128x128xf32, #tpu.memory_space<vmem>>[vector<16xi32>, vector<16xi32>], vector<16xf32>,
      %mul3A_715 = arith.mulf %gather3A_713, %gather3A_713 : vector<16xf32>
      %add3A_716 = arith.addf %add3A_704, %mul3A_715 : vector<16xf32>
      %mul3A_717 = arith.mulf %gather3A_714, %gather3A_714 : vector<16xf32>
      %add3A_718 = arith.addf %add3A_706, %mul3A_717 : vector<16xf32>
      %broadcast_in_dim3A_719 = arith.constant 54 : i32
      %broadcast_in_dim3A_720 = vector.broadcast %broadcast_in_dim3A_719 : i32 to vector<16xi32>
      %add3A_721 = arith.addi %broadcast_in_dim3A_720, %iota3A : vector<16xi32>
      %and3A_722 = arith.constant 127 : i32
      %and3A_723 = vector.broadcast %and3A_722 : i32 to vector<16xi32>
      %and3A_724 = arith.andi %add3A_721, %and3A_723 : vector<16xi32>
      %gather3A_725 = tpu.vector_load_idx %arg10[%add3A_66, %and3A_724] : memref<128x128xf32, #tpu.memory_space<vmem>>[vector<16xi32>, vector<16xi32>], vector<16xf32>,
      %gather3A_726 = tpu.vector_load_idx %arg11[%add3A_66, %and3A_724] : memref<128x128xf32, #tpu.memory_space<vmem>>[vector<16xi32>, vector<16xi32>], vector<16xf32>,
      %mul3A_727 = arith.mulf %gather3A_725, %gather3A_725 : vector<16xf32>
      %add3A_728 = arith.addf %add3A_716, %mul3A_727 : vector<16xf32>
      %mul3A_729 = arith.mulf %gather3A_726, %gather3A_726 : vector<16xf32>
      %add3A_730 = arith.addf %add3A_718, %mul3A_729 : vector<16xf32>
      %broadcast_in_dim3A_731 = arith.constant 55 : i32
      %broadcast_in_dim3A_732 = vector.broadcast %broadcast_in_dim3A_731 : i32 to vector<16xi32>
      %add3A_733 = arith.addi %broadcast_in_dim3A_732, %iota3A : vector<16xi32>
      %and3A_734 = arith.constant 127 : i32
      %and3A_735 = vector.broadcast %and3A_734 : i32 to vector<16xi32>
      %and3A_736 = arith.andi %add3A_733, %and3A_735 : vector<16xi32>
      %gather3A_737 = tpu.vector_load_idx %arg10[%add3A_66, %and3A_736] : memref<128x128xf32, #tpu.memory_space<vmem>>[vector<16xi32>, vector<16xi32>], vector<16xf32>,
      %gather3A_738 = tpu.vector_load_idx %arg11[%add3A_66, %and3A_736] : memref<128x128xf32, #tpu.memory_space<vmem>>[vector<16xi32>, vector<16xi32>], vector<16xf32>,
      %mul3A_739 = arith.mulf %gather3A_737, %gather3A_737 : vector<16xf32>
      %add3A_740 = arith.addf %add3A_728, %mul3A_739 : vector<16xf32>
      %mul3A_741 = arith.mulf %gather3A_738, %gather3A_738 : vector<16xf32>
      %add3A_742 = arith.addf %add3A_730, %mul3A_741 : vector<16xf32>
      %broadcast_in_dim3A_743 = arith.constant 56 : i32
      %broadcast_in_dim3A_744 = vector.broadcast %broadcast_in_dim3A_743 : i32 to vector<16xi32>
      %add3A_745 = arith.addi %broadcast_in_dim3A_744, %iota3A : vector<16xi32>
      %and3A_746 = arith.constant 127 : i32
      %and3A_747 = vector.broadcast %and3A_746 : i32 to vector<16xi32>
      %and3A_748 = arith.andi %add3A_745, %and3A_747 : vector<16xi32>
      %gather3A_749 = tpu.vector_load_idx %arg10[%add3A_66, %and3A_748] : memref<128x128xf32, #tpu.memory_space<vmem>>[vector<16xi32>, vector<16xi32>], vector<16xf32>,
      %gather3A_750 = tpu.vector_load_idx %arg11[%add3A_66, %and3A_748] : memref<128x128xf32, #tpu.memory_space<vmem>>[vector<16xi32>, vector<16xi32>], vector<16xf32>,
      %mul3A_751 = arith.mulf %gather3A_749, %gather3A_749 : vector<16xf32>
      %add3A_752 = arith.addf %add3A_740, %mul3A_751 : vector<16xf32>
      %mul3A_753 = arith.mulf %gather3A_750, %gather3A_750 : vector<16xf32>
      %add3A_754 = arith.addf %add3A_742, %mul3A_753 : vector<16xf32>
      %broadcast_in_dim3A_755 = arith.constant 57 : i32
      %broadcast_in_dim3A_756 = vector.broadcast %broadcast_in_dim3A_755 : i32 to vector<16xi32>
      %add3A_757 = arith.addi %broadcast_in_dim3A_756, %iota3A : vector<16xi32>
      %and3A_758 = arith.constant 127 : i32
      %and3A_759 = vector.broadcast %and3A_758 : i32 to vector<16xi32>
      %and3A_760 = arith.andi %add3A_757, %and3A_759 : vector<16xi32>
      %gather3A_761 = tpu.vector_load_idx %arg10[%add3A_66, %and3A_760] : memref<128x128xf32, #tpu.memory_space<vmem>>[vector<16xi32>, vector<16xi32>], vector<16xf32>,
      %gather3A_762 = tpu.vector_load_idx %arg11[%add3A_66, %and3A_760] : memref<128x128xf32, #tpu.memory_space<vmem>>[vector<16xi32>, vector<16xi32>], vector<16xf32>,
      %mul3A_763 = arith.mulf %gather3A_761, %gather3A_761 : vector<16xf32>
      %add3A_764 = arith.addf %add3A_752, %mul3A_763 : vector<16xf32>
      %mul3A_765 = arith.mulf %gather3A_762, %gather3A_762 : vector<16xf32>
      %add3A_766 = arith.addf %add3A_754, %mul3A_765 : vector<16xf32>
      %broadcast_in_dim3A_767 = arith.constant 58 : i32
      %broadcast_in_dim3A_768 = vector.broadcast %broadcast_in_dim3A_767 : i32 to vector<16xi32>
      %add3A_769 = arith.addi %broadcast_in_dim3A_768, %iota3A : vector<16xi32>
      %and3A_770 = arith.constant 127 : i32
      %and3A_771 = vector.broadcast %and3A_770 : i32 to vector<16xi32>
      %and3A_772 = arith.andi %add3A_769, %and3A_771 : vector<16xi32>
      %gather3A_773 = tpu.vector_load_idx %arg10[%add3A_66, %and3A_772] : memref<128x128xf32, #tpu.memory_space<vmem>>[vector<16xi32>, vector<16xi32>], vector<16xf32>,
      %gather3A_774 = tpu.vector_load_idx %arg11[%add3A_66, %and3A_772] : memref<128x128xf32, #tpu.memory_space<vmem>>[vector<16xi32>, vector<16xi32>], vector<16xf32>,
      %mul3A_775 = arith.mulf %gather3A_773, %gather3A_773 : vector<16xf32>
      %add3A_776 = arith.addf %add3A_764, %mul3A_775 : vector<16xf32>
      %mul3A_777 = arith.mulf %gather3A_774, %gather3A_774 : vector<16xf32>
      %add3A_778 = arith.addf %add3A_766, %mul3A_777 : vector<16xf32>
      %broadcast_in_dim3A_779 = arith.constant 59 : i32
      %broadcast_in_dim3A_780 = vector.broadcast %broadcast_in_dim3A_779 : i32 to vector<16xi32>
      %add3A_781 = arith.addi %broadcast_in_dim3A_780, %iota3A : vector<16xi32>
      %and3A_782 = arith.constant 127 : i32
      %and3A_783 = vector.broadcast %and3A_782 : i32 to vector<16xi32>
      %and3A_784 = arith.andi %add3A_781, %and3A_783 : vector<16xi32>
      %gather3A_785 = tpu.vector_load_idx %arg10[%add3A_66, %and3A_784] : memref<128x128xf32, #tpu.memory_space<vmem>>[vector<16xi32>, vector<16xi32>], vector<16xf32>,
      %gather3A_786 = tpu.vector_load_idx %arg11[%add3A_66, %and3A_784] : memref<128x128xf32, #tpu.memory_space<vmem>>[vector<16xi32>, vector<16xi32>], vector<16xf32>,
      %mul3A_787 = arith.mulf %gather3A_785, %gather3A_785 : vector<16xf32>
      %add3A_788 = arith.addf %add3A_776, %mul3A_787 : vector<16xf32>
      %mul3A_789 = arith.mulf %gather3A_786, %gather3A_786 : vector<16xf32>
      %add3A_790 = arith.addf %add3A_778, %mul3A_789 : vector<16xf32>
      %broadcast_in_dim3A_791 = arith.constant 60 : i32
      %broadcast_in_dim3A_792 = vector.broadcast %broadcast_in_dim3A_791 : i32 to vector<16xi32>
      %add3A_793 = arith.addi %broadcast_in_dim3A_792, %iota3A : vector<16xi32>
      %and3A_794 = arith.constant 127 : i32
      %and3A_795 = vector.broadcast %and3A_794 : i32 to vector<16xi32>
      %and3A_796 = arith.andi %add3A_793, %and3A_795 : vector<16xi32>
      %gather3A_797 = tpu.vector_load_idx %arg10[%add3A_66, %and3A_796] : memref<128x128xf32, #tpu.memory_space<vmem>>[vector<16xi32>, vector<16xi32>], vector<16xf32>,
      %gather3A_798 = tpu.vector_load_idx %arg11[%add3A_66, %and3A_796] : memref<128x128xf32, #tpu.memory_space<vmem>>[vector<16xi32>, vector<16xi32>], vector<16xf32>,
      %mul3A_799 = arith.mulf %gather3A_797, %gather3A_797 : vector<16xf32>
      %add3A_800 = arith.addf %add3A_788, %mul3A_799 : vector<16xf32>
      %mul3A_801 = arith.mulf %gather3A_798, %gather3A_798 : vector<16xf32>
      %add3A_802 = arith.addf %add3A_790, %mul3A_801 : vector<16xf32>
      %broadcast_in_dim3A_803 = arith.constant 61 : i32
      %broadcast_in_dim3A_804 = vector.broadcast %broadcast_in_dim3A_803 : i32 to vector<16xi32>
      %add3A_805 = arith.addi %broadcast_in_dim3A_804, %iota3A : vector<16xi32>
      %and3A_806 = arith.constant 127 : i32
      %and3A_807 = vector.broadcast %and3A_806 : i32 to vector<16xi32>
      %and3A_808 = arith.andi %add3A_805, %and3A_807 : vector<16xi32>
      %gather3A_809 = tpu.vector_load_idx %arg10[%add3A_66, %and3A_808] : memref<128x128xf32, #tpu.memory_space<vmem>>[vector<16xi32>, vector<16xi32>], vector<16xf32>,
      %gather3A_810 = tpu.vector_load_idx %arg11[%add3A_66, %and3A_808] : memref<128x128xf32, #tpu.memory_space<vmem>>[vector<16xi32>, vector<16xi32>], vector<16xf32>,
      %mul3A_811 = arith.mulf %gather3A_809, %gather3A_809 : vector<16xf32>
      %add3A_812 = arith.addf %add3A_800, %mul3A_811 : vector<16xf32>
      %mul3A_813 = arith.mulf %gather3A_810, %gather3A_810 : vector<16xf32>
      %add3A_814 = arith.addf %add3A_802, %mul3A_813 : vector<16xf32>
      %broadcast_in_dim3A_815 = arith.constant 62 : i32
      %broadcast_in_dim3A_816 = vector.broadcast %broadcast_in_dim3A_815 : i32 to vector<16xi32>
      %add3A_817 = arith.addi %broadcast_in_dim3A_816, %iota3A : vector<16xi32>
      %and3A_818 = arith.constant 127 : i32
      %and3A_819 = vector.broadcast %and3A_818 : i32 to vector<16xi32>
      %and3A_820 = arith.andi %add3A_817, %and3A_819 : vector<16xi32>
      %gather3A_821 = tpu.vector_load_idx %arg10[%add3A_66, %and3A_820] : memref<128x128xf32, #tpu.memory_space<vmem>>[vector<16xi32>, vector<16xi32>], vector<16xf32>,
      %gather3A_822 = tpu.vector_load_idx %arg11[%add3A_66, %and3A_820] : memref<128x128xf32, #tpu.memory_space<vmem>>[vector<16xi32>, vector<16xi32>], vector<16xf32>,
      %mul3A_823 = arith.mulf %gather3A_821, %gather3A_821 : vector<16xf32>
      %add3A_824 = arith.addf %add3A_812, %mul3A_823 : vector<16xf32>
      %mul3A_825 = arith.mulf %gather3A_822, %gather3A_822 : vector<16xf32>
      %add3A_826 = arith.addf %add3A_814, %mul3A_825 : vector<16xf32>
      %broadcast_in_dim3A_827 = arith.constant 63 : i32
      %broadcast_in_dim3A_828 = vector.broadcast %broadcast_in_dim3A_827 : i32 to vector<16xi32>
      %add3A_829 = arith.addi %broadcast_in_dim3A_828, %iota3A : vector<16xi32>
      %and3A_830 = arith.constant 127 : i32
      %and3A_831 = vector.broadcast %and3A_830 : i32 to vector<16xi32>
      %and3A_832 = arith.andi %add3A_829, %and3A_831 : vector<16xi32>
      %gather3A_833 = tpu.vector_load_idx %arg10[%add3A_66, %and3A_832] : memref<128x128xf32, #tpu.memory_space<vmem>>[vector<16xi32>, vector<16xi32>], vector<16xf32>,
      %gather3A_834 = tpu.vector_load_idx %arg11[%add3A_66, %and3A_832] : memref<128x128xf32, #tpu.memory_space<vmem>>[vector<16xi32>, vector<16xi32>], vector<16xf32>,
      %mul3A_835 = arith.mulf %gather3A_833, %gather3A_833 : vector<16xf32>
      %add3A_836 = arith.addf %add3A_824, %mul3A_835 : vector<16xf32>
      %mul3A_837 = arith.mulf %gather3A_834, %gather3A_834 : vector<16xf32>
      %add3A_838 = arith.addf %add3A_826, %mul3A_837 : vector<16xf32>
      %broadcast_in_dim3A_839 = arith.constant 64 : i32
      %broadcast_in_dim3A_840 = vector.broadcast %broadcast_in_dim3A_839 : i32 to vector<16xi32>
      %add3A_841 = arith.addi %broadcast_in_dim3A_840, %iota3A : vector<16xi32>
      %and3A_842 = arith.constant 127 : i32
      %and3A_843 = vector.broadcast %and3A_842 : i32 to vector<16xi32>
      %and3A_844 = arith.andi %add3A_841, %and3A_843 : vector<16xi32>
      %gather3A_845 = tpu.vector_load_idx %arg10[%add3A_66, %and3A_844] : memref<128x128xf32, #tpu.memory_space<vmem>>[vector<16xi32>, vector<16xi32>], vector<16xf32>,
      %gather3A_846 = tpu.vector_load_idx %arg11[%add3A_66, %and3A_844] : memref<128x128xf32, #tpu.memory_space<vmem>>[vector<16xi32>, vector<16xi32>], vector<16xf32>,
      %mul3A_847 = arith.mulf %gather3A_845, %gather3A_845 : vector<16xf32>
      %add3A_848 = arith.addf %add3A_836, %mul3A_847 : vector<16xf32>
      %mul3A_849 = arith.mulf %gather3A_846, %gather3A_846 : vector<16xf32>
      %add3A_850 = arith.addf %add3A_838, %mul3A_849 : vector<16xf32>
      %broadcast_in_dim3A_851 = arith.constant 65 : i32
      %broadcast_in_dim3A_852 = vector.broadcast %broadcast_in_dim3A_851 : i32 to vector<16xi32>
      %add3A_853 = arith.addi %broadcast_in_dim3A_852, %iota3A : vector<16xi32>
      %and3A_854 = arith.constant 127 : i32
      %and3A_855 = vector.broadcast %and3A_854 : i32 to vector<16xi32>
      %and3A_856 = arith.andi %add3A_853, %and3A_855 : vector<16xi32>
      %gather3A_857 = tpu.vector_load_idx %arg10[%add3A_66, %and3A_856] : memref<128x128xf32, #tpu.memory_space<vmem>>[vector<16xi32>, vector<16xi32>], vector<16xf32>,
      %gather3A_858 = tpu.vector_load_idx %arg11[%add3A_66, %and3A_856] : memref<128x128xf32, #tpu.memory_space<vmem>>[vector<16xi32>, vector<16xi32>], vector<16xf32>,
      %mul3A_859 = arith.mulf %gather3A_857, %gather3A_857 : vector<16xf32>
      %add3A_860 = arith.addf %add3A_848, %mul3A_859 : vector<16xf32>
      %mul3A_861 = arith.mulf %gather3A_858, %gather3A_858 : vector<16xf32>
      %add3A_862 = arith.addf %add3A_850, %mul3A_861 : vector<16xf32>
      %broadcast_in_dim3A_863 = arith.constant 66 : i32
      %broadcast_in_dim3A_864 = vector.broadcast %broadcast_in_dim3A_863 : i32 to vector<16xi32>
      %add3A_865 = arith.addi %broadcast_in_dim3A_864, %iota3A : vector<16xi32>
      %and3A_866 = arith.constant 127 : i32
      %and3A_867 = vector.broadcast %and3A_866 : i32 to vector<16xi32>
      %and3A_868 = arith.andi %add3A_865, %and3A_867 : vector<16xi32>
      %gather3A_869 = tpu.vector_load_idx %arg10[%add3A_66, %and3A_868] : memref<128x128xf32, #tpu.memory_space<vmem>>[vector<16xi32>, vector<16xi32>], vector<16xf32>,
      %gather3A_870 = tpu.vector_load_idx %arg11[%add3A_66, %and3A_868] : memref<128x128xf32, #tpu.memory_space<vmem>>[vector<16xi32>, vector<16xi32>], vector<16xf32>,
      %mul3A_871 = arith.mulf %gather3A_869, %gather3A_869 : vector<16xf32>
      %add3A_872 = arith.addf %add3A_860, %mul3A_871 : vector<16xf32>
      %mul3A_873 = arith.mulf %gather3A_870, %gather3A_870 : vector<16xf32>
      %add3A_874 = arith.addf %add3A_862, %mul3A_873 : vector<16xf32>
      %broadcast_in_dim3A_875 = arith.constant 67 : i32
      %broadcast_in_dim3A_876 = vector.broadcast %broadcast_in_dim3A_875 : i32 to vector<16xi32>
      %add3A_877 = arith.addi %broadcast_in_dim3A_876, %iota3A : vector<16xi32>
      %and3A_878 = arith.constant 127 : i32
      %and3A_879 = vector.broadcast %and3A_878 : i32 to vector<16xi32>
      %and3A_880 = arith.andi %add3A_877, %and3A_879 : vector<16xi32>
      %gather3A_881 = tpu.vector_load_idx %arg10[%add3A_66, %and3A_880] : memref<128x128xf32, #tpu.memory_space<vmem>>[vector<16xi32>, vector<16xi32>], vector<16xf32>,
      %gather3A_882 = tpu.vector_load_idx %arg11[%add3A_66, %and3A_880] : memref<128x128xf32, #tpu.memory_space<vmem>>[vector<16xi32>, vector<16xi32>], vector<16xf32>,
      %mul3A_883 = arith.mulf %gather3A_881, %gather3A_881 : vector<16xf32>
      %add3A_884 = arith.addf %add3A_872, %mul3A_883 : vector<16xf32>
      %mul3A_885 = arith.mulf %gather3A_882, %gather3A_882 : vector<16xf32>
      %add3A_886 = arith.addf %add3A_874, %mul3A_885 : vector<16xf32>
      %broadcast_in_dim3A_887 = arith.constant 68 : i32
      %broadcast_in_dim3A_888 = vector.broadcast %broadcast_in_dim3A_887 : i32 to vector<16xi32>
      %add3A_889 = arith.addi %broadcast_in_dim3A_888, %iota3A : vector<16xi32>
      %and3A_890 = arith.constant 127 : i32
      %and3A_891 = vector.broadcast %and3A_890 : i32 to vector<16xi32>
      %and3A_892 = arith.andi %add3A_889, %and3A_891 : vector<16xi32>
      %gather3A_893 = tpu.vector_load_idx %arg10[%add3A_66, %and3A_892] : memref<128x128xf32, #tpu.memory_space<vmem>>[vector<16xi32>, vector<16xi32>], vector<16xf32>,
      %gather3A_894 = tpu.vector_load_idx %arg11[%add3A_66, %and3A_892] : memref<128x128xf32, #tpu.memory_space<vmem>>[vector<16xi32>, vector<16xi32>], vector<16xf32>,
      %mul3A_895 = arith.mulf %gather3A_893, %gather3A_893 : vector<16xf32>
      %add3A_896 = arith.addf %add3A_884, %mul3A_895 : vector<16xf32>
      %mul3A_897 = arith.mulf %gather3A_894, %gather3A_894 : vector<16xf32>
      %add3A_898 = arith.addf %add3A_886, %mul3A_897 : vector<16xf32>
      %broadcast_in_dim3A_899 = arith.constant 69 : i32
      %broadcast_in_dim3A_900 = vector.broadcast %broadcast_in_dim3A_899 : i32 to vector<16xi32>
      %add3A_901 = arith.addi %broadcast_in_dim3A_900, %iota3A : vector<16xi32>
      %and3A_902 = arith.constant 127 : i32
      %and3A_903 = vector.broadcast %and3A_902 : i32 to vector<16xi32>
      %and3A_904 = arith.andi %add3A_901, %and3A_903 : vector<16xi32>
      %gather3A_905 = tpu.vector_load_idx %arg10[%add3A_66, %and3A_904] : memref<128x128xf32, #tpu.memory_space<vmem>>[vector<16xi32>, vector<16xi32>], vector<16xf32>,
      %gather3A_906 = tpu.vector_load_idx %arg11[%add3A_66, %and3A_904] : memref<128x128xf32, #tpu.memory_space<vmem>>[vector<16xi32>, vector<16xi32>], vector<16xf32>,
      %mul3A_907 = arith.mulf %gather3A_905, %gather3A_905 : vector<16xf32>
      %add3A_908 = arith.addf %add3A_896, %mul3A_907 : vector<16xf32>
      %mul3A_909 = arith.mulf %gather3A_906, %gather3A_906 : vector<16xf32>
      %add3A_910 = arith.addf %add3A_898, %mul3A_909 : vector<16xf32>
      %broadcast_in_dim3A_911 = arith.constant 70 : i32
      %broadcast_in_dim3A_912 = vector.broadcast %broadcast_in_dim3A_911 : i32 to vector<16xi32>
      %add3A_913 = arith.addi %broadcast_in_dim3A_912, %iota3A : vector<16xi32>
      %and3A_914 = arith.constant 127 : i32
      %and3A_915 = vector.broadcast %and3A_914 : i32 to vector<16xi32>
      %and3A_916 = arith.andi %add3A_913, %and3A_915 : vector<16xi32>
      %gather3A_917 = tpu.vector_load_idx %arg10[%add3A_66, %and3A_916] : memref<128x128xf32, #tpu.memory_space<vmem>>[vector<16xi32>, vector<16xi32>], vector<16xf32>,
      %gather3A_918 = tpu.vector_load_idx %arg11[%add3A_66, %and3A_916] : memref<128x128xf32, #tpu.memory_space<vmem>>[vector<16xi32>, vector<16xi32>], vector<16xf32>,
      %mul3A_919 = arith.mulf %gather3A_917, %gather3A_917 : vector<16xf32>
      %add3A_920 = arith.addf %add3A_908, %mul3A_919 : vector<16xf32>
      %mul3A_921 = arith.mulf %gather3A_918, %gather3A_918 : vector<16xf32>
      %add3A_922 = arith.addf %add3A_910, %mul3A_921 : vector<16xf32>
      %broadcast_in_dim3A_923 = arith.constant 71 : i32
      %broadcast_in_dim3A_924 = vector.broadcast %broadcast_in_dim3A_923 : i32 to vector<16xi32>
      %add3A_925 = arith.addi %broadcast_in_dim3A_924, %iota3A : vector<16xi32>
      %and3A_926 = arith.constant 127 : i32
      %and3A_927 = vector.broadcast %and3A_926 : i32 to vector<16xi32>
      %and3A_928 = arith.andi %add3A_925, %and3A_927 : vector<16xi32>
      %gather3A_929 = tpu.vector_load_idx %arg10[%add3A_66, %and3A_928] : memref<128x128xf32, #tpu.memory_space<vmem>>[vector<16xi32>, vector<16xi32>], vector<16xf32>,
      %gather3A_930 = tpu.vector_load_idx %arg11[%add3A_66, %and3A_928] : memref<128x128xf32, #tpu.memory_space<vmem>>[vector<16xi32>, vector<16xi32>], vector<16xf32>,
      %mul3A_931 = arith.mulf %gather3A_929, %gather3A_929 : vector<16xf32>
      %add3A_932 = arith.addf %add3A_920, %mul3A_931 : vector<16xf32>
      %mul3A_933 = arith.mulf %gather3A_930, %gather3A_930 : vector<16xf32>
      %add3A_934 = arith.addf %add3A_922, %mul3A_933 : vector<16xf32>
      %broadcast_in_dim3A_935 = arith.constant 72 : i32
      %broadcast_in_dim3A_936 = vector.broadcast %broadcast_in_dim3A_935 : i32 to vector<16xi32>
      %add3A_937 = arith.addi %broadcast_in_dim3A_936, %iota3A : vector<16xi32>
      %and3A_938 = arith.constant 127 : i32
      %and3A_939 = vector.broadcast %and3A_938 : i32 to vector<16xi32>
      %and3A_940 = arith.andi %add3A_937, %and3A_939 : vector<16xi32>
      %gather3A_941 = tpu.vector_load_idx %arg10[%add3A_66, %and3A_940] : memref<128x128xf32, #tpu.memory_space<vmem>>[vector<16xi32>, vector<16xi32>], vector<16xf32>,
      %gather3A_942 = tpu.vector_load_idx %arg11[%add3A_66, %and3A_940] : memref<128x128xf32, #tpu.memory_space<vmem>>[vector<16xi32>, vector<16xi32>], vector<16xf32>,
      %mul3A_943 = arith.mulf %gather3A_941, %gather3A_941 : vector<16xf32>
      %add3A_944 = arith.addf %add3A_932, %mul3A_943 : vector<16xf32>
      %mul3A_945 = arith.mulf %gather3A_942, %gather3A_942 : vector<16xf32>
      %add3A_946 = arith.addf %add3A_934, %mul3A_945 : vector<16xf32>
      %broadcast_in_dim3A_947 = arith.constant 73 : i32
      %broadcast_in_dim3A_948 = vector.broadcast %broadcast_in_dim3A_947 : i32 to vector<16xi32>
      %add3A_949 = arith.addi %broadcast_in_dim3A_948, %iota3A : vector<16xi32>
      %and3A_950 = arith.constant 127 : i32
      %and3A_951 = vector.broadcast %and3A_950 : i32 to vector<16xi32>
      %and3A_952 = arith.andi %add3A_949, %and3A_951 : vector<16xi32>
      %gather3A_953 = tpu.vector_load_idx %arg10[%add3A_66, %and3A_952] : memref<128x128xf32, #tpu.memory_space<vmem>>[vector<16xi32>, vector<16xi32>], vector<16xf32>,
      %gather3A_954 = tpu.vector_load_idx %arg11[%add3A_66, %and3A_952] : memref<128x128xf32, #tpu.memory_space<vmem>>[vector<16xi32>, vector<16xi32>], vector<16xf32>,
      %mul3A_955 = arith.mulf %gather3A_953, %gather3A_953 : vector<16xf32>
      %add3A_956 = arith.addf %add3A_944, %mul3A_955 : vector<16xf32>
      %mul3A_957 = arith.mulf %gather3A_954, %gather3A_954 : vector<16xf32>
      %add3A_958 = arith.addf %add3A_946, %mul3A_957 : vector<16xf32>
      %broadcast_in_dim3A_959 = arith.constant 74 : i32
      %broadcast_in_dim3A_960 = vector.broadcast %broadcast_in_dim3A_959 : i32 to vector<16xi32>
      %add3A_961 = arith.addi %broadcast_in_dim3A_960, %iota3A : vector<16xi32>
      %and3A_962 = arith.constant 127 : i32
      %and3A_963 = vector.broadcast %and3A_962 : i32 to vector<16xi32>
      %and3A_964 = arith.andi %add3A_961, %and3A_963 : vector<16xi32>
      %gather3A_965 = tpu.vector_load_idx %arg10[%add3A_66, %and3A_964] : memref<128x128xf32, #tpu.memory_space<vmem>>[vector<16xi32>, vector<16xi32>], vector<16xf32>,
      %gather3A_966 = tpu.vector_load_idx %arg11[%add3A_66, %and3A_964] : memref<128x128xf32, #tpu.memory_space<vmem>>[vector<16xi32>, vector<16xi32>], vector<16xf32>,
      %mul3A_967 = arith.mulf %gather3A_965, %gather3A_965 : vector<16xf32>
      %add3A_968 = arith.addf %add3A_956, %mul3A_967 : vector<16xf32>
      %mul3A_969 = arith.mulf %gather3A_966, %gather3A_966 : vector<16xf32>
      %add3A_970 = arith.addf %add3A_958, %mul3A_969 : vector<16xf32>
      %broadcast_in_dim3A_971 = arith.constant 75 : i32
      %broadcast_in_dim3A_972 = vector.broadcast %broadcast_in_dim3A_971 : i32 to vector<16xi32>
      %add3A_973 = arith.addi %broadcast_in_dim3A_972, %iota3A : vector<16xi32>
      %and3A_974 = arith.constant 127 : i32
      %and3A_975 = vector.broadcast %and3A_974 : i32 to vector<16xi32>
      %and3A_976 = arith.andi %add3A_973, %and3A_975 : vector<16xi32>
      %gather3A_977 = tpu.vector_load_idx %arg10[%add3A_66, %and3A_976] : memref<128x128xf32, #tpu.memory_space<vmem>>[vector<16xi32>, vector<16xi32>], vector<16xf32>,
      %gather3A_978 = tpu.vector_load_idx %arg11[%add3A_66, %and3A_976] : memref<128x128xf32, #tpu.memory_space<vmem>>[vector<16xi32>, vector<16xi32>], vector<16xf32>,
      %mul3A_979 = arith.mulf %gather3A_977, %gather3A_977 : vector<16xf32>
      %add3A_980 = arith.addf %add3A_968, %mul3A_979 : vector<16xf32>
      %mul3A_981 = arith.mulf %gather3A_978, %gather3A_978 : vector<16xf32>
      %add3A_982 = arith.addf %add3A_970, %mul3A_981 : vector<16xf32>
      %broadcast_in_dim3A_983 = arith.constant 76 : i32
      %broadcast_in_dim3A_984 = vector.broadcast %broadcast_in_dim3A_983 : i32 to vector<16xi32>
      %add3A_985 = arith.addi %broadcast_in_dim3A_984, %iota3A : vector<16xi32>
      %and3A_986 = arith.constant 127 : i32
      %and3A_987 = vector.broadcast %and3A_986 : i32 to vector<16xi32>
      %and3A_988 = arith.andi %add3A_985, %and3A_987 : vector<16xi32>
      %gather3A_989 = tpu.vector_load_idx %arg10[%add3A_66, %and3A_988] : memref<128x128xf32, #tpu.memory_space<vmem>>[vector<16xi32>, vector<16xi32>], vector<16xf32>,
      %gather3A_990 = tpu.vector_load_idx %arg11[%add3A_66, %and3A_988] : memref<128x128xf32, #tpu.memory_space<vmem>>[vector<16xi32>, vector<16xi32>], vector<16xf32>,
      %mul3A_991 = arith.mulf %gather3A_989, %gather3A_989 : vector<16xf32>
      %add3A_992 = arith.addf %add3A_980, %mul3A_991 : vector<16xf32>
      %mul3A_993 = arith.mulf %gather3A_990, %gather3A_990 : vector<16xf32>
      %add3A_994 = arith.addf %add3A_982, %mul3A_993 : vector<16xf32>
      %broadcast_in_dim3A_995 = arith.constant 77 : i32
      %broadcast_in_dim3A_996 = vector.broadcast %broadcast_in_dim3A_995 : i32 to vector<16xi32>
      %add3A_997 = arith.addi %broadcast_in_dim3A_996, %iota3A : vector<16xi32>
      %and3A_998 = arith.constant 127 : i32
      %and3A_999 = vector.broadcast %and3A_998 : i32 to vector<16xi32>
      %and3A_1000 = arith.andi %add3A_997, %and3A_999 : vector<16xi32>
      %gather3A_1001 = tpu.vector_load_idx %arg10[%add3A_66, %and3A_1000] : memref<128x128xf32, #tpu.memory_space<vmem>>[vector<16xi32>, vector<16xi32>], vector<16xf32>,
      %gather3A_1002 = tpu.vector_load_idx %arg11[%add3A_66, %and3A_1000] : memref<128x128xf32, #tpu.memory_space<vmem>>[vector<16xi32>, vector<16xi32>], vector<16xf32>,
      %mul3A_1003 = arith.mulf %gather3A_1001, %gather3A_1001 : vector<16xf32>
      %add3A_1004 = arith.addf %add3A_992, %mul3A_1003 : vector<16xf32>
      %mul3A_1005 = arith.mulf %gather3A_1002, %gather3A_1002 : vector<16xf32>
      %add3A_1006 = arith.addf %add3A_994, %mul3A_1005 : vector<16xf32>
      %broadcast_in_dim3A_1007 = arith.constant 78 : i32
      %broadcast_in_dim3A_1008 = vector.broadcast %broadcast_in_dim3A_1007 : i32 to vector<16xi32>
      %add3A_1009 = arith.addi %broadcast_in_dim3A_1008, %iota3A : vector<16xi32>
      %and3A_1010 = arith.constant 127 : i32
      %and3A_1011 = vector.broadcast %and3A_1010 : i32 to vector<16xi32>
      %and3A_1012 = arith.andi %add3A_1009, %and3A_1011 : vector<16xi32>
      %gather3A_1013 = tpu.vector_load_idx %arg10[%add3A_66, %and3A_1012] : memref<128x128xf32, #tpu.memory_space<vmem>>[vector<16xi32>, vector<16xi32>], vector<16xf32>,
      %gather3A_1014 = tpu.vector_load_idx %arg11[%add3A_66, %and3A_1012] : memref<128x128xf32, #tpu.memory_space<vmem>>[vector<16xi32>, vector<16xi32>], vector<16xf32>,
      %mul3A_1015 = arith.mulf %gather3A_1013, %gather3A_1013 : vector<16xf32>
      %add3A_1016 = arith.addf %add3A_1004, %mul3A_1015 : vector<16xf32>
      %mul3A_1017 = arith.mulf %gather3A_1014, %gather3A_1014 : vector<16xf32>
      %add3A_1018 = arith.addf %add3A_1006, %mul3A_1017 : vector<16xf32>
      %broadcast_in_dim3A_1019 = arith.constant 79 : i32
      %broadcast_in_dim3A_1020 = vector.broadcast %broadcast_in_dim3A_1019 : i32 to vector<16xi32>
      %add3A_1021 = arith.addi %broadcast_in_dim3A_1020, %iota3A : vector<16xi32>
      %and3A_1022 = arith.constant 127 : i32
      %and3A_1023 = vector.broadcast %and3A_1022 : i32 to vector<16xi32>
      %and3A_1024 = arith.andi %add3A_1021, %and3A_1023 : vector<16xi32>
      %gather3A_1025 = tpu.vector_load_idx %arg10[%add3A_66, %and3A_1024] : memref<128x128xf32, #tpu.memory_space<vmem>>[vector<16xi32>, vector<16xi32>], vector<16xf32>,
      %gather3A_1026 = tpu.vector_load_idx %arg11[%add3A_66, %and3A_1024] : memref<128x128xf32, #tpu.memory_space<vmem>>[vector<16xi32>, vector<16xi32>], vector<16xf32>,
      %mul3A_1027 = arith.mulf %gather3A_1025, %gather3A_1025 : vector<16xf32>
      %add3A_1028 = arith.addf %add3A_1016, %mul3A_1027 : vector<16xf32>
      %mul3A_1029 = arith.mulf %gather3A_1026, %gather3A_1026 : vector<16xf32>
      %add3A_1030 = arith.addf %add3A_1018, %mul3A_1029 : vector<16xf32>
      %broadcast_in_dim3A_1031 = arith.constant 80 : i32
      %broadcast_in_dim3A_1032 = vector.broadcast %broadcast_in_dim3A_1031 : i32 to vector<16xi32>
      %add3A_1033 = arith.addi %broadcast_in_dim3A_1032, %iota3A : vector<16xi32>
      %and3A_1034 = arith.constant 127 : i32
      %and3A_1035 = vector.broadcast %and3A_1034 : i32 to vector<16xi32>
      %and3A_1036 = arith.andi %add3A_1033, %and3A_1035 : vector<16xi32>
      %gather3A_1037 = tpu.vector_load_idx %arg10[%add3A_66, %and3A_1036] : memref<128x128xf32, #tpu.memory_space<vmem>>[vector<16xi32>, vector<16xi32>], vector<16xf32>,
      %gather3A_1038 = tpu.vector_load_idx %arg11[%add3A_66, %and3A_1036] : memref<128x128xf32, #tpu.memory_space<vmem>>[vector<16xi32>, vector<16xi32>], vector<16xf32>,
      %mul3A_1039 = arith.mulf %gather3A_1037, %gather3A_1037 : vector<16xf32>
      %add3A_1040 = arith.addf %add3A_1028, %mul3A_1039 : vector<16xf32>
      %mul3A_1041 = arith.mulf %gather3A_1038, %gather3A_1038 : vector<16xf32>
      %add3A_1042 = arith.addf %add3A_1030, %mul3A_1041 : vector<16xf32>
      %broadcast_in_dim3A_1043 = arith.constant 81 : i32
      %broadcast_in_dim3A_1044 = vector.broadcast %broadcast_in_dim3A_1043 : i32 to vector<16xi32>
      %add3A_1045 = arith.addi %broadcast_in_dim3A_1044, %iota3A : vector<16xi32>
      %and3A_1046 = arith.constant 127 : i32
      %and3A_1047 = vector.broadcast %and3A_1046 : i32 to vector<16xi32>
      %and3A_1048 = arith.andi %add3A_1045, %and3A_1047 : vector<16xi32>
      %gather3A_1049 = tpu.vector_load_idx %arg10[%add3A_66, %and3A_1048] : memref<128x128xf32, #tpu.memory_space<vmem>>[vector<16xi32>, vector<16xi32>], vector<16xf32>,
      %gather3A_1050 = tpu.vector_load_idx %arg11[%add3A_66, %and3A_1048] : memref<128x128xf32, #tpu.memory_space<vmem>>[vector<16xi32>, vector<16xi32>], vector<16xf32>,
      %mul3A_1051 = arith.mulf %gather3A_1049, %gather3A_1049 : vector<16xf32>
      %add3A_1052 = arith.addf %add3A_1040, %mul3A_1051 : vector<16xf32>
      %mul3A_1053 = arith.mulf %gather3A_1050, %gather3A_1050 : vector<16xf32>
      %add3A_1054 = arith.addf %add3A_1042, %mul3A_1053 : vector<16xf32>
      %broadcast_in_dim3A_1055 = arith.constant 82 : i32
      %broadcast_in_dim3A_1056 = vector.broadcast %broadcast_in_dim3A_1055 : i32 to vector<16xi32>
      %add3A_1057 = arith.addi %broadcast_in_dim3A_1056, %iota3A : vector<16xi32>
      %and3A_1058 = arith.constant 127 : i32
      %and3A_1059 = vector.broadcast %and3A_1058 : i32 to vector<16xi32>
      %and3A_1060 = arith.andi %add3A_1057, %and3A_1059 : vector<16xi32>
      %gather3A_1061 = tpu.vector_load_idx %arg10[%add3A_66, %and3A_1060] : memref<128x128xf32, #tpu.memory_space<vmem>>[vector<16xi32>, vector<16xi32>], vector<16xf32>,
      %gather3A_1062 = tpu.vector_load_idx %arg11[%add3A_66, %and3A_1060] : memref<128x128xf32, #tpu.memory_space<vmem>>[vector<16xi32>, vector<16xi32>], vector<16xf32>,
      %mul3A_1063 = arith.mulf %gather3A_1061, %gather3A_1061 : vector<16xf32>
      %add3A_1064 = arith.addf %add3A_1052, %mul3A_1063 : vector<16xf32>
      %mul3A_1065 = arith.mulf %gather3A_1062, %gather3A_1062 : vector<16xf32>
      %add3A_1066 = arith.addf %add3A_1054, %mul3A_1065 : vector<16xf32>
      %broadcast_in_dim3A_1067 = arith.constant 83 : i32
      %broadcast_in_dim3A_1068 = vector.broadcast %broadcast_in_dim3A_1067 : i32 to vector<16xi32>
      %add3A_1069 = arith.addi %broadcast_in_dim3A_1068, %iota3A : vector<16xi32>
      %and3A_1070 = arith.constant 127 : i32
      %and3A_1071 = vector.broadcast %and3A_1070 : i32 to vector<16xi32>
      %and3A_1072 = arith.andi %add3A_1069, %and3A_1071 : vector<16xi32>
      %gather3A_1073 = tpu.vector_load_idx %arg10[%add3A_66, %and3A_1072] : memref<128x128xf32, #tpu.memory_space<vmem>>[vector<16xi32>, vector<16xi32>], vector<16xf32>,
      %gather3A_1074 = tpu.vector_load_idx %arg11[%add3A_66, %and3A_1072] : memref<128x128xf32, #tpu.memory_space<vmem>>[vector<16xi32>, vector<16xi32>], vector<16xf32>,
      %mul3A_1075 = arith.mulf %gather3A_1073, %gather3A_1073 : vector<16xf32>
      %add3A_1076 = arith.addf %add3A_1064, %mul3A_1075 : vector<16xf32>
      %mul3A_1077 = arith.mulf %gather3A_1074, %gather3A_1074 : vector<16xf32>
      %add3A_1078 = arith.addf %add3A_1066, %mul3A_1077 : vector<16xf32>
      %broadcast_in_dim3A_1079 = arith.constant 84 : i32
      %broadcast_in_dim3A_1080 = vector.broadcast %broadcast_in_dim3A_1079 : i32 to vector<16xi32>
      %add3A_1081 = arith.addi %broadcast_in_dim3A_1080, %iota3A : vector<16xi32>
      %and3A_1082 = arith.constant 127 : i32
      %and3A_1083 = vector.broadcast %and3A_1082 : i32 to vector<16xi32>
      %and3A_1084 = arith.andi %add3A_1081, %and3A_1083 : vector<16xi32>
      %gather3A_1085 = tpu.vector_load_idx %arg10[%add3A_66, %and3A_1084] : memref<128x128xf32, #tpu.memory_space<vmem>>[vector<16xi32>, vector<16xi32>], vector<16xf32>,
      %gather3A_1086 = tpu.vector_load_idx %arg11[%add3A_66, %and3A_1084] : memref<128x128xf32, #tpu.memory_space<vmem>>[vector<16xi32>, vector<16xi32>], vector<16xf32>,
      %mul3A_1087 = arith.mulf %gather3A_1085, %gather3A_1085 : vector<16xf32>
      %add3A_1088 = arith.addf %add3A_1076, %mul3A_1087 : vector<16xf32>
      %mul3A_1089 = arith.mulf %gather3A_1086, %gather3A_1086 : vector<16xf32>
      %add3A_1090 = arith.addf %add3A_1078, %mul3A_1089 : vector<16xf32>
      %broadcast_in_dim3A_1091 = arith.constant 85 : i32
      %broadcast_in_dim3A_1092 = vector.broadcast %broadcast_in_dim3A_1091 : i32 to vector<16xi32>
      %add3A_1093 = arith.addi %broadcast_in_dim3A_1092, %iota3A : vector<16xi32>
      %and3A_1094 = arith.constant 127 : i32
      %and3A_1095 = vector.broadcast %and3A_1094 : i32 to vector<16xi32>
      %and3A_1096 = arith.andi %add3A_1093, %and3A_1095 : vector<16xi32>
      %gather3A_1097 = tpu.vector_load_idx %arg10[%add3A_66, %and3A_1096] : memref<128x128xf32, #tpu.memory_space<vmem>>[vector<16xi32>, vector<16xi32>], vector<16xf32>,
      %gather3A_1098 = tpu.vector_load_idx %arg11[%add3A_66, %and3A_1096] : memref<128x128xf32, #tpu.memory_space<vmem>>[vector<16xi32>, vector<16xi32>], vector<16xf32>,
      %mul3A_1099 = arith.mulf %gather3A_1097, %gather3A_1097 : vector<16xf32>
      %add3A_1100 = arith.addf %add3A_1088, %mul3A_1099 : vector<16xf32>
      %mul3A_1101 = arith.mulf %gather3A_1098, %gather3A_1098 : vector<16xf32>
      %add3A_1102 = arith.addf %add3A_1090, %mul3A_1101 : vector<16xf32>
      %broadcast_in_dim3A_1103 = arith.constant 86 : i32
      %broadcast_in_dim3A_1104 = vector.broadcast %broadcast_in_dim3A_1103 : i32 to vector<16xi32>
      %add3A_1105 = arith.addi %broadcast_in_dim3A_1104, %iota3A : vector<16xi32>
      %and3A_1106 = arith.constant 127 : i32
      %and3A_1107 = vector.broadcast %and3A_1106 : i32 to vector<16xi32>
      %and3A_1108 = arith.andi %add3A_1105, %and3A_1107 : vector<16xi32>
      %gather3A_1109 = tpu.vector_load_idx %arg10[%add3A_66, %and3A_1108] : memref<128x128xf32, #tpu.memory_space<vmem>>[vector<16xi32>, vector<16xi32>], vector<16xf32>,
      %gather3A_1110 = tpu.vector_load_idx %arg11[%add3A_66, %and3A_1108] : memref<128x128xf32, #tpu.memory_space<vmem>>[vector<16xi32>, vector<16xi32>], vector<16xf32>,
      %mul3A_1111 = arith.mulf %gather3A_1109, %gather3A_1109 : vector<16xf32>
      %add3A_1112 = arith.addf %add3A_1100, %mul3A_1111 : vector<16xf32>
      %mul3A_1113 = arith.mulf %gather3A_1110, %gather3A_1110 : vector<16xf32>
      %add3A_1114 = arith.addf %add3A_1102, %mul3A_1113 : vector<16xf32>
      %broadcast_in_dim3A_1115 = arith.constant 87 : i32
      %broadcast_in_dim3A_1116 = vector.broadcast %broadcast_in_dim3A_1115 : i32 to vector<16xi32>
      %add3A_1117 = arith.addi %broadcast_in_dim3A_1116, %iota3A : vector<16xi32>
      %and3A_1118 = arith.constant 127 : i32
      %and3A_1119 = vector.broadcast %and3A_1118 : i32 to vector<16xi32>
      %and3A_1120 = arith.andi %add3A_1117, %and3A_1119 : vector<16xi32>
      %gather3A_1121 = tpu.vector_load_idx %arg10[%add3A_66, %and3A_1120] : memref<128x128xf32, #tpu.memory_space<vmem>>[vector<16xi32>, vector<16xi32>], vector<16xf32>,
      %gather3A_1122 = tpu.vector_load_idx %arg11[%add3A_66, %and3A_1120] : memref<128x128xf32, #tpu.memory_space<vmem>>[vector<16xi32>, vector<16xi32>], vector<16xf32>,
      %mul3A_1123 = arith.mulf %gather3A_1121, %gather3A_1121 : vector<16xf32>
      %add3A_1124 = arith.addf %add3A_1112, %mul3A_1123 : vector<16xf32>
      %mul3A_1125 = arith.mulf %gather3A_1122, %gather3A_1122 : vector<16xf32>
      %add3A_1126 = arith.addf %add3A_1114, %mul3A_1125 : vector<16xf32>
      %broadcast_in_dim3A_1127 = arith.constant 88 : i32
      %broadcast_in_dim3A_1128 = vector.broadcast %broadcast_in_dim3A_1127 : i32 to vector<16xi32>
      %add3A_1129 = arith.addi %broadcast_in_dim3A_1128, %iota3A : vector<16xi32>
      %and3A_1130 = arith.constant 127 : i32
      %and3A_1131 = vector.broadcast %and3A_1130 : i32 to vector<16xi32>
      %and3A_1132 = arith.andi %add3A_1129, %and3A_1131 : vector<16xi32>
      %gather3A_1133 = tpu.vector_load_idx %arg10[%add3A_66, %and3A_1132] : memref<128x128xf32, #tpu.memory_space<vmem>>[vector<16xi32>, vector<16xi32>], vector<16xf32>,
      %gather3A_1134 = tpu.vector_load_idx %arg11[%add3A_66, %and3A_1132] : memref<128x128xf32, #tpu.memory_space<vmem>>[vector<16xi32>, vector<16xi32>], vector<16xf32>,
      %mul3A_1135 = arith.mulf %gather3A_1133, %gather3A_1133 : vector<16xf32>
      %add3A_1136 = arith.addf %add3A_1124, %mul3A_1135 : vector<16xf32>
      %mul3A_1137 = arith.mulf %gather3A_1134, %gather3A_1134 : vector<16xf32>
      %add3A_1138 = arith.addf %add3A_1126, %mul3A_1137 : vector<16xf32>
      %broadcast_in_dim3A_1139 = arith.constant 89 : i32
      %broadcast_in_dim3A_1140 = vector.broadcast %broadcast_in_dim3A_1139 : i32 to vector<16xi32>
      %add3A_1141 = arith.addi %broadcast_in_dim3A_1140, %iota3A : vector<16xi32>
      %and3A_1142 = arith.constant 127 : i32
      %and3A_1143 = vector.broadcast %and3A_1142 : i32 to vector<16xi32>
      %and3A_1144 = arith.andi %add3A_1141, %and3A_1143 : vector<16xi32>
      %gather3A_1145 = tpu.vector_load_idx %arg10[%add3A_66, %and3A_1144] : memref<128x128xf32, #tpu.memory_space<vmem>>[vector<16xi32>, vector<16xi32>], vector<16xf32>,
      %gather3A_1146 = tpu.vector_load_idx %arg11[%add3A_66, %and3A_1144] : memref<128x128xf32, #tpu.memory_space<vmem>>[vector<16xi32>, vector<16xi32>], vector<16xf32>,
      %mul3A_1147 = arith.mulf %gather3A_1145, %gather3A_1145 : vector<16xf32>
      %add3A_1148 = arith.addf %add3A_1136, %mul3A_1147 : vector<16xf32>
      %mul3A_1149 = arith.mulf %gather3A_1146, %gather3A_1146 : vector<16xf32>
      %add3A_1150 = arith.addf %add3A_1138, %mul3A_1149 : vector<16xf32>
      %broadcast_in_dim3A_1151 = arith.constant 90 : i32
      %broadcast_in_dim3A_1152 = vector.broadcast %broadcast_in_dim3A_1151 : i32 to vector<16xi32>
      %add3A_1153 = arith.addi %broadcast_in_dim3A_1152, %iota3A : vector<16xi32>
      %and3A_1154 = arith.constant 127 : i32
      %and3A_1155 = vector.broadcast %and3A_1154 : i32 to vector<16xi32>
      %and3A_1156 = arith.andi %add3A_1153, %and3A_1155 : vector<16xi32>
      %gather3A_1157 = tpu.vector_load_idx %arg10[%add3A_66, %and3A_1156] : memref<128x128xf32, #tpu.memory_space<vmem>>[vector<16xi32>, vector<16xi32>], vector<16xf32>,
      %gather3A_1158 = tpu.vector_load_idx %arg11[%add3A_66, %and3A_1156] : memref<128x128xf32, #tpu.memory_space<vmem>>[vector<16xi32>, vector<16xi32>], vector<16xf32>,
      %mul3A_1159 = arith.mulf %gather3A_1157, %gather3A_1157 : vector<16xf32>
      %add3A_1160 = arith.addf %add3A_1148, %mul3A_1159 : vector<16xf32>
      %mul3A_1161 = arith.mulf %gather3A_1158, %gather3A_1158 : vector<16xf32>
      %add3A_1162 = arith.addf %add3A_1150, %mul3A_1161 : vector<16xf32>
      %broadcast_in_dim3A_1163 = arith.constant 91 : i32
      %broadcast_in_dim3A_1164 = vector.broadcast %broadcast_in_dim3A_1163 : i32 to vector<16xi32>
      %add3A_1165 = arith.addi %broadcast_in_dim3A_1164, %iota3A : vector<16xi32>
      %and3A_1166 = arith.constant 127 : i32
      %and3A_1167 = vector.broadcast %and3A_1166 : i32 to vector<16xi32>
      %and3A_1168 = arith.andi %add3A_1165, %and3A_1167 : vector<16xi32>
      %gather3A_1169 = tpu.vector_load_idx %arg10[%add3A_66, %and3A_1168] : memref<128x128xf32, #tpu.memory_space<vmem>>[vector<16xi32>, vector<16xi32>], vector<16xf32>,
      %gather3A_1170 = tpu.vector_load_idx %arg11[%add3A_66, %and3A_1168] : memref<128x128xf32, #tpu.memory_space<vmem>>[vector<16xi32>, vector<16xi32>], vector<16xf32>,
      %mul3A_1171 = arith.mulf %gather3A_1169, %gather3A_1169 : vector<16xf32>
      %add3A_1172 = arith.addf %add3A_1160, %mul3A_1171 : vector<16xf32>
      %mul3A_1173 = arith.mulf %gather3A_1170, %gather3A_1170 : vector<16xf32>
      %add3A_1174 = arith.addf %add3A_1162, %mul3A_1173 : vector<16xf32>
      %broadcast_in_dim3A_1175 = arith.constant 92 : i32
      %broadcast_in_dim3A_1176 = vector.broadcast %broadcast_in_dim3A_1175 : i32 to vector<16xi32>
      %add3A_1177 = arith.addi %broadcast_in_dim3A_1176, %iota3A : vector<16xi32>
      %and3A_1178 = arith.constant 127 : i32
      %and3A_1179 = vector.broadcast %and3A_1178 : i32 to vector<16xi32>
      %and3A_1180 = arith.andi %add3A_1177, %and3A_1179 : vector<16xi32>
      %gather3A_1181 = tpu.vector_load_idx %arg10[%add3A_66, %and3A_1180] : memref<128x128xf32, #tpu.memory_space<vmem>>[vector<16xi32>, vector<16xi32>], vector<16xf32>,
      %gather3A_1182 = tpu.vector_load_idx %arg11[%add3A_66, %and3A_1180] : memref<128x128xf32, #tpu.memory_space<vmem>>[vector<16xi32>, vector<16xi32>], vector<16xf32>,
      %mul3A_1183 = arith.mulf %gather3A_1181, %gather3A_1181 : vector<16xf32>
      %add3A_1184 = arith.addf %add3A_1172, %mul3A_1183 : vector<16xf32>
      %mul3A_1185 = arith.mulf %gather3A_1182, %gather3A_1182 : vector<16xf32>
      %add3A_1186 = arith.addf %add3A_1174, %mul3A_1185 : vector<16xf32>
      %broadcast_in_dim3A_1187 = arith.constant 93 : i32
      %broadcast_in_dim3A_1188 = vector.broadcast %broadcast_in_dim3A_1187 : i32 to vector<16xi32>
      %add3A_1189 = arith.addi %broadcast_in_dim3A_1188, %iota3A : vector<16xi32>
      %and3A_1190 = arith.constant 127 : i32
      %and3A_1191 = vector.broadcast %and3A_1190 : i32 to vector<16xi32>
      %and3A_1192 = arith.andi %add3A_1189, %and3A_1191 : vector<16xi32>
      %gather3A_1193 = tpu.vector_load_idx %arg10[%add3A_66, %and3A_1192] : memref<128x128xf32, #tpu.memory_space<vmem>>[vector<16xi32>, vector<16xi32>], vector<16xf32>,
      %gather3A_1194 = tpu.vector_load_idx %arg11[%add3A_66, %and3A_1192] : memref<128x128xf32, #tpu.memory_space<vmem>>[vector<16xi32>, vector<16xi32>], vector<16xf32>,
      %mul3A_1195 = arith.mulf %gather3A_1193, %gather3A_1193 : vector<16xf32>
      %add3A_1196 = arith.addf %add3A_1184, %mul3A_1195 : vector<16xf32>
      %mul3A_1197 = arith.mulf %gather3A_1194, %gather3A_1194 : vector<16xf32>
      %add3A_1198 = arith.addf %add3A_1186, %mul3A_1197 : vector<16xf32>
      %broadcast_in_dim3A_1199 = arith.constant 94 : i32
      %broadcast_in_dim3A_1200 = vector.broadcast %broadcast_in_dim3A_1199 : i32 to vector<16xi32>
      %add3A_1201 = arith.addi %broadcast_in_dim3A_1200, %iota3A : vector<16xi32>
      %and3A_1202 = arith.constant 127 : i32
      %and3A_1203 = vector.broadcast %and3A_1202 : i32 to vector<16xi32>
      %and3A_1204 = arith.andi %add3A_1201, %and3A_1203 : vector<16xi32>
      %gather3A_1205 = tpu.vector_load_idx %arg10[%add3A_66, %and3A_1204] : memref<128x128xf32, #tpu.memory_space<vmem>>[vector<16xi32>, vector<16xi32>], vector<16xf32>,
      %gather3A_1206 = tpu.vector_load_idx %arg11[%add3A_66, %and3A_1204] : memref<128x128xf32, #tpu.memory_space<vmem>>[vector<16xi32>, vector<16xi32>], vector<16xf32>,
      %mul3A_1207 = arith.mulf %gather3A_1205, %gather3A_1205 : vector<16xf32>
      %add3A_1208 = arith.addf %add3A_1196, %mul3A_1207 : vector<16xf32>
      %mul3A_1209 = arith.mulf %gather3A_1206, %gather3A_1206 : vector<16xf32>
      %add3A_1210 = arith.addf %add3A_1198, %mul3A_1209 : vector<16xf32>
      %broadcast_in_dim3A_1211 = arith.constant 95 : i32
      %broadcast_in_dim3A_1212 = vector.broadcast %broadcast_in_dim3A_1211 : i32 to vector<16xi32>
      %add3A_1213 = arith.addi %broadcast_in_dim3A_1212, %iota3A : vector<16xi32>
      %and3A_1214 = arith.constant 127 : i32
      %and3A_1215 = vector.broadcast %and3A_1214 : i32 to vector<16xi32>
      %and3A_1216 = arith.andi %add3A_1213, %and3A_1215 : vector<16xi32>
      %gather3A_1217 = tpu.vector_load_idx %arg10[%add3A_66, %and3A_1216] : memref<128x128xf32, #tpu.memory_space<vmem>>[vector<16xi32>, vector<16xi32>], vector<16xf32>,
      %gather3A_1218 = tpu.vector_load_idx %arg11[%add3A_66, %and3A_1216] : memref<128x128xf32, #tpu.memory_space<vmem>>[vector<16xi32>, vector<16xi32>], vector<16xf32>,
      %mul3A_1219 = arith.mulf %gather3A_1217, %gather3A_1217 : vector<16xf32>
      %add3A_1220 = arith.addf %add3A_1208, %mul3A_1219 : vector<16xf32>
      %mul3A_1221 = arith.mulf %gather3A_1218, %gather3A_1218 : vector<16xf32>
      %add3A_1222 = arith.addf %add3A_1210, %mul3A_1221 : vector<16xf32>
      %broadcast_in_dim3A_1223 = arith.constant 96 : i32
      %broadcast_in_dim3A_1224 = vector.broadcast %broadcast_in_dim3A_1223 : i32 to vector<16xi32>
      %add3A_1225 = arith.addi %broadcast_in_dim3A_1224, %iota3A : vector<16xi32>
      %and3A_1226 = arith.constant 127 : i32
      %and3A_1227 = vector.broadcast %and3A_1226 : i32 to vector<16xi32>
      %and3A_1228 = arith.andi %add3A_1225, %and3A_1227 : vector<16xi32>
      %gather3A_1229 = tpu.vector_load_idx %arg10[%add3A_66, %and3A_1228] : memref<128x128xf32, #tpu.memory_space<vmem>>[vector<16xi32>, vector<16xi32>], vector<16xf32>,
      %gather3A_1230 = tpu.vector_load_idx %arg11[%add3A_66, %and3A_1228] : memref<128x128xf32, #tpu.memory_space<vmem>>[vector<16xi32>, vector<16xi32>], vector<16xf32>,
      %mul3A_1231 = arith.mulf %gather3A_1229, %gather3A_1229 : vector<16xf32>
      %add3A_1232 = arith.addf %add3A_1220, %mul3A_1231 : vector<16xf32>
      %mul3A_1233 = arith.mulf %gather3A_1230, %gather3A_1230 : vector<16xf32>
      %add3A_1234 = arith.addf %add3A_1222, %mul3A_1233 : vector<16xf32>
      %broadcast_in_dim3A_1235 = arith.constant 97 : i32
      %broadcast_in_dim3A_1236 = vector.broadcast %broadcast_in_dim3A_1235 : i32 to vector<16xi32>
      %add3A_1237 = arith.addi %broadcast_in_dim3A_1236, %iota3A : vector<16xi32>
      %and3A_1238 = arith.constant 127 : i32
      %and3A_1239 = vector.broadcast %and3A_1238 : i32 to vector<16xi32>
      %and3A_1240 = arith.andi %add3A_1237, %and3A_1239 : vector<16xi32>
      %gather3A_1241 = tpu.vector_load_idx %arg10[%add3A_66, %and3A_1240] : memref<128x128xf32, #tpu.memory_space<vmem>>[vector<16xi32>, vector<16xi32>], vector<16xf32>,
      %gather3A_1242 = tpu.vector_load_idx %arg11[%add3A_66, %and3A_1240] : memref<128x128xf32, #tpu.memory_space<vmem>>[vector<16xi32>, vector<16xi32>], vector<16xf32>,
      %mul3A_1243 = arith.mulf %gather3A_1241, %gather3A_1241 : vector<16xf32>
      %add3A_1244 = arith.addf %add3A_1232, %mul3A_1243 : vector<16xf32>
      %mul3A_1245 = arith.mulf %gather3A_1242, %gather3A_1242 : vector<16xf32>
      %add3A_1246 = arith.addf %add3A_1234, %mul3A_1245 : vector<16xf32>
      %broadcast_in_dim3A_1247 = arith.constant 98 : i32
      %broadcast_in_dim3A_1248 = vector.broadcast %broadcast_in_dim3A_1247 : i32 to vector<16xi32>
      %add3A_1249 = arith.addi %broadcast_in_dim3A_1248, %iota3A : vector<16xi32>
      %and3A_1250 = arith.constant 127 : i32
      %and3A_1251 = vector.broadcast %and3A_1250 : i32 to vector<16xi32>
      %and3A_1252 = arith.andi %add3A_1249, %and3A_1251 : vector<16xi32>
      %gather3A_1253 = tpu.vector_load_idx %arg10[%add3A_66, %and3A_1252] : memref<128x128xf32, #tpu.memory_space<vmem>>[vector<16xi32>, vector<16xi32>], vector<16xf32>,
      %gather3A_1254 = tpu.vector_load_idx %arg11[%add3A_66, %and3A_1252] : memref<128x128xf32, #tpu.memory_space<vmem>>[vector<16xi32>, vector<16xi32>], vector<16xf32>,
      %mul3A_1255 = arith.mulf %gather3A_1253, %gather3A_1253 : vector<16xf32>
      %add3A_1256 = arith.addf %add3A_1244, %mul3A_1255 : vector<16xf32>
      %mul3A_1257 = arith.mulf %gather3A_1254, %gather3A_1254 : vector<16xf32>
      %add3A_1258 = arith.addf %add3A_1246, %mul3A_1257 : vector<16xf32>
      %broadcast_in_dim3A_1259 = arith.constant 99 : i32
      %broadcast_in_dim3A_1260 = vector.broadcast %broadcast_in_dim3A_1259 : i32 to vector<16xi32>
      %add3A_1261 = arith.addi %broadcast_in_dim3A_1260, %iota3A : vector<16xi32>
      %and3A_1262 = arith.constant 127 : i32
      %and3A_1263 = vector.broadcast %and3A_1262 : i32 to vector<16xi32>
      %and3A_1264 = arith.andi %add3A_1261, %and3A_1263 : vector<16xi32>
      %gather3A_1265 = tpu.vector_load_idx %arg10[%add3A_66, %and3A_1264] : memref<128x128xf32, #tpu.memory_space<vmem>>[vector<16xi32>, vector<16xi32>], vector<16xf32>,
      %gather3A_1266 = tpu.vector_load_idx %arg11[%add3A_66, %and3A_1264] : memref<128x128xf32, #tpu.memory_space<vmem>>[vector<16xi32>, vector<16xi32>], vector<16xf32>,
      %mul3A_1267 = arith.mulf %gather3A_1265, %gather3A_1265 : vector<16xf32>
      %add3A_1268 = arith.addf %add3A_1256, %mul3A_1267 : vector<16xf32>
      %mul3A_1269 = arith.mulf %gather3A_1266, %gather3A_1266 : vector<16xf32>
      %add3A_1270 = arith.addf %add3A_1258, %mul3A_1269 : vector<16xf32>
      %broadcast_in_dim3A_1271 = arith.constant 100 : i32
      %broadcast_in_dim3A_1272 = vector.broadcast %broadcast_in_dim3A_1271 : i32 to vector<16xi32>
      %add3A_1273 = arith.addi %broadcast_in_dim3A_1272, %iota3A : vector<16xi32>
      %and3A_1274 = arith.constant 127 : i32
      %and3A_1275 = vector.broadcast %and3A_1274 : i32 to vector<16xi32>
      %and3A_1276 = arith.andi %add3A_1273, %and3A_1275 : vector<16xi32>
      %gather3A_1277 = tpu.vector_load_idx %arg10[%add3A_66, %and3A_1276] : memref<128x128xf32, #tpu.memory_space<vmem>>[vector<16xi32>, vector<16xi32>], vector<16xf32>,
      %gather3A_1278 = tpu.vector_load_idx %arg11[%add3A_66, %and3A_1276] : memref<128x128xf32, #tpu.memory_space<vmem>>[vector<16xi32>, vector<16xi32>], vector<16xf32>,
      %mul3A_1279 = arith.mulf %gather3A_1277, %gather3A_1277 : vector<16xf32>
      %add3A_1280 = arith.addf %add3A_1268, %mul3A_1279 : vector<16xf32>
      %mul3A_1281 = arith.mulf %gather3A_1278, %gather3A_1278 : vector<16xf32>
      %add3A_1282 = arith.addf %add3A_1270, %mul3A_1281 : vector<16xf32>
      %broadcast_in_dim3A_1283 = arith.constant 101 : i32
      %broadcast_in_dim3A_1284 = vector.broadcast %broadcast_in_dim3A_1283 : i32 to vector<16xi32>
      %add3A_1285 = arith.addi %broadcast_in_dim3A_1284, %iota3A : vector<16xi32>
      %and3A_1286 = arith.constant 127 : i32
      %and3A_1287 = vector.broadcast %and3A_1286 : i32 to vector<16xi32>
      %and3A_1288 = arith.andi %add3A_1285, %and3A_1287 : vector<16xi32>
      %gather3A_1289 = tpu.vector_load_idx %arg10[%add3A_66, %and3A_1288] : memref<128x128xf32, #tpu.memory_space<vmem>>[vector<16xi32>, vector<16xi32>], vector<16xf32>,
      %gather3A_1290 = tpu.vector_load_idx %arg11[%add3A_66, %and3A_1288] : memref<128x128xf32, #tpu.memory_space<vmem>>[vector<16xi32>, vector<16xi32>], vector<16xf32>,
      %mul3A_1291 = arith.mulf %gather3A_1289, %gather3A_1289 : vector<16xf32>
      %add3A_1292 = arith.addf %add3A_1280, %mul3A_1291 : vector<16xf32>
      %mul3A_1293 = arith.mulf %gather3A_1290, %gather3A_1290 : vector<16xf32>
      %add3A_1294 = arith.addf %add3A_1282, %mul3A_1293 : vector<16xf32>
      %broadcast_in_dim3A_1295 = arith.constant 102 : i32
      %broadcast_in_dim3A_1296 = vector.broadcast %broadcast_in_dim3A_1295 : i32 to vector<16xi32>
      %add3A_1297 = arith.addi %broadcast_in_dim3A_1296, %iota3A : vector<16xi32>
      %and3A_1298 = arith.constant 127 : i32
      %and3A_1299 = vector.broadcast %and3A_1298 : i32 to vector<16xi32>
      %and3A_1300 = arith.andi %add3A_1297, %and3A_1299 : vector<16xi32>
      %gather3A_1301 = tpu.vector_load_idx %arg10[%add3A_66, %and3A_1300] : memref<128x128xf32, #tpu.memory_space<vmem>>[vector<16xi32>, vector<16xi32>], vector<16xf32>,
      %gather3A_1302 = tpu.vector_load_idx %arg11[%add3A_66, %and3A_1300] : memref<128x128xf32, #tpu.memory_space<vmem>>[vector<16xi32>, vector<16xi32>], vector<16xf32>,
      %mul3A_1303 = arith.mulf %gather3A_1301, %gather3A_1301 : vector<16xf32>
      %add3A_1304 = arith.addf %add3A_1292, %mul3A_1303 : vector<16xf32>
      %mul3A_1305 = arith.mulf %gather3A_1302, %gather3A_1302 : vector<16xf32>
      %add3A_1306 = arith.addf %add3A_1294, %mul3A_1305 : vector<16xf32>
      %broadcast_in_dim3A_1307 = arith.constant 103 : i32
      %broadcast_in_dim3A_1308 = vector.broadcast %broadcast_in_dim3A_1307 : i32 to vector<16xi32>
      %add3A_1309 = arith.addi %broadcast_in_dim3A_1308, %iota3A : vector<16xi32>
      %and3A_1310 = arith.constant 127 : i32
      %and3A_1311 = vector.broadcast %and3A_1310 : i32 to vector<16xi32>
      %and3A_1312 = arith.andi %add3A_1309, %and3A_1311 : vector<16xi32>
      %gather3A_1313 = tpu.vector_load_idx %arg10[%add3A_66, %and3A_1312] : memref<128x128xf32, #tpu.memory_space<vmem>>[vector<16xi32>, vector<16xi32>], vector<16xf32>,
      %gather3A_1314 = tpu.vector_load_idx %arg11[%add3A_66, %and3A_1312] : memref<128x128xf32, #tpu.memory_space<vmem>>[vector<16xi32>, vector<16xi32>], vector<16xf32>,
      %mul3A_1315 = arith.mulf %gather3A_1313, %gather3A_1313 : vector<16xf32>
      %add3A_1316 = arith.addf %add3A_1304, %mul3A_1315 : vector<16xf32>
      %mul3A_1317 = arith.mulf %gather3A_1314, %gather3A_1314 : vector<16xf32>
      %add3A_1318 = arith.addf %add3A_1306, %mul3A_1317 : vector<16xf32>
      %broadcast_in_dim3A_1319 = arith.constant 104 : i32
      %broadcast_in_dim3A_1320 = vector.broadcast %broadcast_in_dim3A_1319 : i32 to vector<16xi32>
      %add3A_1321 = arith.addi %broadcast_in_dim3A_1320, %iota3A : vector<16xi32>
      %and3A_1322 = arith.constant 127 : i32
      %and3A_1323 = vector.broadcast %and3A_1322 : i32 to vector<16xi32>
      %and3A_1324 = arith.andi %add3A_1321, %and3A_1323 : vector<16xi32>
      %gather3A_1325 = tpu.vector_load_idx %arg10[%add3A_66, %and3A_1324] : memref<128x128xf32, #tpu.memory_space<vmem>>[vector<16xi32>, vector<16xi32>], vector<16xf32>,
      %gather3A_1326 = tpu.vector_load_idx %arg11[%add3A_66, %and3A_1324] : memref<128x128xf32, #tpu.memory_space<vmem>>[vector<16xi32>, vector<16xi32>], vector<16xf32>,
      %mul3A_1327 = arith.mulf %gather3A_1325, %gather3A_1325 : vector<16xf32>
      %add3A_1328 = arith.addf %add3A_1316, %mul3A_1327 : vector<16xf32>
      %mul3A_1329 = arith.mulf %gather3A_1326, %gather3A_1326 : vector<16xf32>
      %add3A_1330 = arith.addf %add3A_1318, %mul3A_1329 : vector<16xf32>
      %broadcast_in_dim3A_1331 = arith.constant 105 : i32
      %broadcast_in_dim3A_1332 = vector.broadcast %broadcast_in_dim3A_1331 : i32 to vector<16xi32>
      %add3A_1333 = arith.addi %broadcast_in_dim3A_1332, %iota3A : vector<16xi32>
      %and3A_1334 = arith.constant 127 : i32
      %and3A_1335 = vector.broadcast %and3A_1334 : i32 to vector<16xi32>
      %and3A_1336 = arith.andi %add3A_1333, %and3A_1335 : vector<16xi32>
      %gather3A_1337 = tpu.vector_load_idx %arg10[%add3A_66, %and3A_1336] : memref<128x128xf32, #tpu.memory_space<vmem>>[vector<16xi32>, vector<16xi32>], vector<16xf32>,
      %gather3A_1338 = tpu.vector_load_idx %arg11[%add3A_66, %and3A_1336] : memref<128x128xf32, #tpu.memory_space<vmem>>[vector<16xi32>, vector<16xi32>], vector<16xf32>,
      %mul3A_1339 = arith.mulf %gather3A_1337, %gather3A_1337 : vector<16xf32>
      %add3A_1340 = arith.addf %add3A_1328, %mul3A_1339 : vector<16xf32>
      %mul3A_1341 = arith.mulf %gather3A_1338, %gather3A_1338 : vector<16xf32>
      %add3A_1342 = arith.addf %add3A_1330, %mul3A_1341 : vector<16xf32>
      %broadcast_in_dim3A_1343 = arith.constant 106 : i32
      %broadcast_in_dim3A_1344 = vector.broadcast %broadcast_in_dim3A_1343 : i32 to vector<16xi32>
      %add3A_1345 = arith.addi %broadcast_in_dim3A_1344, %iota3A : vector<16xi32>
      %and3A_1346 = arith.constant 127 : i32
      %and3A_1347 = vector.broadcast %and3A_1346 : i32 to vector<16xi32>
      %and3A_1348 = arith.andi %add3A_1345, %and3A_1347 : vector<16xi32>
      %gather3A_1349 = tpu.vector_load_idx %arg10[%add3A_66, %and3A_1348] : memref<128x128xf32, #tpu.memory_space<vmem>>[vector<16xi32>, vector<16xi32>], vector<16xf32>,
      %gather3A_1350 = tpu.vector_load_idx %arg11[%add3A_66, %and3A_1348] : memref<128x128xf32, #tpu.memory_space<vmem>>[vector<16xi32>, vector<16xi32>], vector<16xf32>,
      %mul3A_1351 = arith.mulf %gather3A_1349, %gather3A_1349 : vector<16xf32>
      %add3A_1352 = arith.addf %add3A_1340, %mul3A_1351 : vector<16xf32>
      %mul3A_1353 = arith.mulf %gather3A_1350, %gather3A_1350 : vector<16xf32>
      %add3A_1354 = arith.addf %add3A_1342, %mul3A_1353 : vector<16xf32>
      %broadcast_in_dim3A_1355 = arith.constant 107 : i32
      %broadcast_in_dim3A_1356 = vector.broadcast %broadcast_in_dim3A_1355 : i32 to vector<16xi32>
      %add3A_1357 = arith.addi %broadcast_in_dim3A_1356, %iota3A : vector<16xi32>
      %and3A_1358 = arith.constant 127 : i32
      %and3A_1359 = vector.broadcast %and3A_1358 : i32 to vector<16xi32>
      %and3A_1360 = arith.andi %add3A_1357, %and3A_1359 : vector<16xi32>
      %gather3A_1361 = tpu.vector_load_idx %arg10[%add3A_66, %and3A_1360] : memref<128x128xf32, #tpu.memory_space<vmem>>[vector<16xi32>, vector<16xi32>], vector<16xf32>,
      %gather3A_1362 = tpu.vector_load_idx %arg11[%add3A_66, %and3A_1360] : memref<128x128xf32, #tpu.memory_space<vmem>>[vector<16xi32>, vector<16xi32>], vector<16xf32>,
      %mul3A_1363 = arith.mulf %gather3A_1361, %gather3A_1361 : vector<16xf32>
      %add3A_1364 = arith.addf %add3A_1352, %mul3A_1363 : vector<16xf32>
      %mul3A_1365 = arith.mulf %gather3A_1362, %gather3A_1362 : vector<16xf32>
      %add3A_1366 = arith.addf %add3A_1354, %mul3A_1365 : vector<16xf32>
      %broadcast_in_dim3A_1367 = arith.constant 108 : i32
      %broadcast_in_dim3A_1368 = vector.broadcast %broadcast_in_dim3A_1367 : i32 to vector<16xi32>
      %add3A_1369 = arith.addi %broadcast_in_dim3A_1368, %iota3A : vector<16xi32>
      %and3A_1370 = arith.constant 127 : i32
      %and3A_1371 = vector.broadcast %and3A_1370 : i32 to vector<16xi32>
      %and3A_1372 = arith.andi %add3A_1369, %and3A_1371 : vector<16xi32>
      %gather3A_1373 = tpu.vector_load_idx %arg10[%add3A_66, %and3A_1372] : memref<128x128xf32, #tpu.memory_space<vmem>>[vector<16xi32>, vector<16xi32>], vector<16xf32>,
      %gather3A_1374 = tpu.vector_load_idx %arg11[%add3A_66, %and3A_1372] : memref<128x128xf32, #tpu.memory_space<vmem>>[vector<16xi32>, vector<16xi32>], vector<16xf32>,
      %mul3A_1375 = arith.mulf %gather3A_1373, %gather3A_1373 : vector<16xf32>
      %add3A_1376 = arith.addf %add3A_1364, %mul3A_1375 : vector<16xf32>
      %mul3A_1377 = arith.mulf %gather3A_1374, %gather3A_1374 : vector<16xf32>
      %add3A_1378 = arith.addf %add3A_1366, %mul3A_1377 : vector<16xf32>
      %broadcast_in_dim3A_1379 = arith.constant 109 : i32
      %broadcast_in_dim3A_1380 = vector.broadcast %broadcast_in_dim3A_1379 : i32 to vector<16xi32>
      %add3A_1381 = arith.addi %broadcast_in_dim3A_1380, %iota3A : vector<16xi32>
      %and3A_1382 = arith.constant 127 : i32
      %and3A_1383 = vector.broadcast %and3A_1382 : i32 to vector<16xi32>
      %and3A_1384 = arith.andi %add3A_1381, %and3A_1383 : vector<16xi32>
      %gather3A_1385 = tpu.vector_load_idx %arg10[%add3A_66, %and3A_1384] : memref<128x128xf32, #tpu.memory_space<vmem>>[vector<16xi32>, vector<16xi32>], vector<16xf32>,
      %gather3A_1386 = tpu.vector_load_idx %arg11[%add3A_66, %and3A_1384] : memref<128x128xf32, #tpu.memory_space<vmem>>[vector<16xi32>, vector<16xi32>], vector<16xf32>,
      %mul3A_1387 = arith.mulf %gather3A_1385, %gather3A_1385 : vector<16xf32>
      %add3A_1388 = arith.addf %add3A_1376, %mul3A_1387 : vector<16xf32>
      %mul3A_1389 = arith.mulf %gather3A_1386, %gather3A_1386 : vector<16xf32>
      %add3A_1390 = arith.addf %add3A_1378, %mul3A_1389 : vector<16xf32>
      %broadcast_in_dim3A_1391 = arith.constant 110 : i32
      %broadcast_in_dim3A_1392 = vector.broadcast %broadcast_in_dim3A_1391 : i32 to vector<16xi32>
      %add3A_1393 = arith.addi %broadcast_in_dim3A_1392, %iota3A : vector<16xi32>
      %and3A_1394 = arith.constant 127 : i32
      %and3A_1395 = vector.broadcast %and3A_1394 : i32 to vector<16xi32>
      %and3A_1396 = arith.andi %add3A_1393, %and3A_1395 : vector<16xi32>
      %gather3A_1397 = tpu.vector_load_idx %arg10[%add3A_66, %and3A_1396] : memref<128x128xf32, #tpu.memory_space<vmem>>[vector<16xi32>, vector<16xi32>], vector<16xf32>,
      %gather3A_1398 = tpu.vector_load_idx %arg11[%add3A_66, %and3A_1396] : memref<128x128xf32, #tpu.memory_space<vmem>>[vector<16xi32>, vector<16xi32>], vector<16xf32>,
      %mul3A_1399 = arith.mulf %gather3A_1397, %gather3A_1397 : vector<16xf32>
      %add3A_1400 = arith.addf %add3A_1388, %mul3A_1399 : vector<16xf32>
      %mul3A_1401 = arith.mulf %gather3A_1398, %gather3A_1398 : vector<16xf32>
      %add3A_1402 = arith.addf %add3A_1390, %mul3A_1401 : vector<16xf32>
      %broadcast_in_dim3A_1403 = arith.constant 111 : i32
      %broadcast_in_dim3A_1404 = vector.broadcast %broadcast_in_dim3A_1403 : i32 to vector<16xi32>
      %add3A_1405 = arith.addi %broadcast_in_dim3A_1404, %iota3A : vector<16xi32>
      %and3A_1406 = arith.constant 127 : i32
      %and3A_1407 = vector.broadcast %and3A_1406 : i32 to vector<16xi32>
      %and3A_1408 = arith.andi %add3A_1405, %and3A_1407 : vector<16xi32>
      %gather3A_1409 = tpu.vector_load_idx %arg10[%add3A_66, %and3A_1408] : memref<128x128xf32, #tpu.memory_space<vmem>>[vector<16xi32>, vector<16xi32>], vector<16xf32>,
      %gather3A_1410 = tpu.vector_load_idx %arg11[%add3A_66, %and3A_1408] : memref<128x128xf32, #tpu.memory_space<vmem>>[vector<16xi32>, vector<16xi32>], vector<16xf32>,
      %mul3A_1411 = arith.mulf %gather3A_1409, %gather3A_1409 : vector<16xf32>
      %add3A_1412 = arith.addf %add3A_1400, %mul3A_1411 : vector<16xf32>
      %mul3A_1413 = arith.mulf %gather3A_1410, %gather3A_1410 : vector<16xf32>
      %add3A_1414 = arith.addf %add3A_1402, %mul3A_1413 : vector<16xf32>
      %broadcast_in_dim3A_1415 = arith.constant 112 : i32
      %broadcast_in_dim3A_1416 = vector.broadcast %broadcast_in_dim3A_1415 : i32 to vector<16xi32>
      %add3A_1417 = arith.addi %broadcast_in_dim3A_1416, %iota3A : vector<16xi32>
      %and3A_1418 = arith.constant 127 : i32
      %and3A_1419 = vector.broadcast %and3A_1418 : i32 to vector<16xi32>
      %and3A_1420 = arith.andi %add3A_1417, %and3A_1419 : vector<16xi32>
      %gather3A_1421 = tpu.vector_load_idx %arg10[%add3A_66, %and3A_1420] : memref<128x128xf32, #tpu.memory_space<vmem>>[vector<16xi32>, vector<16xi32>], vector<16xf32>,
      %gather3A_1422 = tpu.vector_load_idx %arg11[%add3A_66, %and3A_1420] : memref<128x128xf32, #tpu.memory_space<vmem>>[vector<16xi32>, vector<16xi32>], vector<16xf32>,
      %mul3A_1423 = arith.mulf %gather3A_1421, %gather3A_1421 : vector<16xf32>
      %add3A_1424 = arith.addf %add3A_1412, %mul3A_1423 : vector<16xf32>
      %mul3A_1425 = arith.mulf %gather3A_1422, %gather3A_1422 : vector<16xf32>
      %add3A_1426 = arith.addf %add3A_1414, %mul3A_1425 : vector<16xf32>
      %broadcast_in_dim3A_1427 = arith.constant 113 : i32
      %broadcast_in_dim3A_1428 = vector.broadcast %broadcast_in_dim3A_1427 : i32 to vector<16xi32>
      %add3A_1429 = arith.addi %broadcast_in_dim3A_1428, %iota3A : vector<16xi32>
      %and3A_1430 = arith.constant 127 : i32
      %and3A_1431 = vector.broadcast %and3A_1430 : i32 to vector<16xi32>
      %and3A_1432 = arith.andi %add3A_1429, %and3A_1431 : vector<16xi32>
      %gather3A_1433 = tpu.vector_load_idx %arg10[%add3A_66, %and3A_1432] : memref<128x128xf32, #tpu.memory_space<vmem>>[vector<16xi32>, vector<16xi32>], vector<16xf32>,
      %gather3A_1434 = tpu.vector_load_idx %arg11[%add3A_66, %and3A_1432] : memref<128x128xf32, #tpu.memory_space<vmem>>[vector<16xi32>, vector<16xi32>], vector<16xf32>,
      %mul3A_1435 = arith.mulf %gather3A_1433, %gather3A_1433 : vector<16xf32>
      %add3A_1436 = arith.addf %add3A_1424, %mul3A_1435 : vector<16xf32>
      %mul3A_1437 = arith.mulf %gather3A_1434, %gather3A_1434 : vector<16xf32>
      %add3A_1438 = arith.addf %add3A_1426, %mul3A_1437 : vector<16xf32>
      %broadcast_in_dim3A_1439 = arith.constant 114 : i32
      %broadcast_in_dim3A_1440 = vector.broadcast %broadcast_in_dim3A_1439 : i32 to vector<16xi32>
      %add3A_1441 = arith.addi %broadcast_in_dim3A_1440, %iota3A : vector<16xi32>
      %and3A_1442 = arith.constant 127 : i32
      %and3A_1443 = vector.broadcast %and3A_1442 : i32 to vector<16xi32>
      %and3A_1444 = arith.andi %add3A_1441, %and3A_1443 : vector<16xi32>
      %gather3A_1445 = tpu.vector_load_idx %arg10[%add3A_66, %and3A_1444] : memref<128x128xf32, #tpu.memory_space<vmem>>[vector<16xi32>, vector<16xi32>], vector<16xf32>,
      %gather3A_1446 = tpu.vector_load_idx %arg11[%add3A_66, %and3A_1444] : memref<128x128xf32, #tpu.memory_space<vmem>>[vector<16xi32>, vector<16xi32>], vector<16xf32>,
      %mul3A_1447 = arith.mulf %gather3A_1445, %gather3A_1445 : vector<16xf32>
      %add3A_1448 = arith.addf %add3A_1436, %mul3A_1447 : vector<16xf32>
      %mul3A_1449 = arith.mulf %gather3A_1446, %gather3A_1446 : vector<16xf32>
      %add3A_1450 = arith.addf %add3A_1438, %mul3A_1449 : vector<16xf32>
      %broadcast_in_dim3A_1451 = arith.constant 115 : i32
      %broadcast_in_dim3A_1452 = vector.broadcast %broadcast_in_dim3A_1451 : i32 to vector<16xi32>
      %add3A_1453 = arith.addi %broadcast_in_dim3A_1452, %iota3A : vector<16xi32>
      %and3A_1454 = arith.constant 127 : i32
      %and3A_1455 = vector.broadcast %and3A_1454 : i32 to vector<16xi32>
      %and3A_1456 = arith.andi %add3A_1453, %and3A_1455 : vector<16xi32>
      %gather3A_1457 = tpu.vector_load_idx %arg10[%add3A_66, %and3A_1456] : memref<128x128xf32, #tpu.memory_space<vmem>>[vector<16xi32>, vector<16xi32>], vector<16xf32>,
      %gather3A_1458 = tpu.vector_load_idx %arg11[%add3A_66, %and3A_1456] : memref<128x128xf32, #tpu.memory_space<vmem>>[vector<16xi32>, vector<16xi32>], vector<16xf32>,
      %mul3A_1459 = arith.mulf %gather3A_1457, %gather3A_1457 : vector<16xf32>
      %add3A_1460 = arith.addf %add3A_1448, %mul3A_1459 : vector<16xf32>
      %mul3A_1461 = arith.mulf %gather3A_1458, %gather3A_1458 : vector<16xf32>
      %add3A_1462 = arith.addf %add3A_1450, %mul3A_1461 : vector<16xf32>
      %broadcast_in_dim3A_1463 = arith.constant 116 : i32
      %broadcast_in_dim3A_1464 = vector.broadcast %broadcast_in_dim3A_1463 : i32 to vector<16xi32>
      %add3A_1465 = arith.addi %broadcast_in_dim3A_1464, %iota3A : vector<16xi32>
      %and3A_1466 = arith.constant 127 : i32
      %and3A_1467 = vector.broadcast %and3A_1466 : i32 to vector<16xi32>
      %and3A_1468 = arith.andi %add3A_1465, %and3A_1467 : vector<16xi32>
      %gather3A_1469 = tpu.vector_load_idx %arg10[%add3A_66, %and3A_1468] : memref<128x128xf32, #tpu.memory_space<vmem>>[vector<16xi32>, vector<16xi32>], vector<16xf32>,
      %gather3A_1470 = tpu.vector_load_idx %arg11[%add3A_66, %and3A_1468] : memref<128x128xf32, #tpu.memory_space<vmem>>[vector<16xi32>, vector<16xi32>], vector<16xf32>,
      %mul3A_1471 = arith.mulf %gather3A_1469, %gather3A_1469 : vector<16xf32>
      %add3A_1472 = arith.addf %add3A_1460, %mul3A_1471 : vector<16xf32>
      %mul3A_1473 = arith.mulf %gather3A_1470, %gather3A_1470 : vector<16xf32>
      %add3A_1474 = arith.addf %add3A_1462, %mul3A_1473 : vector<16xf32>
      %broadcast_in_dim3A_1475 = arith.constant 117 : i32
      %broadcast_in_dim3A_1476 = vector.broadcast %broadcast_in_dim3A_1475 : i32 to vector<16xi32>
      %add3A_1477 = arith.addi %broadcast_in_dim3A_1476, %iota3A : vector<16xi32>
      %and3A_1478 = arith.constant 127 : i32
      %and3A_1479 = vector.broadcast %and3A_1478 : i32 to vector<16xi32>
      %and3A_1480 = arith.andi %add3A_1477, %and3A_1479 : vector<16xi32>
      %gather3A_1481 = tpu.vector_load_idx %arg10[%add3A_66, %and3A_1480] : memref<128x128xf32, #tpu.memory_space<vmem>>[vector<16xi32>, vector<16xi32>], vector<16xf32>,
      %gather3A_1482 = tpu.vector_load_idx %arg11[%add3A_66, %and3A_1480] : memref<128x128xf32, #tpu.memory_space<vmem>>[vector<16xi32>, vector<16xi32>], vector<16xf32>,
      %mul3A_1483 = arith.mulf %gather3A_1481, %gather3A_1481 : vector<16xf32>
      %add3A_1484 = arith.addf %add3A_1472, %mul3A_1483 : vector<16xf32>
      %mul3A_1485 = arith.mulf %gather3A_1482, %gather3A_1482 : vector<16xf32>
      %add3A_1486 = arith.addf %add3A_1474, %mul3A_1485 : vector<16xf32>
      %broadcast_in_dim3A_1487 = arith.constant 118 : i32
      %broadcast_in_dim3A_1488 = vector.broadcast %broadcast_in_dim3A_1487 : i32 to vector<16xi32>
      %add3A_1489 = arith.addi %broadcast_in_dim3A_1488, %iota3A : vector<16xi32>
      %and3A_1490 = arith.constant 127 : i32
      %and3A_1491 = vector.broadcast %and3A_1490 : i32 to vector<16xi32>
      %and3A_1492 = arith.andi %add3A_1489, %and3A_1491 : vector<16xi32>
      %gather3A_1493 = tpu.vector_load_idx %arg10[%add3A_66, %and3A_1492] : memref<128x128xf32, #tpu.memory_space<vmem>>[vector<16xi32>, vector<16xi32>], vector<16xf32>,
      %gather3A_1494 = tpu.vector_load_idx %arg11[%add3A_66, %and3A_1492] : memref<128x128xf32, #tpu.memory_space<vmem>>[vector<16xi32>, vector<16xi32>], vector<16xf32>,
      %mul3A_1495 = arith.mulf %gather3A_1493, %gather3A_1493 : vector<16xf32>
      %add3A_1496 = arith.addf %add3A_1484, %mul3A_1495 : vector<16xf32>
      %mul3A_1497 = arith.mulf %gather3A_1494, %gather3A_1494 : vector<16xf32>
      %add3A_1498 = arith.addf %add3A_1486, %mul3A_1497 : vector<16xf32>
      %broadcast_in_dim3A_1499 = arith.constant 119 : i32
      %broadcast_in_dim3A_1500 = vector.broadcast %broadcast_in_dim3A_1499 : i32 to vector<16xi32>
      %add3A_1501 = arith.addi %broadcast_in_dim3A_1500, %iota3A : vector<16xi32>
      %and3A_1502 = arith.constant 127 : i32
      %and3A_1503 = vector.broadcast %and3A_1502 : i32 to vector<16xi32>
      %and3A_1504 = arith.andi %add3A_1501, %and3A_1503 : vector<16xi32>
      %gather3A_1505 = tpu.vector_load_idx %arg10[%add3A_66, %and3A_1504] : memref<128x128xf32, #tpu.memory_space<vmem>>[vector<16xi32>, vector<16xi32>], vector<16xf32>,
      %gather3A_1506 = tpu.vector_load_idx %arg11[%add3A_66, %and3A_1504] : memref<128x128xf32, #tpu.memory_space<vmem>>[vector<16xi32>, vector<16xi32>], vector<16xf32>,
      %mul3A_1507 = arith.mulf %gather3A_1505, %gather3A_1505 : vector<16xf32>
      %add3A_1508 = arith.addf %add3A_1496, %mul3A_1507 : vector<16xf32>
      %mul3A_1509 = arith.mulf %gather3A_1506, %gather3A_1506 : vector<16xf32>
      %add3A_1510 = arith.addf %add3A_1498, %mul3A_1509 : vector<16xf32>
      %broadcast_in_dim3A_1511 = arith.constant 120 : i32
      %broadcast_in_dim3A_1512 = vector.broadcast %broadcast_in_dim3A_1511 : i32 to vector<16xi32>
      %add3A_1513 = arith.addi %broadcast_in_dim3A_1512, %iota3A : vector<16xi32>
      %and3A_1514 = arith.constant 127 : i32
      %and3A_1515 = vector.broadcast %and3A_1514 : i32 to vector<16xi32>
      %and3A_1516 = arith.andi %add3A_1513, %and3A_1515 : vector<16xi32>
      %gather3A_1517 = tpu.vector_load_idx %arg10[%add3A_66, %and3A_1516] : memref<128x128xf32, #tpu.memory_space<vmem>>[vector<16xi32>, vector<16xi32>], vector<16xf32>,
      %gather3A_1518 = tpu.vector_load_idx %arg11[%add3A_66, %and3A_1516] : memref<128x128xf32, #tpu.memory_space<vmem>>[vector<16xi32>, vector<16xi32>], vector<16xf32>,
      %mul3A_1519 = arith.mulf %gather3A_1517, %gather3A_1517 : vector<16xf32>
      %add3A_1520 = arith.addf %add3A_1508, %mul3A_1519 : vector<16xf32>
      %mul3A_1521 = arith.mulf %gather3A_1518, %gather3A_1518 : vector<16xf32>
      %add3A_1522 = arith.addf %add3A_1510, %mul3A_1521 : vector<16xf32>
      %broadcast_in_dim3A_1523 = arith.constant 121 : i32
      %broadcast_in_dim3A_1524 = vector.broadcast %broadcast_in_dim3A_1523 : i32 to vector<16xi32>
      %add3A_1525 = arith.addi %broadcast_in_dim3A_1524, %iota3A : vector<16xi32>
      %and3A_1526 = arith.constant 127 : i32
      %and3A_1527 = vector.broadcast %and3A_1526 : i32 to vector<16xi32>
      %and3A_1528 = arith.andi %add3A_1525, %and3A_1527 : vector<16xi32>
      %gather3A_1529 = tpu.vector_load_idx %arg10[%add3A_66, %and3A_1528] : memref<128x128xf32, #tpu.memory_space<vmem>>[vector<16xi32>, vector<16xi32>], vector<16xf32>,
      %gather3A_1530 = tpu.vector_load_idx %arg11[%add3A_66, %and3A_1528] : memref<128x128xf32, #tpu.memory_space<vmem>>[vector<16xi32>, vector<16xi32>], vector<16xf32>,
      %mul3A_1531 = arith.mulf %gather3A_1529, %gather3A_1529 : vector<16xf32>
      %add3A_1532 = arith.addf %add3A_1520, %mul3A_1531 : vector<16xf32>
      %mul3A_1533 = arith.mulf %gather3A_1530, %gather3A_1530 : vector<16xf32>
      %add3A_1534 = arith.addf %add3A_1522, %mul3A_1533 : vector<16xf32>
      %broadcast_in_dim3A_1535 = arith.constant 122 : i32
      %broadcast_in_dim3A_1536 = vector.broadcast %broadcast_in_dim3A_1535 : i32 to vector<16xi32>
      %add3A_1537 = arith.addi %broadcast_in_dim3A_1536, %iota3A : vector<16xi32>
      %and3A_1538 = arith.constant 127 : i32
      %and3A_1539 = vector.broadcast %and3A_1538 : i32 to vector<16xi32>
      %and3A_1540 = arith.andi %add3A_1537, %and3A_1539 : vector<16xi32>
      %gather3A_1541 = tpu.vector_load_idx %arg10[%add3A_66, %and3A_1540] : memref<128x128xf32, #tpu.memory_space<vmem>>[vector<16xi32>, vector<16xi32>], vector<16xf32>,
      %gather3A_1542 = tpu.vector_load_idx %arg11[%add3A_66, %and3A_1540] : memref<128x128xf32, #tpu.memory_space<vmem>>[vector<16xi32>, vector<16xi32>], vector<16xf32>,
      %mul3A_1543 = arith.mulf %gather3A_1541, %gather3A_1541 : vector<16xf32>
      %add3A_1544 = arith.addf %add3A_1532, %mul3A_1543 : vector<16xf32>
      %mul3A_1545 = arith.mulf %gather3A_1542, %gather3A_1542 : vector<16xf32>
      %add3A_1546 = arith.addf %add3A_1534, %mul3A_1545 : vector<16xf32>
      %broadcast_in_dim3A_1547 = arith.constant 123 : i32
      %broadcast_in_dim3A_1548 = vector.broadcast %broadcast_in_dim3A_1547 : i32 to vector<16xi32>
      %add3A_1549 = arith.addi %broadcast_in_dim3A_1548, %iota3A : vector<16xi32>
      %and3A_1550 = arith.constant 127 : i32
      %and3A_1551 = vector.broadcast %and3A_1550 : i32 to vector<16xi32>
      %and3A_1552 = arith.andi %add3A_1549, %and3A_1551 : vector<16xi32>
      %gather3A_1553 = tpu.vector_load_idx %arg10[%add3A_66, %and3A_1552] : memref<128x128xf32, #tpu.memory_space<vmem>>[vector<16xi32>, vector<16xi32>], vector<16xf32>,
      %gather3A_1554 = tpu.vector_load_idx %arg11[%add3A_66, %and3A_1552] : memref<128x128xf32, #tpu.memory_space<vmem>>[vector<16xi32>, vector<16xi32>], vector<16xf32>,
      %mul3A_1555 = arith.mulf %gather3A_1553, %gather3A_1553 : vector<16xf32>
      %add3A_1556 = arith.addf %add3A_1544, %mul3A_1555 : vector<16xf32>
      %mul3A_1557 = arith.mulf %gather3A_1554, %gather3A_1554 : vector<16xf32>
      %add3A_1558 = arith.addf %add3A_1546, %mul3A_1557 : vector<16xf32>
      %broadcast_in_dim3A_1559 = arith.constant 124 : i32
      %broadcast_in_dim3A_1560 = vector.broadcast %broadcast_in_dim3A_1559 : i32 to vector<16xi32>
      %add3A_1561 = arith.addi %broadcast_in_dim3A_1560, %iota3A : vector<16xi32>
      %and3A_1562 = arith.constant 127 : i32
      %and3A_1563 = vector.broadcast %and3A_1562 : i32 to vector<16xi32>
      %and3A_1564 = arith.andi %add3A_1561, %and3A_1563 : vector<16xi32>
      %gather3A_1565 = tpu.vector_load_idx %arg10[%add3A_66, %and3A_1564] : memref<128x128xf32, #tpu.memory_space<vmem>>[vector<16xi32>, vector<16xi32>], vector<16xf32>,
      %gather3A_1566 = tpu.vector_load_idx %arg11[%add3A_66, %and3A_1564] : memref<128x128xf32, #tpu.memory_space<vmem>>[vector<16xi32>, vector<16xi32>], vector<16xf32>,
      %mul3A_1567 = arith.mulf %gather3A_1565, %gather3A_1565 : vector<16xf32>
      %add3A_1568 = arith.addf %add3A_1556, %mul3A_1567 : vector<16xf32>
      %mul3A_1569 = arith.mulf %gather3A_1566, %gather3A_1566 : vector<16xf32>
      %add3A_1570 = arith.addf %add3A_1558, %mul3A_1569 : vector<16xf32>
      %broadcast_in_dim3A_1571 = arith.constant 125 : i32
      %broadcast_in_dim3A_1572 = vector.broadcast %broadcast_in_dim3A_1571 : i32 to vector<16xi32>
      %add3A_1573 = arith.addi %broadcast_in_dim3A_1572, %iota3A : vector<16xi32>
      %and3A_1574 = arith.constant 127 : i32
      %and3A_1575 = vector.broadcast %and3A_1574 : i32 to vector<16xi32>
      %and3A_1576 = arith.andi %add3A_1573, %and3A_1575 : vector<16xi32>
      %gather3A_1577 = tpu.vector_load_idx %arg10[%add3A_66, %and3A_1576] : memref<128x128xf32, #tpu.memory_space<vmem>>[vector<16xi32>, vector<16xi32>], vector<16xf32>,
      %gather3A_1578 = tpu.vector_load_idx %arg11[%add3A_66, %and3A_1576] : memref<128x128xf32, #tpu.memory_space<vmem>>[vector<16xi32>, vector<16xi32>], vector<16xf32>,
      %mul3A_1579 = arith.mulf %gather3A_1577, %gather3A_1577 : vector<16xf32>
      %add3A_1580 = arith.addf %add3A_1568, %mul3A_1579 : vector<16xf32>
      %mul3A_1581 = arith.mulf %gather3A_1578, %gather3A_1578 : vector<16xf32>
      %add3A_1582 = arith.addf %add3A_1570, %mul3A_1581 : vector<16xf32>
      %broadcast_in_dim3A_1583 = arith.constant 126 : i32
      %broadcast_in_dim3A_1584 = vector.broadcast %broadcast_in_dim3A_1583 : i32 to vector<16xi32>
      %add3A_1585 = arith.addi %broadcast_in_dim3A_1584, %iota3A : vector<16xi32>
      %and3A_1586 = arith.constant 127 : i32
      %and3A_1587 = vector.broadcast %and3A_1586 : i32 to vector<16xi32>
      %and3A_1588 = arith.andi %add3A_1585, %and3A_1587 : vector<16xi32>
      %gather3A_1589 = tpu.vector_load_idx %arg10[%add3A_66, %and3A_1588] : memref<128x128xf32, #tpu.memory_space<vmem>>[vector<16xi32>, vector<16xi32>], vector<16xf32>,
      %gather3A_1590 = tpu.vector_load_idx %arg11[%add3A_66, %and3A_1588] : memref<128x128xf32, #tpu.memory_space<vmem>>[vector<16xi32>, vector<16xi32>], vector<16xf32>,
      %mul3A_1591 = arith.mulf %gather3A_1589, %gather3A_1589 : vector<16xf32>
      %add3A_1592 = arith.addf %add3A_1580, %mul3A_1591 : vector<16xf32>
      %mul3A_1593 = arith.mulf %gather3A_1590, %gather3A_1590 : vector<16xf32>
      %add3A_1594 = arith.addf %add3A_1582, %mul3A_1593 : vector<16xf32>
      %broadcast_in_dim3A_1595 = arith.constant 127 : i32
      %broadcast_in_dim3A_1596 = vector.broadcast %broadcast_in_dim3A_1595 : i32 to vector<16xi32>
      %add3A_1597 = arith.addi %broadcast_in_dim3A_1596, %iota3A : vector<16xi32>
      %and3A_1598 = arith.constant 127 : i32
      %and3A_1599 = vector.broadcast %and3A_1598 : i32 to vector<16xi32>
      %and3A_1600 = arith.andi %add3A_1597, %and3A_1599 : vector<16xi32>
      %gather3A_1601 = tpu.vector_load_idx %arg10[%add3A_66, %and3A_1600] : memref<128x128xf32, #tpu.memory_space<vmem>>[vector<16xi32>, vector<16xi32>], vector<16xf32>,
      %gather3A_1602 = tpu.vector_load_idx %arg11[%add3A_66, %and3A_1600] : memref<128x128xf32, #tpu.memory_space<vmem>>[vector<16xi32>, vector<16xi32>], vector<16xf32>,
      %mul3A_1603 = arith.mulf %gather3A_1601, %gather3A_1601 : vector<16xf32>
      %add3A_1604 = arith.addf %add3A_1592, %mul3A_1603 : vector<16xf32>
      %mul3A_1605 = arith.mulf %gather3A_1602, %gather3A_1602 : vector<16xf32>
      %add3A_1606 = arith.addf %add3A_1594, %mul3A_1605 : vector<16xf32>
      %max3A = arith.constant 1.280000e+00 : f32
      %max3A_1607 = vector.broadcast %max3A : f32 to vector<16xf32>
      %max3A_1608 = arith.maximumf %add3A_1604, %max3A_1607 : vector<16xf32>
      %bitcast3A = vector.bitcast %max3A_1608 : vector<16xf32> to vector<16xi32>
      %shift_right_arithmetic3A = arith.constant 1 : i32
      %shift_right_arithmetic3A_1609 = vector.broadcast %shift_right_arithmetic3A : i32 to vector<16xi32>
      %shift_right_arithmetic3A_1610 = arith.shrsi %bitcast3A, %shift_right_arithmetic3A_1609 : vector<16xi32>
      %sub3A = arith.constant 1597463007 : i32
      %sub3A_1611 = vector.broadcast %sub3A : i32 to vector<16xi32>
      %sub3A_1612 = arith.subi %sub3A_1611, %shift_right_arithmetic3A_1610 : vector<16xi32>
      %bitcast3A_1613 = vector.bitcast %sub3A_1612 : vector<16xi32> to vector<16xf32>
      %mul3A_1614 = arith.constant 5.000000e-01 : f32
      %mul3A_1615 = vector.broadcast %mul3A_1614 : f32 to vector<16xf32>
      %mul3A_1616 = arith.mulf %mul3A_1615, %max3A_1608 : vector<16xf32>
      %mul3A_1617 = arith.mulf %mul3A_1616, %bitcast3A_1613 : vector<16xf32>
      %mul3A_1618 = arith.mulf %mul3A_1617, %bitcast3A_1613 : vector<16xf32>
      %sub3A_1619 = arith.constant 1.500000e+00 : f32
      %sub3A_1620 = vector.broadcast %sub3A_1619 : f32 to vector<16xf32>
      %sub3A_1621 = arith.subf %sub3A_1620, %mul3A_1618 : vector<16xf32>
      %mul3A_1622 = arith.mulf %bitcast3A_1613, %sub3A_1621 : vector<16xf32>
      %mul3A_1623 = arith.constant 5.000000e-01 : f32
      %mul3A_1624 = vector.broadcast %mul3A_1623 : f32 to vector<16xf32>
      %mul3A_1625 = arith.mulf %mul3A_1624, %max3A_1608 : vector<16xf32>
      %mul3A_1626 = arith.mulf %mul3A_1625, %mul3A_1622 : vector<16xf32>
      %mul3A_1627 = arith.mulf %mul3A_1626, %mul3A_1622 : vector<16xf32>
      %sub3A_1628 = arith.constant 1.500000e+00 : f32
      %sub3A_1629 = vector.broadcast %sub3A_1628 : f32 to vector<16xf32>
      %sub3A_1630 = arith.subf %sub3A_1629, %mul3A_1627 : vector<16xf32>
      %mul3A_1631 = arith.mulf %mul3A_1622, %sub3A_1630 : vector<16xf32>
      %mul3A_1632 = arith.constant 5.000000e-01 : f32
      %mul3A_1633 = vector.broadcast %mul3A_1632 : f32 to vector<16xf32>
      %mul3A_1634 = arith.mulf %mul3A_1633, %max3A_1608 : vector<16xf32>
      %mul3A_1635 = arith.mulf %mul3A_1634, %mul3A_1631 : vector<16xf32>
      %mul3A_1636 = arith.mulf %mul3A_1635, %mul3A_1631 : vector<16xf32>
      %sub3A_1637 = arith.constant 1.500000e+00 : f32
      %sub3A_1638 = vector.broadcast %sub3A_1637 : f32 to vector<16xf32>
      %sub3A_1639 = arith.subf %sub3A_1638, %mul3A_1636 : vector<16xf32>
      %mul3A_1640 = arith.mulf %mul3A_1631, %sub3A_1639 : vector<16xf32>
      %mul3A_1641 = arith.mulf %max3A_1608, %mul3A_1640 : vector<16xf32>
      %mul3A_1642 = arith.mulf %get3A_69, %mul3A_1641 : vector<16xf32>
      %mul3A_1643 = arith.mulf %mul3A_1642, %mul3A_1642 : vector<16xf32>
      %max3A_1644 = arith.constant 1.000000e-30 : f32
      %max3A_1645 = vector.broadcast %max3A_1644 : f32 to vector<16xf32>
      %max3A_1646 = arith.maximumf %add3A_1606, %max3A_1645 : vector<16xf32>
      %max3A_1647 = arith.maximumf %max3A_1646, %mul3A_1643 : vector<16xf32>
      %bitcast3A_1648 = vector.bitcast %max3A_1647 : vector<16xf32> to vector<16xi32>
      %shift_right_arithmetic3A_1649 = arith.constant 1 : i32
      %shift_right_arithmetic3A_1650 = vector.broadcast %shift_right_arithmetic3A_1649 : i32 to vector<16xi32>
      %shift_right_arithmetic3A_1651 = arith.shrsi %bitcast3A_1648, %shift_right_arithmetic3A_1650 : vector<16xi32>
      %sub3A_1652 = arith.constant 1597463007 : i32
      %sub3A_1653 = vector.broadcast %sub3A_1652 : i32 to vector<16xi32>
      %sub3A_1654 = arith.subi %sub3A_1653, %shift_right_arithmetic3A_1651 : vector<16xi32>
      %bitcast3A_1655 = vector.bitcast %sub3A_1654 : vector<16xi32> to vector<16xf32>
      %mul3A_1656 = arith.constant 5.000000e-01 : f32
      %mul3A_1657 = vector.broadcast %mul3A_1656 : f32 to vector<16xf32>
      %mul3A_1658 = arith.mulf %mul3A_1657, %max3A_1647 : vector<16xf32>
      %mul3A_1659 = arith.mulf %mul3A_1658, %bitcast3A_1655 : vector<16xf32>
      %mul3A_1660 = arith.mulf %mul3A_1659, %bitcast3A_1655 : vector<16xf32>
      %sub3A_1661 = arith.constant 1.500000e+00 : f32
      %sub3A_1662 = vector.broadcast %sub3A_1661 : f32 to vector<16xf32>
      %sub3A_1663 = arith.subf %sub3A_1662, %mul3A_1660 : vector<16xf32>
      %mul3A_1664 = arith.mulf %bitcast3A_1655, %sub3A_1663 : vector<16xf32>
      %mul3A_1665 = arith.constant 5.000000e-01 : f32
      %mul3A_1666 = vector.broadcast %mul3A_1665 : f32 to vector<16xf32>
      %mul3A_1667 = arith.mulf %mul3A_1666, %max3A_1647 : vector<16xf32>
      %mul3A_1668 = arith.mulf %mul3A_1667, %mul3A_1664 : vector<16xf32>
      %mul3A_1669 = arith.mulf %mul3A_1668, %mul3A_1664 : vector<16xf32>
      %sub3A_1670 = arith.constant 1.500000e+00 : f32
      %sub3A_1671 = vector.broadcast %sub3A_1670 : f32 to vector<16xf32>
      %sub3A_1672 = arith.subf %sub3A_1671, %mul3A_1669 : vector<16xf32>
      %mul3A_1673 = arith.mulf %mul3A_1664, %sub3A_1672 : vector<16xf32>
      %mul3A_1674 = arith.constant 5.000000e-01 : f32
      %mul3A_1675 = vector.broadcast %mul3A_1674 : f32 to vector<16xf32>
      %mul3A_1676 = arith.mulf %mul3A_1675, %max3A_1647 : vector<16xf32>
      %mul3A_1677 = arith.mulf %mul3A_1676, %mul3A_1673 : vector<16xf32>
      %mul3A_1678 = arith.mulf %mul3A_1677, %mul3A_1673 : vector<16xf32>
      %sub3A_1679 = arith.constant 1.500000e+00 : f32
      %sub3A_1680 = vector.broadcast %sub3A_1679 : f32 to vector<16xf32>
      %sub3A_1681 = arith.subf %sub3A_1680, %mul3A_1678 : vector<16xf32>
      %mul3A_1682 = arith.mulf %mul3A_1673, %sub3A_1681 : vector<16xf32>
      %mul3A_1683 = arith.mulf %mul3A_1642, %mul3A_1682 : vector<16xf32>
      %broadcast_in_dim3A_1684 = arith.constant 0 : i32
      %broadcast_in_dim3A_1685 = vector.broadcast %broadcast_in_dim3A_1684 : i32 to vector<16xi32>
      %add3A_1686 = arith.addi %broadcast_in_dim3A_1685, %iota3A : vector<16xi32>
      %and3A_1687 = arith.constant 127 : i32
      %and3A_1688 = vector.broadcast %and3A_1687 : i32 to vector<16xi32>
      %and3A_1689 = arith.andi %add3A_1686, %and3A_1688 : vector<16xi32>
      %gather3A_1690 = tpu.vector_load_idx %arg11[%add3A_66, %and3A_1689] : memref<128x128xf32, #tpu.memory_space<vmem>>[vector<16xi32>, vector<16xi32>], vector<16xf32>,
      %mul3A_1691 = arith.mulf %gather3A_1690, %mul3A_1683 : vector<16xf32>
      tpu.vector_store_idx %arg12[%add3A_66, %and3A_1689], %mul3A_1691 : memref<128x128xf32, #tpu.memory_space<vmem>>[vector<16xi32>, vector<16xi32>], vector<16xf32>,
      %broadcast_in_dim3A_1692 = arith.constant 1 : i32
      %broadcast_in_dim3A_1693 = vector.broadcast %broadcast_in_dim3A_1692 : i32 to vector<16xi32>
      %add3A_1694 = arith.addi %broadcast_in_dim3A_1693, %iota3A : vector<16xi32>
      %and3A_1695 = arith.constant 127 : i32
      %and3A_1696 = vector.broadcast %and3A_1695 : i32 to vector<16xi32>
      %and3A_1697 = arith.andi %add3A_1694, %and3A_1696 : vector<16xi32>
      %gather3A_1698 = tpu.vector_load_idx %arg11[%add3A_66, %and3A_1697] : memref<128x128xf32, #tpu.memory_space<vmem>>[vector<16xi32>, vector<16xi32>], vector<16xf32>,
      %mul3A_1699 = arith.mulf %gather3A_1698, %mul3A_1683 : vector<16xf32>
      tpu.vector_store_idx %arg12[%add3A_66, %and3A_1697], %mul3A_1699 : memref<128x128xf32, #tpu.memory_space<vmem>>[vector<16xi32>, vector<16xi32>], vector<16xf32>,
      %broadcast_in_dim3A_1700 = arith.constant 2 : i32
      %broadcast_in_dim3A_1701 = vector.broadcast %broadcast_in_dim3A_1700 : i32 to vector<16xi32>
      %add3A_1702 = arith.addi %broadcast_in_dim3A_1701, %iota3A : vector<16xi32>
      %and3A_1703 = arith.constant 127 : i32
      %and3A_1704 = vector.broadcast %and3A_1703 : i32 to vector<16xi32>
      %and3A_1705 = arith.andi %add3A_1702, %and3A_1704 : vector<16xi32>
      %gather3A_1706 = tpu.vector_load_idx %arg11[%add3A_66, %and3A_1705] : memref<128x128xf32, #tpu.memory_space<vmem>>[vector<16xi32>, vector<16xi32>], vector<16xf32>,
      %mul3A_1707 = arith.mulf %gather3A_1706, %mul3A_1683 : vector<16xf32>
      tpu.vector_store_idx %arg12[%add3A_66, %and3A_1705], %mul3A_1707 : memref<128x128xf32, #tpu.memory_space<vmem>>[vector<16xi32>, vector<16xi32>], vector<16xf32>,
      %broadcast_in_dim3A_1708 = arith.constant 3 : i32
      %broadcast_in_dim3A_1709 = vector.broadcast %broadcast_in_dim3A_1708 : i32 to vector<16xi32>
      %add3A_1710 = arith.addi %broadcast_in_dim3A_1709, %iota3A : vector<16xi32>
      %and3A_1711 = arith.constant 127 : i32
      %and3A_1712 = vector.broadcast %and3A_1711 : i32 to vector<16xi32>
      %and3A_1713 = arith.andi %add3A_1710, %and3A_1712 : vector<16xi32>
      %gather3A_1714 = tpu.vector_load_idx %arg11[%add3A_66, %and3A_1713] : memref<128x128xf32, #tpu.memory_space<vmem>>[vector<16xi32>, vector<16xi32>], vector<16xf32>,
      %mul3A_1715 = arith.mulf %gather3A_1714, %mul3A_1683 : vector<16xf32>
      tpu.vector_store_idx %arg12[%add3A_66, %and3A_1713], %mul3A_1715 : memref<128x128xf32, #tpu.memory_space<vmem>>[vector<16xi32>, vector<16xi32>], vector<16xf32>,
      %broadcast_in_dim3A_1716 = arith.constant 4 : i32
      %broadcast_in_dim3A_1717 = vector.broadcast %broadcast_in_dim3A_1716 : i32 to vector<16xi32>
      %add3A_1718 = arith.addi %broadcast_in_dim3A_1717, %iota3A : vector<16xi32>
      %and3A_1719 = arith.constant 127 : i32
      %and3A_1720 = vector.broadcast %and3A_1719 : i32 to vector<16xi32>
      %and3A_1721 = arith.andi %add3A_1718, %and3A_1720 : vector<16xi32>
      %gather3A_1722 = tpu.vector_load_idx %arg11[%add3A_66, %and3A_1721] : memref<128x128xf32, #tpu.memory_space<vmem>>[vector<16xi32>, vector<16xi32>], vector<16xf32>,
      %mul3A_1723 = arith.mulf %gather3A_1722, %mul3A_1683 : vector<16xf32>
      tpu.vector_store_idx %arg12[%add3A_66, %and3A_1721], %mul3A_1723 : memref<128x128xf32, #tpu.memory_space<vmem>>[vector<16xi32>, vector<16xi32>], vector<16xf32>,
      %broadcast_in_dim3A_1724 = arith.constant 5 : i32
      %broadcast_in_dim3A_1725 = vector.broadcast %broadcast_in_dim3A_1724 : i32 to vector<16xi32>
      %add3A_1726 = arith.addi %broadcast_in_dim3A_1725, %iota3A : vector<16xi32>
      %and3A_1727 = arith.constant 127 : i32
      %and3A_1728 = vector.broadcast %and3A_1727 : i32 to vector<16xi32>
      %and3A_1729 = arith.andi %add3A_1726, %and3A_1728 : vector<16xi32>
      %gather3A_1730 = tpu.vector_load_idx %arg11[%add3A_66, %and3A_1729] : memref<128x128xf32, #tpu.memory_space<vmem>>[vector<16xi32>, vector<16xi32>], vector<16xf32>,
      %mul3A_1731 = arith.mulf %gather3A_1730, %mul3A_1683 : vector<16xf32>
      tpu.vector_store_idx %arg12[%add3A_66, %and3A_1729], %mul3A_1731 : memref<128x128xf32, #tpu.memory_space<vmem>>[vector<16xi32>, vector<16xi32>], vector<16xf32>,
      %broadcast_in_dim3A_1732 = arith.constant 6 : i32
      %broadcast_in_dim3A_1733 = vector.broadcast %broadcast_in_dim3A_1732 : i32 to vector<16xi32>
      %add3A_1734 = arith.addi %broadcast_in_dim3A_1733, %iota3A : vector<16xi32>
      %and3A_1735 = arith.constant 127 : i32
      %and3A_1736 = vector.broadcast %and3A_1735 : i32 to vector<16xi32>
      %and3A_1737 = arith.andi %add3A_1734, %and3A_1736 : vector<16xi32>
      %gather3A_1738 = tpu.vector_load_idx %arg11[%add3A_66, %and3A_1737] : memref<128x128xf32, #tpu.memory_space<vmem>>[vector<16xi32>, vector<16xi32>], vector<16xf32>,
      %mul3A_1739 = arith.mulf %gather3A_1738, %mul3A_1683 : vector<16xf32>
      tpu.vector_store_idx %arg12[%add3A_66, %and3A_1737], %mul3A_1739 : memref<128x128xf32, #tpu.memory_space<vmem>>[vector<16xi32>, vector<16xi32>], vector<16xf32>,
      %broadcast_in_dim3A_1740 = arith.constant 7 : i32
      %broadcast_in_dim3A_1741 = vector.broadcast %broadcast_in_dim3A_1740 : i32 to vector<16xi32>
      %add3A_1742 = arith.addi %broadcast_in_dim3A_1741, %iota3A : vector<16xi32>
      %and3A_1743 = arith.constant 127 : i32
      %and3A_1744 = vector.broadcast %and3A_1743 : i32 to vector<16xi32>
      %and3A_1745 = arith.andi %add3A_1742, %and3A_1744 : vector<16xi32>
      %gather3A_1746 = tpu.vector_load_idx %arg11[%add3A_66, %and3A_1745] : memref<128x128xf32, #tpu.memory_space<vmem>>[vector<16xi32>, vector<16xi32>], vector<16xf32>,
      %mul3A_1747 = arith.mulf %gather3A_1746, %mul3A_1683 : vector<16xf32>
      tpu.vector_store_idx %arg12[%add3A_66, %and3A_1745], %mul3A_1747 : memref<128x128xf32, #tpu.memory_space<vmem>>[vector<16xi32>, vector<16xi32>], vector<16xf32>,
      %broadcast_in_dim3A_1748 = arith.constant 8 : i32
      %broadcast_in_dim3A_1749 = vector.broadcast %broadcast_in_dim3A_1748 : i32 to vector<16xi32>
      %add3A_1750 = arith.addi %broadcast_in_dim3A_1749, %iota3A : vector<16xi32>
      %and3A_1751 = arith.constant 127 : i32
      %and3A_1752 = vector.broadcast %and3A_1751 : i32 to vector<16xi32>
      %and3A_1753 = arith.andi %add3A_1750, %and3A_1752 : vector<16xi32>
      %gather3A_1754 = tpu.vector_load_idx %arg11[%add3A_66, %and3A_1753] : memref<128x128xf32, #tpu.memory_space<vmem>>[vector<16xi32>, vector<16xi32>], vector<16xf32>,
      %mul3A_1755 = arith.mulf %gather3A_1754, %mul3A_1683 : vector<16xf32>
      tpu.vector_store_idx %arg12[%add3A_66, %and3A_1753], %mul3A_1755 : memref<128x128xf32, #tpu.memory_space<vmem>>[vector<16xi32>, vector<16xi32>], vector<16xf32>,
      %broadcast_in_dim3A_1756 = arith.constant 9 : i32
      %broadcast_in_dim3A_1757 = vector.broadcast %broadcast_in_dim3A_1756 : i32 to vector<16xi32>
      %add3A_1758 = arith.addi %broadcast_in_dim3A_1757, %iota3A : vector<16xi32>
      %and3A_1759 = arith.constant 127 : i32
      %and3A_1760 = vector.broadcast %and3A_1759 : i32 to vector<16xi32>
      %and3A_1761 = arith.andi %add3A_1758, %and3A_1760 : vector<16xi32>
      %gather3A_1762 = tpu.vector_load_idx %arg11[%add3A_66, %and3A_1761] : memref<128x128xf32, #tpu.memory_space<vmem>>[vector<16xi32>, vector<16xi32>], vector<16xf32>,
      %mul3A_1763 = arith.mulf %gather3A_1762, %mul3A_1683 : vector<16xf32>
      tpu.vector_store_idx %arg12[%add3A_66, %and3A_1761], %mul3A_1763 : memref<128x128xf32, #tpu.memory_space<vmem>>[vector<16xi32>, vector<16xi32>], vector<16xf32>,
      %broadcast_in_dim3A_1764 = arith.constant 10 : i32
      %broadcast_in_dim3A_1765 = vector.broadcast %broadcast_in_dim3A_1764 : i32 to vector<16xi32>
      %add3A_1766 = arith.addi %broadcast_in_dim3A_1765, %iota3A : vector<16xi32>
      %and3A_1767 = arith.constant 127 : i32
      %and3A_1768 = vector.broadcast %and3A_1767 : i32 to vector<16xi32>
      %and3A_1769 = arith.andi %add3A_1766, %and3A_1768 : vector<16xi32>
      %gather3A_1770 = tpu.vector_load_idx %arg11[%add3A_66, %and3A_1769] : memref<128x128xf32, #tpu.memory_space<vmem>>[vector<16xi32>, vector<16xi32>], vector<16xf32>,
      %mul3A_1771 = arith.mulf %gather3A_1770, %mul3A_1683 : vector<16xf32>
      tpu.vector_store_idx %arg12[%add3A_66, %and3A_1769], %mul3A_1771 : memref<128x128xf32, #tpu.memory_space<vmem>>[vector<16xi32>, vector<16xi32>], vector<16xf32>,
      %broadcast_in_dim3A_1772 = arith.constant 11 : i32
      %broadcast_in_dim3A_1773 = vector.broadcast %broadcast_in_dim3A_1772 : i32 to vector<16xi32>
      %add3A_1774 = arith.addi %broadcast_in_dim3A_1773, %iota3A : vector<16xi32>
      %and3A_1775 = arith.constant 127 : i32
      %and3A_1776 = vector.broadcast %and3A_1775 : i32 to vector<16xi32>
      %and3A_1777 = arith.andi %add3A_1774, %and3A_1776 : vector<16xi32>
      %gather3A_1778 = tpu.vector_load_idx %arg11[%add3A_66, %and3A_1777] : memref<128x128xf32, #tpu.memory_space<vmem>>[vector<16xi32>, vector<16xi32>], vector<16xf32>,
      %mul3A_1779 = arith.mulf %gather3A_1778, %mul3A_1683 : vector<16xf32>
      tpu.vector_store_idx %arg12[%add3A_66, %and3A_1777], %mul3A_1779 : memref<128x128xf32, #tpu.memory_space<vmem>>[vector<16xi32>, vector<16xi32>], vector<16xf32>,
      %broadcast_in_dim3A_1780 = arith.constant 12 : i32
      %broadcast_in_dim3A_1781 = vector.broadcast %broadcast_in_dim3A_1780 : i32 to vector<16xi32>
      %add3A_1782 = arith.addi %broadcast_in_dim3A_1781, %iota3A : vector<16xi32>
      %and3A_1783 = arith.constant 127 : i32
      %and3A_1784 = vector.broadcast %and3A_1783 : i32 to vector<16xi32>
      %and3A_1785 = arith.andi %add3A_1782, %and3A_1784 : vector<16xi32>
      %gather3A_1786 = tpu.vector_load_idx %arg11[%add3A_66, %and3A_1785] : memref<128x128xf32, #tpu.memory_space<vmem>>[vector<16xi32>, vector<16xi32>], vector<16xf32>,
      %mul3A_1787 = arith.mulf %gather3A_1786, %mul3A_1683 : vector<16xf32>
      tpu.vector_store_idx %arg12[%add3A_66, %and3A_1785], %mul3A_1787 : memref<128x128xf32, #tpu.memory_space<vmem>>[vector<16xi32>, vector<16xi32>], vector<16xf32>,
      %broadcast_in_dim3A_1788 = arith.constant 13 : i32
      %broadcast_in_dim3A_1789 = vector.broadcast %broadcast_in_dim3A_1788 : i32 to vector<16xi32>
      %add3A_1790 = arith.addi %broadcast_in_dim3A_1789, %iota3A : vector<16xi32>
      %and3A_1791 = arith.constant 127 : i32
      %and3A_1792 = vector.broadcast %and3A_1791 : i32 to vector<16xi32>
      %and3A_1793 = arith.andi %add3A_1790, %and3A_1792 : vector<16xi32>
      %gather3A_1794 = tpu.vector_load_idx %arg11[%add3A_66, %and3A_1793] : memref<128x128xf32, #tpu.memory_space<vmem>>[vector<16xi32>, vector<16xi32>], vector<16xf32>,
      %mul3A_1795 = arith.mulf %gather3A_1794, %mul3A_1683 : vector<16xf32>
      tpu.vector_store_idx %arg12[%add3A_66, %and3A_1793], %mul3A_1795 : memref<128x128xf32, #tpu.memory_space<vmem>>[vector<16xi32>, vector<16xi32>], vector<16xf32>,
      %broadcast_in_dim3A_1796 = arith.constant 14 : i32
      %broadcast_in_dim3A_1797 = vector.broadcast %broadcast_in_dim3A_1796 : i32 to vector<16xi32>
      %add3A_1798 = arith.addi %broadcast_in_dim3A_1797, %iota3A : vector<16xi32>
      %and3A_1799 = arith.constant 127 : i32
      %and3A_1800 = vector.broadcast %and3A_1799 : i32 to vector<16xi32>
      %and3A_1801 = arith.andi %add3A_1798, %and3A_1800 : vector<16xi32>
      %gather3A_1802 = tpu.vector_load_idx %arg11[%add3A_66, %and3A_1801] : memref<128x128xf32, #tpu.memory_space<vmem>>[vector<16xi32>, vector<16xi32>], vector<16xf32>,
      %mul3A_1803 = arith.mulf %gather3A_1802, %mul3A_1683 : vector<16xf32>
      tpu.vector_store_idx %arg12[%add3A_66, %and3A_1801], %mul3A_1803 : memref<128x128xf32, #tpu.memory_space<vmem>>[vector<16xi32>, vector<16xi32>], vector<16xf32>,
      %broadcast_in_dim3A_1804 = arith.constant 15 : i32
      %broadcast_in_dim3A_1805 = vector.broadcast %broadcast_in_dim3A_1804 : i32 to vector<16xi32>
      %add3A_1806 = arith.addi %broadcast_in_dim3A_1805, %iota3A : vector<16xi32>
      %and3A_1807 = arith.constant 127 : i32
      %and3A_1808 = vector.broadcast %and3A_1807 : i32 to vector<16xi32>
      %and3A_1809 = arith.andi %add3A_1806, %and3A_1808 : vector<16xi32>
      %gather3A_1810 = tpu.vector_load_idx %arg11[%add3A_66, %and3A_1809] : memref<128x128xf32, #tpu.memory_space<vmem>>[vector<16xi32>, vector<16xi32>], vector<16xf32>,
      %mul3A_1811 = arith.mulf %gather3A_1810, %mul3A_1683 : vector<16xf32>
      tpu.vector_store_idx %arg12[%add3A_66, %and3A_1809], %mul3A_1811 : memref<128x128xf32, #tpu.memory_space<vmem>>[vector<16xi32>, vector<16xi32>], vector<16xf32>,
      %broadcast_in_dim3A_1812 = arith.constant 16 : i32
      %broadcast_in_dim3A_1813 = vector.broadcast %broadcast_in_dim3A_1812 : i32 to vector<16xi32>
      %add3A_1814 = arith.addi %broadcast_in_dim3A_1813, %iota3A : vector<16xi32>
      %and3A_1815 = arith.constant 127 : i32
      %and3A_1816 = vector.broadcast %and3A_1815 : i32 to vector<16xi32>
      %and3A_1817 = arith.andi %add3A_1814, %and3A_1816 : vector<16xi32>
      %gather3A_1818 = tpu.vector_load_idx %arg11[%add3A_66, %and3A_1817] : memref<128x128xf32, #tpu.memory_space<vmem>>[vector<16xi32>, vector<16xi32>], vector<16xf32>,
      %mul3A_1819 = arith.mulf %gather3A_1818, %mul3A_1683 : vector<16xf32>
      tpu.vector_store_idx %arg12[%add3A_66, %and3A_1817], %mul3A_1819 : memref<128x128xf32, #tpu.memory_space<vmem>>[vector<16xi32>, vector<16xi32>], vector<16xf32>,
      %broadcast_in_dim3A_1820 = arith.constant 17 : i32
      %broadcast_in_dim3A_1821 = vector.broadcast %broadcast_in_dim3A_1820 : i32 to vector<16xi32>
      %add3A_1822 = arith.addi %broadcast_in_dim3A_1821, %iota3A : vector<16xi32>
      %and3A_1823 = arith.constant 127 : i32
      %and3A_1824 = vector.broadcast %and3A_1823 : i32 to vector<16xi32>
      %and3A_1825 = arith.andi %add3A_1822, %and3A_1824 : vector<16xi32>
      %gather3A_1826 = tpu.vector_load_idx %arg11[%add3A_66, %and3A_1825] : memref<128x128xf32, #tpu.memory_space<vmem>>[vector<16xi32>, vector<16xi32>], vector<16xf32>,
      %mul3A_1827 = arith.mulf %gather3A_1826, %mul3A_1683 : vector<16xf32>
      tpu.vector_store_idx %arg12[%add3A_66, %and3A_1825], %mul3A_1827 : memref<128x128xf32, #tpu.memory_space<vmem>>[vector<16xi32>, vector<16xi32>], vector<16xf32>,
      %broadcast_in_dim3A_1828 = arith.constant 18 : i32
      %broadcast_in_dim3A_1829 = vector.broadcast %broadcast_in_dim3A_1828 : i32 to vector<16xi32>
      %add3A_1830 = arith.addi %broadcast_in_dim3A_1829, %iota3A : vector<16xi32>
      %and3A_1831 = arith.constant 127 : i32
      %and3A_1832 = vector.broadcast %and3A_1831 : i32 to vector<16xi32>
      %and3A_1833 = arith.andi %add3A_1830, %and3A_1832 : vector<16xi32>
      %gather3A_1834 = tpu.vector_load_idx %arg11[%add3A_66, %and3A_1833] : memref<128x128xf32, #tpu.memory_space<vmem>>[vector<16xi32>, vector<16xi32>], vector<16xf32>,
      %mul3A_1835 = arith.mulf %gather3A_1834, %mul3A_1683 : vector<16xf32>
      tpu.vector_store_idx %arg12[%add3A_66, %and3A_1833], %mul3A_1835 : memref<128x128xf32, #tpu.memory_space<vmem>>[vector<16xi32>, vector<16xi32>], vector<16xf32>,
      %broadcast_in_dim3A_1836 = arith.constant 19 : i32
      %broadcast_in_dim3A_1837 = vector.broadcast %broadcast_in_dim3A_1836 : i32 to vector<16xi32>
      %add3A_1838 = arith.addi %broadcast_in_dim3A_1837, %iota3A : vector<16xi32>
      %and3A_1839 = arith.constant 127 : i32
      %and3A_1840 = vector.broadcast %and3A_1839 : i32 to vector<16xi32>
      %and3A_1841 = arith.andi %add3A_1838, %and3A_1840 : vector<16xi32>
      %gather3A_1842 = tpu.vector_load_idx %arg11[%add3A_66, %and3A_1841] : memref<128x128xf32, #tpu.memory_space<vmem>>[vector<16xi32>, vector<16xi32>], vector<16xf32>,
      %mul3A_1843 = arith.mulf %gather3A_1842, %mul3A_1683 : vector<16xf32>
      tpu.vector_store_idx %arg12[%add3A_66, %and3A_1841], %mul3A_1843 : memref<128x128xf32, #tpu.memory_space<vmem>>[vector<16xi32>, vector<16xi32>], vector<16xf32>,
      %broadcast_in_dim3A_1844 = arith.constant 20 : i32
      %broadcast_in_dim3A_1845 = vector.broadcast %broadcast_in_dim3A_1844 : i32 to vector<16xi32>
      %add3A_1846 = arith.addi %broadcast_in_dim3A_1845, %iota3A : vector<16xi32>
      %and3A_1847 = arith.constant 127 : i32
      %and3A_1848 = vector.broadcast %and3A_1847 : i32 to vector<16xi32>
      %and3A_1849 = arith.andi %add3A_1846, %and3A_1848 : vector<16xi32>
      %gather3A_1850 = tpu.vector_load_idx %arg11[%add3A_66, %and3A_1849] : memref<128x128xf32, #tpu.memory_space<vmem>>[vector<16xi32>, vector<16xi32>], vector<16xf32>,
      %mul3A_1851 = arith.mulf %gather3A_1850, %mul3A_1683 : vector<16xf32>
      tpu.vector_store_idx %arg12[%add3A_66, %and3A_1849], %mul3A_1851 : memref<128x128xf32, #tpu.memory_space<vmem>>[vector<16xi32>, vector<16xi32>], vector<16xf32>,
      %broadcast_in_dim3A_1852 = arith.constant 21 : i32
      %broadcast_in_dim3A_1853 = vector.broadcast %broadcast_in_dim3A_1852 : i32 to vector<16xi32>
      %add3A_1854 = arith.addi %broadcast_in_dim3A_1853, %iota3A : vector<16xi32>
      %and3A_1855 = arith.constant 127 : i32
      %and3A_1856 = vector.broadcast %and3A_1855 : i32 to vector<16xi32>
      %and3A_1857 = arith.andi %add3A_1854, %and3A_1856 : vector<16xi32>
      %gather3A_1858 = tpu.vector_load_idx %arg11[%add3A_66, %and3A_1857] : memref<128x128xf32, #tpu.memory_space<vmem>>[vector<16xi32>, vector<16xi32>], vector<16xf32>,
      %mul3A_1859 = arith.mulf %gather3A_1858, %mul3A_1683 : vector<16xf32>
      tpu.vector_store_idx %arg12[%add3A_66, %and3A_1857], %mul3A_1859 : memref<128x128xf32, #tpu.memory_space<vmem>>[vector<16xi32>, vector<16xi32>], vector<16xf32>,
      %broadcast_in_dim3A_1860 = arith.constant 22 : i32
      %broadcast_in_dim3A_1861 = vector.broadcast %broadcast_in_dim3A_1860 : i32 to vector<16xi32>
      %add3A_1862 = arith.addi %broadcast_in_dim3A_1861, %iota3A : vector<16xi32>
      %and3A_1863 = arith.constant 127 : i32
      %and3A_1864 = vector.broadcast %and3A_1863 : i32 to vector<16xi32>
      %and3A_1865 = arith.andi %add3A_1862, %and3A_1864 : vector<16xi32>
      %gather3A_1866 = tpu.vector_load_idx %arg11[%add3A_66, %and3A_1865] : memref<128x128xf32, #tpu.memory_space<vmem>>[vector<16xi32>, vector<16xi32>], vector<16xf32>,
      %mul3A_1867 = arith.mulf %gather3A_1866, %mul3A_1683 : vector<16xf32>
      tpu.vector_store_idx %arg12[%add3A_66, %and3A_1865], %mul3A_1867 : memref<128x128xf32, #tpu.memory_space<vmem>>[vector<16xi32>, vector<16xi32>], vector<16xf32>,
      %broadcast_in_dim3A_1868 = arith.constant 23 : i32
      %broadcast_in_dim3A_1869 = vector.broadcast %broadcast_in_dim3A_1868 : i32 to vector<16xi32>
      %add3A_1870 = arith.addi %broadcast_in_dim3A_1869, %iota3A : vector<16xi32>
      %and3A_1871 = arith.constant 127 : i32
      %and3A_1872 = vector.broadcast %and3A_1871 : i32 to vector<16xi32>
      %and3A_1873 = arith.andi %add3A_1870, %and3A_1872 : vector<16xi32>
      %gather3A_1874 = tpu.vector_load_idx %arg11[%add3A_66, %and3A_1873] : memref<128x128xf32, #tpu.memory_space<vmem>>[vector<16xi32>, vector<16xi32>], vector<16xf32>,
      %mul3A_1875 = arith.mulf %gather3A_1874, %mul3A_1683 : vector<16xf32>
      tpu.vector_store_idx %arg12[%add3A_66, %and3A_1873], %mul3A_1875 : memref<128x128xf32, #tpu.memory_space<vmem>>[vector<16xi32>, vector<16xi32>], vector<16xf32>,
      %broadcast_in_dim3A_1876 = arith.constant 24 : i32
      %broadcast_in_dim3A_1877 = vector.broadcast %broadcast_in_dim3A_1876 : i32 to vector<16xi32>
      %add3A_1878 = arith.addi %broadcast_in_dim3A_1877, %iota3A : vector<16xi32>
      %and3A_1879 = arith.constant 127 : i32
      %and3A_1880 = vector.broadcast %and3A_1879 : i32 to vector<16xi32>
      %and3A_1881 = arith.andi %add3A_1878, %and3A_1880 : vector<16xi32>
      %gather3A_1882 = tpu.vector_load_idx %arg11[%add3A_66, %and3A_1881] : memref<128x128xf32, #tpu.memory_space<vmem>>[vector<16xi32>, vector<16xi32>], vector<16xf32>,
      %mul3A_1883 = arith.mulf %gather3A_1882, %mul3A_1683 : vector<16xf32>
      tpu.vector_store_idx %arg12[%add3A_66, %and3A_1881], %mul3A_1883 : memref<128x128xf32, #tpu.memory_space<vmem>>[vector<16xi32>, vector<16xi32>], vector<16xf32>,
      %broadcast_in_dim3A_1884 = arith.constant 25 : i32
      %broadcast_in_dim3A_1885 = vector.broadcast %broadcast_in_dim3A_1884 : i32 to vector<16xi32>
      %add3A_1886 = arith.addi %broadcast_in_dim3A_1885, %iota3A : vector<16xi32>
      %and3A_1887 = arith.constant 127 : i32
      %and3A_1888 = vector.broadcast %and3A_1887 : i32 to vector<16xi32>
      %and3A_1889 = arith.andi %add3A_1886, %and3A_1888 : vector<16xi32>
      %gather3A_1890 = tpu.vector_load_idx %arg11[%add3A_66, %and3A_1889] : memref<128x128xf32, #tpu.memory_space<vmem>>[vector<16xi32>, vector<16xi32>], vector<16xf32>,
      %mul3A_1891 = arith.mulf %gather3A_1890, %mul3A_1683 : vector<16xf32>
      tpu.vector_store_idx %arg12[%add3A_66, %and3A_1889], %mul3A_1891 : memref<128x128xf32, #tpu.memory_space<vmem>>[vector<16xi32>, vector<16xi32>], vector<16xf32>,
      %broadcast_in_dim3A_1892 = arith.constant 26 : i32
      %broadcast_in_dim3A_1893 = vector.broadcast %broadcast_in_dim3A_1892 : i32 to vector<16xi32>
      %add3A_1894 = arith.addi %broadcast_in_dim3A_1893, %iota3A : vector<16xi32>
      %and3A_1895 = arith.constant 127 : i32
      %and3A_1896 = vector.broadcast %and3A_1895 : i32 to vector<16xi32>
      %and3A_1897 = arith.andi %add3A_1894, %and3A_1896 : vector<16xi32>
      %gather3A_1898 = tpu.vector_load_idx %arg11[%add3A_66, %and3A_1897] : memref<128x128xf32, #tpu.memory_space<vmem>>[vector<16xi32>, vector<16xi32>], vector<16xf32>,
      %mul3A_1899 = arith.mulf %gather3A_1898, %mul3A_1683 : vector<16xf32>
      tpu.vector_store_idx %arg12[%add3A_66, %and3A_1897], %mul3A_1899 : memref<128x128xf32, #tpu.memory_space<vmem>>[vector<16xi32>, vector<16xi32>], vector<16xf32>,
      %broadcast_in_dim3A_1900 = arith.constant 27 : i32
      %broadcast_in_dim3A_1901 = vector.broadcast %broadcast_in_dim3A_1900 : i32 to vector<16xi32>
      %add3A_1902 = arith.addi %broadcast_in_dim3A_1901, %iota3A : vector<16xi32>
      %and3A_1903 = arith.constant 127 : i32
      %and3A_1904 = vector.broadcast %and3A_1903 : i32 to vector<16xi32>
      %and3A_1905 = arith.andi %add3A_1902, %and3A_1904 : vector<16xi32>
      %gather3A_1906 = tpu.vector_load_idx %arg11[%add3A_66, %and3A_1905] : memref<128x128xf32, #tpu.memory_space<vmem>>[vector<16xi32>, vector<16xi32>], vector<16xf32>,
      %mul3A_1907 = arith.mulf %gather3A_1906, %mul3A_1683 : vector<16xf32>
      tpu.vector_store_idx %arg12[%add3A_66, %and3A_1905], %mul3A_1907 : memref<128x128xf32, #tpu.memory_space<vmem>>[vector<16xi32>, vector<16xi32>], vector<16xf32>,
      %broadcast_in_dim3A_1908 = arith.constant 28 : i32
      %broadcast_in_dim3A_1909 = vector.broadcast %broadcast_in_dim3A_1908 : i32 to vector<16xi32>
      %add3A_1910 = arith.addi %broadcast_in_dim3A_1909, %iota3A : vector<16xi32>
      %and3A_1911 = arith.constant 127 : i32
      %and3A_1912 = vector.broadcast %and3A_1911 : i32 to vector<16xi32>
      %and3A_1913 = arith.andi %add3A_1910, %and3A_1912 : vector<16xi32>
      %gather3A_1914 = tpu.vector_load_idx %arg11[%add3A_66, %and3A_1913] : memref<128x128xf32, #tpu.memory_space<vmem>>[vector<16xi32>, vector<16xi32>], vector<16xf32>,
      %mul3A_1915 = arith.mulf %gather3A_1914, %mul3A_1683 : vector<16xf32>
      tpu.vector_store_idx %arg12[%add3A_66, %and3A_1913], %mul3A_1915 : memref<128x128xf32, #tpu.memory_space<vmem>>[vector<16xi32>, vector<16xi32>], vector<16xf32>,
      %broadcast_in_dim3A_1916 = arith.constant 29 : i32
      %broadcast_in_dim3A_1917 = vector.broadcast %broadcast_in_dim3A_1916 : i32 to vector<16xi32>
      %add3A_1918 = arith.addi %broadcast_in_dim3A_1917, %iota3A : vector<16xi32>
      %and3A_1919 = arith.constant 127 : i32
      %and3A_1920 = vector.broadcast %and3A_1919 : i32 to vector<16xi32>
      %and3A_1921 = arith.andi %add3A_1918, %and3A_1920 : vector<16xi32>
      %gather3A_1922 = tpu.vector_load_idx %arg11[%add3A_66, %and3A_1921] : memref<128x128xf32, #tpu.memory_space<vmem>>[vector<16xi32>, vector<16xi32>], vector<16xf32>,
      %mul3A_1923 = arith.mulf %gather3A_1922, %mul3A_1683 : vector<16xf32>
      tpu.vector_store_idx %arg12[%add3A_66, %and3A_1921], %mul3A_1923 : memref<128x128xf32, #tpu.memory_space<vmem>>[vector<16xi32>, vector<16xi32>], vector<16xf32>,
      %broadcast_in_dim3A_1924 = arith.constant 30 : i32
      %broadcast_in_dim3A_1925 = vector.broadcast %broadcast_in_dim3A_1924 : i32 to vector<16xi32>
      %add3A_1926 = arith.addi %broadcast_in_dim3A_1925, %iota3A : vector<16xi32>
      %and3A_1927 = arith.constant 127 : i32
      %and3A_1928 = vector.broadcast %and3A_1927 : i32 to vector<16xi32>
      %and3A_1929 = arith.andi %add3A_1926, %and3A_1928 : vector<16xi32>
      %gather3A_1930 = tpu.vector_load_idx %arg11[%add3A_66, %and3A_1929] : memref<128x128xf32, #tpu.memory_space<vmem>>[vector<16xi32>, vector<16xi32>], vector<16xf32>,
      %mul3A_1931 = arith.mulf %gather3A_1930, %mul3A_1683 : vector<16xf32>
      tpu.vector_store_idx %arg12[%add3A_66, %and3A_1929], %mul3A_1931 : memref<128x128xf32, #tpu.memory_space<vmem>>[vector<16xi32>, vector<16xi32>], vector<16xf32>,
      %broadcast_in_dim3A_1932 = arith.constant 31 : i32
      %broadcast_in_dim3A_1933 = vector.broadcast %broadcast_in_dim3A_1932 : i32 to vector<16xi32>
      %add3A_1934 = arith.addi %broadcast_in_dim3A_1933, %iota3A : vector<16xi32>
      %and3A_1935 = arith.constant 127 : i32
      %and3A_1936 = vector.broadcast %and3A_1935 : i32 to vector<16xi32>
      %and3A_1937 = arith.andi %add3A_1934, %and3A_1936 : vector<16xi32>
      %gather3A_1938 = tpu.vector_load_idx %arg11[%add3A_66, %and3A_1937] : memref<128x128xf32, #tpu.memory_space<vmem>>[vector<16xi32>, vector<16xi32>], vector<16xf32>,
      %mul3A_1939 = arith.mulf %gather3A_1938, %mul3A_1683 : vector<16xf32>
      tpu.vector_store_idx %arg12[%add3A_66, %and3A_1937], %mul3A_1939 : memref<128x128xf32, #tpu.memory_space<vmem>>[vector<16xi32>, vector<16xi32>], vector<16xf32>,
      %broadcast_in_dim3A_1940 = arith.constant 32 : i32
      %broadcast_in_dim3A_1941 = vector.broadcast %broadcast_in_dim3A_1940 : i32 to vector<16xi32>
      %add3A_1942 = arith.addi %broadcast_in_dim3A_1941, %iota3A : vector<16xi32>
      %and3A_1943 = arith.constant 127 : i32
      %and3A_1944 = vector.broadcast %and3A_1943 : i32 to vector<16xi32>
      %and3A_1945 = arith.andi %add3A_1942, %and3A_1944 : vector<16xi32>
      %gather3A_1946 = tpu.vector_load_idx %arg11[%add3A_66, %and3A_1945] : memref<128x128xf32, #tpu.memory_space<vmem>>[vector<16xi32>, vector<16xi32>], vector<16xf32>,
      %mul3A_1947 = arith.mulf %gather3A_1946, %mul3A_1683 : vector<16xf32>
      tpu.vector_store_idx %arg12[%add3A_66, %and3A_1945], %mul3A_1947 : memref<128x128xf32, #tpu.memory_space<vmem>>[vector<16xi32>, vector<16xi32>], vector<16xf32>,
      %broadcast_in_dim3A_1948 = arith.constant 33 : i32
      %broadcast_in_dim3A_1949 = vector.broadcast %broadcast_in_dim3A_1948 : i32 to vector<16xi32>
      %add3A_1950 = arith.addi %broadcast_in_dim3A_1949, %iota3A : vector<16xi32>
      %and3A_1951 = arith.constant 127 : i32
      %and3A_1952 = vector.broadcast %and3A_1951 : i32 to vector<16xi32>
      %and3A_1953 = arith.andi %add3A_1950, %and3A_1952 : vector<16xi32>
      %gather3A_1954 = tpu.vector_load_idx %arg11[%add3A_66, %and3A_1953] : memref<128x128xf32, #tpu.memory_space<vmem>>[vector<16xi32>, vector<16xi32>], vector<16xf32>,
      %mul3A_1955 = arith.mulf %gather3A_1954, %mul3A_1683 : vector<16xf32>
      tpu.vector_store_idx %arg12[%add3A_66, %and3A_1953], %mul3A_1955 : memref<128x128xf32, #tpu.memory_space<vmem>>[vector<16xi32>, vector<16xi32>], vector<16xf32>,
      %broadcast_in_dim3A_1956 = arith.constant 34 : i32
      %broadcast_in_dim3A_1957 = vector.broadcast %broadcast_in_dim3A_1956 : i32 to vector<16xi32>
      %add3A_1958 = arith.addi %broadcast_in_dim3A_1957, %iota3A : vector<16xi32>
      %and3A_1959 = arith.constant 127 : i32
      %and3A_1960 = vector.broadcast %and3A_1959 : i32 to vector<16xi32>
      %and3A_1961 = arith.andi %add3A_1958, %and3A_1960 : vector<16xi32>
      %gather3A_1962 = tpu.vector_load_idx %arg11[%add3A_66, %and3A_1961] : memref<128x128xf32, #tpu.memory_space<vmem>>[vector<16xi32>, vector<16xi32>], vector<16xf32>,
      %mul3A_1963 = arith.mulf %gather3A_1962, %mul3A_1683 : vector<16xf32>
      tpu.vector_store_idx %arg12[%add3A_66, %and3A_1961], %mul3A_1963 : memref<128x128xf32, #tpu.memory_space<vmem>>[vector<16xi32>, vector<16xi32>], vector<16xf32>,
      %broadcast_in_dim3A_1964 = arith.constant 35 : i32
      %broadcast_in_dim3A_1965 = vector.broadcast %broadcast_in_dim3A_1964 : i32 to vector<16xi32>
      %add3A_1966 = arith.addi %broadcast_in_dim3A_1965, %iota3A : vector<16xi32>
      %and3A_1967 = arith.constant 127 : i32
      %and3A_1968 = vector.broadcast %and3A_1967 : i32 to vector<16xi32>
      %and3A_1969 = arith.andi %add3A_1966, %and3A_1968 : vector<16xi32>
      %gather3A_1970 = tpu.vector_load_idx %arg11[%add3A_66, %and3A_1969] : memref<128x128xf32, #tpu.memory_space<vmem>>[vector<16xi32>, vector<16xi32>], vector<16xf32>,
      %mul3A_1971 = arith.mulf %gather3A_1970, %mul3A_1683 : vector<16xf32>
      tpu.vector_store_idx %arg12[%add3A_66, %and3A_1969], %mul3A_1971 : memref<128x128xf32, #tpu.memory_space<vmem>>[vector<16xi32>, vector<16xi32>], vector<16xf32>,
      %broadcast_in_dim3A_1972 = arith.constant 36 : i32
      %broadcast_in_dim3A_1973 = vector.broadcast %broadcast_in_dim3A_1972 : i32 to vector<16xi32>
      %add3A_1974 = arith.addi %broadcast_in_dim3A_1973, %iota3A : vector<16xi32>
      %and3A_1975 = arith.constant 127 : i32
      %and3A_1976 = vector.broadcast %and3A_1975 : i32 to vector<16xi32>
      %and3A_1977 = arith.andi %add3A_1974, %and3A_1976 : vector<16xi32>
      %gather3A_1978 = tpu.vector_load_idx %arg11[%add3A_66, %and3A_1977] : memref<128x128xf32, #tpu.memory_space<vmem>>[vector<16xi32>, vector<16xi32>], vector<16xf32>,
      %mul3A_1979 = arith.mulf %gather3A_1978, %mul3A_1683 : vector<16xf32>
      tpu.vector_store_idx %arg12[%add3A_66, %and3A_1977], %mul3A_1979 : memref<128x128xf32, #tpu.memory_space<vmem>>[vector<16xi32>, vector<16xi32>], vector<16xf32>,
      %broadcast_in_dim3A_1980 = arith.constant 37 : i32
      %broadcast_in_dim3A_1981 = vector.broadcast %broadcast_in_dim3A_1980 : i32 to vector<16xi32>
      %add3A_1982 = arith.addi %broadcast_in_dim3A_1981, %iota3A : vector<16xi32>
      %and3A_1983 = arith.constant 127 : i32
      %and3A_1984 = vector.broadcast %and3A_1983 : i32 to vector<16xi32>
      %and3A_1985 = arith.andi %add3A_1982, %and3A_1984 : vector<16xi32>
      %gather3A_1986 = tpu.vector_load_idx %arg11[%add3A_66, %and3A_1985] : memref<128x128xf32, #tpu.memory_space<vmem>>[vector<16xi32>, vector<16xi32>], vector<16xf32>,
      %mul3A_1987 = arith.mulf %gather3A_1986, %mul3A_1683 : vector<16xf32>
      tpu.vector_store_idx %arg12[%add3A_66, %and3A_1985], %mul3A_1987 : memref<128x128xf32, #tpu.memory_space<vmem>>[vector<16xi32>, vector<16xi32>], vector<16xf32>,
      %broadcast_in_dim3A_1988 = arith.constant 38 : i32
      %broadcast_in_dim3A_1989 = vector.broadcast %broadcast_in_dim3A_1988 : i32 to vector<16xi32>
      %add3A_1990 = arith.addi %broadcast_in_dim3A_1989, %iota3A : vector<16xi32>
      %and3A_1991 = arith.constant 127 : i32
      %and3A_1992 = vector.broadcast %and3A_1991 : i32 to vector<16xi32>
      %and3A_1993 = arith.andi %add3A_1990, %and3A_1992 : vector<16xi32>
      %gather3A_1994 = tpu.vector_load_idx %arg11[%add3A_66, %and3A_1993] : memref<128x128xf32, #tpu.memory_space<vmem>>[vector<16xi32>, vector<16xi32>], vector<16xf32>,
      %mul3A_1995 = arith.mulf %gather3A_1994, %mul3A_1683 : vector<16xf32>
      tpu.vector_store_idx %arg12[%add3A_66, %and3A_1993], %mul3A_1995 : memref<128x128xf32, #tpu.memory_space<vmem>>[vector<16xi32>, vector<16xi32>], vector<16xf32>,
      %broadcast_in_dim3A_1996 = arith.constant 39 : i32
      %broadcast_in_dim3A_1997 = vector.broadcast %broadcast_in_dim3A_1996 : i32 to vector<16xi32>
      %add3A_1998 = arith.addi %broadcast_in_dim3A_1997, %iota3A : vector<16xi32>
      %and3A_1999 = arith.constant 127 : i32
      %and3A_2000 = vector.broadcast %and3A_1999 : i32 to vector<16xi32>
      %and3A_2001 = arith.andi %add3A_1998, %and3A_2000 : vector<16xi32>
      %gather3A_2002 = tpu.vector_load_idx %arg11[%add3A_66, %and3A_2001] : memref<128x128xf32, #tpu.memory_space<vmem>>[vector<16xi32>, vector<16xi32>], vector<16xf32>,
      %mul3A_2003 = arith.mulf %gather3A_2002, %mul3A_1683 : vector<16xf32>
      tpu.vector_store_idx %arg12[%add3A_66, %and3A_2001], %mul3A_2003 : memref<128x128xf32, #tpu.memory_space<vmem>>[vector<16xi32>, vector<16xi32>], vector<16xf32>,
      %broadcast_in_dim3A_2004 = arith.constant 40 : i32
      %broadcast_in_dim3A_2005 = vector.broadcast %broadcast_in_dim3A_2004 : i32 to vector<16xi32>
      %add3A_2006 = arith.addi %broadcast_in_dim3A_2005, %iota3A : vector<16xi32>
      %and3A_2007 = arith.constant 127 : i32
      %and3A_2008 = vector.broadcast %and3A_2007 : i32 to vector<16xi32>
      %and3A_2009 = arith.andi %add3A_2006, %and3A_2008 : vector<16xi32>
      %gather3A_2010 = tpu.vector_load_idx %arg11[%add3A_66, %and3A_2009] : memref<128x128xf32, #tpu.memory_space<vmem>>[vector<16xi32>, vector<16xi32>], vector<16xf32>,
      %mul3A_2011 = arith.mulf %gather3A_2010, %mul3A_1683 : vector<16xf32>
      tpu.vector_store_idx %arg12[%add3A_66, %and3A_2009], %mul3A_2011 : memref<128x128xf32, #tpu.memory_space<vmem>>[vector<16xi32>, vector<16xi32>], vector<16xf32>,
      %broadcast_in_dim3A_2012 = arith.constant 41 : i32
      %broadcast_in_dim3A_2013 = vector.broadcast %broadcast_in_dim3A_2012 : i32 to vector<16xi32>
      %add3A_2014 = arith.addi %broadcast_in_dim3A_2013, %iota3A : vector<16xi32>
      %and3A_2015 = arith.constant 127 : i32
      %and3A_2016 = vector.broadcast %and3A_2015 : i32 to vector<16xi32>
      %and3A_2017 = arith.andi %add3A_2014, %and3A_2016 : vector<16xi32>
      %gather3A_2018 = tpu.vector_load_idx %arg11[%add3A_66, %and3A_2017] : memref<128x128xf32, #tpu.memory_space<vmem>>[vector<16xi32>, vector<16xi32>], vector<16xf32>,
      %mul3A_2019 = arith.mulf %gather3A_2018, %mul3A_1683 : vector<16xf32>
      tpu.vector_store_idx %arg12[%add3A_66, %and3A_2017], %mul3A_2019 : memref<128x128xf32, #tpu.memory_space<vmem>>[vector<16xi32>, vector<16xi32>], vector<16xf32>,
      %broadcast_in_dim3A_2020 = arith.constant 42 : i32
      %broadcast_in_dim3A_2021 = vector.broadcast %broadcast_in_dim3A_2020 : i32 to vector<16xi32>
      %add3A_2022 = arith.addi %broadcast_in_dim3A_2021, %iota3A : vector<16xi32>
      %and3A_2023 = arith.constant 127 : i32
      %and3A_2024 = vector.broadcast %and3A_2023 : i32 to vector<16xi32>
      %and3A_2025 = arith.andi %add3A_2022, %and3A_2024 : vector<16xi32>
      %gather3A_2026 = tpu.vector_load_idx %arg11[%add3A_66, %and3A_2025] : memref<128x128xf32, #tpu.memory_space<vmem>>[vector<16xi32>, vector<16xi32>], vector<16xf32>,
      %mul3A_2027 = arith.mulf %gather3A_2026, %mul3A_1683 : vector<16xf32>
      tpu.vector_store_idx %arg12[%add3A_66, %and3A_2025], %mul3A_2027 : memref<128x128xf32, #tpu.memory_space<vmem>>[vector<16xi32>, vector<16xi32>], vector<16xf32>,
      %broadcast_in_dim3A_2028 = arith.constant 43 : i32
      %broadcast_in_dim3A_2029 = vector.broadcast %broadcast_in_dim3A_2028 : i32 to vector<16xi32>
      %add3A_2030 = arith.addi %broadcast_in_dim3A_2029, %iota3A : vector<16xi32>
      %and3A_2031 = arith.constant 127 : i32
      %and3A_2032 = vector.broadcast %and3A_2031 : i32 to vector<16xi32>
      %and3A_2033 = arith.andi %add3A_2030, %and3A_2032 : vector<16xi32>
      %gather3A_2034 = tpu.vector_load_idx %arg11[%add3A_66, %and3A_2033] : memref<128x128xf32, #tpu.memory_space<vmem>>[vector<16xi32>, vector<16xi32>], vector<16xf32>,
      %mul3A_2035 = arith.mulf %gather3A_2034, %mul3A_1683 : vector<16xf32>
      tpu.vector_store_idx %arg12[%add3A_66, %and3A_2033], %mul3A_2035 : memref<128x128xf32, #tpu.memory_space<vmem>>[vector<16xi32>, vector<16xi32>], vector<16xf32>,
      %broadcast_in_dim3A_2036 = arith.constant 44 : i32
      %broadcast_in_dim3A_2037 = vector.broadcast %broadcast_in_dim3A_2036 : i32 to vector<16xi32>
      %add3A_2038 = arith.addi %broadcast_in_dim3A_2037, %iota3A : vector<16xi32>
      %and3A_2039 = arith.constant 127 : i32
      %and3A_2040 = vector.broadcast %and3A_2039 : i32 to vector<16xi32>
      %and3A_2041 = arith.andi %add3A_2038, %and3A_2040 : vector<16xi32>
      %gather3A_2042 = tpu.vector_load_idx %arg11[%add3A_66, %and3A_2041] : memref<128x128xf32, #tpu.memory_space<vmem>>[vector<16xi32>, vector<16xi32>], vector<16xf32>,
      %mul3A_2043 = arith.mulf %gather3A_2042, %mul3A_1683 : vector<16xf32>
      tpu.vector_store_idx %arg12[%add3A_66, %and3A_2041], %mul3A_2043 : memref<128x128xf32, #tpu.memory_space<vmem>>[vector<16xi32>, vector<16xi32>], vector<16xf32>,
      %broadcast_in_dim3A_2044 = arith.constant 45 : i32
      %broadcast_in_dim3A_2045 = vector.broadcast %broadcast_in_dim3A_2044 : i32 to vector<16xi32>
      %add3A_2046 = arith.addi %broadcast_in_dim3A_2045, %iota3A : vector<16xi32>
      %and3A_2047 = arith.constant 127 : i32
      %and3A_2048 = vector.broadcast %and3A_2047 : i32 to vector<16xi32>
      %and3A_2049 = arith.andi %add3A_2046, %and3A_2048 : vector<16xi32>
      %gather3A_2050 = tpu.vector_load_idx %arg11[%add3A_66, %and3A_2049] : memref<128x128xf32, #tpu.memory_space<vmem>>[vector<16xi32>, vector<16xi32>], vector<16xf32>,
      %mul3A_2051 = arith.mulf %gather3A_2050, %mul3A_1683 : vector<16xf32>
      tpu.vector_store_idx %arg12[%add3A_66, %and3A_2049], %mul3A_2051 : memref<128x128xf32, #tpu.memory_space<vmem>>[vector<16xi32>, vector<16xi32>], vector<16xf32>,
      %broadcast_in_dim3A_2052 = arith.constant 46 : i32
      %broadcast_in_dim3A_2053 = vector.broadcast %broadcast_in_dim3A_2052 : i32 to vector<16xi32>
      %add3A_2054 = arith.addi %broadcast_in_dim3A_2053, %iota3A : vector<16xi32>
      %and3A_2055 = arith.constant 127 : i32
      %and3A_2056 = vector.broadcast %and3A_2055 : i32 to vector<16xi32>
      %and3A_2057 = arith.andi %add3A_2054, %and3A_2056 : vector<16xi32>
      %gather3A_2058 = tpu.vector_load_idx %arg11[%add3A_66, %and3A_2057] : memref<128x128xf32, #tpu.memory_space<vmem>>[vector<16xi32>, vector<16xi32>], vector<16xf32>,
      %mul3A_2059 = arith.mulf %gather3A_2058, %mul3A_1683 : vector<16xf32>
      tpu.vector_store_idx %arg12[%add3A_66, %and3A_2057], %mul3A_2059 : memref<128x128xf32, #tpu.memory_space<vmem>>[vector<16xi32>, vector<16xi32>], vector<16xf32>,
      %broadcast_in_dim3A_2060 = arith.constant 47 : i32
      %broadcast_in_dim3A_2061 = vector.broadcast %broadcast_in_dim3A_2060 : i32 to vector<16xi32>
      %add3A_2062 = arith.addi %broadcast_in_dim3A_2061, %iota3A : vector<16xi32>
      %and3A_2063 = arith.constant 127 : i32
      %and3A_2064 = vector.broadcast %and3A_2063 : i32 to vector<16xi32>
      %and3A_2065 = arith.andi %add3A_2062, %and3A_2064 : vector<16xi32>
      %gather3A_2066 = tpu.vector_load_idx %arg11[%add3A_66, %and3A_2065] : memref<128x128xf32, #tpu.memory_space<vmem>>[vector<16xi32>, vector<16xi32>], vector<16xf32>,
      %mul3A_2067 = arith.mulf %gather3A_2066, %mul3A_1683 : vector<16xf32>
      tpu.vector_store_idx %arg12[%add3A_66, %and3A_2065], %mul3A_2067 : memref<128x128xf32, #tpu.memory_space<vmem>>[vector<16xi32>, vector<16xi32>], vector<16xf32>,
      %broadcast_in_dim3A_2068 = arith.constant 48 : i32
      %broadcast_in_dim3A_2069 = vector.broadcast %broadcast_in_dim3A_2068 : i32 to vector<16xi32>
      %add3A_2070 = arith.addi %broadcast_in_dim3A_2069, %iota3A : vector<16xi32>
      %and3A_2071 = arith.constant 127 : i32
      %and3A_2072 = vector.broadcast %and3A_2071 : i32 to vector<16xi32>
      %and3A_2073 = arith.andi %add3A_2070, %and3A_2072 : vector<16xi32>
      %gather3A_2074 = tpu.vector_load_idx %arg11[%add3A_66, %and3A_2073] : memref<128x128xf32, #tpu.memory_space<vmem>>[vector<16xi32>, vector<16xi32>], vector<16xf32>,
      %mul3A_2075 = arith.mulf %gather3A_2074, %mul3A_1683 : vector<16xf32>
      tpu.vector_store_idx %arg12[%add3A_66, %and3A_2073], %mul3A_2075 : memref<128x128xf32, #tpu.memory_space<vmem>>[vector<16xi32>, vector<16xi32>], vector<16xf32>,
      %broadcast_in_dim3A_2076 = arith.constant 49 : i32
      %broadcast_in_dim3A_2077 = vector.broadcast %broadcast_in_dim3A_2076 : i32 to vector<16xi32>
      %add3A_2078 = arith.addi %broadcast_in_dim3A_2077, %iota3A : vector<16xi32>
      %and3A_2079 = arith.constant 127 : i32
      %and3A_2080 = vector.broadcast %and3A_2079 : i32 to vector<16xi32>
      %and3A_2081 = arith.andi %add3A_2078, %and3A_2080 : vector<16xi32>
      %gather3A_2082 = tpu.vector_load_idx %arg11[%add3A_66, %and3A_2081] : memref<128x128xf32, #tpu.memory_space<vmem>>[vector<16xi32>, vector<16xi32>], vector<16xf32>,
      %mul3A_2083 = arith.mulf %gather3A_2082, %mul3A_1683 : vector<16xf32>
      tpu.vector_store_idx %arg12[%add3A_66, %and3A_2081], %mul3A_2083 : memref<128x128xf32, #tpu.memory_space<vmem>>[vector<16xi32>, vector<16xi32>], vector<16xf32>,
      %broadcast_in_dim3A_2084 = arith.constant 50 : i32
      %broadcast_in_dim3A_2085 = vector.broadcast %broadcast_in_dim3A_2084 : i32 to vector<16xi32>
      %add3A_2086 = arith.addi %broadcast_in_dim3A_2085, %iota3A : vector<16xi32>
      %and3A_2087 = arith.constant 127 : i32
      %and3A_2088 = vector.broadcast %and3A_2087 : i32 to vector<16xi32>
      %and3A_2089 = arith.andi %add3A_2086, %and3A_2088 : vector<16xi32>
      %gather3A_2090 = tpu.vector_load_idx %arg11[%add3A_66, %and3A_2089] : memref<128x128xf32, #tpu.memory_space<vmem>>[vector<16xi32>, vector<16xi32>], vector<16xf32>,
      %mul3A_2091 = arith.mulf %gather3A_2090, %mul3A_1683 : vector<16xf32>
      tpu.vector_store_idx %arg12[%add3A_66, %and3A_2089], %mul3A_2091 : memref<128x128xf32, #tpu.memory_space<vmem>>[vector<16xi32>, vector<16xi32>], vector<16xf32>,
      %broadcast_in_dim3A_2092 = arith.constant 51 : i32
      %broadcast_in_dim3A_2093 = vector.broadcast %broadcast_in_dim3A_2092 : i32 to vector<16xi32>
      %add3A_2094 = arith.addi %broadcast_in_dim3A_2093, %iota3A : vector<16xi32>
      %and3A_2095 = arith.constant 127 : i32
      %and3A_2096 = vector.broadcast %and3A_2095 : i32 to vector<16xi32>
      %and3A_2097 = arith.andi %add3A_2094, %and3A_2096 : vector<16xi32>
      %gather3A_2098 = tpu.vector_load_idx %arg11[%add3A_66, %and3A_2097] : memref<128x128xf32, #tpu.memory_space<vmem>>[vector<16xi32>, vector<16xi32>], vector<16xf32>,
      %mul3A_2099 = arith.mulf %gather3A_2098, %mul3A_1683 : vector<16xf32>
      tpu.vector_store_idx %arg12[%add3A_66, %and3A_2097], %mul3A_2099 : memref<128x128xf32, #tpu.memory_space<vmem>>[vector<16xi32>, vector<16xi32>], vector<16xf32>,
      %broadcast_in_dim3A_2100 = arith.constant 52 : i32
      %broadcast_in_dim3A_2101 = vector.broadcast %broadcast_in_dim3A_2100 : i32 to vector<16xi32>
      %add3A_2102 = arith.addi %broadcast_in_dim3A_2101, %iota3A : vector<16xi32>
      %and3A_2103 = arith.constant 127 : i32
      %and3A_2104 = vector.broadcast %and3A_2103 : i32 to vector<16xi32>
      %and3A_2105 = arith.andi %add3A_2102, %and3A_2104 : vector<16xi32>
      %gather3A_2106 = tpu.vector_load_idx %arg11[%add3A_66, %and3A_2105] : memref<128x128xf32, #tpu.memory_space<vmem>>[vector<16xi32>, vector<16xi32>], vector<16xf32>,
      %mul3A_2107 = arith.mulf %gather3A_2106, %mul3A_1683 : vector<16xf32>
      tpu.vector_store_idx %arg12[%add3A_66, %and3A_2105], %mul3A_2107 : memref<128x128xf32, #tpu.memory_space<vmem>>[vector<16xi32>, vector<16xi32>], vector<16xf32>,
      %broadcast_in_dim3A_2108 = arith.constant 53 : i32
      %broadcast_in_dim3A_2109 = vector.broadcast %broadcast_in_dim3A_2108 : i32 to vector<16xi32>
      %add3A_2110 = arith.addi %broadcast_in_dim3A_2109, %iota3A : vector<16xi32>
      %and3A_2111 = arith.constant 127 : i32
      %and3A_2112 = vector.broadcast %and3A_2111 : i32 to vector<16xi32>
      %and3A_2113 = arith.andi %add3A_2110, %and3A_2112 : vector<16xi32>
      %gather3A_2114 = tpu.vector_load_idx %arg11[%add3A_66, %and3A_2113] : memref<128x128xf32, #tpu.memory_space<vmem>>[vector<16xi32>, vector<16xi32>], vector<16xf32>,
      %mul3A_2115 = arith.mulf %gather3A_2114, %mul3A_1683 : vector<16xf32>
      tpu.vector_store_idx %arg12[%add3A_66, %and3A_2113], %mul3A_2115 : memref<128x128xf32, #tpu.memory_space<vmem>>[vector<16xi32>, vector<16xi32>], vector<16xf32>,
      %broadcast_in_dim3A_2116 = arith.constant 54 : i32
      %broadcast_in_dim3A_2117 = vector.broadcast %broadcast_in_dim3A_2116 : i32 to vector<16xi32>
      %add3A_2118 = arith.addi %broadcast_in_dim3A_2117, %iota3A : vector<16xi32>
      %and3A_2119 = arith.constant 127 : i32
      %and3A_2120 = vector.broadcast %and3A_2119 : i32 to vector<16xi32>
      %and3A_2121 = arith.andi %add3A_2118, %and3A_2120 : vector<16xi32>
      %gather3A_2122 = tpu.vector_load_idx %arg11[%add3A_66, %and3A_2121] : memref<128x128xf32, #tpu.memory_space<vmem>>[vector<16xi32>, vector<16xi32>], vector<16xf32>,
      %mul3A_2123 = arith.mulf %gather3A_2122, %mul3A_1683 : vector<16xf32>
      tpu.vector_store_idx %arg12[%add3A_66, %and3A_2121], %mul3A_2123 : memref<128x128xf32, #tpu.memory_space<vmem>>[vector<16xi32>, vector<16xi32>], vector<16xf32>,
      %broadcast_in_dim3A_2124 = arith.constant 55 : i32
      %broadcast_in_dim3A_2125 = vector.broadcast %broadcast_in_dim3A_2124 : i32 to vector<16xi32>
      %add3A_2126 = arith.addi %broadcast_in_dim3A_2125, %iota3A : vector<16xi32>
      %and3A_2127 = arith.constant 127 : i32
      %and3A_2128 = vector.broadcast %and3A_2127 : i32 to vector<16xi32>
      %and3A_2129 = arith.andi %add3A_2126, %and3A_2128 : vector<16xi32>
      %gather3A_2130 = tpu.vector_load_idx %arg11[%add3A_66, %and3A_2129] : memref<128x128xf32, #tpu.memory_space<vmem>>[vector<16xi32>, vector<16xi32>], vector<16xf32>,
      %mul3A_2131 = arith.mulf %gather3A_2130, %mul3A_1683 : vector<16xf32>
      tpu.vector_store_idx %arg12[%add3A_66, %and3A_2129], %mul3A_2131 : memref<128x128xf32, #tpu.memory_space<vmem>>[vector<16xi32>, vector<16xi32>], vector<16xf32>,
      %broadcast_in_dim3A_2132 = arith.constant 56 : i32
      %broadcast_in_dim3A_2133 = vector.broadcast %broadcast_in_dim3A_2132 : i32 to vector<16xi32>
      %add3A_2134 = arith.addi %broadcast_in_dim3A_2133, %iota3A : vector<16xi32>
      %and3A_2135 = arith.constant 127 : i32
      %and3A_2136 = vector.broadcast %and3A_2135 : i32 to vector<16xi32>
      %and3A_2137 = arith.andi %add3A_2134, %and3A_2136 : vector<16xi32>
      %gather3A_2138 = tpu.vector_load_idx %arg11[%add3A_66, %and3A_2137] : memref<128x128xf32, #tpu.memory_space<vmem>>[vector<16xi32>, vector<16xi32>], vector<16xf32>,
      %mul3A_2139 = arith.mulf %gather3A_2138, %mul3A_1683 : vector<16xf32>
      tpu.vector_store_idx %arg12[%add3A_66, %and3A_2137], %mul3A_2139 : memref<128x128xf32, #tpu.memory_space<vmem>>[vector<16xi32>, vector<16xi32>], vector<16xf32>,
      %broadcast_in_dim3A_2140 = arith.constant 57 : i32
      %broadcast_in_dim3A_2141 = vector.broadcast %broadcast_in_dim3A_2140 : i32 to vector<16xi32>
      %add3A_2142 = arith.addi %broadcast_in_dim3A_2141, %iota3A : vector<16xi32>
      %and3A_2143 = arith.constant 127 : i32
      %and3A_2144 = vector.broadcast %and3A_2143 : i32 to vector<16xi32>
      %and3A_2145 = arith.andi %add3A_2142, %and3A_2144 : vector<16xi32>
      %gather3A_2146 = tpu.vector_load_idx %arg11[%add3A_66, %and3A_2145] : memref<128x128xf32, #tpu.memory_space<vmem>>[vector<16xi32>, vector<16xi32>], vector<16xf32>,
      %mul3A_2147 = arith.mulf %gather3A_2146, %mul3A_1683 : vector<16xf32>
      tpu.vector_store_idx %arg12[%add3A_66, %and3A_2145], %mul3A_2147 : memref<128x128xf32, #tpu.memory_space<vmem>>[vector<16xi32>, vector<16xi32>], vector<16xf32>,
      %broadcast_in_dim3A_2148 = arith.constant 58 : i32
      %broadcast_in_dim3A_2149 = vector.broadcast %broadcast_in_dim3A_2148 : i32 to vector<16xi32>
      %add3A_2150 = arith.addi %broadcast_in_dim3A_2149, %iota3A : vector<16xi32>
      %and3A_2151 = arith.constant 127 : i32
      %and3A_2152 = vector.broadcast %and3A_2151 : i32 to vector<16xi32>
      %and3A_2153 = arith.andi %add3A_2150, %and3A_2152 : vector<16xi32>
      %gather3A_2154 = tpu.vector_load_idx %arg11[%add3A_66, %and3A_2153] : memref<128x128xf32, #tpu.memory_space<vmem>>[vector<16xi32>, vector<16xi32>], vector<16xf32>,
      %mul3A_2155 = arith.mulf %gather3A_2154, %mul3A_1683 : vector<16xf32>
      tpu.vector_store_idx %arg12[%add3A_66, %and3A_2153], %mul3A_2155 : memref<128x128xf32, #tpu.memory_space<vmem>>[vector<16xi32>, vector<16xi32>], vector<16xf32>,
      %broadcast_in_dim3A_2156 = arith.constant 59 : i32
      %broadcast_in_dim3A_2157 = vector.broadcast %broadcast_in_dim3A_2156 : i32 to vector<16xi32>
      %add3A_2158 = arith.addi %broadcast_in_dim3A_2157, %iota3A : vector<16xi32>
      %and3A_2159 = arith.constant 127 : i32
      %and3A_2160 = vector.broadcast %and3A_2159 : i32 to vector<16xi32>
      %and3A_2161 = arith.andi %add3A_2158, %and3A_2160 : vector<16xi32>
      %gather3A_2162 = tpu.vector_load_idx %arg11[%add3A_66, %and3A_2161] : memref<128x128xf32, #tpu.memory_space<vmem>>[vector<16xi32>, vector<16xi32>], vector<16xf32>,
      %mul3A_2163 = arith.mulf %gather3A_2162, %mul3A_1683 : vector<16xf32>
      tpu.vector_store_idx %arg12[%add3A_66, %and3A_2161], %mul3A_2163 : memref<128x128xf32, #tpu.memory_space<vmem>>[vector<16xi32>, vector<16xi32>], vector<16xf32>,
      %broadcast_in_dim3A_2164 = arith.constant 60 : i32
      %broadcast_in_dim3A_2165 = vector.broadcast %broadcast_in_dim3A_2164 : i32 to vector<16xi32>
      %add3A_2166 = arith.addi %broadcast_in_dim3A_2165, %iota3A : vector<16xi32>
      %and3A_2167 = arith.constant 127 : i32
      %and3A_2168 = vector.broadcast %and3A_2167 : i32 to vector<16xi32>
      %and3A_2169 = arith.andi %add3A_2166, %and3A_2168 : vector<16xi32>
      %gather3A_2170 = tpu.vector_load_idx %arg11[%add3A_66, %and3A_2169] : memref<128x128xf32, #tpu.memory_space<vmem>>[vector<16xi32>, vector<16xi32>], vector<16xf32>,
      %mul3A_2171 = arith.mulf %gather3A_2170, %mul3A_1683 : vector<16xf32>
      tpu.vector_store_idx %arg12[%add3A_66, %and3A_2169], %mul3A_2171 : memref<128x128xf32, #tpu.memory_space<vmem>>[vector<16xi32>, vector<16xi32>], vector<16xf32>,
      %broadcast_in_dim3A_2172 = arith.constant 61 : i32
      %broadcast_in_dim3A_2173 = vector.broadcast %broadcast_in_dim3A_2172 : i32 to vector<16xi32>
      %add3A_2174 = arith.addi %broadcast_in_dim3A_2173, %iota3A : vector<16xi32>
      %and3A_2175 = arith.constant 127 : i32
      %and3A_2176 = vector.broadcast %and3A_2175 : i32 to vector<16xi32>
      %and3A_2177 = arith.andi %add3A_2174, %and3A_2176 : vector<16xi32>
      %gather3A_2178 = tpu.vector_load_idx %arg11[%add3A_66, %and3A_2177] : memref<128x128xf32, #tpu.memory_space<vmem>>[vector<16xi32>, vector<16xi32>], vector<16xf32>,
      %mul3A_2179 = arith.mulf %gather3A_2178, %mul3A_1683 : vector<16xf32>
      tpu.vector_store_idx %arg12[%add3A_66, %and3A_2177], %mul3A_2179 : memref<128x128xf32, #tpu.memory_space<vmem>>[vector<16xi32>, vector<16xi32>], vector<16xf32>,
      %broadcast_in_dim3A_2180 = arith.constant 62 : i32
      %broadcast_in_dim3A_2181 = vector.broadcast %broadcast_in_dim3A_2180 : i32 to vector<16xi32>
      %add3A_2182 = arith.addi %broadcast_in_dim3A_2181, %iota3A : vector<16xi32>
      %and3A_2183 = arith.constant 127 : i32
      %and3A_2184 = vector.broadcast %and3A_2183 : i32 to vector<16xi32>
      %and3A_2185 = arith.andi %add3A_2182, %and3A_2184 : vector<16xi32>
      %gather3A_2186 = tpu.vector_load_idx %arg11[%add3A_66, %and3A_2185] : memref<128x128xf32, #tpu.memory_space<vmem>>[vector<16xi32>, vector<16xi32>], vector<16xf32>,
      %mul3A_2187 = arith.mulf %gather3A_2186, %mul3A_1683 : vector<16xf32>
      tpu.vector_store_idx %arg12[%add3A_66, %and3A_2185], %mul3A_2187 : memref<128x128xf32, #tpu.memory_space<vmem>>[vector<16xi32>, vector<16xi32>], vector<16xf32>,
      %broadcast_in_dim3A_2188 = arith.constant 63 : i32
      %broadcast_in_dim3A_2189 = vector.broadcast %broadcast_in_dim3A_2188 : i32 to vector<16xi32>
      %add3A_2190 = arith.addi %broadcast_in_dim3A_2189, %iota3A : vector<16xi32>
      %and3A_2191 = arith.constant 127 : i32
      %and3A_2192 = vector.broadcast %and3A_2191 : i32 to vector<16xi32>
      %and3A_2193 = arith.andi %add3A_2190, %and3A_2192 : vector<16xi32>
      %gather3A_2194 = tpu.vector_load_idx %arg11[%add3A_66, %and3A_2193] : memref<128x128xf32, #tpu.memory_space<vmem>>[vector<16xi32>, vector<16xi32>], vector<16xf32>,
      %mul3A_2195 = arith.mulf %gather3A_2194, %mul3A_1683 : vector<16xf32>
      tpu.vector_store_idx %arg12[%add3A_66, %and3A_2193], %mul3A_2195 : memref<128x128xf32, #tpu.memory_space<vmem>>[vector<16xi32>, vector<16xi32>], vector<16xf32>,
      %broadcast_in_dim3A_2196 = arith.constant 64 : i32
      %broadcast_in_dim3A_2197 = vector.broadcast %broadcast_in_dim3A_2196 : i32 to vector<16xi32>
      %add3A_2198 = arith.addi %broadcast_in_dim3A_2197, %iota3A : vector<16xi32>
      %and3A_2199 = arith.constant 127 : i32
      %and3A_2200 = vector.broadcast %and3A_2199 : i32 to vector<16xi32>
      %and3A_2201 = arith.andi %add3A_2198, %and3A_2200 : vector<16xi32>
      %gather3A_2202 = tpu.vector_load_idx %arg11[%add3A_66, %and3A_2201] : memref<128x128xf32, #tpu.memory_space<vmem>>[vector<16xi32>, vector<16xi32>], vector<16xf32>,
      %mul3A_2203 = arith.mulf %gather3A_2202, %mul3A_1683 : vector<16xf32>
      tpu.vector_store_idx %arg12[%add3A_66, %and3A_2201], %mul3A_2203 : memref<128x128xf32, #tpu.memory_space<vmem>>[vector<16xi32>, vector<16xi32>], vector<16xf32>,
      %broadcast_in_dim3A_2204 = arith.constant 65 : i32
      %broadcast_in_dim3A_2205 = vector.broadcast %broadcast_in_dim3A_2204 : i32 to vector<16xi32>
      %add3A_2206 = arith.addi %broadcast_in_dim3A_2205, %iota3A : vector<16xi32>
      %and3A_2207 = arith.constant 127 : i32
      %and3A_2208 = vector.broadcast %and3A_2207 : i32 to vector<16xi32>
      %and3A_2209 = arith.andi %add3A_2206, %and3A_2208 : vector<16xi32>
      %gather3A_2210 = tpu.vector_load_idx %arg11[%add3A_66, %and3A_2209] : memref<128x128xf32, #tpu.memory_space<vmem>>[vector<16xi32>, vector<16xi32>], vector<16xf32>,
      %mul3A_2211 = arith.mulf %gather3A_2210, %mul3A_1683 : vector<16xf32>
      tpu.vector_store_idx %arg12[%add3A_66, %and3A_2209], %mul3A_2211 : memref<128x128xf32, #tpu.memory_space<vmem>>[vector<16xi32>, vector<16xi32>], vector<16xf32>,
      %broadcast_in_dim3A_2212 = arith.constant 66 : i32
      %broadcast_in_dim3A_2213 = vector.broadcast %broadcast_in_dim3A_2212 : i32 to vector<16xi32>
      %add3A_2214 = arith.addi %broadcast_in_dim3A_2213, %iota3A : vector<16xi32>
      %and3A_2215 = arith.constant 127 : i32
      %and3A_2216 = vector.broadcast %and3A_2215 : i32 to vector<16xi32>
      %and3A_2217 = arith.andi %add3A_2214, %and3A_2216 : vector<16xi32>
      %gather3A_2218 = tpu.vector_load_idx %arg11[%add3A_66, %and3A_2217] : memref<128x128xf32, #tpu.memory_space<vmem>>[vector<16xi32>, vector<16xi32>], vector<16xf32>,
      %mul3A_2219 = arith.mulf %gather3A_2218, %mul3A_1683 : vector<16xf32>
      tpu.vector_store_idx %arg12[%add3A_66, %and3A_2217], %mul3A_2219 : memref<128x128xf32, #tpu.memory_space<vmem>>[vector<16xi32>, vector<16xi32>], vector<16xf32>,
      %broadcast_in_dim3A_2220 = arith.constant 67 : i32
      %broadcast_in_dim3A_2221 = vector.broadcast %broadcast_in_dim3A_2220 : i32 to vector<16xi32>
      %add3A_2222 = arith.addi %broadcast_in_dim3A_2221, %iota3A : vector<16xi32>
      %and3A_2223 = arith.constant 127 : i32
      %and3A_2224 = vector.broadcast %and3A_2223 : i32 to vector<16xi32>
      %and3A_2225 = arith.andi %add3A_2222, %and3A_2224 : vector<16xi32>
      %gather3A_2226 = tpu.vector_load_idx %arg11[%add3A_66, %and3A_2225] : memref<128x128xf32, #tpu.memory_space<vmem>>[vector<16xi32>, vector<16xi32>], vector<16xf32>,
      %mul3A_2227 = arith.mulf %gather3A_2226, %mul3A_1683 : vector<16xf32>
      tpu.vector_store_idx %arg12[%add3A_66, %and3A_2225], %mul3A_2227 : memref<128x128xf32, #tpu.memory_space<vmem>>[vector<16xi32>, vector<16xi32>], vector<16xf32>,
      %broadcast_in_dim3A_2228 = arith.constant 68 : i32
      %broadcast_in_dim3A_2229 = vector.broadcast %broadcast_in_dim3A_2228 : i32 to vector<16xi32>
      %add3A_2230 = arith.addi %broadcast_in_dim3A_2229, %iota3A : vector<16xi32>
      %and3A_2231 = arith.constant 127 : i32
      %and3A_2232 = vector.broadcast %and3A_2231 : i32 to vector<16xi32>
      %and3A_2233 = arith.andi %add3A_2230, %and3A_2232 : vector<16xi32>
      %gather3A_2234 = tpu.vector_load_idx %arg11[%add3A_66, %and3A_2233] : memref<128x128xf32, #tpu.memory_space<vmem>>[vector<16xi32>, vector<16xi32>], vector<16xf32>,
      %mul3A_2235 = arith.mulf %gather3A_2234, %mul3A_1683 : vector<16xf32>
      tpu.vector_store_idx %arg12[%add3A_66, %and3A_2233], %mul3A_2235 : memref<128x128xf32, #tpu.memory_space<vmem>>[vector<16xi32>, vector<16xi32>], vector<16xf32>,
      %broadcast_in_dim3A_2236 = arith.constant 69 : i32
      %broadcast_in_dim3A_2237 = vector.broadcast %broadcast_in_dim3A_2236 : i32 to vector<16xi32>
      %add3A_2238 = arith.addi %broadcast_in_dim3A_2237, %iota3A : vector<16xi32>
      %and3A_2239 = arith.constant 127 : i32
      %and3A_2240 = vector.broadcast %and3A_2239 : i32 to vector<16xi32>
      %and3A_2241 = arith.andi %add3A_2238, %and3A_2240 : vector<16xi32>
      %gather3A_2242 = tpu.vector_load_idx %arg11[%add3A_66, %and3A_2241] : memref<128x128xf32, #tpu.memory_space<vmem>>[vector<16xi32>, vector<16xi32>], vector<16xf32>,
      %mul3A_2243 = arith.mulf %gather3A_2242, %mul3A_1683 : vector<16xf32>
      tpu.vector_store_idx %arg12[%add3A_66, %and3A_2241], %mul3A_2243 : memref<128x128xf32, #tpu.memory_space<vmem>>[vector<16xi32>, vector<16xi32>], vector<16xf32>,
      %broadcast_in_dim3A_2244 = arith.constant 70 : i32
      %broadcast_in_dim3A_2245 = vector.broadcast %broadcast_in_dim3A_2244 : i32 to vector<16xi32>
      %add3A_2246 = arith.addi %broadcast_in_dim3A_2245, %iota3A : vector<16xi32>
      %and3A_2247 = arith.constant 127 : i32
      %and3A_2248 = vector.broadcast %and3A_2247 : i32 to vector<16xi32>
      %and3A_2249 = arith.andi %add3A_2246, %and3A_2248 : vector<16xi32>
      %gather3A_2250 = tpu.vector_load_idx %arg11[%add3A_66, %and3A_2249] : memref<128x128xf32, #tpu.memory_space<vmem>>[vector<16xi32>, vector<16xi32>], vector<16xf32>,
      %mul3A_2251 = arith.mulf %gather3A_2250, %mul3A_1683 : vector<16xf32>
      tpu.vector_store_idx %arg12[%add3A_66, %and3A_2249], %mul3A_2251 : memref<128x128xf32, #tpu.memory_space<vmem>>[vector<16xi32>, vector<16xi32>], vector<16xf32>,
      %broadcast_in_dim3A_2252 = arith.constant 71 : i32
      %broadcast_in_dim3A_2253 = vector.broadcast %broadcast_in_dim3A_2252 : i32 to vector<16xi32>
      %add3A_2254 = arith.addi %broadcast_in_dim3A_2253, %iota3A : vector<16xi32>
      %and3A_2255 = arith.constant 127 : i32
      %and3A_2256 = vector.broadcast %and3A_2255 : i32 to vector<16xi32>
      %and3A_2257 = arith.andi %add3A_2254, %and3A_2256 : vector<16xi32>
      %gather3A_2258 = tpu.vector_load_idx %arg11[%add3A_66, %and3A_2257] : memref<128x128xf32, #tpu.memory_space<vmem>>[vector<16xi32>, vector<16xi32>], vector<16xf32>,
      %mul3A_2259 = arith.mulf %gather3A_2258, %mul3A_1683 : vector<16xf32>
      tpu.vector_store_idx %arg12[%add3A_66, %and3A_2257], %mul3A_2259 : memref<128x128xf32, #tpu.memory_space<vmem>>[vector<16xi32>, vector<16xi32>], vector<16xf32>,
      %broadcast_in_dim3A_2260 = arith.constant 72 : i32
      %broadcast_in_dim3A_2261 = vector.broadcast %broadcast_in_dim3A_2260 : i32 to vector<16xi32>
      %add3A_2262 = arith.addi %broadcast_in_dim3A_2261, %iota3A : vector<16xi32>
      %and3A_2263 = arith.constant 127 : i32
      %and3A_2264 = vector.broadcast %and3A_2263 : i32 to vector<16xi32>
      %and3A_2265 = arith.andi %add3A_2262, %and3A_2264 : vector<16xi32>
      %gather3A_2266 = tpu.vector_load_idx %arg11[%add3A_66, %and3A_2265] : memref<128x128xf32, #tpu.memory_space<vmem>>[vector<16xi32>, vector<16xi32>], vector<16xf32>,
      %mul3A_2267 = arith.mulf %gather3A_2266, %mul3A_1683 : vector<16xf32>
      tpu.vector_store_idx %arg12[%add3A_66, %and3A_2265], %mul3A_2267 : memref<128x128xf32, #tpu.memory_space<vmem>>[vector<16xi32>, vector<16xi32>], vector<16xf32>,
      %broadcast_in_dim3A_2268 = arith.constant 73 : i32
      %broadcast_in_dim3A_2269 = vector.broadcast %broadcast_in_dim3A_2268 : i32 to vector<16xi32>
      %add3A_2270 = arith.addi %broadcast_in_dim3A_2269, %iota3A : vector<16xi32>
      %and3A_2271 = arith.constant 127 : i32
      %and3A_2272 = vector.broadcast %and3A_2271 : i32 to vector<16xi32>
      %and3A_2273 = arith.andi %add3A_2270, %and3A_2272 : vector<16xi32>
      %gather3A_2274 = tpu.vector_load_idx %arg11[%add3A_66, %and3A_2273] : memref<128x128xf32, #tpu.memory_space<vmem>>[vector<16xi32>, vector<16xi32>], vector<16xf32>,
      %mul3A_2275 = arith.mulf %gather3A_2274, %mul3A_1683 : vector<16xf32>
      tpu.vector_store_idx %arg12[%add3A_66, %and3A_2273], %mul3A_2275 : memref<128x128xf32, #tpu.memory_space<vmem>>[vector<16xi32>, vector<16xi32>], vector<16xf32>,
      %broadcast_in_dim3A_2276 = arith.constant 74 : i32
      %broadcast_in_dim3A_2277 = vector.broadcast %broadcast_in_dim3A_2276 : i32 to vector<16xi32>
      %add3A_2278 = arith.addi %broadcast_in_dim3A_2277, %iota3A : vector<16xi32>
      %and3A_2279 = arith.constant 127 : i32
      %and3A_2280 = vector.broadcast %and3A_2279 : i32 to vector<16xi32>
      %and3A_2281 = arith.andi %add3A_2278, %and3A_2280 : vector<16xi32>
      %gather3A_2282 = tpu.vector_load_idx %arg11[%add3A_66, %and3A_2281] : memref<128x128xf32, #tpu.memory_space<vmem>>[vector<16xi32>, vector<16xi32>], vector<16xf32>,
      %mul3A_2283 = arith.mulf %gather3A_2282, %mul3A_1683 : vector<16xf32>
      tpu.vector_store_idx %arg12[%add3A_66, %and3A_2281], %mul3A_2283 : memref<128x128xf32, #tpu.memory_space<vmem>>[vector<16xi32>, vector<16xi32>], vector<16xf32>,
      %broadcast_in_dim3A_2284 = arith.constant 75 : i32
      %broadcast_in_dim3A_2285 = vector.broadcast %broadcast_in_dim3A_2284 : i32 to vector<16xi32>
      %add3A_2286 = arith.addi %broadcast_in_dim3A_2285, %iota3A : vector<16xi32>
      %and3A_2287 = arith.constant 127 : i32
      %and3A_2288 = vector.broadcast %and3A_2287 : i32 to vector<16xi32>
      %and3A_2289 = arith.andi %add3A_2286, %and3A_2288 : vector<16xi32>
      %gather3A_2290 = tpu.vector_load_idx %arg11[%add3A_66, %and3A_2289] : memref<128x128xf32, #tpu.memory_space<vmem>>[vector<16xi32>, vector<16xi32>], vector<16xf32>,
      %mul3A_2291 = arith.mulf %gather3A_2290, %mul3A_1683 : vector<16xf32>
      tpu.vector_store_idx %arg12[%add3A_66, %and3A_2289], %mul3A_2291 : memref<128x128xf32, #tpu.memory_space<vmem>>[vector<16xi32>, vector<16xi32>], vector<16xf32>,
      %broadcast_in_dim3A_2292 = arith.constant 76 : i32
      %broadcast_in_dim3A_2293 = vector.broadcast %broadcast_in_dim3A_2292 : i32 to vector<16xi32>
      %add3A_2294 = arith.addi %broadcast_in_dim3A_2293, %iota3A : vector<16xi32>
      %and3A_2295 = arith.constant 127 : i32
      %and3A_2296 = vector.broadcast %and3A_2295 : i32 to vector<16xi32>
      %and3A_2297 = arith.andi %add3A_2294, %and3A_2296 : vector<16xi32>
      %gather3A_2298 = tpu.vector_load_idx %arg11[%add3A_66, %and3A_2297] : memref<128x128xf32, #tpu.memory_space<vmem>>[vector<16xi32>, vector<16xi32>], vector<16xf32>,
      %mul3A_2299 = arith.mulf %gather3A_2298, %mul3A_1683 : vector<16xf32>
      tpu.vector_store_idx %arg12[%add3A_66, %and3A_2297], %mul3A_2299 : memref<128x128xf32, #tpu.memory_space<vmem>>[vector<16xi32>, vector<16xi32>], vector<16xf32>,
      %broadcast_in_dim3A_2300 = arith.constant 77 : i32
      %broadcast_in_dim3A_2301 = vector.broadcast %broadcast_in_dim3A_2300 : i32 to vector<16xi32>
      %add3A_2302 = arith.addi %broadcast_in_dim3A_2301, %iota3A : vector<16xi32>
      %and3A_2303 = arith.constant 127 : i32
      %and3A_2304 = vector.broadcast %and3A_2303 : i32 to vector<16xi32>
      %and3A_2305 = arith.andi %add3A_2302, %and3A_2304 : vector<16xi32>
      %gather3A_2306 = tpu.vector_load_idx %arg11[%add3A_66, %and3A_2305] : memref<128x128xf32, #tpu.memory_space<vmem>>[vector<16xi32>, vector<16xi32>], vector<16xf32>,
      %mul3A_2307 = arith.mulf %gather3A_2306, %mul3A_1683 : vector<16xf32>
      tpu.vector_store_idx %arg12[%add3A_66, %and3A_2305], %mul3A_2307 : memref<128x128xf32, #tpu.memory_space<vmem>>[vector<16xi32>, vector<16xi32>], vector<16xf32>,
      %broadcast_in_dim3A_2308 = arith.constant 78 : i32
      %broadcast_in_dim3A_2309 = vector.broadcast %broadcast_in_dim3A_2308 : i32 to vector<16xi32>
      %add3A_2310 = arith.addi %broadcast_in_dim3A_2309, %iota3A : vector<16xi32>
      %and3A_2311 = arith.constant 127 : i32
      %and3A_2312 = vector.broadcast %and3A_2311 : i32 to vector<16xi32>
      %and3A_2313 = arith.andi %add3A_2310, %and3A_2312 : vector<16xi32>
      %gather3A_2314 = tpu.vector_load_idx %arg11[%add3A_66, %and3A_2313] : memref<128x128xf32, #tpu.memory_space<vmem>>[vector<16xi32>, vector<16xi32>], vector<16xf32>,
      %mul3A_2315 = arith.mulf %gather3A_2314, %mul3A_1683 : vector<16xf32>
      tpu.vector_store_idx %arg12[%add3A_66, %and3A_2313], %mul3A_2315 : memref<128x128xf32, #tpu.memory_space<vmem>>[vector<16xi32>, vector<16xi32>], vector<16xf32>,
      %broadcast_in_dim3A_2316 = arith.constant 79 : i32
      %broadcast_in_dim3A_2317 = vector.broadcast %broadcast_in_dim3A_2316 : i32 to vector<16xi32>
      %add3A_2318 = arith.addi %broadcast_in_dim3A_2317, %iota3A : vector<16xi32>
      %and3A_2319 = arith.constant 127 : i32
      %and3A_2320 = vector.broadcast %and3A_2319 : i32 to vector<16xi32>
      %and3A_2321 = arith.andi %add3A_2318, %and3A_2320 : vector<16xi32>
      %gather3A_2322 = tpu.vector_load_idx %arg11[%add3A_66, %and3A_2321] : memref<128x128xf32, #tpu.memory_space<vmem>>[vector<16xi32>, vector<16xi32>], vector<16xf32>,
      %mul3A_2323 = arith.mulf %gather3A_2322, %mul3A_1683 : vector<16xf32>
      tpu.vector_store_idx %arg12[%add3A_66, %and3A_2321], %mul3A_2323 : memref<128x128xf32, #tpu.memory_space<vmem>>[vector<16xi32>, vector<16xi32>], vector<16xf32>,
      %broadcast_in_dim3A_2324 = arith.constant 80 : i32
      %broadcast_in_dim3A_2325 = vector.broadcast %broadcast_in_dim3A_2324 : i32 to vector<16xi32>
      %add3A_2326 = arith.addi %broadcast_in_dim3A_2325, %iota3A : vector<16xi32>
      %and3A_2327 = arith.constant 127 : i32
      %and3A_2328 = vector.broadcast %and3A_2327 : i32 to vector<16xi32>
      %and3A_2329 = arith.andi %add3A_2326, %and3A_2328 : vector<16xi32>
      %gather3A_2330 = tpu.vector_load_idx %arg11[%add3A_66, %and3A_2329] : memref<128x128xf32, #tpu.memory_space<vmem>>[vector<16xi32>, vector<16xi32>], vector<16xf32>,
      %mul3A_2331 = arith.mulf %gather3A_2330, %mul3A_1683 : vector<16xf32>
      tpu.vector_store_idx %arg12[%add3A_66, %and3A_2329], %mul3A_2331 : memref<128x128xf32, #tpu.memory_space<vmem>>[vector<16xi32>, vector<16xi32>], vector<16xf32>,
      %broadcast_in_dim3A_2332 = arith.constant 81 : i32
      %broadcast_in_dim3A_2333 = vector.broadcast %broadcast_in_dim3A_2332 : i32 to vector<16xi32>
      %add3A_2334 = arith.addi %broadcast_in_dim3A_2333, %iota3A : vector<16xi32>
      %and3A_2335 = arith.constant 127 : i32
      %and3A_2336 = vector.broadcast %and3A_2335 : i32 to vector<16xi32>
      %and3A_2337 = arith.andi %add3A_2334, %and3A_2336 : vector<16xi32>
      %gather3A_2338 = tpu.vector_load_idx %arg11[%add3A_66, %and3A_2337] : memref<128x128xf32, #tpu.memory_space<vmem>>[vector<16xi32>, vector<16xi32>], vector<16xf32>,
      %mul3A_2339 = arith.mulf %gather3A_2338, %mul3A_1683 : vector<16xf32>
      tpu.vector_store_idx %arg12[%add3A_66, %and3A_2337], %mul3A_2339 : memref<128x128xf32, #tpu.memory_space<vmem>>[vector<16xi32>, vector<16xi32>], vector<16xf32>,
      %broadcast_in_dim3A_2340 = arith.constant 82 : i32
      %broadcast_in_dim3A_2341 = vector.broadcast %broadcast_in_dim3A_2340 : i32 to vector<16xi32>
      %add3A_2342 = arith.addi %broadcast_in_dim3A_2341, %iota3A : vector<16xi32>
      %and3A_2343 = arith.constant 127 : i32
      %and3A_2344 = vector.broadcast %and3A_2343 : i32 to vector<16xi32>
      %and3A_2345 = arith.andi %add3A_2342, %and3A_2344 : vector<16xi32>
      %gather3A_2346 = tpu.vector_load_idx %arg11[%add3A_66, %and3A_2345] : memref<128x128xf32, #tpu.memory_space<vmem>>[vector<16xi32>, vector<16xi32>], vector<16xf32>,
      %mul3A_2347 = arith.mulf %gather3A_2346, %mul3A_1683 : vector<16xf32>
      tpu.vector_store_idx %arg12[%add3A_66, %and3A_2345], %mul3A_2347 : memref<128x128xf32, #tpu.memory_space<vmem>>[vector<16xi32>, vector<16xi32>], vector<16xf32>,
      %broadcast_in_dim3A_2348 = arith.constant 83 : i32
      %broadcast_in_dim3A_2349 = vector.broadcast %broadcast_in_dim3A_2348 : i32 to vector<16xi32>
      %add3A_2350 = arith.addi %broadcast_in_dim3A_2349, %iota3A : vector<16xi32>
      %and3A_2351 = arith.constant 127 : i32
      %and3A_2352 = vector.broadcast %and3A_2351 : i32 to vector<16xi32>
      %and3A_2353 = arith.andi %add3A_2350, %and3A_2352 : vector<16xi32>
      %gather3A_2354 = tpu.vector_load_idx %arg11[%add3A_66, %and3A_2353] : memref<128x128xf32, #tpu.memory_space<vmem>>[vector<16xi32>, vector<16xi32>], vector<16xf32>,
      %mul3A_2355 = arith.mulf %gather3A_2354, %mul3A_1683 : vector<16xf32>
      tpu.vector_store_idx %arg12[%add3A_66, %and3A_2353], %mul3A_2355 : memref<128x128xf32, #tpu.memory_space<vmem>>[vector<16xi32>, vector<16xi32>], vector<16xf32>,
      %broadcast_in_dim3A_2356 = arith.constant 84 : i32
      %broadcast_in_dim3A_2357 = vector.broadcast %broadcast_in_dim3A_2356 : i32 to vector<16xi32>
      %add3A_2358 = arith.addi %broadcast_in_dim3A_2357, %iota3A : vector<16xi32>
      %and3A_2359 = arith.constant 127 : i32
      %and3A_2360 = vector.broadcast %and3A_2359 : i32 to vector<16xi32>
      %and3A_2361 = arith.andi %add3A_2358, %and3A_2360 : vector<16xi32>
      %gather3A_2362 = tpu.vector_load_idx %arg11[%add3A_66, %and3A_2361] : memref<128x128xf32, #tpu.memory_space<vmem>>[vector<16xi32>, vector<16xi32>], vector<16xf32>,
      %mul3A_2363 = arith.mulf %gather3A_2362, %mul3A_1683 : vector<16xf32>
      tpu.vector_store_idx %arg12[%add3A_66, %and3A_2361], %mul3A_2363 : memref<128x128xf32, #tpu.memory_space<vmem>>[vector<16xi32>, vector<16xi32>], vector<16xf32>,
      %broadcast_in_dim3A_2364 = arith.constant 85 : i32
      %broadcast_in_dim3A_2365 = vector.broadcast %broadcast_in_dim3A_2364 : i32 to vector<16xi32>
      %add3A_2366 = arith.addi %broadcast_in_dim3A_2365, %iota3A : vector<16xi32>
      %and3A_2367 = arith.constant 127 : i32
      %and3A_2368 = vector.broadcast %and3A_2367 : i32 to vector<16xi32>
      %and3A_2369 = arith.andi %add3A_2366, %and3A_2368 : vector<16xi32>
      %gather3A_2370 = tpu.vector_load_idx %arg11[%add3A_66, %and3A_2369] : memref<128x128xf32, #tpu.memory_space<vmem>>[vector<16xi32>, vector<16xi32>], vector<16xf32>,
      %mul3A_2371 = arith.mulf %gather3A_2370, %mul3A_1683 : vector<16xf32>
      tpu.vector_store_idx %arg12[%add3A_66, %and3A_2369], %mul3A_2371 : memref<128x128xf32, #tpu.memory_space<vmem>>[vector<16xi32>, vector<16xi32>], vector<16xf32>,
      %broadcast_in_dim3A_2372 = arith.constant 86 : i32
      %broadcast_in_dim3A_2373 = vector.broadcast %broadcast_in_dim3A_2372 : i32 to vector<16xi32>
      %add3A_2374 = arith.addi %broadcast_in_dim3A_2373, %iota3A : vector<16xi32>
      %and3A_2375 = arith.constant 127 : i32
      %and3A_2376 = vector.broadcast %and3A_2375 : i32 to vector<16xi32>
      %and3A_2377 = arith.andi %add3A_2374, %and3A_2376 : vector<16xi32>
      %gather3A_2378 = tpu.vector_load_idx %arg11[%add3A_66, %and3A_2377] : memref<128x128xf32, #tpu.memory_space<vmem>>[vector<16xi32>, vector<16xi32>], vector<16xf32>,
      %mul3A_2379 = arith.mulf %gather3A_2378, %mul3A_1683 : vector<16xf32>
      tpu.vector_store_idx %arg12[%add3A_66, %and3A_2377], %mul3A_2379 : memref<128x128xf32, #tpu.memory_space<vmem>>[vector<16xi32>, vector<16xi32>], vector<16xf32>,
      %broadcast_in_dim3A_2380 = arith.constant 87 : i32
      %broadcast_in_dim3A_2381 = vector.broadcast %broadcast_in_dim3A_2380 : i32 to vector<16xi32>
      %add3A_2382 = arith.addi %broadcast_in_dim3A_2381, %iota3A : vector<16xi32>
      %and3A_2383 = arith.constant 127 : i32
      %and3A_2384 = vector.broadcast %and3A_2383 : i32 to vector<16xi32>
      %and3A_2385 = arith.andi %add3A_2382, %and3A_2384 : vector<16xi32>
      %gather3A_2386 = tpu.vector_load_idx %arg11[%add3A_66, %and3A_2385] : memref<128x128xf32, #tpu.memory_space<vmem>>[vector<16xi32>, vector<16xi32>], vector<16xf32>,
      %mul3A_2387 = arith.mulf %gather3A_2386, %mul3A_1683 : vector<16xf32>
      tpu.vector_store_idx %arg12[%add3A_66, %and3A_2385], %mul3A_2387 : memref<128x128xf32, #tpu.memory_space<vmem>>[vector<16xi32>, vector<16xi32>], vector<16xf32>,
      %broadcast_in_dim3A_2388 = arith.constant 88 : i32
      %broadcast_in_dim3A_2389 = vector.broadcast %broadcast_in_dim3A_2388 : i32 to vector<16xi32>
      %add3A_2390 = arith.addi %broadcast_in_dim3A_2389, %iota3A : vector<16xi32>
      %and3A_2391 = arith.constant 127 : i32
      %and3A_2392 = vector.broadcast %and3A_2391 : i32 to vector<16xi32>
      %and3A_2393 = arith.andi %add3A_2390, %and3A_2392 : vector<16xi32>
      %gather3A_2394 = tpu.vector_load_idx %arg11[%add3A_66, %and3A_2393] : memref<128x128xf32, #tpu.memory_space<vmem>>[vector<16xi32>, vector<16xi32>], vector<16xf32>,
      %mul3A_2395 = arith.mulf %gather3A_2394, %mul3A_1683 : vector<16xf32>
      tpu.vector_store_idx %arg12[%add3A_66, %and3A_2393], %mul3A_2395 : memref<128x128xf32, #tpu.memory_space<vmem>>[vector<16xi32>, vector<16xi32>], vector<16xf32>,
      %broadcast_in_dim3A_2396 = arith.constant 89 : i32
      %broadcast_in_dim3A_2397 = vector.broadcast %broadcast_in_dim3A_2396 : i32 to vector<16xi32>
      %add3A_2398 = arith.addi %broadcast_in_dim3A_2397, %iota3A : vector<16xi32>
      %and3A_2399 = arith.constant 127 : i32
      %and3A_2400 = vector.broadcast %and3A_2399 : i32 to vector<16xi32>
      %and3A_2401 = arith.andi %add3A_2398, %and3A_2400 : vector<16xi32>
      %gather3A_2402 = tpu.vector_load_idx %arg11[%add3A_66, %and3A_2401] : memref<128x128xf32, #tpu.memory_space<vmem>>[vector<16xi32>, vector<16xi32>], vector<16xf32>,
      %mul3A_2403 = arith.mulf %gather3A_2402, %mul3A_1683 : vector<16xf32>
      tpu.vector_store_idx %arg12[%add3A_66, %and3A_2401], %mul3A_2403 : memref<128x128xf32, #tpu.memory_space<vmem>>[vector<16xi32>, vector<16xi32>], vector<16xf32>,
      %broadcast_in_dim3A_2404 = arith.constant 90 : i32
      %broadcast_in_dim3A_2405 = vector.broadcast %broadcast_in_dim3A_2404 : i32 to vector<16xi32>
      %add3A_2406 = arith.addi %broadcast_in_dim3A_2405, %iota3A : vector<16xi32>
      %and3A_2407 = arith.constant 127 : i32
      %and3A_2408 = vector.broadcast %and3A_2407 : i32 to vector<16xi32>
      %and3A_2409 = arith.andi %add3A_2406, %and3A_2408 : vector<16xi32>
      %gather3A_2410 = tpu.vector_load_idx %arg11[%add3A_66, %and3A_2409] : memref<128x128xf32, #tpu.memory_space<vmem>>[vector<16xi32>, vector<16xi32>], vector<16xf32>,
      %mul3A_2411 = arith.mulf %gather3A_2410, %mul3A_1683 : vector<16xf32>
      tpu.vector_store_idx %arg12[%add3A_66, %and3A_2409], %mul3A_2411 : memref<128x128xf32, #tpu.memory_space<vmem>>[vector<16xi32>, vector<16xi32>], vector<16xf32>,
      %broadcast_in_dim3A_2412 = arith.constant 91 : i32
      %broadcast_in_dim3A_2413 = vector.broadcast %broadcast_in_dim3A_2412 : i32 to vector<16xi32>
      %add3A_2414 = arith.addi %broadcast_in_dim3A_2413, %iota3A : vector<16xi32>
      %and3A_2415 = arith.constant 127 : i32
      %and3A_2416 = vector.broadcast %and3A_2415 : i32 to vector<16xi32>
      %and3A_2417 = arith.andi %add3A_2414, %and3A_2416 : vector<16xi32>
      %gather3A_2418 = tpu.vector_load_idx %arg11[%add3A_66, %and3A_2417] : memref<128x128xf32, #tpu.memory_space<vmem>>[vector<16xi32>, vector<16xi32>], vector<16xf32>,
      %mul3A_2419 = arith.mulf %gather3A_2418, %mul3A_1683 : vector<16xf32>
      tpu.vector_store_idx %arg12[%add3A_66, %and3A_2417], %mul3A_2419 : memref<128x128xf32, #tpu.memory_space<vmem>>[vector<16xi32>, vector<16xi32>], vector<16xf32>,
      %broadcast_in_dim3A_2420 = arith.constant 92 : i32
      %broadcast_in_dim3A_2421 = vector.broadcast %broadcast_in_dim3A_2420 : i32 to vector<16xi32>
      %add3A_2422 = arith.addi %broadcast_in_dim3A_2421, %iota3A : vector<16xi32>
      %and3A_2423 = arith.constant 127 : i32
      %and3A_2424 = vector.broadcast %and3A_2423 : i32 to vector<16xi32>
      %and3A_2425 = arith.andi %add3A_2422, %and3A_2424 : vector<16xi32>
      %gather3A_2426 = tpu.vector_load_idx %arg11[%add3A_66, %and3A_2425] : memref<128x128xf32, #tpu.memory_space<vmem>>[vector<16xi32>, vector<16xi32>], vector<16xf32>,
      %mul3A_2427 = arith.mulf %gather3A_2426, %mul3A_1683 : vector<16xf32>
      tpu.vector_store_idx %arg12[%add3A_66, %and3A_2425], %mul3A_2427 : memref<128x128xf32, #tpu.memory_space<vmem>>[vector<16xi32>, vector<16xi32>], vector<16xf32>,
      %broadcast_in_dim3A_2428 = arith.constant 93 : i32
      %broadcast_in_dim3A_2429 = vector.broadcast %broadcast_in_dim3A_2428 : i32 to vector<16xi32>
      %add3A_2430 = arith.addi %broadcast_in_dim3A_2429, %iota3A : vector<16xi32>
      %and3A_2431 = arith.constant 127 : i32
      %and3A_2432 = vector.broadcast %and3A_2431 : i32 to vector<16xi32>
      %and3A_2433 = arith.andi %add3A_2430, %and3A_2432 : vector<16xi32>
      %gather3A_2434 = tpu.vector_load_idx %arg11[%add3A_66, %and3A_2433] : memref<128x128xf32, #tpu.memory_space<vmem>>[vector<16xi32>, vector<16xi32>], vector<16xf32>,
      %mul3A_2435 = arith.mulf %gather3A_2434, %mul3A_1683 : vector<16xf32>
      tpu.vector_store_idx %arg12[%add3A_66, %and3A_2433], %mul3A_2435 : memref<128x128xf32, #tpu.memory_space<vmem>>[vector<16xi32>, vector<16xi32>], vector<16xf32>,
      %broadcast_in_dim3A_2436 = arith.constant 94 : i32
      %broadcast_in_dim3A_2437 = vector.broadcast %broadcast_in_dim3A_2436 : i32 to vector<16xi32>
      %add3A_2438 = arith.addi %broadcast_in_dim3A_2437, %iota3A : vector<16xi32>
      %and3A_2439 = arith.constant 127 : i32
      %and3A_2440 = vector.broadcast %and3A_2439 : i32 to vector<16xi32>
      %and3A_2441 = arith.andi %add3A_2438, %and3A_2440 : vector<16xi32>
      %gather3A_2442 = tpu.vector_load_idx %arg11[%add3A_66, %and3A_2441] : memref<128x128xf32, #tpu.memory_space<vmem>>[vector<16xi32>, vector<16xi32>], vector<16xf32>,
      %mul3A_2443 = arith.mulf %gather3A_2442, %mul3A_1683 : vector<16xf32>
      tpu.vector_store_idx %arg12[%add3A_66, %and3A_2441], %mul3A_2443 : memref<128x128xf32, #tpu.memory_space<vmem>>[vector<16xi32>, vector<16xi32>], vector<16xf32>,
      %broadcast_in_dim3A_2444 = arith.constant 95 : i32
      %broadcast_in_dim3A_2445 = vector.broadcast %broadcast_in_dim3A_2444 : i32 to vector<16xi32>
      %add3A_2446 = arith.addi %broadcast_in_dim3A_2445, %iota3A : vector<16xi32>
      %and3A_2447 = arith.constant 127 : i32
      %and3A_2448 = vector.broadcast %and3A_2447 : i32 to vector<16xi32>
      %and3A_2449 = arith.andi %add3A_2446, %and3A_2448 : vector<16xi32>
      %gather3A_2450 = tpu.vector_load_idx %arg11[%add3A_66, %and3A_2449] : memref<128x128xf32, #tpu.memory_space<vmem>>[vector<16xi32>, vector<16xi32>], vector<16xf32>,
      %mul3A_2451 = arith.mulf %gather3A_2450, %mul3A_1683 : vector<16xf32>
      tpu.vector_store_idx %arg12[%add3A_66, %and3A_2449], %mul3A_2451 : memref<128x128xf32, #tpu.memory_space<vmem>>[vector<16xi32>, vector<16xi32>], vector<16xf32>,
      %broadcast_in_dim3A_2452 = arith.constant 96 : i32
      %broadcast_in_dim3A_2453 = vector.broadcast %broadcast_in_dim3A_2452 : i32 to vector<16xi32>
      %add3A_2454 = arith.addi %broadcast_in_dim3A_2453, %iota3A : vector<16xi32>
      %and3A_2455 = arith.constant 127 : i32
      %and3A_2456 = vector.broadcast %and3A_2455 : i32 to vector<16xi32>
      %and3A_2457 = arith.andi %add3A_2454, %and3A_2456 : vector<16xi32>
      %gather3A_2458 = tpu.vector_load_idx %arg11[%add3A_66, %and3A_2457] : memref<128x128xf32, #tpu.memory_space<vmem>>[vector<16xi32>, vector<16xi32>], vector<16xf32>,
      %mul3A_2459 = arith.mulf %gather3A_2458, %mul3A_1683 : vector<16xf32>
      tpu.vector_store_idx %arg12[%add3A_66, %and3A_2457], %mul3A_2459 : memref<128x128xf32, #tpu.memory_space<vmem>>[vector<16xi32>, vector<16xi32>], vector<16xf32>,
      %broadcast_in_dim3A_2460 = arith.constant 97 : i32
      %broadcast_in_dim3A_2461 = vector.broadcast %broadcast_in_dim3A_2460 : i32 to vector<16xi32>
      %add3A_2462 = arith.addi %broadcast_in_dim3A_2461, %iota3A : vector<16xi32>
      %and3A_2463 = arith.constant 127 : i32
      %and3A_2464 = vector.broadcast %and3A_2463 : i32 to vector<16xi32>
      %and3A_2465 = arith.andi %add3A_2462, %and3A_2464 : vector<16xi32>
      %gather3A_2466 = tpu.vector_load_idx %arg11[%add3A_66, %and3A_2465] : memref<128x128xf32, #tpu.memory_space<vmem>>[vector<16xi32>, vector<16xi32>], vector<16xf32>,
      %mul3A_2467 = arith.mulf %gather3A_2466, %mul3A_1683 : vector<16xf32>
      tpu.vector_store_idx %arg12[%add3A_66, %and3A_2465], %mul3A_2467 : memref<128x128xf32, #tpu.memory_space<vmem>>[vector<16xi32>, vector<16xi32>], vector<16xf32>,
      %broadcast_in_dim3A_2468 = arith.constant 98 : i32
      %broadcast_in_dim3A_2469 = vector.broadcast %broadcast_in_dim3A_2468 : i32 to vector<16xi32>
      %add3A_2470 = arith.addi %broadcast_in_dim3A_2469, %iota3A : vector<16xi32>
      %and3A_2471 = arith.constant 127 : i32
      %and3A_2472 = vector.broadcast %and3A_2471 : i32 to vector<16xi32>
      %and3A_2473 = arith.andi %add3A_2470, %and3A_2472 : vector<16xi32>
      %gather3A_2474 = tpu.vector_load_idx %arg11[%add3A_66, %and3A_2473] : memref<128x128xf32, #tpu.memory_space<vmem>>[vector<16xi32>, vector<16xi32>], vector<16xf32>,
      %mul3A_2475 = arith.mulf %gather3A_2474, %mul3A_1683 : vector<16xf32>
      tpu.vector_store_idx %arg12[%add3A_66, %and3A_2473], %mul3A_2475 : memref<128x128xf32, #tpu.memory_space<vmem>>[vector<16xi32>, vector<16xi32>], vector<16xf32>,
      %broadcast_in_dim3A_2476 = arith.constant 99 : i32
      %broadcast_in_dim3A_2477 = vector.broadcast %broadcast_in_dim3A_2476 : i32 to vector<16xi32>
      %add3A_2478 = arith.addi %broadcast_in_dim3A_2477, %iota3A : vector<16xi32>
      %and3A_2479 = arith.constant 127 : i32
      %and3A_2480 = vector.broadcast %and3A_2479 : i32 to vector<16xi32>
      %and3A_2481 = arith.andi %add3A_2478, %and3A_2480 : vector<16xi32>
      %gather3A_2482 = tpu.vector_load_idx %arg11[%add3A_66, %and3A_2481] : memref<128x128xf32, #tpu.memory_space<vmem>>[vector<16xi32>, vector<16xi32>], vector<16xf32>,
      %mul3A_2483 = arith.mulf %gather3A_2482, %mul3A_1683 : vector<16xf32>
      tpu.vector_store_idx %arg12[%add3A_66, %and3A_2481], %mul3A_2483 : memref<128x128xf32, #tpu.memory_space<vmem>>[vector<16xi32>, vector<16xi32>], vector<16xf32>,
      %broadcast_in_dim3A_2484 = arith.constant 100 : i32
      %broadcast_in_dim3A_2485 = vector.broadcast %broadcast_in_dim3A_2484 : i32 to vector<16xi32>
      %add3A_2486 = arith.addi %broadcast_in_dim3A_2485, %iota3A : vector<16xi32>
      %and3A_2487 = arith.constant 127 : i32
      %and3A_2488 = vector.broadcast %and3A_2487 : i32 to vector<16xi32>
      %and3A_2489 = arith.andi %add3A_2486, %and3A_2488 : vector<16xi32>
      %gather3A_2490 = tpu.vector_load_idx %arg11[%add3A_66, %and3A_2489] : memref<128x128xf32, #tpu.memory_space<vmem>>[vector<16xi32>, vector<16xi32>], vector<16xf32>,
      %mul3A_2491 = arith.mulf %gather3A_2490, %mul3A_1683 : vector<16xf32>
      tpu.vector_store_idx %arg12[%add3A_66, %and3A_2489], %mul3A_2491 : memref<128x128xf32, #tpu.memory_space<vmem>>[vector<16xi32>, vector<16xi32>], vector<16xf32>,
      %broadcast_in_dim3A_2492 = arith.constant 101 : i32
      %broadcast_in_dim3A_2493 = vector.broadcast %broadcast_in_dim3A_2492 : i32 to vector<16xi32>
      %add3A_2494 = arith.addi %broadcast_in_dim3A_2493, %iota3A : vector<16xi32>
      %and3A_2495 = arith.constant 127 : i32
      %and3A_2496 = vector.broadcast %and3A_2495 : i32 to vector<16xi32>
      %and3A_2497 = arith.andi %add3A_2494, %and3A_2496 : vector<16xi32>
      %gather3A_2498 = tpu.vector_load_idx %arg11[%add3A_66, %and3A_2497] : memref<128x128xf32, #tpu.memory_space<vmem>>[vector<16xi32>, vector<16xi32>], vector<16xf32>,
      %mul3A_2499 = arith.mulf %gather3A_2498, %mul3A_1683 : vector<16xf32>
      tpu.vector_store_idx %arg12[%add3A_66, %and3A_2497], %mul3A_2499 : memref<128x128xf32, #tpu.memory_space<vmem>>[vector<16xi32>, vector<16xi32>], vector<16xf32>,
      %broadcast_in_dim3A_2500 = arith.constant 102 : i32
      %broadcast_in_dim3A_2501 = vector.broadcast %broadcast_in_dim3A_2500 : i32 to vector<16xi32>
      %add3A_2502 = arith.addi %broadcast_in_dim3A_2501, %iota3A : vector<16xi32>
      %and3A_2503 = arith.constant 127 : i32
      %and3A_2504 = vector.broadcast %and3A_2503 : i32 to vector<16xi32>
      %and3A_2505 = arith.andi %add3A_2502, %and3A_2504 : vector<16xi32>
      %gather3A_2506 = tpu.vector_load_idx %arg11[%add3A_66, %and3A_2505] : memref<128x128xf32, #tpu.memory_space<vmem>>[vector<16xi32>, vector<16xi32>], vector<16xf32>,
      %mul3A_2507 = arith.mulf %gather3A_2506, %mul3A_1683 : vector<16xf32>
      tpu.vector_store_idx %arg12[%add3A_66, %and3A_2505], %mul3A_2507 : memref<128x128xf32, #tpu.memory_space<vmem>>[vector<16xi32>, vector<16xi32>], vector<16xf32>,
      %broadcast_in_dim3A_2508 = arith.constant 103 : i32
      %broadcast_in_dim3A_2509 = vector.broadcast %broadcast_in_dim3A_2508 : i32 to vector<16xi32>
      %add3A_2510 = arith.addi %broadcast_in_dim3A_2509, %iota3A : vector<16xi32>
      %and3A_2511 = arith.constant 127 : i32
      %and3A_2512 = vector.broadcast %and3A_2511 : i32 to vector<16xi32>
      %and3A_2513 = arith.andi %add3A_2510, %and3A_2512 : vector<16xi32>
      %gather3A_2514 = tpu.vector_load_idx %arg11[%add3A_66, %and3A_2513] : memref<128x128xf32, #tpu.memory_space<vmem>>[vector<16xi32>, vector<16xi32>], vector<16xf32>,
      %mul3A_2515 = arith.mulf %gather3A_2514, %mul3A_1683 : vector<16xf32>
      tpu.vector_store_idx %arg12[%add3A_66, %and3A_2513], %mul3A_2515 : memref<128x128xf32, #tpu.memory_space<vmem>>[vector<16xi32>, vector<16xi32>], vector<16xf32>,
      %broadcast_in_dim3A_2516 = arith.constant 104 : i32
      %broadcast_in_dim3A_2517 = vector.broadcast %broadcast_in_dim3A_2516 : i32 to vector<16xi32>
      %add3A_2518 = arith.addi %broadcast_in_dim3A_2517, %iota3A : vector<16xi32>
      %and3A_2519 = arith.constant 127 : i32
      %and3A_2520 = vector.broadcast %and3A_2519 : i32 to vector<16xi32>
      %and3A_2521 = arith.andi %add3A_2518, %and3A_2520 : vector<16xi32>
      %gather3A_2522 = tpu.vector_load_idx %arg11[%add3A_66, %and3A_2521] : memref<128x128xf32, #tpu.memory_space<vmem>>[vector<16xi32>, vector<16xi32>], vector<16xf32>,
      %mul3A_2523 = arith.mulf %gather3A_2522, %mul3A_1683 : vector<16xf32>
      tpu.vector_store_idx %arg12[%add3A_66, %and3A_2521], %mul3A_2523 : memref<128x128xf32, #tpu.memory_space<vmem>>[vector<16xi32>, vector<16xi32>], vector<16xf32>,
      %broadcast_in_dim3A_2524 = arith.constant 105 : i32
      %broadcast_in_dim3A_2525 = vector.broadcast %broadcast_in_dim3A_2524 : i32 to vector<16xi32>
      %add3A_2526 = arith.addi %broadcast_in_dim3A_2525, %iota3A : vector<16xi32>
      %and3A_2527 = arith.constant 127 : i32
      %and3A_2528 = vector.broadcast %and3A_2527 : i32 to vector<16xi32>
      %and3A_2529 = arith.andi %add3A_2526, %and3A_2528 : vector<16xi32>
      %gather3A_2530 = tpu.vector_load_idx %arg11[%add3A_66, %and3A_2529] : memref<128x128xf32, #tpu.memory_space<vmem>>[vector<16xi32>, vector<16xi32>], vector<16xf32>,
      %mul3A_2531 = arith.mulf %gather3A_2530, %mul3A_1683 : vector<16xf32>
      tpu.vector_store_idx %arg12[%add3A_66, %and3A_2529], %mul3A_2531 : memref<128x128xf32, #tpu.memory_space<vmem>>[vector<16xi32>, vector<16xi32>], vector<16xf32>,
      %broadcast_in_dim3A_2532 = arith.constant 106 : i32
      %broadcast_in_dim3A_2533 = vector.broadcast %broadcast_in_dim3A_2532 : i32 to vector<16xi32>
      %add3A_2534 = arith.addi %broadcast_in_dim3A_2533, %iota3A : vector<16xi32>
      %and3A_2535 = arith.constant 127 : i32
      %and3A_2536 = vector.broadcast %and3A_2535 : i32 to vector<16xi32>
      %and3A_2537 = arith.andi %add3A_2534, %and3A_2536 : vector<16xi32>
      %gather3A_2538 = tpu.vector_load_idx %arg11[%add3A_66, %and3A_2537] : memref<128x128xf32, #tpu.memory_space<vmem>>[vector<16xi32>, vector<16xi32>], vector<16xf32>,
      %mul3A_2539 = arith.mulf %gather3A_2538, %mul3A_1683 : vector<16xf32>
      tpu.vector_store_idx %arg12[%add3A_66, %and3A_2537], %mul3A_2539 : memref<128x128xf32, #tpu.memory_space<vmem>>[vector<16xi32>, vector<16xi32>], vector<16xf32>,
      %broadcast_in_dim3A_2540 = arith.constant 107 : i32
      %broadcast_in_dim3A_2541 = vector.broadcast %broadcast_in_dim3A_2540 : i32 to vector<16xi32>
      %add3A_2542 = arith.addi %broadcast_in_dim3A_2541, %iota3A : vector<16xi32>
      %and3A_2543 = arith.constant 127 : i32
      %and3A_2544 = vector.broadcast %and3A_2543 : i32 to vector<16xi32>
      %and3A_2545 = arith.andi %add3A_2542, %and3A_2544 : vector<16xi32>
      %gather3A_2546 = tpu.vector_load_idx %arg11[%add3A_66, %and3A_2545] : memref<128x128xf32, #tpu.memory_space<vmem>>[vector<16xi32>, vector<16xi32>], vector<16xf32>,
      %mul3A_2547 = arith.mulf %gather3A_2546, %mul3A_1683 : vector<16xf32>
      tpu.vector_store_idx %arg12[%add3A_66, %and3A_2545], %mul3A_2547 : memref<128x128xf32, #tpu.memory_space<vmem>>[vector<16xi32>, vector<16xi32>], vector<16xf32>,
      %broadcast_in_dim3A_2548 = arith.constant 108 : i32
      %broadcast_in_dim3A_2549 = vector.broadcast %broadcast_in_dim3A_2548 : i32 to vector<16xi32>
      %add3A_2550 = arith.addi %broadcast_in_dim3A_2549, %iota3A : vector<16xi32>
      %and3A_2551 = arith.constant 127 : i32
      %and3A_2552 = vector.broadcast %and3A_2551 : i32 to vector<16xi32>
      %and3A_2553 = arith.andi %add3A_2550, %and3A_2552 : vector<16xi32>
      %gather3A_2554 = tpu.vector_load_idx %arg11[%add3A_66, %and3A_2553] : memref<128x128xf32, #tpu.memory_space<vmem>>[vector<16xi32>, vector<16xi32>], vector<16xf32>,
      %mul3A_2555 = arith.mulf %gather3A_2554, %mul3A_1683 : vector<16xf32>
      tpu.vector_store_idx %arg12[%add3A_66, %and3A_2553], %mul3A_2555 : memref<128x128xf32, #tpu.memory_space<vmem>>[vector<16xi32>, vector<16xi32>], vector<16xf32>,
      %broadcast_in_dim3A_2556 = arith.constant 109 : i32
      %broadcast_in_dim3A_2557 = vector.broadcast %broadcast_in_dim3A_2556 : i32 to vector<16xi32>
      %add3A_2558 = arith.addi %broadcast_in_dim3A_2557, %iota3A : vector<16xi32>
      %and3A_2559 = arith.constant 127 : i32
      %and3A_2560 = vector.broadcast %and3A_2559 : i32 to vector<16xi32>
      %and3A_2561 = arith.andi %add3A_2558, %and3A_2560 : vector<16xi32>
      %gather3A_2562 = tpu.vector_load_idx %arg11[%add3A_66, %and3A_2561] : memref<128x128xf32, #tpu.memory_space<vmem>>[vector<16xi32>, vector<16xi32>], vector<16xf32>,
      %mul3A_2563 = arith.mulf %gather3A_2562, %mul3A_1683 : vector<16xf32>
      tpu.vector_store_idx %arg12[%add3A_66, %and3A_2561], %mul3A_2563 : memref<128x128xf32, #tpu.memory_space<vmem>>[vector<16xi32>, vector<16xi32>], vector<16xf32>,
      %broadcast_in_dim3A_2564 = arith.constant 110 : i32
      %broadcast_in_dim3A_2565 = vector.broadcast %broadcast_in_dim3A_2564 : i32 to vector<16xi32>
      %add3A_2566 = arith.addi %broadcast_in_dim3A_2565, %iota3A : vector<16xi32>
      %and3A_2567 = arith.constant 127 : i32
      %and3A_2568 = vector.broadcast %and3A_2567 : i32 to vector<16xi32>
      %and3A_2569 = arith.andi %add3A_2566, %and3A_2568 : vector<16xi32>
      %gather3A_2570 = tpu.vector_load_idx %arg11[%add3A_66, %and3A_2569] : memref<128x128xf32, #tpu.memory_space<vmem>>[vector<16xi32>, vector<16xi32>], vector<16xf32>,
      %mul3A_2571 = arith.mulf %gather3A_2570, %mul3A_1683 : vector<16xf32>
      tpu.vector_store_idx %arg12[%add3A_66, %and3A_2569], %mul3A_2571 : memref<128x128xf32, #tpu.memory_space<vmem>>[vector<16xi32>, vector<16xi32>], vector<16xf32>,
      %broadcast_in_dim3A_2572 = arith.constant 111 : i32
      %broadcast_in_dim3A_2573 = vector.broadcast %broadcast_in_dim3A_2572 : i32 to vector<16xi32>
      %add3A_2574 = arith.addi %broadcast_in_dim3A_2573, %iota3A : vector<16xi32>
      %and3A_2575 = arith.constant 127 : i32
      %and3A_2576 = vector.broadcast %and3A_2575 : i32 to vector<16xi32>
      %and3A_2577 = arith.andi %add3A_2574, %and3A_2576 : vector<16xi32>
      %gather3A_2578 = tpu.vector_load_idx %arg11[%add3A_66, %and3A_2577] : memref<128x128xf32, #tpu.memory_space<vmem>>[vector<16xi32>, vector<16xi32>], vector<16xf32>,
      %mul3A_2579 = arith.mulf %gather3A_2578, %mul3A_1683 : vector<16xf32>
      tpu.vector_store_idx %arg12[%add3A_66, %and3A_2577], %mul3A_2579 : memref<128x128xf32, #tpu.memory_space<vmem>>[vector<16xi32>, vector<16xi32>], vector<16xf32>,
      %broadcast_in_dim3A_2580 = arith.constant 112 : i32
      %broadcast_in_dim3A_2581 = vector.broadcast %broadcast_in_dim3A_2580 : i32 to vector<16xi32>
      %add3A_2582 = arith.addi %broadcast_in_dim3A_2581, %iota3A : vector<16xi32>
      %and3A_2583 = arith.constant 127 : i32
      %and3A_2584 = vector.broadcast %and3A_2583 : i32 to vector<16xi32>
      %and3A_2585 = arith.andi %add3A_2582, %and3A_2584 : vector<16xi32>
      %gather3A_2586 = tpu.vector_load_idx %arg11[%add3A_66, %and3A_2585] : memref<128x128xf32, #tpu.memory_space<vmem>>[vector<16xi32>, vector<16xi32>], vector<16xf32>,
      %mul3A_2587 = arith.mulf %gather3A_2586, %mul3A_1683 : vector<16xf32>
      tpu.vector_store_idx %arg12[%add3A_66, %and3A_2585], %mul3A_2587 : memref<128x128xf32, #tpu.memory_space<vmem>>[vector<16xi32>, vector<16xi32>], vector<16xf32>,
      %broadcast_in_dim3A_2588 = arith.constant 113 : i32
      %broadcast_in_dim3A_2589 = vector.broadcast %broadcast_in_dim3A_2588 : i32 to vector<16xi32>
      %add3A_2590 = arith.addi %broadcast_in_dim3A_2589, %iota3A : vector<16xi32>
      %and3A_2591 = arith.constant 127 : i32
      %and3A_2592 = vector.broadcast %and3A_2591 : i32 to vector<16xi32>
      %and3A_2593 = arith.andi %add3A_2590, %and3A_2592 : vector<16xi32>
      %gather3A_2594 = tpu.vector_load_idx %arg11[%add3A_66, %and3A_2593] : memref<128x128xf32, #tpu.memory_space<vmem>>[vector<16xi32>, vector<16xi32>], vector<16xf32>,
      %mul3A_2595 = arith.mulf %gather3A_2594, %mul3A_1683 : vector<16xf32>
      tpu.vector_store_idx %arg12[%add3A_66, %and3A_2593], %mul3A_2595 : memref<128x128xf32, #tpu.memory_space<vmem>>[vector<16xi32>, vector<16xi32>], vector<16xf32>,
      %broadcast_in_dim3A_2596 = arith.constant 114 : i32
      %broadcast_in_dim3A_2597 = vector.broadcast %broadcast_in_dim3A_2596 : i32 to vector<16xi32>
      %add3A_2598 = arith.addi %broadcast_in_dim3A_2597, %iota3A : vector<16xi32>
      %and3A_2599 = arith.constant 127 : i32
      %and3A_2600 = vector.broadcast %and3A_2599 : i32 to vector<16xi32>
      %and3A_2601 = arith.andi %add3A_2598, %and3A_2600 : vector<16xi32>
      %gather3A_2602 = tpu.vector_load_idx %arg11[%add3A_66, %and3A_2601] : memref<128x128xf32, #tpu.memory_space<vmem>>[vector<16xi32>, vector<16xi32>], vector<16xf32>,
      %mul3A_2603 = arith.mulf %gather3A_2602, %mul3A_1683 : vector<16xf32>
      tpu.vector_store_idx %arg12[%add3A_66, %and3A_2601], %mul3A_2603 : memref<128x128xf32, #tpu.memory_space<vmem>>[vector<16xi32>, vector<16xi32>], vector<16xf32>,
      %broadcast_in_dim3A_2604 = arith.constant 115 : i32
      %broadcast_in_dim3A_2605 = vector.broadcast %broadcast_in_dim3A_2604 : i32 to vector<16xi32>
      %add3A_2606 = arith.addi %broadcast_in_dim3A_2605, %iota3A : vector<16xi32>
      %and3A_2607 = arith.constant 127 : i32
      %and3A_2608 = vector.broadcast %and3A_2607 : i32 to vector<16xi32>
      %and3A_2609 = arith.andi %add3A_2606, %and3A_2608 : vector<16xi32>
      %gather3A_2610 = tpu.vector_load_idx %arg11[%add3A_66, %and3A_2609] : memref<128x128xf32, #tpu.memory_space<vmem>>[vector<16xi32>, vector<16xi32>], vector<16xf32>,
      %mul3A_2611 = arith.mulf %gather3A_2610, %mul3A_1683 : vector<16xf32>
      tpu.vector_store_idx %arg12[%add3A_66, %and3A_2609], %mul3A_2611 : memref<128x128xf32, #tpu.memory_space<vmem>>[vector<16xi32>, vector<16xi32>], vector<16xf32>,
      %broadcast_in_dim3A_2612 = arith.constant 116 : i32
      %broadcast_in_dim3A_2613 = vector.broadcast %broadcast_in_dim3A_2612 : i32 to vector<16xi32>
      %add3A_2614 = arith.addi %broadcast_in_dim3A_2613, %iota3A : vector<16xi32>
      %and3A_2615 = arith.constant 127 : i32
      %and3A_2616 = vector.broadcast %and3A_2615 : i32 to vector<16xi32>
      %and3A_2617 = arith.andi %add3A_2614, %and3A_2616 : vector<16xi32>
      %gather3A_2618 = tpu.vector_load_idx %arg11[%add3A_66, %and3A_2617] : memref<128x128xf32, #tpu.memory_space<vmem>>[vector<16xi32>, vector<16xi32>], vector<16xf32>,
      %mul3A_2619 = arith.mulf %gather3A_2618, %mul3A_1683 : vector<16xf32>
      tpu.vector_store_idx %arg12[%add3A_66, %and3A_2617], %mul3A_2619 : memref<128x128xf32, #tpu.memory_space<vmem>>[vector<16xi32>, vector<16xi32>], vector<16xf32>,
      %broadcast_in_dim3A_2620 = arith.constant 117 : i32
      %broadcast_in_dim3A_2621 = vector.broadcast %broadcast_in_dim3A_2620 : i32 to vector<16xi32>
      %add3A_2622 = arith.addi %broadcast_in_dim3A_2621, %iota3A : vector<16xi32>
      %and3A_2623 = arith.constant 127 : i32
      %and3A_2624 = vector.broadcast %and3A_2623 : i32 to vector<16xi32>
      %and3A_2625 = arith.andi %add3A_2622, %and3A_2624 : vector<16xi32>
      %gather3A_2626 = tpu.vector_load_idx %arg11[%add3A_66, %and3A_2625] : memref<128x128xf32, #tpu.memory_space<vmem>>[vector<16xi32>, vector<16xi32>], vector<16xf32>,
      %mul3A_2627 = arith.mulf %gather3A_2626, %mul3A_1683 : vector<16xf32>
      tpu.vector_store_idx %arg12[%add3A_66, %and3A_2625], %mul3A_2627 : memref<128x128xf32, #tpu.memory_space<vmem>>[vector<16xi32>, vector<16xi32>], vector<16xf32>,
      %broadcast_in_dim3A_2628 = arith.constant 118 : i32
      %broadcast_in_dim3A_2629 = vector.broadcast %broadcast_in_dim3A_2628 : i32 to vector<16xi32>
      %add3A_2630 = arith.addi %broadcast_in_dim3A_2629, %iota3A : vector<16xi32>
      %and3A_2631 = arith.constant 127 : i32
      %and3A_2632 = vector.broadcast %and3A_2631 : i32 to vector<16xi32>
      %and3A_2633 = arith.andi %add3A_2630, %and3A_2632 : vector<16xi32>
      %gather3A_2634 = tpu.vector_load_idx %arg11[%add3A_66, %and3A_2633] : memref<128x128xf32, #tpu.memory_space<vmem>>[vector<16xi32>, vector<16xi32>], vector<16xf32>,
      %mul3A_2635 = arith.mulf %gather3A_2634, %mul3A_1683 : vector<16xf32>
      tpu.vector_store_idx %arg12[%add3A_66, %and3A_2633], %mul3A_2635 : memref<128x128xf32, #tpu.memory_space<vmem>>[vector<16xi32>, vector<16xi32>], vector<16xf32>,
      %broadcast_in_dim3A_2636 = arith.constant 119 : i32
      %broadcast_in_dim3A_2637 = vector.broadcast %broadcast_in_dim3A_2636 : i32 to vector<16xi32>
      %add3A_2638 = arith.addi %broadcast_in_dim3A_2637, %iota3A : vector<16xi32>
      %and3A_2639 = arith.constant 127 : i32
      %and3A_2640 = vector.broadcast %and3A_2639 : i32 to vector<16xi32>
      %and3A_2641 = arith.andi %add3A_2638, %and3A_2640 : vector<16xi32>
      %gather3A_2642 = tpu.vector_load_idx %arg11[%add3A_66, %and3A_2641] : memref<128x128xf32, #tpu.memory_space<vmem>>[vector<16xi32>, vector<16xi32>], vector<16xf32>,
      %mul3A_2643 = arith.mulf %gather3A_2642, %mul3A_1683 : vector<16xf32>
      tpu.vector_store_idx %arg12[%add3A_66, %and3A_2641], %mul3A_2643 : memref<128x128xf32, #tpu.memory_space<vmem>>[vector<16xi32>, vector<16xi32>], vector<16xf32>,
      %broadcast_in_dim3A_2644 = arith.constant 120 : i32
      %broadcast_in_dim3A_2645 = vector.broadcast %broadcast_in_dim3A_2644 : i32 to vector<16xi32>
      %add3A_2646 = arith.addi %broadcast_in_dim3A_2645, %iota3A : vector<16xi32>
      %and3A_2647 = arith.constant 127 : i32
      %and3A_2648 = vector.broadcast %and3A_2647 : i32 to vector<16xi32>
      %and3A_2649 = arith.andi %add3A_2646, %and3A_2648 : vector<16xi32>
      %gather3A_2650 = tpu.vector_load_idx %arg11[%add3A_66, %and3A_2649] : memref<128x128xf32, #tpu.memory_space<vmem>>[vector<16xi32>, vector<16xi32>], vector<16xf32>,
      %mul3A_2651 = arith.mulf %gather3A_2650, %mul3A_1683 : vector<16xf32>
      tpu.vector_store_idx %arg12[%add3A_66, %and3A_2649], %mul3A_2651 : memref<128x128xf32, #tpu.memory_space<vmem>>[vector<16xi32>, vector<16xi32>], vector<16xf32>,
      %broadcast_in_dim3A_2652 = arith.constant 121 : i32
      %broadcast_in_dim3A_2653 = vector.broadcast %broadcast_in_dim3A_2652 : i32 to vector<16xi32>
      %add3A_2654 = arith.addi %broadcast_in_dim3A_2653, %iota3A : vector<16xi32>
      %and3A_2655 = arith.constant 127 : i32
      %and3A_2656 = vector.broadcast %and3A_2655 : i32 to vector<16xi32>
      %and3A_2657 = arith.andi %add3A_2654, %and3A_2656 : vector<16xi32>
      %gather3A_2658 = tpu.vector_load_idx %arg11[%add3A_66, %and3A_2657] : memref<128x128xf32, #tpu.memory_space<vmem>>[vector<16xi32>, vector<16xi32>], vector<16xf32>,
      %mul3A_2659 = arith.mulf %gather3A_2658, %mul3A_1683 : vector<16xf32>
      tpu.vector_store_idx %arg12[%add3A_66, %and3A_2657], %mul3A_2659 : memref<128x128xf32, #tpu.memory_space<vmem>>[vector<16xi32>, vector<16xi32>], vector<16xf32>,
      %broadcast_in_dim3A_2660 = arith.constant 122 : i32
      %broadcast_in_dim3A_2661 = vector.broadcast %broadcast_in_dim3A_2660 : i32 to vector<16xi32>
      %add3A_2662 = arith.addi %broadcast_in_dim3A_2661, %iota3A : vector<16xi32>
      %and3A_2663 = arith.constant 127 : i32
      %and3A_2664 = vector.broadcast %and3A_2663 : i32 to vector<16xi32>
      %and3A_2665 = arith.andi %add3A_2662, %and3A_2664 : vector<16xi32>
      %gather3A_2666 = tpu.vector_load_idx %arg11[%add3A_66, %and3A_2665] : memref<128x128xf32, #tpu.memory_space<vmem>>[vector<16xi32>, vector<16xi32>], vector<16xf32>,
      %mul3A_2667 = arith.mulf %gather3A_2666, %mul3A_1683 : vector<16xf32>
      tpu.vector_store_idx %arg12[%add3A_66, %and3A_2665], %mul3A_2667 : memref<128x128xf32, #tpu.memory_space<vmem>>[vector<16xi32>, vector<16xi32>], vector<16xf32>,
      %broadcast_in_dim3A_2668 = arith.constant 123 : i32
      %broadcast_in_dim3A_2669 = vector.broadcast %broadcast_in_dim3A_2668 : i32 to vector<16xi32>
      %add3A_2670 = arith.addi %broadcast_in_dim3A_2669, %iota3A : vector<16xi32>
      %and3A_2671 = arith.constant 127 : i32
      %and3A_2672 = vector.broadcast %and3A_2671 : i32 to vector<16xi32>
      %and3A_2673 = arith.andi %add3A_2670, %and3A_2672 : vector<16xi32>
      %gather3A_2674 = tpu.vector_load_idx %arg11[%add3A_66, %and3A_2673] : memref<128x128xf32, #tpu.memory_space<vmem>>[vector<16xi32>, vector<16xi32>], vector<16xf32>,
      %mul3A_2675 = arith.mulf %gather3A_2674, %mul3A_1683 : vector<16xf32>
      tpu.vector_store_idx %arg12[%add3A_66, %and3A_2673], %mul3A_2675 : memref<128x128xf32, #tpu.memory_space<vmem>>[vector<16xi32>, vector<16xi32>], vector<16xf32>,
      %broadcast_in_dim3A_2676 = arith.constant 124 : i32
      %broadcast_in_dim3A_2677 = vector.broadcast %broadcast_in_dim3A_2676 : i32 to vector<16xi32>
      %add3A_2678 = arith.addi %broadcast_in_dim3A_2677, %iota3A : vector<16xi32>
      %and3A_2679 = arith.constant 127 : i32
      %and3A_2680 = vector.broadcast %and3A_2679 : i32 to vector<16xi32>
      %and3A_2681 = arith.andi %add3A_2678, %and3A_2680 : vector<16xi32>
      %gather3A_2682 = tpu.vector_load_idx %arg11[%add3A_66, %and3A_2681] : memref<128x128xf32, #tpu.memory_space<vmem>>[vector<16xi32>, vector<16xi32>], vector<16xf32>,
      %mul3A_2683 = arith.mulf %gather3A_2682, %mul3A_1683 : vector<16xf32>
      tpu.vector_store_idx %arg12[%add3A_66, %and3A_2681], %mul3A_2683 : memref<128x128xf32, #tpu.memory_space<vmem>>[vector<16xi32>, vector<16xi32>], vector<16xf32>,
      %broadcast_in_dim3A_2684 = arith.constant 125 : i32
      %broadcast_in_dim3A_2685 = vector.broadcast %broadcast_in_dim3A_2684 : i32 to vector<16xi32>
      %add3A_2686 = arith.addi %broadcast_in_dim3A_2685, %iota3A : vector<16xi32>
      %and3A_2687 = arith.constant 127 : i32
      %and3A_2688 = vector.broadcast %and3A_2687 : i32 to vector<16xi32>
      %and3A_2689 = arith.andi %add3A_2686, %and3A_2688 : vector<16xi32>
      %gather3A_2690 = tpu.vector_load_idx %arg11[%add3A_66, %and3A_2689] : memref<128x128xf32, #tpu.memory_space<vmem>>[vector<16xi32>, vector<16xi32>], vector<16xf32>,
      %mul3A_2691 = arith.mulf %gather3A_2690, %mul3A_1683 : vector<16xf32>
      tpu.vector_store_idx %arg12[%add3A_66, %and3A_2689], %mul3A_2691 : memref<128x128xf32, #tpu.memory_space<vmem>>[vector<16xi32>, vector<16xi32>], vector<16xf32>,
      %broadcast_in_dim3A_2692 = arith.constant 126 : i32
      %broadcast_in_dim3A_2693 = vector.broadcast %broadcast_in_dim3A_2692 : i32 to vector<16xi32>
      %add3A_2694 = arith.addi %broadcast_in_dim3A_2693, %iota3A : vector<16xi32>
      %and3A_2695 = arith.constant 127 : i32
      %and3A_2696 = vector.broadcast %and3A_2695 : i32 to vector<16xi32>
      %and3A_2697 = arith.andi %add3A_2694, %and3A_2696 : vector<16xi32>
      %gather3A_2698 = tpu.vector_load_idx %arg11[%add3A_66, %and3A_2697] : memref<128x128xf32, #tpu.memory_space<vmem>>[vector<16xi32>, vector<16xi32>], vector<16xf32>,
      %mul3A_2699 = arith.mulf %gather3A_2698, %mul3A_1683 : vector<16xf32>
      tpu.vector_store_idx %arg12[%add3A_66, %and3A_2697], %mul3A_2699 : memref<128x128xf32, #tpu.memory_space<vmem>>[vector<16xi32>, vector<16xi32>], vector<16xf32>,
      %broadcast_in_dim3A_2700 = arith.constant 127 : i32
      %broadcast_in_dim3A_2701 = vector.broadcast %broadcast_in_dim3A_2700 : i32 to vector<16xi32>
      %add3A_2702 = arith.addi %broadcast_in_dim3A_2701, %iota3A : vector<16xi32>
      %and3A_2703 = arith.constant 127 : i32
      %and3A_2704 = vector.broadcast %and3A_2703 : i32 to vector<16xi32>
      %and3A_2705 = arith.andi %add3A_2702, %and3A_2704 : vector<16xi32>
      %gather3A_2706 = tpu.vector_load_idx %arg11[%add3A_66, %and3A_2705] : memref<128x128xf32, #tpu.memory_space<vmem>>[vector<16xi32>, vector<16xi32>], vector<16xf32>,
      %mul3A_2707 = arith.mulf %gather3A_2706, %mul3A_1683 : vector<16xf32>
      tpu.vector_store_idx %arg12[%add3A_66, %and3A_2705], %mul3A_2707 : memref<128x128xf32, #tpu.memory_space<vmem>>[vector<16xi32>, vector<16xi32>], vector<16xf32>,
      %scan3A_2708 = arith.constant 0 : i32
      scf.yield %scan3A_2708 : i32
    }
    %scan3A_46 = arith.constant 8 : i32
    %dma_start3A_47 = arith.constant 0 : i32
    %dma_start3A_48 = arith.constant 0 : i32
    %dma_start3A_49 = tpu.memref_slice %arg8[%dma_start3A_47, %dma_start3A_48] : memref<1x128xi32, #tpu.memory_space<vmem>> -> memref<1x128xi32, #tpu.memory_space<vmem>>
    %dma_start3A_50 = tpu.memref_squeeze %dma_start3A_49 : memref<1x128xi32, #tpu.memory_space<vmem>> -> memref<128xi32, #tpu.memory_space<vmem>>
    %dma_start3A_51 = arith.constant 0 : i32
    %dma_start3A_52 = arith.constant 0 : i32
    %dma_start3A_53 = tpu.memref_slice %arg7[%dma_start3A_51, %dma_start3A_52] : memref<100000x128xf32, #tpu.memory_space<hbm>> -> memref<100000x128xf32, #tpu.memory_space<hbm>>
    tpu.enqueue_indirect_dma source(%arg12 : memref<128x128xf32, #tpu.memory_space<vmem>>) target(%dma_start3A_53 : memref<100000x128xf32, #tpu.memory_space<hbm>>) offsets(%dma_start3A_50 : memref<128xi32, #tpu.memory_space<vmem>>) semaphore(%arg13 : memref<!tpu.dma_semaphore, #tpu.memory_space<semaphore_mem>>)
    %dma_wait3A_54 = arith.constant 0 : i32
    %dma_wait3A_55 = arith.constant 0 : i32
    %dma_wait3A_56 = tpu.memref_slice %arg8[%dma_wait3A_54, %dma_wait3A_55] : memref<1x128xi32, #tpu.memory_space<vmem>> -> memref<1x128xi32, #tpu.memory_space<vmem>>
    %dma_wait3A_57 = tpu.memref_squeeze %dma_wait3A_56 : memref<1x128xi32, #tpu.memory_space<vmem>> -> memref<128xi32, #tpu.memory_space<vmem>>
    %dma_wait3A_58 = arith.constant 0 : i32
    %dma_wait3A_59 = arith.constant 0 : i32
    %dma_wait3A_60 = tpu.memref_slice %arg7[%dma_wait3A_58, %dma_wait3A_59] : memref<100000x128xf32, #tpu.memory_space<hbm>> -> memref<100000x128xf32, #tpu.memory_space<hbm>>
    tpu.wait_indirect_dma semaphore(%arg13 : memref<!tpu.dma_semaphore, #tpu.memory_space<semaphore_mem>>) src(%arg12 : memref<128x128xf32, #tpu.memory_space<vmem>>) dst(%dma_wait3A_60 : memref<100000x128xf32, #tpu.memory_space<hbm>>)
    return
  }
}

#map = affine_map<(d0, d1) -> (0)>
module attributes {stable_mosaic.version = 14 : i64} {
  func.func @sc_scatter(%arg0: i32, %arg1: i32, %arg2: memref<4096xi32, #tpu.memory_space<hbm>>, %arg3: memref<4096xi32, #tpu.memory_space<hbm>>, %arg4: memref<100000xf32, #tpu.memory_space<hbm>>, %arg5: memref<4096xi32, #tpu.memory_space<vmem>>, %arg6: memref<4096xi32, #tpu.memory_space<vmem>>, %arg7: memref<3136xf32, #tpu.memory_space<vmem>>) attributes {dimension_semantics = [#tpu.dimension_semantics<core_parallel>, #tpu.dimension_semantics<subcore_parallel>], iteration_bounds = array<i64: 2, 16>, scalar_prefetch = 0 : i64, scratch_operands = 3 : i64, tpu.core_type = #tpu.core_type<sc_vector_subcore>, window_params = [{transform_indices = #map}, {transform_indices = #map}, {transform_indices = #map}]} {
    %mul3A = arith.constant 16 : i32
    %mul3A_0 = arith.muli %arg0, %mul3A : i32
    %add3A = arith.addi %mul3A_0, %arg1 : i32
    %mul3A_1 = arith.constant 3136 : i32
    %mul3A_2 = arith.muli %add3A, %mul3A_1 : i32
    "tpu.region"() ({
      %run_scoped3A = tpu.sem_alloc : memref<!tpu.dma_semaphore, #tpu.memory_space<semaphore_mem>>
      tpu.enqueue_dma source(%arg2 : memref<4096xi32, #tpu.memory_space<hbm>>) target(%arg5 : memref<4096xi32, #tpu.memory_space<vmem>>) target_semaphore(%run_scoped3A : memref<!tpu.dma_semaphore, #tpu.memory_space<semaphore_mem>>)
      tpu.wait_dma2 semaphore(%run_scoped3A : memref<!tpu.dma_semaphore, #tpu.memory_space<semaphore_mem>>) src(%arg2 : memref<4096xi32, #tpu.memory_space<hbm>>) dst(%arg5 : memref<4096xi32, #tpu.memory_space<vmem>>)
      tpu.yield
    }) : () -> ()
    "tpu.region"() ({
      %run_scoped3A = tpu.sem_alloc : memref<!tpu.dma_semaphore, #tpu.memory_space<semaphore_mem>>
      tpu.enqueue_dma source(%arg3 : memref<4096xi32, #tpu.memory_space<hbm>>) target(%arg6 : memref<4096xi32, #tpu.memory_space<vmem>>) target_semaphore(%run_scoped3A : memref<!tpu.dma_semaphore, #tpu.memory_space<semaphore_mem>>)
      tpu.wait_dma2 semaphore(%run_scoped3A : memref<!tpu.dma_semaphore, #tpu.memory_space<semaphore_mem>>) src(%arg3 : memref<4096xi32, #tpu.memory_space<hbm>>) dst(%arg6 : memref<4096xi32, #tpu.memory_space<vmem>>)
      tpu.yield
    }) : () -> ()
    %scan3A = arith.constant 0 : i32
    %scan3A_3 = arith.constant 0 : i32
    %scan3A_4 = arith.constant 256 : i32
    %scan3A_5 = arith.addi %scan3A_3, %scan3A_4 : i32
    %scan3A_6 = arith.constant 4 : i32
    %scan3A_7 = scf.for %scan3A_15 = %scan3A_3 to %scan3A_5 step %scan3A_6 iter_args(%scan3A_16 = %scan3A) -> (i32)  : i32 {
      %mul3A_17 = arith.constant 16 : i32
      %mul3A_18 = arith.muli %scan3A_15, %mul3A_17 : i32
      %get3A = arith.index_cast %mul3A_18 : i32 to index
      %get3A_19 = tpu.vector_load %arg5[%get3A] {strides = array<i32>} : memref<4096xi32, #tpu.memory_space<vmem>>, vector<16xi32>,
      %mul3A_20 = arith.constant 16 : i32
      %mul3A_21 = arith.muli %scan3A_15, %mul3A_20 : i32
      %get3A_22 = arith.index_cast %mul3A_21 : i32 to index
      %get3A_23 = tpu.vector_load %arg6[%get3A_22] {strides = array<i32>} : memref<4096xi32, #tpu.memory_space<vmem>>, vector<16xi32>,
      %convert_element_type3A_24 = arith.sitofp %get3A_23 : vector<16xi32> to vector<16xf32>
      %sub3A = vector.broadcast %mul3A_2 : i32 to vector<16xi32>
      %sub3A_25 = arith.subi %get3A_19, %sub3A : vector<16xi32>
      %ge3A = vector.broadcast %mul3A_2 : i32 to vector<16xi32>
      %ge3A_26 = arith.cmpi sge, %get3A_19, %ge3A : vector<16xi32>
      %add3A_27 = arith.constant 3136 : i32
      %add3A_28 = arith.addi %mul3A_2, %add3A_27 : i32
      %lt3A_29 = vector.broadcast %add3A_28 : i32 to vector<16xi32>
      %lt3A_30 = arith.cmpi slt, %get3A_19, %lt3A_29 : vector<16xi32>
      %and3A = arith.andi %ge3A_26, %lt3A_30 : vector<16xi1>
      tpu.vector_store_idx %arg7[%sub3A_25], %convert_element_type3A_24 masked %and3A : memref<3136xf32, #tpu.memory_space<vmem>>[vector<16xi32>], vector<16xf32>, vector<16xi1>
      %scan3A_31 = arith.constant 0 : i32
      %scan3A_32 = arith.constant 1 : i32
      %scan3A_33 = arith.addi %scan3A_15, %scan3A_32 : i32
      %mul3A_34 = arith.constant 16 : i32
      %mul3A_35 = arith.muli %scan3A_33, %mul3A_34 : i32
      %get3A_36 = arith.index_cast %mul3A_35 : i32 to index
      %get3A_37 = tpu.vector_load %arg5[%get3A_36] {strides = array<i32>} : memref<4096xi32, #tpu.memory_space<vmem>>, vector<16xi32>,
      %mul3A_38 = arith.constant 16 : i32
      %mul3A_39 = arith.muli %scan3A_33, %mul3A_38 : i32
      %get3A_40 = arith.index_cast %mul3A_39 : i32 to index
      %get3A_41 = tpu.vector_load %arg6[%get3A_40] {strides = array<i32>} : memref<4096xi32, #tpu.memory_space<vmem>>, vector<16xi32>,
      %convert_element_type3A_42 = arith.sitofp %get3A_41 : vector<16xi32> to vector<16xf32>
      %sub3A_43 = vector.broadcast %mul3A_2 : i32 to vector<16xi32>
      %sub3A_44 = arith.subi %get3A_37, %sub3A_43 : vector<16xi32>
      %ge3A_45 = vector.broadcast %mul3A_2 : i32 to vector<16xi32>
      %ge3A_46 = arith.cmpi sge, %get3A_37, %ge3A_45 : vector<16xi32>
      %add3A_47 = arith.constant 3136 : i32
      %add3A_48 = arith.addi %mul3A_2, %add3A_47 : i32
      %lt3A_49 = vector.broadcast %add3A_48 : i32 to vector<16xi32>
      %lt3A_50 = arith.cmpi slt, %get3A_37, %lt3A_49 : vector<16xi32>
      %and3A_51 = arith.andi %ge3A_46, %lt3A_50 : vector<16xi1>
      tpu.vector_store_idx %arg7[%sub3A_44], %convert_element_type3A_42 masked %and3A_51 : memref<3136xf32, #tpu.memory_space<vmem>>[vector<16xi32>], vector<16xf32>, vector<16xi1>
      %scan3A_52 = arith.constant 0 : i32
      %scan3A_53 = arith.constant 2 : i32
      %scan3A_54 = arith.addi %scan3A_15, %scan3A_53 : i32
      %mul3A_55 = arith.constant 16 : i32
      %mul3A_56 = arith.muli %scan3A_54, %mul3A_55 : i32
      %get3A_57 = arith.index_cast %mul3A_56 : i32 to index
      %get3A_58 = tpu.vector_load %arg5[%get3A_57] {strides = array<i32>} : memref<4096xi32, #tpu.memory_space<vmem>>, vector<16xi32>,
      %mul3A_59 = arith.constant 16 : i32
      %mul3A_60 = arith.muli %scan3A_54, %mul3A_59 : i32
      %get3A_61 = arith.index_cast %mul3A_60 : i32 to index
      %get3A_62 = tpu.vector_load %arg6[%get3A_61] {strides = array<i32>} : memref<4096xi32, #tpu.memory_space<vmem>>, vector<16xi32>,
      %convert_element_type3A_63 = arith.sitofp %get3A_62 : vector<16xi32> to vector<16xf32>
      %sub3A_64 = vector.broadcast %mul3A_2 : i32 to vector<16xi32>
      %sub3A_65 = arith.subi %get3A_58, %sub3A_64 : vector<16xi32>
      %ge3A_66 = vector.broadcast %mul3A_2 : i32 to vector<16xi32>
      %ge3A_67 = arith.cmpi sge, %get3A_58, %ge3A_66 : vector<16xi32>
      %add3A_68 = arith.constant 3136 : i32
      %add3A_69 = arith.addi %mul3A_2, %add3A_68 : i32
      %lt3A_70 = vector.broadcast %add3A_69 : i32 to vector<16xi32>
      %lt3A_71 = arith.cmpi slt, %get3A_58, %lt3A_70 : vector<16xi32>
      %and3A_72 = arith.andi %ge3A_67, %lt3A_71 : vector<16xi1>
      tpu.vector_store_idx %arg7[%sub3A_65], %convert_element_type3A_63 masked %and3A_72 : memref<3136xf32, #tpu.memory_space<vmem>>[vector<16xi32>], vector<16xf32>, vector<16xi1>
      %scan3A_73 = arith.constant 0 : i32
      %scan3A_74 = arith.constant 3 : i32
      %scan3A_75 = arith.addi %scan3A_15, %scan3A_74 : i32
      %mul3A_76 = arith.constant 16 : i32
      %mul3A_77 = arith.muli %scan3A_75, %mul3A_76 : i32
      %get3A_78 = arith.index_cast %mul3A_77 : i32 to index
      %get3A_79 = tpu.vector_load %arg5[%get3A_78] {strides = array<i32>} : memref<4096xi32, #tpu.memory_space<vmem>>, vector<16xi32>,
      %mul3A_80 = arith.constant 16 : i32
      %mul3A_81 = arith.muli %scan3A_75, %mul3A_80 : i32
      %get3A_82 = arith.index_cast %mul3A_81 : i32 to index
      %get3A_83 = tpu.vector_load %arg6[%get3A_82] {strides = array<i32>} : memref<4096xi32, #tpu.memory_space<vmem>>, vector<16xi32>,
      %convert_element_type3A_84 = arith.sitofp %get3A_83 : vector<16xi32> to vector<16xf32>
      %sub3A_85 = vector.broadcast %mul3A_2 : i32 to vector<16xi32>
      %sub3A_86 = arith.subi %get3A_79, %sub3A_85 : vector<16xi32>
      %ge3A_87 = vector.broadcast %mul3A_2 : i32 to vector<16xi32>
      %ge3A_88 = arith.cmpi sge, %get3A_79, %ge3A_87 : vector<16xi32>
      %add3A_89 = arith.constant 3136 : i32
      %add3A_90 = arith.addi %mul3A_2, %add3A_89 : i32
      %lt3A_91 = vector.broadcast %add3A_90 : i32 to vector<16xi32>
      %lt3A_92 = arith.cmpi slt, %get3A_79, %lt3A_91 : vector<16xi32>
      %and3A_93 = arith.andi %ge3A_88, %lt3A_92 : vector<16xi1>
      tpu.vector_store_idx %arg7[%sub3A_86], %convert_element_type3A_84 masked %and3A_93 : memref<3136xf32, #tpu.memory_space<vmem>>[vector<16xi32>], vector<16xf32>, vector<16xi1>
      %scan3A_94 = arith.constant 0 : i32
      scf.yield %scan3A_94 : i32
    }
    %scan3A_8 = arith.constant 256 : i32
    %lt3A = arith.constant 31 : i32
    %lt3A_9 = arith.cmpi slt, %add3A, %lt3A : i32
    %convert_element_type3A = arith.extui %lt3A_9 : i1 to i32
    %cond3A = arith.constant 0 : i32
    %cond3A_10 = arith.cmpi ne, %convert_element_type3A, %cond3A : i32
    scf.if %cond3A_10 {
      "tpu.region"() ({
        %run_scoped3A = tpu.sem_alloc : memref<!tpu.dma_semaphore, #tpu.memory_space<semaphore_mem>>
        %dma_start3A = tpu.memref_slice %arg4[%mul3A_2] : memref<100000xf32, #tpu.memory_space<hbm>> -> memref<3136xf32, #tpu.memory_space<hbm>>
        %dma_start3A_15 = tpu.memref_slice %arg4[%mul3A_2] : memref<100000xf32, #tpu.memory_space<hbm>> -> memref<3136xf32, #tpu.memory_space<hbm>>
        tpu.enqueue_dma source(%arg7 : memref<3136xf32, #tpu.memory_space<vmem>>) target(%dma_start3A_15 : memref<3136xf32, #tpu.memory_space<hbm>>) target_semaphore(%run_scoped3A : memref<!tpu.dma_semaphore, #tpu.memory_space<semaphore_mem>>)
        %dma_wait3A = tpu.memref_slice %arg4[%mul3A_2] : memref<100000xf32, #tpu.memory_space<hbm>> -> memref<3136xf32, #tpu.memory_space<hbm>>
        %dma_wait3A_16 = tpu.memref_slice %arg4[%mul3A_2] : memref<100000xf32, #tpu.memory_space<hbm>> -> memref<3136xf32, #tpu.memory_space<hbm>>
        tpu.wait_dma2 semaphore(%run_scoped3A : memref<!tpu.dma_semaphore, #tpu.memory_space<semaphore_mem>>) src(%arg7 : memref<3136xf32, #tpu.memory_space<vmem>>) dst(%dma_wait3A_16 : memref<3136xf32, #tpu.memory_space<hbm>>)
        tpu.yield
      }) : () -> ()
    } else {
    }
    %eq3A = arith.constant 31 : i32
    %eq3A_11 = arith.cmpi eq, %add3A, %eq3A : i32
    %convert_element_type3A_12 = arith.extui %eq3A_11 : i1 to i32
    %cond3A_13 = arith.constant 0 : i32
    %cond3A_14 = arith.cmpi ne, %convert_element_type3A_12, %cond3A_13 : i32
    scf.if %cond3A_14 {
      "tpu.region"() ({
        %run_scoped3A = tpu.sem_alloc : memref<!tpu.dma_semaphore, #tpu.memory_space<semaphore_mem>>
        %dma_start3A = arith.constant 0 : i32
        %dma_start3A_15 = tpu.memref_slice %arg7[%dma_start3A] : memref<3136xf32, #tpu.memory_space<vmem>> -> memref<2784xf32, #tpu.memory_space<vmem>>
        %dma_start3A_16 = tpu.memref_slice %arg4[%mul3A_2] : memref<100000xf32, #tpu.memory_space<hbm>> -> memref<2784xf32, #tpu.memory_space<hbm>>
        %dma_start3A_17 = tpu.memref_slice %arg4[%mul3A_2] : memref<100000xf32, #tpu.memory_space<hbm>> -> memref<2784xf32, #tpu.memory_space<hbm>>
        %dma_start3A_18 = arith.constant 0 : i32
        %dma_start3A_19 = tpu.memref_slice %arg7[%dma_start3A_18] : memref<3136xf32, #tpu.memory_space<vmem>> -> memref<2784xf32, #tpu.memory_space<vmem>>
        tpu.enqueue_dma source(%dma_start3A_19 : memref<2784xf32, #tpu.memory_space<vmem>>) target(%dma_start3A_17 : memref<2784xf32, #tpu.memory_space<hbm>>) target_semaphore(%run_scoped3A : memref<!tpu.dma_semaphore, #tpu.memory_space<semaphore_mem>>)
        %dma_wait3A = arith.constant 0 : i32
        %dma_wait3A_20 = tpu.memref_slice %arg7[%dma_wait3A] : memref<3136xf32, #tpu.memory_space<vmem>> -> memref<2784xf32, #tpu.memory_space<vmem>>
        %dma_wait3A_21 = tpu.memref_slice %arg4[%mul3A_2] : memref<100000xf32, #tpu.memory_space<hbm>> -> memref<2784xf32, #tpu.memory_space<hbm>>
        %dma_wait3A_22 = tpu.memref_slice %arg4[%mul3A_2] : memref<100000xf32, #tpu.memory_space<hbm>> -> memref<2784xf32, #tpu.memory_space<hbm>>
        %dma_wait3A_23 = arith.constant 0 : i32
        %dma_wait3A_24 = tpu.memref_slice %arg7[%dma_wait3A_23] : memref<3136xf32, #tpu.memory_space<vmem>> -> memref<2784xf32, #tpu.memory_space<vmem>>
        tpu.wait_dma2 semaphore(%run_scoped3A : memref<!tpu.dma_semaphore, #tpu.memory_space<semaphore_mem>>) src(%dma_wait3A_24 : memref<2784xf32, #tpu.memory_space<vmem>>) dst(%dma_wait3A_22 : memref<2784xf32, #tpu.memory_space<hbm>>)
        tpu.yield
      }) : () -> ()
    } else {
    }
    return
  }
}

module attributes {stable_mosaic.version = 14 : i64} {
  func.func @_tc_body(%arg0: i32, %arg1: memref<10000x128xf32, #tpu.memory_space<vmem>>, %arg2: memref<10000x128xf32, #tpu.memory_space<vmem>>, %arg3: memref<10000x128xf32, #tpu.memory_space<vmem>>) attributes {dimension_semantics = [#tpu.dimension_semantics<parallel>], iteration_bounds = array<i64: 10>, scalar_prefetch = 0 : i64, scratch_operands = 0 : i64, tpu.core_type = #tpu.core_type<tc>, window_params = [{transform_indices = @transform_0, window_bounds = array<i64: 10000, 128>}, {transform_indices = @transform_1, window_bounds = array<i64: 10000, 128>}, {transform_indices = @transform_2, window_bounds = array<i64: 10000, 128>}]} {
    %get3A = arith.constant 0 : index
    %get3A_0 = arith.constant 0 : index
    %get3A_1 = vector.load %arg1[%get3A, %get3A_0] : memref<10000x128xf32, #tpu.memory_space<vmem>>, vector<10000x128xf32>
    %get3A_2 = arith.constant 0 : index
    %get3A_3 = arith.constant 0 : index
    %get3A_4 = vector.load %arg2[%get3A_2, %get3A_3] : memref<10000x128xf32, #tpu.memory_space<vmem>>, vector<10000x128xf32>
    %broadcast_in_dim3A = arith.constant 1.000000e+00 : f32
    %broadcast_in_dim3A_5 = vector.broadcast %broadcast_in_dim3A : f32 to vector<128x128xf32>
    %mul3A = arith.mulf %get3A_1, %get3A_1 : vector<10000x128xf32>
    %dot_general3A = arith.constant dense<0.000000e+00> : vector<10000x128xf32>
    %dot_general3A_6 = tpu.matmul %mul3A, %broadcast_in_dim3A_5, %dot_general3A {dimension_numbers = #tpu.dot_dimension_numbers<[1], [0], [0], [1], [0, 0, 1, 1], [], []>, transpose_lhs_hint = false} : vector<10000x128xf32>, vector<128x128xf32>, vector<10000x128xf32> -> vector<10000x128xf32>
    %mul3A_7 = arith.mulf %get3A_4, %get3A_4 : vector<10000x128xf32>
    %dot_general3A_8 = arith.constant dense<0.000000e+00> : vector<10000x128xf32>
    %dot_general3A_9 = tpu.matmul %mul3A_7, %broadcast_in_dim3A_5, %dot_general3A_8 {dimension_numbers = #tpu.dot_dimension_numbers<[1], [0], [0], [1], [0, 0, 1, 1], [], []>, transpose_lhs_hint = false} : vector<10000x128xf32>, vector<128x128xf32>, vector<10000x128xf32> -> vector<10000x128xf32>
    %max3A = arith.constant 1.280000e+00 : f32
    %max3A_10 = vector.broadcast %max3A : f32 to vector<10000x128xf32>
    %max3A_11 = arith.maximumf %dot_general3A_6, %max3A_10 : vector<10000x128xf32>
    %max3A_12 = arith.constant 1.000000e-30 : f32
    %max3A_13 = vector.broadcast %max3A_12 : f32 to vector<10000x128xf32>
    %max3A_14 = arith.maximumf %dot_general3A_9, %max3A_13 : vector<10000x128xf32>
    %max3A_15 = arith.maximumf %max3A_14, %max3A_11 : vector<10000x128xf32>
    %sqrt3A = math.sqrt %max3A_11 : vector<10000x128xf32>
    %rsqrt3A = math.rsqrt %max3A_15 : vector<10000x128xf32>
    %mul3A_16 = arith.mulf %sqrt3A, %rsqrt3A : vector<10000x128xf32>
    %mul3A_17 = arith.mulf %get3A_4, %mul3A_16 : vector<10000x128xf32>
    %swap3A = arith.constant 0 : index
    %swap3A_18 = arith.constant 0 : index
    %swap3A_19 = vector.load %arg3[%swap3A, %swap3A_18] : memref<10000x128xf32, #tpu.memory_space<vmem>>, vector<10000x128xf32>
    tpu.vector_store %arg3[%swap3A, %swap3A_18], %mul3A_17 {strides = array<i32>} : memref<10000x128xf32, #tpu.memory_space<vmem>>, vector<10000x128xf32>,
    return
  }
  func.func @transform_0(%arg0: i32) -> (i32, i32) {
    %c0_i32 = arith.constant 0 : i32
    %c0_i32_0 = arith.constant 0 : i32
    return %arg0, %c0_i32 : i32, i32
  }
  func.func @transform_1(%arg0: i32) -> (i32, i32) {
    %c0_i32 = arith.constant 0 : i32
    %c0_i32_0 = arith.constant 0 : i32
    return %arg0, %c0_i32 : i32, i32
  }
  func.func @transform_2(%arg0: i32) -> (i32, i32) {
    %c0_i32 = arith.constant 0 : i32
    %c0_i32_0 = arith.constant 0 : i32
    return %arg0, %c0_i32 : i32, i32
  }
}

</mosaic_0001>

<sc_bundles>
// kernel: kernel.5.cloned.1.call-start
scs
__scs_entry_jumppad:
0x0: {  	(pc) =	sbr.rel $0x88, $3  }
0x1: {  	(tag) =	ssettag $0x0;
	lr =	simm.s32 $0x1  }
0x2: {  	[smem:$0x3F9D] =	sst lr;
	_ =	strace $0xD0000000  }
0x3: {  	_ = 	snop  }
0x4: {  	_ = 	snop  }
0x5: {  	_ = 	snop  }
0x6: {  	_ = 	snop  }
0x7: {  	_ = 	snop  }
__scs_overlays_trampoline_lowered:
0x8: {  	[smem:$0x3FAC] =	sst s0  }
0x9: {  	[smem:$0x3FAD] =	sst s1  }
0xa: {  	[smem:$0x3FAE] =	sst s2  }
0xb: {  	[smem:$0x3FAF] =	sst s3  }
0xc: {  	[smem:$0x3FB0] =	sst s4  }
0xd: {  	[smem:$0x3FB1] =	sst s5  }
0xe: {  	[smem:$0x3FB2] =	sst s6  }
0xf: {  	[smem:$0x3FB3] =	sst s7  }
0x10: {  	[smem:$0x3FB4] =	sst s8  }
0x11: {  	[smem:$0x3FB5] =	sst s9;
	s0 =	simm.s32 @!p0 $0x0  }
0x12: {  	s1 =	sld [smem:$0x3F9B];
	s0 =	simm.s32 @p0 $0x1  }
0x13: {  	[smem:$0x3FB6] =	sst s0;
	s0 =	simm.s32 @!p1 $0x0  }
0x14: {  	s2 =	sld [smem:$0x3F9A];
	s0 =	simm.s32 @p1 $0x1  }
0x15: {  	[smem:$0x3FB7] =	sst s0;
	s0 =	simm.s32 @!p2 $0x0  }
0x16: {  	s3 =	sld [smem:$0x3FDB];
	s0 =	simm.s32 @p2 $0x1  }
0x17: {  	s4 =	simm.s32 $0x1BF5;
	[smem:$0x3FB9] =	sst s0  }
0x18: {  	s0 =	sld [smem:$0x3F9C];
	_ =	swait.ge [sflag:s4], $0x0  }
0x19: {  	s7 =	sld [smem:$0x3F9D]  }
0x1a: {  	s8 =	sadd.s32 $0xFFFFE003, lr  }
0x1b: {  	s9 =	sadd.s32 $0xFFFFFEF7, lr;
	s5 =	simm.s32 $0xFFFFFFFF;
	p2 =	slt.u32 s8, $0xFFFFF086  }
0x1c: {  	p1 =	slt.u32 s9, $0xF7A;
	s5 =	simm.s32 @!p2 $0x0  }
0x1d: {  	s5 =	simm.s32 @p1 $0x1;
	p0 =	seq.s32 s7, s2  }
0x1e: {  	s7 =	smul.u32 @!p0 $0xF7A, s2;
	p2 =	seq.s32 @!p0 s5, $0x0  }
0x1f: {  	s9 =	smul.u32 $0xF7A, s1;
	s8 =	simm.s32 @!p0 $0x1BF5;
	p2 =	por !p2, p0  }
0x20: {  	[sflag:s8] =	ssyncset.s32 @!p0 $0xFFFFF086;
	s6 =	sadd.s32 @!p0 s3, s7;
	s7 =	simm.s32 @!p0 $0x108  }
0x21: {  	s3 =	sadd.s32 s3, s9;
	s6 =	sadd.s32 @!p0 $0x88, s6;
	s7 =	simm.s32 @p2 $0x1082  }
0x22: {  	[simem:s7], [sflag:s8] =	dma.local @!p0 [hbm:s6], $0xF7A  }
0x23: {  	s9 =	sor.u32 $0xD0000000, s2;
	s6 =	simm.s32 $0x108;
	_ =	swait.ge @!p0 [sflag:s8], $0x0  }
0x24: {  	s3 =	sadd.s32 $0x88, s3;
	s6 =	simm.s32 @!p1 $0x1082;
	[sflag:s4] =	ssyncset.s32 $0xFFFFF086  }
0x25: {  	[simem:s6], [sflag:s4] =	dma.local [hbm:s3], $0xF7A  }
0x26: {  	[smem:$0x3F9D] =	sst s1;
	(tag) =	ssettag s2;
	_ =	strace s9  }
0x27: {  	s1 =	sld [smem:$0x3FAD]  }
0x28: {  	s2 =	sld [smem:$0x3FAE]  }
0x29: {  	s4 =	sld [smem:$0x3FB0]  }
0x2a: {  	p0 =	seq.s32 s5, $0x0;
	s5 =	sld [smem:$0x3FB1]  }
0x2b: {  	s6 =	sld [smem:$0x3FB2]  }
0x2c: {  	s7 =	sld [smem:$0x3FB3]  }
0x2d: {  	s3 =	simm.s32 $0x108;
	s8 =	sld [smem:$0x3FB4]  }
0x2e: {  	s3 =	simm.s32 @!p0 $0x1082;
	s9 =	sld [smem:$0x3FB5]  }
0x2f: {  	lr =	sadd.s32 s0, s3;
	s0 =	sld [smem:$0x3FAC]  }
0x30: {  	s3 =	sld [smem:$0x3FAF]  }
0x31: {  	[smem:$0x3FB8] =	sst s10  }
0x32: {  	s10 =	sld [smem:$0x3FB6];
	_ =	sdelay $0x3  }
0x33: {  	p0 =	seq.s32 s10, $0x1;
	s10 =	sld [smem:$0x3FB8];
	_ =	sdelay $0x3  }
0x34: {  	[smem:$0x3FB8] =	sst s10  }
0x35: {  	s10 =	sld [smem:$0x3FB7];
	_ =	sdelay $0x3  }
0x36: {  	p1 =	seq.s32 s10, $0x1;
	s10 =	sld [smem:$0x3FB8];
	_ =	sdelay $0x3  }
0x37: {  	[smem:$0x3FB8] =	sst s10  }
0x38: {  	s10 =	sld [smem:$0x3FB9]  }
0x39: {  	_ = 	snop;
	(pc) =	sbr.ind lr, $3  }
0x3a: {  	_ = 	snop  }
0x3b: {  	_ = 	snop  }
0x3c: {  	p2 =	seq.s32 s10, $0x1;
	s10 =	sld [smem:$0x3FB8]  }
0x3d: {  	_ =	shalt  }
0x3e: {  	_ =	shalt  }
0x3f: {  	_ =	shalt  }
0x40: {  	_ =	shalt  }
0x41: {  	_ =	shalt  }
0x42: {  	_ =	shalt  }
0x43: {  	_ =	shalt  }
0x44: {  	_ =	shalt  }
0x45: {  	_ =	shalt  }
0x46: {  	_ =	shalt  }
0x47: {  	_ =	shalt  }
0x48: {  	_ =	shalt  }
0x49: {  	_ =	shalt  }
0x4a: {  	_ =	shalt  }
0x4b: {  	_ =	shalt  }
0x4c: {  	_ =	shalt  }
0x4d: {  	_ =	shalt  }
0x4e: {  	_ =	shalt  }
0x4f: {  	_ =	shalt  }
0x50: {  	_ =	shalt  }
0x51: {  	_ =	shalt  }
0x52: {  	_ =	shalt  }
0x53: {  	_ =	shalt  }
0x54: {  	_ =	shalt  }
0x55: {  	_ =	shalt  }
0x56: {  	_ =	shalt  }
0x57: {  	_ =	shalt  }
0x58: {  	_ =	shalt  }
0x59: {  	_ =	shalt  }
0x5a: {  	_ =	shalt  }
0x5b: {  	_ =	shalt  }
0x5c: {  	_ =	shalt  }
0x5d: {  	_ =	shalt  }
0x5e: {  	_ =	shalt  }
0x5f: {  	_ =	shalt  }
0x60: {  	_ =	shalt  }
0x61: {  	_ =	shalt  }
0x62: {  	_ =	shalt  }
0x63: {  	_ =	shalt  }
0x64: {  	_ =	shalt  }
0x65: {  	_ =	shalt  }
0x66: {  	_ =	shalt  }
0x67: {  	_ =	shalt  }
0x68: {  	_ =	shalt  }
0x69: {  	_ =	shalt  }
0x6a: {  	_ =	shalt  }
0x6b: {  	_ =	shalt  }
0x6c: {  	_ =	shalt  }
0x6d: {  	_ =	shalt  }
0x6e: {  	_ =	shalt  }
0x6f: {  	_ =	shalt  }
0x70: {  	_ =	shalt  }
0x71: {  	_ =	shalt  }
0x72: {  	_ =	shalt  }
0x73: {  	_ =	shalt  }
0x74: {  	_ =	shalt  }
0x75: {  	_ =	shalt  }
0x76: {  	_ =	shalt  }
0x77: {  	_ =	shalt  }
0x78: {  	_ =	shalt  }
0x79: {  	_ =	shalt  }
0x7a: {  	_ =	shalt  }
0x7b: {  	_ =	shalt  }
0x7c: {  	_ =	shalt  }
0x7d: {  	_ =	shalt  }
0x7e: {  	_ =	shalt  }
0x7f: {  	_ =	shalt  }
0x80: {  	_ =	shalt  }
0x81: {  	_ =	shalt  }
0x82: {  	_ =	shalt  }
0x83: {  	_ =	shalt  }
0x84: {  	_ =	shalt  }
0x85: {  	_ =	shalt  }
0x86: {  	_ =	shalt  }
0x87: {  	_ =	shalt  }
.Lfunc_end0:
.L_simem_size_0:
called_computation_lowered:
.L_overlay_start_0:
0x88: {  	s2 =	sld [smem:$0x3FD9]  }
0x89: {  	s3 =	sld [smem:$0x3FFE];
	_ =	sdelay $0x1  }
0x8a: {  	s1 =	srdreg.scid  }
0x8b: {  	s0 =	sand.u32 $0x1, s1  }
0x8c: {  	s17 =	sshll.u32 s0, $0xA;
	s2 =	sadd.s32 s3, s2  }
0x8d: {  	s2 =	sadd.s32 s2, s17  }
0x8e: {  	[smem:$0x3FC4] =	sst s2  }
0x8f: {  	_ = 	snop  }
0x90: {  	s2 =	sld [smem:$0x3FC7]  }
0x91: {  	s18 =	sld [smem:$0x3FC6];
	(tm) =	ssettm $0x1  }
0x92: {  	s4 =	sld [smem:$0x3FFB];
	_ =	sdelay $0x3  }
0x93: {  	_ =	strace s4  }
0x94: {  	s4 =	sld [smem:$0x3FFC];
	_ =	sdelay $0x3  }
0x95: {  	_ =	strace s4  }
0x96: {  	s4 =	sld [smem:$0x3FFD];
	_ =	sdelay $0x3  }
0x97: {  	_ =	strace s4  }
0x98: {  	_ =	strace $0x8FFFFFFF  }
0x99: {  	s19 =	sld [smem:$0x3FDB];
	_ =	sdelay $0x1  }
0x9a: {  	s5 =	simm.s32 $_scs_section_size  }
0x9b: {  	s6 =	simm.s32 $_size__tile_overlayer_lowered;
	s7 =	simm.s32 $_tile_overlayer_lowered  }
0x9c: {  	s22 =	simm.s32 $0x1BFF;
	s21 =	sshll.u32 s7, $0x1;
	s4 =	sadd.s32 s5, s19  }
0x9d: {  	s8 =	simm.s32 $0x0;
	s20 =	sshll.u32 s6, $0x1;
	s6 =	sadd.s32 s21, s4  }
0x9e: {  	[timem:s8], [sflag:s22] =	dma.local [hbm:s6], s20  }
0x9f: {  	_ =	swait.ge [sflag:s22], s20  }
0xa0: {  	s5 =	ssub.s32 $0x0, s20;
	[sflag:s22] =	ssyncset.done $0x0  }
0xa1: {  	[sflag:s22] =	ssyncadd.s32 s5;
	_ =	sdelay $0x1  }
0xa2: {  	s23 =	simm.s32 $0x1B8B  }
0xa3: {  	_ =	swait.ge [sflag:s23], $0x1  }
0xa4: {  	[sflag:s23] =	ssyncset.done $0x0  }
0xa5: {  	s25 =	simm.s32 $0x1B8E;
	s24 =	sld [smem:$0x3FFE];
	[sflag:s23] =	ssyncadd.s32 $0xFFFFFFFF  }
0xa6: {  	s26 =	simm.s32 $execute0_lowered;
	[smem:$0x3FD2] =	sst s25  }
0xa7: {  	s6 =	sshll.u32 s26, $0x1;
	_ =	strace $0x80000046;
	[dreg:$0x1] =	wrdreg $0xFFFFFFFF  }
0xa8: {  	s28 =	simm.s32 $_size_execute0_lowered;
	s4 =	sadd.s32 s4, s6;
	[dreg:$0x0] =	wrdreg $0x0  }
0xa9: {  	s6 =	sshll.u32 s28, $0x1;
	[dreg:$0x2] =	wrdreg s4  }
0xaa: {  	[dreg:$0x3] =	wrdreg s6  }
0xab: {  	[dreg:$0x4] =	wrdreg $0xC0  }
0xac: {  	_ =	task [dreg:s8], $0x5FFFF  }
0xad: {  	[dreg:$0x1] =	wrdreg $0xFFFFFFFF  }
0xae: {  	[dreg:$0x0] =	wrdreg $0x60  }
0xaf: {  	[dreg:$0x2] =	wrdreg s2  }
0xb0: {  	[dreg:$0x3] =	wrdreg s18  }
0xb1: {  	[dreg:$0x4] =	wrdreg s24  }
0xb2: {  	[dreg:$0x5] =	wrdreg $0x9  }
0xb3: {  	_ =	task.clear_ibuf [dreg:s8], $0x6FFFF;
	_ =	strace $0x90000046  }
0xb4: {  	s29 =	simm.s32 $0x9;
	_ =	strace $0x80000048  }
0xb5: {  	_ =	swait.ge [sflag:s29], $0x1  }
0xb6: {  	[sflag:s29] =	ssyncadd.s32 $0xFFFFFFFF  }
0xb7: {  	_ =	strace $0x90000048  }
0xb8: {  	_ =	sfence  }
0xb9: {  	s30 =	sld [smem:$0x0];
	_ =	sdelay $0x2  }
0xba: {  	s31 =	sshll.u32 s1, $0xD;
	s1 =	sshrl.u32 s1, $0x2  }
0xbb: {  	s3 =	sand.u32 $0x4000, s31;
	s1 =	sadd.s32 s1, s30  }
0xbc: {  	s0 =	sor.u32 s3, s0;
	s1 =	sshll.u32 s1, $0x11  }
0xbd: {  	s0 =	sor.u32 s1, s0  }
0xbe: {  	s0 =	sadd.s32 $0x8F2B, s0  }
0xbf: {  	[sflag:s0] =	ssyncadd.remote.s32 $0x1  }
0xc0: {  	_ =	sfence.sel $0xFFFF  }
0xc1: {  	[dreg:$0x0] =	wrdreg $0xFFFFFFFF;
	(pc) =	sbr.abs _section_cstart, $3  }
0xc2: {  	[dreg:$0x1] =	wrdreg $0xFFFFFFFF  }
0xc3: {  	_ =	task.clear_ibuf [dreg:s8], $0x2FFFF;
	_ =	strace $0x9FFFFFFF  }
0xc4: {  	(tm) =	ssettm $0x7FFFFFFF  }
0xc5: {  	_ =	shalt  }
tec
execute0_lowered:
.L_overlay_start_1:
0x0: {  	(tag) =	ssettag $0x1  }
0x1: {  	s1 =	rddreg [dreg:$0x0]  }
0x2: {  	s0 =	srdreg.scid;
	s3 =	rddreg [dreg:$0x1]  }
0x3: {  	s6 =	rddreg [dreg:$0x2];
	s4 =	simm.s32 $0x0;
	s5 =	sand.u32 $0x1, s0  }
0x4: {  	s9 =	simm.s32 $0x1000;
	s0 =	stileid.u32;
	s2 =	sshll.u32 s5, $0x4  }
0x5: {  	[smem:$0x7FF] =	sst s4;
	s5 =	ssub.s32 $0x2, s5;
	s11 =	sor.u32 s0, s2  }
0x6: {  	s2 =	rddreg [dreg:$0x3];
	s8 =	sshrl.u32 s5, $0x1;
	s10 =	smul.u32 $0xC40, s11  }
0x7: {  	_ =	strace $0x80000047;
	s8 =	ssub.s32 s5, s8;
	p0 =	seq.s32 s11, $0x1F  }
0x8: {  	s11 =	simm.s32 $0x0;
	s7 =	sshrl.u32 s10, $0x3;
	s12 =	sadd.s32 $0xC40, s10  }
0x9: {  	v0 =	vmov s10;
	s10 =	simm.s32 $0x2000;
	s7 =	sadd.s32 s7, s6;
	s6 =	sadd.s32 $0x3778, s6  }
0xa: {  	v1 =	vmov s12;
	s5 =	sadd.s32 $0x800, s7;
	s7 =	smax.u32 s8, $0x1;
	s8 =	simm.s32 $0x1  }
.LBB2_1:
0xb: {  	[tilespmem:s4], [sflag:$0x1] =	stream.linear.gather [hbm4b:s1+s4], $0x1000, $0x38;
	[tilespmem:$0x2C80] =	vst v63  }
0xc: {  	_ =	swait.ge [sflag:s8], $0x1000  }
0xd: {  	[sflag:s8] =	ssyncset.done $0x0  }
0xe: {  	[sflag:s8] =	ssyncadd.s32 $0xFFFFF000  }
0xf: {  	[tilespmem:s9], [sflag:$0x1] =	stream.linear.gather [hbm4b:s3+s4], $0x1000, $0x38;
	[tilespmem:$0x2C80] =	vst v63  }
0x10: {  	_ =	swait.ge [sflag:s8], $0x1000  }
0x11: {  	s12 =	simm.s32 $0xFFFFFFFC;
	[sflag:s8] =	ssyncset.done $0x0  }
0x12: {  	s13 =	simm.s32 $0x1020;
	s14 =	simm.s32 $0x20;
	[sflag:s8] =	ssyncadd.s32 $0xFFFFF000  }
.LBB2_2:
0x13: {  	v2 =	vld [tilespmem:s14+$0xFFFFFFE0];
	_ =	sdelay $0x4  }
0x14: {  	v3 =	vld [tilespmem:s13+$0xFFFFFFE0];
	vm0 =	vge.s32 v2, v0;
	vm1 =	vlt.s32 v2, v1  }
0x15: {  	vm0 =	vmand vm0, vm1  }
0x16: {  	v2 =	vsub.s32 v2, v0;
	_ =	sdelay $0x2  }
0x17: {  	v3 =	vcvt.s32.f32 v3;
	_ =	sdelay $0x1  }
0x18: {  	[tilespmem:v2+s10+$0x0] =	vst.idx.msk vm0, v3  }
0x19: {  	v2 =	vld [tilespmem:s14+$0xFFFFFFF0];
	_ =	sdelay $0x4  }
0x1a: {  	v3 =	vld [tilespmem:s13+$0xFFFFFFF0];
	vm10 =	vge.s32 v2, v0;
	vm11 =	vlt.s32 v2, v1  }
0x1b: {  	vm0 =	vmand vm10, vm11  }
0x1c: {  	v2 =	vsub.s32 v2, v0;
	_ =	sdelay $0x2  }
0x1d: {  	v3 =	vcvt.s32.f32 v3;
	_ =	sdelay $0x1  }
0x1e: {  	[tilespmem:v2+s10+$0x0] =	vst.idx.msk vm0, v3  }
0x1f: {  	v2 =	vld [tilespmem:s14+$0x0];
	_ =	sdelay $0x4  }
0x20: {  	v3 =	vld [tilespmem:s13+$0x0];
	vm12 =	vge.s32 v2, v0;
	vm13 =	vlt.s32 v2, v1  }
0x21: {  	vm0 =	vmand vm12, vm13  }
0x22: {  	v2 =	vsub.s32 v2, v0;
	_ =	sdelay $0x2  }
0x23: {  	v3 =	vcvt.s32.f32 v3;
	_ =	sdelay $0x1  }
0x24: {  	[tilespmem:v2+s10+$0x0] =	vst.idx.msk vm0, v3  }
0x25: {  	v2 =	vld [tilespmem:s14+$0x10];
	_ =	sdelay $0x4  }
0x26: {  	v3 =	vld [tilespmem:s13+$0x10];
	vm14 =	vge.s32 v2, v0;
	vm15 =	vlt.s32 v2, v1  }
0x27: {  	s12 =	sadd.s32 $0x4, s12;
	vm0 =	vmand vm14, vm15  }
0x28: {  	p1 =	slt.u32 s12, $0xFC;
	v2 =	vsub.s32 v2, v0  }
.Ltmp0:
0x29: {  	_ = 	snop;
	(pc) =	sbr.rel @p1 .LBB2_2-.Ltmp0, $3  }
0x2a: {  	_ = 	snop  }
0x2b: {  	v3 =	vcvt.s32.f32 v3;
	_ =	sdelay $0x1  }
0x2c: {  	s13 =	sadd.s32 $0x40, s13;
	s14 =	sadd.s32 $0x40, s14;
	[tilespmem:v2+s10+$0x0] =	vst.idx.msk vm0, v3  }
0x2d: {  	s12 =	simm.s32 @p0 $0x0;
	s13 =	simm.s32 @p0 $0x2000  }
0x2e: {  	[hbm4b:s6+s12] =	stream.linear.scatter @p0 [tilespmem:s13], [sflag:$0x1], $0xAE0, $0x38;
	[tilespmem:$0x2C80] =	vst v63  }
0x2f: {  	s12 =	simm.s32 @p0 $0x1  }
0x30: {  	_ =	swait.ge @p0 [sflag:s12], $0xAE0  }
0x31: {  	s11 =	sadd.s32 $0x1, s11;
	s13 =	simm.s32 @!p0 $0x2000;
	[sflag:s12] =	ssyncset.done @p0 $0x0  }
0x32: {  	p1 =	sne.s32 s11, s7;
	[sflag:s12] =	ssyncadd.s32 @p0 $0xFFFFF520;
	s12 =	simm.s32 @!p0 $0x0  }
0x33: {  	[hbm4b:s5+s12] =	stream.linear.scatter @!p0 [tilespmem:s13], [sflag:$0x1], $0xC40, $0x38;
	[tilespmem:$0x2C80] =	vst v63  }
.Ltmp1:
0x34: {  	_ = 	snop;
	(pc) =	sbr.rel @p1 .LBB2_1-.Ltmp1, $4  }
0x35: {  	s12 =	simm.s32 @!p0 $0x1  }
0x36: {  	_ =	swait.ge @!p0 [sflag:s12], $0xC40  }
0x37: {  	[sflag:s12] =	ssyncset.done @!p0 $0x0  }
0x38: {  	[sflag:s12] =	ssyncadd.s32 @!p0 $0xFFFFF3C0  }
0x39: {  	_ =	sfence.sel $0x180000  }
0x3a: {  	[bflag:$0x0] =	sbarrier.arrive $0xFFFF  }
0x3b: {  	p0 =	sne.s32 s0, $0x0;
	_ =	strace $0x90000047  }
0x3c: {  	s0 =	sadd.s32 @!p0 $0x100000, s2;
	[bflag:$0x2] =	sbarrier.arrive $0xFFFF  }
0x3d: {  	[sflag:s0] =	ssyncadd.tile.s32 @!p0 $0x1;
	_ =	shalt  }
.Lfunc_end2:
_tile_overlayer_lowered:
.L_overlay_start_2:
0x3e: {  	(tag) =	ssettag $0x2  }
0x3f: {  	s0 =	rddreg [dreg:$0x0];
	s2 =	stileid.u32  }
0x40: {  	s1 =	rddreg [dreg:$0x1];
	p0 =	sne.s32 s2, $0x0  }
0x41: {  	s3 =	rddreg [dreg:$0x2];
	[bflag:$0x3] =	sbarrier.arrive $0xFFFF;
	s2 =	simm.s32 @!p0 $0x1C01  }
0x42: {  	[timem:s3], [sflag:s2] =	dma.local @!p0 [hbm:s0], s1  }
0x43: {  	s0 =	simm.s32 @!p0 $0x1  }
0x44: {  	_ =	swait.ge @!p0 [sflag:s0], s1  }
0x45: {  	s1 =	ssub.s32 @!p0 $0x0, s1;
	[sflag:s0] =	ssyncset.done @!p0 $0x0  }
0x46: {  	[sflag:s0] =	ssyncadd.s32 @!p0 s1  }
0x47: {  	[bflag:$0x3] =	sbarrier.arrive $0xFFFF  }
0x48: {  	_ =	shalt  }

// kernel: kernel.8.cloned.1.call-start
scs
__scs_entry_jumppad:
0x0: {  	(pc) =	sbr.rel $0x88, $3  }
0x1: {  	(tag) =	ssettag $0x0;
	lr =	simm.s32 $0x1  }
0x2: {  	[smem:$0x3F9D] =	sst lr;
	_ =	strace $0xD0000000  }
0x3: {  	_ = 	snop  }
0x4: {  	_ = 	snop  }
0x5: {  	_ = 	snop  }
0x6: {  	_ = 	snop  }
0x7: {  	_ = 	snop  }
__scs_overlays_trampoline_lowered:
0x8: {  	[smem:$0x3FAC] =	sst s0  }
0x9: {  	[smem:$0x3FAD] =	sst s1  }
0xa: {  	[smem:$0x3FAE] =	sst s2  }
0xb: {  	[smem:$0x3FAF] =	sst s3  }
0xc: {  	[smem:$0x3FB0] =	sst s4  }
0xd: {  	[smem:$0x3FB1] =	sst s5  }
0xe: {  	[smem:$0x3FB2] =	sst s6  }
0xf: {  	[smem:$0x3FB3] =	sst s7  }
0x10: {  	[smem:$0x3FB4] =	sst s8  }
0x11: {  	[smem:$0x3FB5] =	sst s9;
	s0 =	simm.s32 @!p0 $0x0  }
0x12: {  	s1 =	sld [smem:$0x3F9B];
	s0 =	simm.s32 @p0 $0x1  }
0x13: {  	[smem:$0x3FB6] =	sst s0;
	s0 =	simm.s32 @!p1 $0x0  }
0x14: {  	s2 =	sld [smem:$0x3F9A];
	s0 =	simm.s32 @p1 $0x1  }
0x15: {  	[smem:$0x3FB7] =	sst s0;
	s0 =	simm.s32 @!p2 $0x0  }
0x16: {  	s3 =	sld [smem:$0x3FDB];
	s0 =	simm.s32 @p2 $0x1  }
0x17: {  	s4 =	simm.s32 $0x1BF5;
	[smem:$0x3FB9] =	sst s0  }
0x18: {  	s0 =	sld [smem:$0x3F9C];
	_ =	swait.ge [sflag:s4], $0x0  }
0x19: {  	s7 =	sld [smem:$0x3F9D]  }
0x1a: {  	s8 =	sadd.s32 $0xFFFFE003, lr  }
0x1b: {  	s9 =	sadd.s32 $0xFFFFFEF7, lr;
	s5 =	simm.s32 $0xFFFFFFFF;
	p2 =	slt.u32 s8, $0xFFFFF086  }
0x1c: {  	p1 =	slt.u32 s9, $0xF7A;
	s5 =	simm.s32 @!p2 $0x0  }
0x1d: {  	s5 =	simm.s32 @p1 $0x1;
	p0 =	seq.s32 s7, s2  }
0x1e: {  	s7 =	smul.u32 @!p0 $0xF7A, s2;
	p2 =	seq.s32 @!p0 s5, $0x0  }
0x1f: {  	s9 =	smul.u32 $0xF7A, s1;
	s8 =	simm.s32 @!p0 $0x1BF5;
	p2 =	por !p2, p0  }
0x20: {  	[sflag:s8] =	ssyncset.s32 @!p0 $0xFFFFF086;
	s6 =	sadd.s32 @!p0 s3, s7;
	s7 =	simm.s32 @!p0 $0x108  }
0x21: {  	s3 =	sadd.s32 s3, s9;
	s6 =	sadd.s32 @!p0 $0x88, s6;
	s7 =	simm.s32 @p2 $0x1082  }
0x22: {  	[simem:s7], [sflag:s8] =	dma.local @!p0 [hbm:s6], $0xF7A  }
0x23: {  	s9 =	sor.u32 $0xD0000000, s2;
	s6 =	simm.s32 $0x108;
	_ =	swait.ge @!p0 [sflag:s8], $0x0  }
0x24: {  	s3 =	sadd.s32 $0x88, s3;
	s6 =	simm.s32 @!p1 $0x1082;
	[sflag:s4] =	ssyncset.s32 $0xFFFFF086  }
0x25: {  	[simem:s6], [sflag:s4] =	dma.local [hbm:s3], $0xF7A  }
0x26: {  	[smem:$0x3F9D] =	sst s1;
	(tag) =	ssettag s2;
	_ =	strace s9  }
0x27: {  	s1 =	sld [smem:$0x3FAD]  }
0x28: {  	s2 =	sld [smem:$0x3FAE]  }
0x29: {  	s4 =	sld [smem:$0x3FB0]  }
0x2a: {  	p0 =	seq.s32 s5, $0x0;
	s5 =	sld [smem:$0x3FB1]  }
0x2b: {  	s6 =	sld [smem:$0x3FB2]  }
0x2c: {  	s7 =	sld [smem:$0x3FB3]  }
0x2d: {  	s3 =	simm.s32 $0x108;
	s8 =	sld [smem:$0x3FB4]  }
0x2e: {  	s3 =	simm.s32 @!p0 $0x1082;
	s9 =	sld [smem:$0x3FB5]  }
0x2f: {  	lr =	sadd.s32 s0, s3;
	s0 =	sld [smem:$0x3FAC]  }
0x30: {  	s3 =	sld [smem:$0x3FAF]  }
0x31: {  	[smem:$0x3FB8] =	sst s10  }
0x32: {  	s10 =	sld [smem:$0x3FB6];
	_ =	sdelay $0x3  }
0x33: {  	p0 =	seq.s32 s10, $0x1;
	s10 =	sld [smem:$0x3FB8];
	_ =	sdelay $0x3  }
0x34: {  	[smem:$0x3FB8] =	sst s10  }
0x35: {  	s10 =	sld [smem:$0x3FB7];
	_ =	sdelay $0x3  }
0x36: {  	p1 =	seq.s32 s10, $0x1;
	s10 =	sld [smem:$0x3FB8];
	_ =	sdelay $0x3  }
0x37: {  	[smem:$0x3FB8] =	sst s10  }
0x38: {  	s10 =	sld [smem:$0x3FB9]  }
0x39: {  	_ = 	snop;
	(pc) =	sbr.ind lr, $3  }
0x3a: {  	_ = 	snop  }
0x3b: {  	_ = 	snop  }
0x3c: {  	p2 =	seq.s32 s10, $0x1;
	s10 =	sld [smem:$0x3FB8]  }
0x3d: {  	_ =	shalt  }
0x3e: {  	_ =	shalt  }
0x3f: {  	_ =	shalt  }
0x40: {  	_ =	shalt  }
0x41: {  	_ =	shalt  }
0x42: {  	_ =	shalt  }
0x43: {  	_ =	shalt  }
0x44: {  	_ =	shalt  }
0x45: {  	_ =	shalt  }
0x46: {  	_ =	shalt  }
0x47: {  	_ =	shalt  }
0x48: {  	_ =	shalt  }
0x49: {  	_ =	shalt  }
0x4a: {  	_ =	shalt  }
0x4b: {  	_ =	shalt  }
0x4c: {  	_ =	shalt  }
0x4d: {  	_ =	shalt  }
0x4e: {  	_ =	shalt  }
0x4f: {  	_ =	shalt  }
0x50: {  	_ =	shalt  }
0x51: {  	_ =	shalt  }
0x52: {  	_ =	shalt  }
0x53: {  	_ =	shalt  }
0x54: {  	_ =	shalt  }
0x55: {  	_ =	shalt  }
0x56: {  	_ =	shalt  }
0x57: {  	_ =	shalt  }
0x58: {  	_ =	shalt  }
0x59: {  	_ =	shalt  }
0x5a: {  	_ =	shalt  }
0x5b: {  	_ =	shalt  }
0x5c: {  	_ =	shalt  }
0x5d: {  	_ =	shalt  }
0x5e: {  	_ =	shalt  }
0x5f: {  	_ =	shalt  }
0x60: {  	_ =	shalt  }
0x61: {  	_ =	shalt  }
0x62: {  	_ =	shalt  }
0x63: {  	_ =	shalt  }
0x64: {  	_ =	shalt  }
0x65: {  	_ =	shalt  }
0x66: {  	_ =	shalt  }
0x67: {  	_ =	shalt  }
0x68: {  	_ =	shalt  }
0x69: {  	_ =	shalt  }
0x6a: {  	_ =	shalt  }
0x6b: {  	_ =	shalt  }
0x6c: {  	_ =	shalt  }
0x6d: {  	_ =	shalt  }
0x6e: {  	_ =	shalt  }
0x6f: {  	_ =	shalt  }
0x70: {  	_ =	shalt  }
0x71: {  	_ =	shalt  }
0x72: {  	_ =	shalt  }
0x73: {  	_ =	shalt  }
0x74: {  	_ =	shalt  }
0x75: {  	_ =	shalt  }
0x76: {  	_ =	shalt  }
0x77: {  	_ =	shalt  }
0x78: {  	_ =	shalt  }
0x79: {  	_ =	shalt  }
0x7a: {  	_ =	shalt  }
0x7b: {  	_ =	shalt  }
0x7c: {  	_ =	shalt  }
0x7d: {  	_ =	shalt  }
0x7e: {  	_ =	shalt  }
0x7f: {  	_ =	shalt  }
0x80: {  	_ =	shalt  }
0x81: {  	_ =	shalt  }
0x82: {  	_ =	shalt  }
0x83: {  	_ =	shalt  }
0x84: {  	_ =	shalt  }
0x85: {  	_ =	shalt  }
0x86: {  	_ =	shalt  }
0x87: {  	_ =	shalt  }
.Lfunc_end0:
.L_simem_size_0:
called_computation.1_lowered:
.L_overlay_start_0:
0x88: {  	s2 =	sld [smem:$0x3FD9]  }
0x89: {  	s3 =	sld [smem:$0x3FFE];
	_ =	sdelay $0x1  }
0x8a: {  	s1 =	srdreg.scid  }
0x8b: {  	s0 =	sand.u32 $0x1, s1  }
0x8c: {  	s17 =	sshll.u32 s0, $0xA;
	s2 =	sadd.s32 s3, s2  }
0x8d: {  	s2 =	sadd.s32 s2, s17  }
0x8e: {  	[smem:$0x3FC4] =	sst s2  }
0x8f: {  	_ = 	snop  }
0x90: {  	s2 =	sld [smem:$0x3FC9]  }
0x91: {  	s18 =	sld [smem:$0x3FC8]  }
0x92: {  	s4 =	sld [smem:$0x3FC7]  }
0x93: {  	s5 =	sld [smem:$0x3FD0];
	(tm) =	ssettm $0x1  }
0x94: {  	s6 =	sld [smem:$0x3FFB];
	_ =	sdelay $0x3  }
0x95: {  	_ =	strace s6  }
0x96: {  	s6 =	sld [smem:$0x3FFC];
	_ =	sdelay $0x3  }
0x97: {  	_ =	strace s6  }
0x98: {  	s6 =	sld [smem:$0x3FFD];
	_ =	sdelay $0x3  }
0x99: {  	_ =	strace s6  }
0x9a: {  	_ =	strace $0x8FFFFFFF  }
0x9b: {  	s19 =	sld [smem:$0x3FDB];
	_ =	sdelay $0x1  }
0x9c: {  	s7 =	simm.s32 $_scs_section_size  }
0x9d: {  	s8 =	simm.s32 $_size__tile_overlayer_lowered;
	s9 =	simm.s32 $_tile_overlayer_lowered  }
0x9e: {  	s22 =	simm.s32 $0x1BFF;
	s21 =	sshll.u32 s9, $0x1;
	s6 =	sadd.s32 s7, s19  }
0x9f: {  	s10 =	simm.s32 $0x0;
	s20 =	sshll.u32 s8, $0x1;
	s8 =	sadd.s32 s21, s6  }
0xa0: {  	[timem:s10], [sflag:s22] =	dma.local [hbm:s8], s20  }
0xa1: {  	_ =	swait.ge [sflag:s22], s20  }
0xa2: {  	s7 =	ssub.s32 $0x0, s20;
	[sflag:s22] =	ssyncset.done $0x0  }
0xa3: {  	[sflag:s22] =	ssyncadd.s32 s7;
	_ =	sdelay $0x1  }
0xa4: {  	s23 =	simm.s32 $0x1B8B  }
0xa5: {  	_ =	swait.ge [sflag:s23], $0x1  }
0xa6: {  	[sflag:s23] =	ssyncset.done $0x0  }
0xa7: {  	s25 =	simm.s32 $0x1B8E;
	s24 =	sld [smem:$0x3FFE];
	[sflag:s23] =	ssyncadd.s32 $0xFFFFFFFF  }
0xa8: {  	s26 =	simm.s32 $execute0_lowered;
	[smem:$0x3FD2] =	sst s25  }
0xa9: {  	s8 =	sshll.u32 s26, $0x1;
	_ =	strace $0x80000049;
	[dreg:$0x1] =	wrdreg $0xFFFFFFFF  }
0xaa: {  	s28 =	simm.s32 $_size_execute0_lowered;
	s6 =	sadd.s32 s6, s8;
	[dreg:$0x0] =	wrdreg $0x0  }
0xab: {  	s8 =	sshll.u32 s28, $0x1;
	[dreg:$0x2] =	wrdreg s6  }
0xac: {  	[dreg:$0x3] =	wrdreg s8  }
0xad: {  	[dreg:$0x4] =	wrdreg $0xC0  }
0xae: {  	_ =	task [dreg:s10], $0x5FFFF  }
0xaf: {  	[dreg:$0x1] =	wrdreg $0xFFFFFFFF  }
0xb0: {  	[dreg:$0x0] =	wrdreg $0x60  }
0xb1: {  	[dreg:$0x2] =	wrdreg s4  }
0xb2: {  	[dreg:$0x3] =	wrdreg s24  }
0xb3: {  	[dreg:$0x4] =	wrdreg s2  }
0xb4: {  	[dreg:$0x5] =	wrdreg s18  }
0xb5: {  	[dreg:$0x6] =	wrdreg s5  }
0xb6: {  	[dreg:$0x7] =	wrdreg $0x9  }
0xb7: {  	_ =	task.clear_ibuf [dreg:s10], $0x8FFFF;
	_ =	strace $0x90000049  }
0xb8: {  	s29 =	simm.s32 $0x9;
	_ =	strace $0x8000004B  }
0xb9: {  	_ =	swait.ge [sflag:s29], $0x1  }
0xba: {  	[sflag:s29] =	ssyncadd.s32 $0xFFFFFFFF  }
0xbb: {  	_ =	strace $0x9000004B  }
0xbc: {  	_ =	sfence  }
0xbd: {  	s30 =	sld [smem:$0x0];
	_ =	sdelay $0x2  }
0xbe: {  	s31 =	sshll.u32 s1, $0xD;
	s1 =	sshrl.u32 s1, $0x2  }
0xbf: {  	s3 =	sand.u32 $0x4000, s31;
	s1 =	sadd.s32 s1, s30  }
0xc0: {  	s0 =	sor.u32 s3, s0;
	s1 =	sshll.u32 s1, $0x11  }
0xc1: {  	s0 =	sor.u32 s1, s0  }
0xc2: {  	s0 =	sadd.s32 $0x8F2B, s0  }
0xc3: {  	[sflag:s0] =	ssyncadd.remote.s32 $0x1  }
0xc4: {  	_ =	sfence.sel $0xFFFF  }
0xc5: {  	[dreg:$0x0] =	wrdreg $0xFFFFFFFF;
	(pc) =	sbr.abs _section_cstart, $3  }
0xc6: {  	[dreg:$0x1] =	wrdreg $0xFFFFFFFF  }
0xc7: {  	_ =	task.clear_ibuf [dreg:s10], $0x2FFFF;
	_ =	strace $0x9FFFFFFF  }
0xc8: {  	(tm) =	ssettm $0x7FFFFFFF  }
0xc9: {  	_ =	shalt  }
tec
execute0_lowered:
.L_overlay_start_1:
0x0: {  	(tag) =	ssettag $0x1  }
0x1: {  	v54 =	vlaneseq.u32;
	v57 =	vimm.s32 $0x74737271;
	v1 =	vimm.s32 $0x78777675  }
0x2: {  	v58 =	vimm.s32 $0x75747372;
	v2 =	vimm.s32 $0x79787776;
	v0 =	vadd.s32 $0x1, v54  }
0x3: {  	vm0 =	vcmask $0x1F10;
	v59 =	vimm.s32 $0x7C7B7A79;
	v36 =	vadd.s32 $0x3, v54;
	[tilespmem:$0x1FB40] =	vst v0  }
0x4: {  	v60 =	vimm.s32 $0x7F7E7D;
	v62 =	vimm.s32 $0x7D7C7B7A;
	v37 =	vadd.s32 $0x4, v54;
	[tilespmem:$0x1FB50] =	vst v36  }
0x5: {  	v63 =	vimm.s32 $0x76757473;
	v6 =	vimm.s32 $0x7A797877;
	v38 =	vadd.s32 $0x5, v54;
	[tilespmem:$0x1FB60] =	vst v37  }
0x6: {  	v7 =	vimm.s32 $0x1007F7E;
	v15 =	vimm.s32 $0x7E7D7C7B;
	v39 =	vadd.s32 $0x6, v54;
	[tilespmem:$0x1FB70] =	vst v38  }
0x7: {  	v16 =	vimm.s32 $0x3020100;
	v17 =	vimm.s32 $0x201007F;
	v40 =	vadd.s32 $0x7, v54;
	[tilespmem:$0x1FB80] =	vst v39  }
0x8: {  	v18 =	vimm.s32 $0x7F7E7D7C;
	v19 =	vimm.s32 $0x77767574;
	v41 =	vadd.s32 $0x8, v54;
	[tilespmem:$0x1FB90] =	vst v40  }
0x9: {  	v20 =	vimm.s32 $0x7B7A7978;
	v22 =	vimm.s32 $0x4030201;
	v42 =	vadd.s32 $0x9, v54;
	[tilespmem:$0x1FBA0] =	vst v41  }
0xa: {  	v24 =	vimm.s32 $0x32107654;
	v26 =	vimm.s32 $0x5040302;
	v43 =	vadd.s32 $0xA, v54;
	[tilespmem:$0x1FBB0] =	vst v42  }
0xb: {  	v27 =	vimm.s32 $0x6050403;
	v28 =	vimm.s32 $0x87654321;
	v44 =	vadd.s32 $0xB, v54;
	[tilespmem:$0x1FBC0] =	vst v43  }
0xc: {  	v29 =	vimm.s32 $0x98765432;
	v5 =	vimm.s32 $0x43218765;
	v45 =	vadd.s32 $0xC, v54;
	[tilespmem:$0x1FBD0] =	vst v44  }
0xd: {  	vm1 =	vcmask $0x2F10;
	vm2 =	vcmask $0x3F30;
	v46 =	vadd.s32 $0xD, v54;
	[tilespmem:$0x1FBE0] =	vst v45  }
0xe: {  	v30 =	vimm.s32 $0x54329876;
	v8 =	vimm.s32 $0xC0B0A09;
	v47 =	vadd.s32 $0xE, v54;
	[tilespmem:$0x1FBF0] =	vst v46  }
0xf: {  	v9 =	vimm.s32 $0x6543A987;
	v48 =	vadd.s32 $0xF, v54;
	v49 =	vor.u32 $0x10, v54;
	[tilespmem:$0x1FC00] =	vst v47  }
0x10: {  	v50 =	vadd.s32 $0x11, v54;
	v51 =	vadd.s32 $0x12, v54;
	v52 =	vadd.s32 $0x13, v54;
	[tilespmem:$0x1FC10] =	vst v48  }
0x11: {  	v53 =	vadd.s32 $0x14, v54;
	v55 =	vadd.s32 $0x22, v54;
	v56 =	vadd.s32 $0x23, v54;
	[tilespmem:$0x1FC20] =	vst v49  }
0x12: {  	v3 =	vunpack.c.0.s8.s32 v1;
	v1 =	vunpack.c.0.s8.s32 v58;
	v4 =	vunpack.c.0.s8.s32 v2;
	[tilespmem:$0x1FC30] =	vst v50  }
0x13: {  	v12 =	vunpack.c.0.s8.s32 v60;
	v14 =	vunpack.c.0.s8.s32 v62;
	v13 =	vunpack.c.0.s8.s32 v7;
	[tilespmem:$0x1FC40] =	vst v51  }
0x14: {  	v7 =	vunpack.c.0.s8.s32 v18;
	v2 =	vunpack.c.0.s8.s32 v19;
	v21 =	vunpack.c.0.s8.s32 v20;
	[tilespmem:$0x1FC50] =	vst v52  }
0x15: {  	v23 =	vunpack.c.0.s8.s32 v22;
	v5 =	vunpack.c.l.s4.s8 v5;
	v8 =	vunpack.c.0.s8.s32 v8;
	[tilespmem:$0x1FC60] =	vst v53  }
0x16: {  	v9 =	vunpack.c.l.s4.s8 v9;
	v58 =	vimm.s32 $0xE0D0C0B;
	v18 =	vadd.s32 $0x2A, v54;
	[tilespmem:$0x1FC70] =	vst v55  }
0x17: {  	v19 =	vadd.s32 $0x2B, v54;
	v20 =	vadd.s32 $0x2C, v54;
	[tilespmem:$0x1FC80] =	vst v56;
	v0 =	vunpack.c.0.s8.s32 v57  }
0x18: {  	v52 =	vunpack.c.0.s8.s32 v59;
	v51 =	vunpack.c.0.s8.s32 v6;
	v53 =	vunpack.c.0.s8.s32 v15;
	[tilespmem:$0x1FDC0] =	vst v18  }
0x19: {  	v55 =	vunpack.c.0.s8.s32 v17;
	v6 =	vimm.s32 $0xB0A0908;
	v46 =	vimm.s32 $0xD0C0B0A;
	[tilespmem:$0x1FDD0] =	vst v19  }
0x1a: {  	v59 =	vimm.s32 $0xA9876543;
	v15 =	vadd.s32 $0x27, v54;
	v17 =	vadd.s32 $0x29, v54;
	[tilespmem:$0x1FDE0] =	vst v20  }
0x1b: {  	v61 =	vsel vm0, v4, v1;
	[tilespmem:$0x1FCB0] =	vst v21;
	v49 =	vmovc v3;
	v0 =	vsel vm0, v3, v0;
	v3 =	vunpack.c.l.s4.s8 v24  }
0x1c: {  	v1 =	vunpack.c.0.s8.s32 v63;
	v2 =	vsel vm0, v21, v2;
	v25 =	vsel vm0, v23, v12;
	[tilespmem:$0x1FCD0] =	vst v7  }
0x1d: {  	v6 =	vunpack.c.0.s8.s32 v6;
	v5 =	vunpack.c.0.s8.s32 v5;
	[tilespmem:$0x1FCF0] =	vst v12;
	v3 =	vunpack.c.0.s8.s32 v3  }
0x1e: {  	v48 =	vunpack.c.0.s8.s32 v9;
	v50 =	vmovc v4;
	v4 =	vunpack.c.l.s4.s8 v29;
	[tilespmem:$0x1FC90] =	vst v0;
	v0 =	vunpack.c.0.s8.s32 v16  }
0x1f: {  	[tilespmem:$0x1FCA0] =	vst v61;
	v61 =	vimm.s32 $0x76543210;
	v56 =	vsel vm0, v51, v1;
	v3 =	vand.u32 $0xF, v3  }
0x20: {  	[tilespmem:$0x1FD90] =	vst v15;
	v0 =	vsel vm0, v0, v7;
	v3 =	vsel vm1, v3, v7;
	v7 =	vunpack.c.l.s4.s8 v30  }
0x21: {  	[tilespmem:$0x1FDB0] =	vst v17;
	v1 =	vunpack.c.0.s8.s32 v27;
	v5 =	vand.u32 $0xF, v5;
	v16 =	vadd.s32 $0x28, v54  }
0x22: {  	[tilespmem:$0x1FCC0] =	vst v25;
	v31 =	vsel vm1, v5, v12;
	v3 =	vsel vm2, v6, v3;
	v32 =	vunpack.c.0.s8.s32 v7  }
0x23: {  	v4 =	vunpack.c.0.s8.s32 v4;
	v62 =	vsel vm0, v1, v55;
	[tilespmem:$0x1FCE0] =	vst v3;
	v3 =	vsel vm2, v8, v31  }
0x24: {  	v57 =	vcombine.low v2, v0;
	[tilespmem:$0x1FD00] =	vst v3;
	v3 =	vunpack.c.0.s8.s32 v46;
	v5 =	vand.u32 $0xF, v32  }
0x25: {  	[tilespmem:$0x1FDA0] =	vst v16;
	v6 =	vand.u32 $0xF, v48;
	v7 =	vunpack.c.0.s8.s32 v58;
	v5 =	vsel vm1, v5, v13  }
0x26: {  	v2 =	vunpack.c.l.s4.s8 v28;
	[tilespmem:$0x1FD40] =	vst v62;
	v60 =	vsel vm1, v6, v55;
	v3 =	vsel vm2, v3, v5  }
0x27: {  	v0 =	vunpack.c.0.s8.s32 v26;
	v12 =	vand.u32 $0xF, v4;
	v5 =	vsel vm2, v7, v60;
	[tilespmem:$0x1FD10] =	vst v3  }
0x28: {  	s6 =	rddreg [dreg:$0x0];
	v2 =	vunpack.c.0.s8.s32 v2;
	[tilespmem:$0x1FD20] =	vst v5;
	v3 =	vunpack.c.l.s4.s8 v59;
	v5 =	vunpack.c.l.s4.s8 v61  }
0x29: {  	s7 =	rddreg [dreg:$0x1];
	[tilespmem:$0x1FD70] =	vst v12;
	v0 =	vsel vm0, v0, v13  }
0x2a: {  	s0 =	rddreg [dreg:$0x2];
	[tilespmem:$0x1FD30] =	vst v0;
	v7 =	vand.u32 $0xF, v2;
	v63 =	vunpack.c.0.s8.s32 v3;
	v6 =	vunpack.c.0.s8.s32 v5  }
0x2b: {  	s1 =	rddreg [dreg:$0x3];
	[tilespmem:$0x1FD60] =	vst v7  }
0x2c: {  	s3 =	rddreg [dreg:$0x4];
	s4 =	simm.s32 $0x0;
	[tilespmem:$0x1FD50] =	vst v6;
	v0 =	vand.u32 $0xF, v63  }
0x2d: {  	[smem:$0x7FF] =	sst s4;
	v21 =	vadd.s32 $0x2D, v54;
	[tilespmem:$0x1FD80] =	vst v0  }
0x2e: {  	s2 =	rddreg [dreg:$0x5];
	v22 =	vadd.s32 $0x2E, v54;
	_ =	strace $0x8000004A;
	[tilespmem:$0x1FDF0] =	vst v21  }
0x2f: {  	v23 =	vadd.s32 $0x2F, v54;
	[tilespmem:$0x1FE00] =	vst v22  }
0x30: {  	v24 =	vor.u32 $0x30, v54;
	[tilespmem:$0x1FE10] =	vst v23  }
0x31: {  	v25 =	vadd.s32 $0x31, v54;
	[tilespmem:$0x1FE20] =	vst v24  }
0x32: {  	v26 =	vadd.s32 $0x32, v54;
	[tilespmem:$0x1FE30] =	vst v25  }
0x33: {  	v27 =	vadd.s32 $0x33, v54;
	[tilespmem:$0x1FE40] =	vst v26  }
0x34: {  	v28 =	vadd.s32 $0x34, v54;
	[tilespmem:$0x1FE50] =	vst v27  }
0x35: {  	v29 =	vadd.s32 $0x35, v54;
	[tilespmem:$0x1FE60] =	vst v28  }
0x36: {  	v30 =	vadd.s32 $0x36, v54;
	[tilespmem:$0x1FE70] =	vst v29  }
0x37: {  	v31 =	vadd.s32 $0x37, v54;
	[tilespmem:$0x1FE80] =	vst v30  }
0x38: {  	v32 =	vadd.s32 $0x38, v54;
	[tilespmem:$0x1FE90] =	vst v31  }
0x39: {  	v46 =	vadd.s32 $0x39, v54;
	[tilespmem:$0x1FEA0] =	vst v32  }
0x3a: {  	v48 =	vadd.s32 $0x3A, v54;
	[tilespmem:$0x1FEB0] =	vst v46  }
0x3b: {  	v58 =	vadd.s32 $0x3B, v54;
	[tilespmem:$0x1FEC0] =	vst v48  }
0x3c: {  	v61 =	vadd.s32 $0x3C, v54;
	[tilespmem:$0x1FED0] =	vst v58  }
0x3d: {  	v62 =	vadd.s32 $0x3D, v54;
	[tilespmem:$0x1FEE0] =	vst v61  }
0x3e: {  	v10 =	vmul.u32 $0x80, v54;
	v63 =	vadd.s32 $0x3E, v54;
	[tilespmem:$0x1FEF0] =	vst v62  }
0x3f: {  	[tilespmem:$0x1FF00] =	vst v63  }
0x40: {  	v47 =	vadd.s32 $0x24, v54;
	[tilespmem:$0x1FF10] =	vst v10  }
0x41: {  	[tilespmem:$0x1FF20] =	vst v47  }
0x42: {  	[tilespmem:$0x1FF30] =	vst v49  }
0x43: {  	[tilespmem:$0x1FF40] =	vst v50  }
0x44: {  	[tilespmem:$0x1FF50] =	vst v52  }
0x45: {  	[tilespmem:$0x1FF60] =	vst v51  }
0x46: {  	[tilespmem:$0x1FF70] =	vst v14  }
0x47: {  	[tilespmem:$0x1FF80] =	vst v13  }
0x48: {  	s5 =	srdreg.scid;
	s12 =	simm.s32 $0x3;
	s13 =	simm.s32 $0x1;
	[tilespmem:$0x1FF90] =	vst v56  }
0x49: {  	s14 =	simm.s32 $0x2;
	s15 =	simm.s32 $0x8100;
	s16 =	simm.s32 $0x80;
	v11 =	vadd.s32 $0x2, v54;
	[tilespmem:$0x1FFA0] =	vst v53  }
0x4a: {  	s17 =	simm.s32 $0x0;
	v33 =	vadd.s32 $0x15, v54;
	v34 =	vadd.s32 $0x16, v54;
	v35 =	vadd.s32 $0x17, v54;
	s8 =	sand.u32 $0x1, s5;
	s5 =	stileid.u32;
	[tilespmem:$0x1FFB0] =	vst v55  }
0x4b: {  	v36 =	vadd.s32 $0x18, v54;
	v37 =	vadd.s32 $0x19, v54;
	s9 =	ssub.s32 $0x2, s8;
	s11 =	sshll.u32 s5, $0x4;
	s8 =	sshll.u32 s8, $0x8;
	v59 =	vadd.s32 $0x25, v54;
	[tilespmem:$0x1FFC0] =	vst v57  }
0x4c: {  	v38 =	vadd.s32 $0x1A, v54;
	v39 =	vadd.s32 $0x1B, v54;
	s10 =	sshrl.u32 s9, $0x1;
	s31 =	sadd.s32 s6, s11;
	s6 =	sadd.s32 $0x800, s7;
	v60 =	vadd.s32 $0x26, v54;
	[tilespmem:$0x1FFD0] =	vst v59  }
0x4d: {  	v40 =	vadd.s32 $0x1C, v54;
	v41 =	vadd.s32 $0x1D, v54;
	v42 =	vadd.s32 $0x1E, v54;
	s11 =	simm.s32 $0x4100;
	s9 =	ssub.s32 s9, s10;
	s7 =	sadd.s32 s8, s31;
	[tilespmem:$0x1FFE0] =	vst v60  }
0x4e: {  	v43 =	vadd.s32 $0x1F, v54;
	v44 =	vor.u32 $0x20, v54;
	v45 =	vadd.s32 $0x21, v54;
	s10 =	simm.s32 $0x100;
	s8 =	smax.u32 s9, $0x1;
	s9 =	simm.s32 $0x4;
	[tilespmem:$0x1FFF0] =	vst v11  }
.LBB2_1:
0x4f: {  	[tilespmem:s4], [sflag:$0x4] =	stream.linear.gather [hbm4b:s7+s4], $0x80, $0x38;
	[tilespmem:$0xC100] =	vst v63  }
0x50: {  	_ =	swait.ge [sflag:s9], $0x80  }
0x51: {  	[sflag:s9] =	ssyncset.done $0x0  }
0x52: {  	[sflag:s9] =	ssyncadd.s32 $0xFFFFFF80  }
0x53: {  	[tilespmem:s16], [sflag:$0x3] =	stream.indirect.gather [hbm4b:s6+s16], $0x1, s4, s16, $0xb8;
	[tilespmem:$0xC100] =	vst v63  }
0x54: {  	_ = 	snop  }
0x55: {  	[tilespmem:s10], [sflag:$0x1] =	stream.indirect.gather [hbm4b:s0+s16], $0x80, s4, s16, $0xb8;
	[tilespmem:$0xC100] =	vst v63  }
0x56: {  	_ = 	snop  }
0x57: {  	[tilespmem:s11], [sflag:$0x2] =	stream.indirect.gather [hbm4b:s1+s16], $0x80, s4, s16, $0xb8;
	[tilespmem:$0xC100] =	vst v63  }
0x58: {  	_ =	swait.ge [sflag:s12], $0x80  }
0x59: {  	[sflag:s12] =	ssyncset.done $0x0  }
0x5a: {  	[sflag:s12] =	ssyncadd.s32 $0xFFFFFF80  }
0x5b: {  	_ =	swait.ge [sflag:s13], $0x4000  }
0x5c: {  	[sflag:s13] =	ssyncset.done $0x0  }
0x5d: {  	[sflag:s13] =	ssyncadd.s32 $0xFFFFC000  }
0x5e: {  	_ =	swait.ge [sflag:s14], $0x4000  }
0x5f: {  	[sflag:s14] =	ssyncset.done $0x0  }
0x60: {  	s18 =	simm.s32 $0x80;
	s19 =	simm.s32 $0x0;
	[sflag:s14] =	ssyncadd.s32 $0xFFFFC000  }
.LBB2_2:
0x61: {  	v12 =	vld [tilespmem:$0x1FB40]  }
0x62: {  	v23 =	vld [tilespmem:s18+$0x0]  }
0x63: {  	v15 =	vld [tilespmem:$0x1FB50]  }
0x64: {  	v0 =	vmov s19;
	v16 =	vld [tilespmem:$0x1FB60]  }
0x65: {  	v17 =	vld [tilespmem:$0x1FB70];
	v0 =	vshll.u32 v0, $0x7  }
0x66: {  	v18 =	vld [tilespmem:$0x1FB80];
	v13 =	vor.u32 v10, v0  }
0x67: {  	v19 =	vld [tilespmem:$0x1FB90];
	v1 =	vor.u32 v54, v13  }
0x68: {  	v20 =	vld [tilespmem:$0x1FBA0]  }
0x69: {  	v21 =	vld [tilespmem:$0x1FBB0];
	v2 =	vor.u32 v12, v13  }
0x6a: {  	v22 =	vld [tilespmem:$0x1FBC0]  }
0x6b: {  	[tilespmem:$0x1F590] =	vst v23;
	v4 =	vor.u32 v11, v13;
	v23 =	vld [tilespmem:$0x1FBD0]  }
0x6c: {  	v24 =	vld.idx.msk [tilespmem:v1+s10+$0x0], $0xffff  }
0x6d: {  	v6 =	vor.u32 v15, v13;
	v10 =	vld.idx.msk [tilespmem:v1+s11+$0x0], $0xffff  }
0x6e: {  	v25 =	vld.idx.msk [tilespmem:v2+s10+$0x0], $0xffff  }
0x6f: {  	v8 =	vor.u32 v16, v13;
	[tilespmem:$0x1F5C0] =	vst v2;
	v2 =	vld.idx.msk [tilespmem:v2+s11+$0x0], $0xffff  }
0x70: {  	v63 =	vor.u32 v19, v13;
	v3 =	vld.idx.msk [tilespmem:v4+s10+$0x0], $0xffff  }
0x71: {  	[tilespmem:$0x1F5D0] =	vst v4;
	v4 =	vld.idx.msk [tilespmem:v4+s11+$0x0], $0xffff  }
0x72: {  	v9 =	vor.u32 v17, v13;
	v5 =	vld.idx.msk [tilespmem:v6+s10+$0x0], $0xffff  }
0x73: {  	[tilespmem:$0x1F5E0] =	vst v6;
	v6 =	vld.idx.msk [tilespmem:v6+s11+$0x0], $0xffff  }
0x74: {  	v48 =	vor.u32 v18, v13;
	v7 =	vld.idx.msk [tilespmem:v8+s10+$0x0], $0xffff  }
0x75: {  	v29 =	vld.idx.msk [tilespmem:v63+s10+$0x0], $0xffff  }
0x76: {  	v26 =	vmul.f32 v3, v3;
	v3 =	vld.idx.msk [tilespmem:v8+s11+$0x0], $0xffff  }
0x77: {  	v55 =	vor.u32 v22, v13;
	[tilespmem:$0x1F5F0] =	vst v8;
	v8 =	vld.idx.msk [tilespmem:v9+s10+$0x0], $0xffff  }
0x78: {  	v62 =	vor.u32 v20, v13;
	[tilespmem:$0x1F5B0] =	vst v1;
	v27 =	vmul.f32 v5, v5;
	v5 =	vld.idx.msk [tilespmem:v9+s11+$0x0], $0xffff  }
0x79: {  	[tilespmem:$0x1F600] =	vst v9;
	v0 =	vmul.f32 v24, v24;
	v1 =	vmul.f32 v25, v25;
	v9 =	vld.idx.msk [tilespmem:v48+s10+$0x0], $0xffff  }
0x7a: {  	v57 =	vor.u32 v21, v13;
	v24 =	vld [tilespmem:$0x1FBE0]  }
0x7b: {  	v25 =	vld [tilespmem:$0x1FBF0];
	v0 =	vadd.f32 v1, v0  }
0x7c: {  	v46 =	vld.idx.msk [tilespmem:v55+s10+$0x0], $0xffff  }
0x7d: {  	v0 =	vadd.f32 v26, v0;
	v26 =	vld [tilespmem:$0x1FC00]  }
0x7e: {  	v53 =	vmov v47;
	v47 =	vor.u32 v23, v13;
	v30 =	vmul.f32 v8, v8;
	v8 =	vld.idx.msk [tilespmem:v62+s10+$0x0], $0xffff  }
0x7f: {  	v28 =	vmul.f32 v7, v7;
	v31 =	vmul.f32 v9, v9;
	v9 =	vld.idx.msk [tilespmem:v57+s10+$0x0], $0xffff;
	v11 =	vor.u32 v24, v13  }
0x80: {  	v32 =	vmul.f32 v29, v29;
	v29 =	vld [tilespmem:$0x1FC30];
	v12 =	vor.u32 v25, v13;
	v0 =	vadd.f32 v27, v0  }
0x81: {  	v27 =	vld [tilespmem:$0x1FC10]  }
0x82: {  	v0 =	vadd.f32 v28, v0;
	v28 =	vld [tilespmem:$0x1FC20]  }
0x83: {  	v51 =	vmul.f32 v8, v8;
	v8 =	vld.idx.msk [tilespmem:v47+s10+$0x0], $0xffff  }
0x84: {  	v49 =	vor.u32 v26, v13;
	v0 =	vadd.f32 v30, v0;
	v56 =	vmul.f32 v9, v9;
	v9 =	vld.idx.msk [tilespmem:v11+s10+$0x0], $0xffff  }
0x85: {  	v18 =	vmul.f32 v10, v10;
	v61 =	vld.idx.msk [tilespmem:v12+s10+$0x0], $0xffff  }
0x86: {  	v2 =	vmul.f32 v2, v2;
	v30 =	vld [tilespmem:$0x1FC40];
	v50 =	vor.u32 v27, v13;
	v0 =	vadd.f32 v31, v0  }
0x87: {  	v4 =	vmul.f32 v4, v4;
	v31 =	vld [tilespmem:$0x1FC50]  }
0x88: {  	v2 =	vadd.f32 v2, v18;
	v14 =	vor.u32 v29, v13;
	v0 =	vadd.f32 v32, v0;
	v32 =	vld [tilespmem:$0x1FC60]  }
0x89: {  	v22 =	vmul.f32 v6, v6;
	v15 =	vmul.f32 v8, v8;
	v8 =	vld.idx.msk [tilespmem:v49+s10+$0x0], $0xffff  }
0x8a: {  	v2 =	vadd.f32 v4, v2;
	v29 =	vld.idx.msk [tilespmem:v62+s11+$0x0], $0xffff;
	v0 =	vadd.f32 v51, v0;
	v51 =	vor.u32 v28, v13  }
0x8b: {  	v58 =	vmul.f32 v46, v46;
	v16 =	vmul.f32 v9, v9;
	v9 =	vld.idx.msk [tilespmem:v50+s10+$0x0], $0xffff  }
0x8c: {  	v2 =	vadd.f32 v22, v2;
	v22 =	vld.idx.msk [tilespmem:v47+s11+$0x0], $0xffff;
	v0 =	vadd.f32 v56, v0;
	v56 =	vor.u32 v30, v13  }
0x8d: {  	v20 =	vld.idx.msk [tilespmem:v14+s10+$0x0], $0xffff;
	v17 =	vmul.f32 v61, v61;
	v61 =	vor.u32 v32, v13  }
0x8e: {  	v0 =	vadd.f32 v58, v0;
	v19 =	vmul.f32 v8, v8;
	v58 =	vor.u32 v31, v13;
	v8 =	vld.idx.msk [tilespmem:v48+s11+$0x0], $0xffff  }
0x8f: {  	[tilespmem:$0x1F5A0] =	vst v10;
	v3 =	vmul.f32 v3, v3;
	v10 =	vld.idx.msk [tilespmem:v51+s10+$0x0], $0xffff  }
0x90: {  	[tilespmem:$0x1F610] =	vst v48;
	v21 =	vmul.f32 v9, v9;
	v9 =	vld.idx.msk [tilespmem:v63+s11+$0x0], $0xffff;
	v0 =	vadd.f32 v15, v0  }
0x91: {  	[tilespmem:$0x1F620] =	vst v63;
	v2 =	vadd.f32 v3, v2;
	v27 =	vmul.f32 v5, v5;
	v23 =	vld.idx.msk [tilespmem:v56+s10+$0x0], $0xffff  }
0x92: {  	[tilespmem:$0x1F630] =	vst v62;
	v0 =	vadd.f32 v16, v0;
	v16 =	vor.u32 v34, v13;
	v28 =	vld.idx.msk [tilespmem:v61+s10+$0x0], $0xffff  }
0x93: {  	v2 =	vadd.f32 v27, v2;
	v31 =	vor.u32 v35, v13;
	v25 =	vld.idx.msk [tilespmem:v58+s10+$0x0], $0xffff;
	v32 =	vmul.f32 v8, v8  }
0x94: {  	v8 =	vld.idx.msk [tilespmem:v57+s11+$0x0], $0xffff;
	v0 =	vadd.f32 v17, v0;
	v24 =	vmul.f32 v10, v10;
	v10 =	vor.u32 v33, v13  }
0x95: {  	[tilespmem:$0x1F650] =	vst v55;
	v17 =	vmul.f32 v9, v9;
	v9 =	vld.idx.msk [tilespmem:v55+s11+$0x0], $0xffff;
	v55 =	vor.u32 v37, v13  }
0x96: {  	[tilespmem:$0x1F640] =	vst v57;
	v2 =	vadd.f32 v32, v2;
	v32 =	vld.idx.msk [tilespmem:v49+s11+$0x0], $0xffff;
	v0 =	vadd.f32 v19, v0  }
0x97: {  	[tilespmem:$0x1F690] =	vst v49;
	v26 =	vmul.f32 v20, v20;
	v20 =	vmul.f32 v29, v29;
	v48 =	vmov v33;
	v18 =	vld.idx.msk [tilespmem:v16+s10+$0x0], $0xffff  }
0x98: {  	v63 =	vor.u32 v40, v13;
	v33 =	vor.u32 v38, v13;
	v0 =	vadd.f32 v21, v0;
	v21 =	vld.idx.msk [tilespmem:v31+s10+$0x0], $0xffff  }
0x99: {  	v62 =	vmov v10;
	[tilespmem:$0x1F6F0] =	vst v10;
	v49 =	vor.u32 v41, v13;
	v2 =	vadd.f32 v17, v2;
	v46 =	vld.idx.msk [tilespmem:v10+s10+$0x0], $0xffff  }
0x9a: {  	v19 =	vmul.f32 v28, v28;
	v10 =	vor.u32 v36, v13;
	v28 =	vld.idx.msk [tilespmem:v55+s10+$0x0], $0xffff;
	v0 =	vadd.f32 v24, v0  }
0x9b: {  	v2 =	vadd.f32 v20, v2;
	v27 =	vmul.f32 v9, v9;
	v9 =	vld.idx.msk [tilespmem:v12+s11+$0x0], $0xffff;
	v24 =	vmul.f32 v8, v8  }
0x9c: {  	[tilespmem:$0x1F660] =	vst v47;
	v30 =	vmul.f32 v23, v23;
	v8 =	vld.idx.msk [tilespmem:v11+s11+$0x0], $0xffff;
	v0 =	vadd.f32 v26, v0  }
0x9d: {  	[tilespmem:$0x1F710] =	vst v31;
	v57 =	vmov v31;
	v31 =	vld.idx.msk [tilespmem:v33+s10+$0x0], $0xffff;
	v2 =	vadd.f32 v24, v2  }
0x9e: {  	v15 =	vmul.f32 v25, v25;
	v47 =	vmov v10;
	[tilespmem:$0x1F720] =	vst v10;
	v24 =	vld.idx.msk [tilespmem:v49+s10+$0x0], $0xffff;
	v0 =	vadd.f32 v30, v0  }
0x9f: {  	v25 =	vld.idx.msk [tilespmem:v10+s10+$0x0], $0xffff;
	v10 =	vor.u32 v39, v13;
	v2 =	vadd.f32 v27, v2;
	v30 =	vmul.f32 v22, v22  }
0xa0: {  	v29 =	vmul.f32 v21, v21;
	v21 =	vld.idx.msk [tilespmem:v63+s10+$0x0], $0xffff;
	v20 =	vmul.f32 v9, v9  }
0xa1: {  	v9 =	vld.idx.msk [tilespmem:v51+s11+$0x0], $0xffff;
	v17 =	vmul.f32 v8, v8;
	v0 =	vadd.f32 v15, v0;
	v2 =	vadd.f32 v30, v2  }
0xa2: {  	v23 =	vmul.f32 v46, v46;
	v8 =	vld.idx.msk [tilespmem:v50+s11+$0x0], $0xffff  }
0xa3: {  	[tilespmem:$0x1F6A0] =	vst v50;
	v50 =	vor.u32 v42, v13;
	v0 =	vadd.f32 v19, v0;
	v2 =	vadd.f32 v17, v2;
	v17 =	vld [tilespmem:$0x1FC70]  }
0xa4: {  	v26 =	vmul.f32 v18, v18;
	v15 =	vor.u32 v43, v13;
	v18 =	vld.idx.msk [tilespmem:v10+s10+$0x0], $0xffff  }
0xa5: {  	v46 =	vmul.f32 v25, v25;
	v25 =	vld.idx.msk [tilespmem:v14+s11+$0x0], $0xffff;
	v0 =	vadd.f32 v23, v0  }
0xa6: {  	v22 =	vmul.f32 v31, v31;
	v31 =	vmul.f32 v9, v9;
	v9 =	vld.idx.msk [tilespmem:v58+s11+$0x0], $0xffff;
	v2 =	vadd.f32 v20, v2  }
0xa7: {  	v23 =	vmul.f32 v32, v32;
	v27 =	vmul.f32 v8, v8;
	v8 =	vld.idx.msk [tilespmem:v56+s11+$0x0], $0xffff;
	v0 =	vadd.f32 v26, v0  }
0xa8: {  	[tilespmem:$0x1F670] =	vst v11;
	v30 =	vor.u32 v45, v13;
	v19 =	vmul.f32 v28, v28;
	v28 =	vld.idx.msk [tilespmem:v50+s10+$0x0], $0xffff  }
0xa9: {  	[tilespmem:$0x1F680] =	vst v12;
	v32 =	vld.idx.msk [tilespmem:v15+s10+$0x0], $0xffff;
	v2 =	vadd.f32 v23, v2;
	v0 =	vadd.f32 v29, v0  }
0xaa: {  	[tilespmem:$0x1F6E0] =	vst v61;
	v11 =	vor.u32 v44, v13;
	v20 =	vld.idx.msk [tilespmem:v61+s11+$0x0], $0xffff  }
0xab: {  	v2 =	vadd.f32 v27, v2;
	v27 =	vmul.f32 v9, v9;
	v9 =	vld.idx.msk [tilespmem:v16+s11+$0x0], $0xffff;
	v0 =	vadd.f32 v46, v0  }
0xac: {  	v12 =	vmov v10;
	[tilespmem:$0x1F750] =	vst v10;
	v10 =	vor.u32 v17, v13;
	v23 =	vmul.f32 v8, v8;
	v8 =	vld.idx.msk [tilespmem:v62+s11+$0x0], $0xffff  }
0xad: {  	v26 =	vmul.f32 v18, v18;
	v46 =	vmul.f32 v24, v24;
	v24 =	vld.idx.msk [tilespmem:v30+s10+$0x0], $0xffff;
	v0 =	vadd.f32 v19, v0  }
0xae: {  	v18 =	vmul.f32 v25, v25;
	v2 =	vadd.f32 v31, v2;
	v25 =	vmul.f32 v32, v32;
	v32 =	vld.idx.msk [tilespmem:v57+s11+$0x0], $0xffff  }
0xaf: {  	[tilespmem:$0x1F790] =	vst v30;
	v61 =	vmov v30;
	v30 =	vmul.f32 v20, v20;
	v20 =	vld [tilespmem:$0x1FD90];
	v0 =	vadd.f32 v22, v0  }
0xb0: {  	[tilespmem:$0x1F700] =	vst v16;
	v2 =	vadd.f32 v18, v2;
	v22 =	vld [tilespmem:$0x1FC80]  }
0xb1: {  	v29 =	vmul.f32 v21, v21;
	v16 =	vor.u32 v59, v13;
	v19 =	vld.idx.msk [tilespmem:v11+s10+$0x0], $0xffff;
	v0 =	vadd.f32 v26, v0  }
0xb2: {  	[tilespmem:$0x1F6B0] =	vst v51;
	v2 =	vadd.f32 v23, v2;
	v17 =	vmul.f32 v8, v8;
	v8 =	vld.idx.msk [tilespmem:v47+s11+$0x0], $0xffff  }
0xb3: {  	[tilespmem:$0x1F780] =	vst v11;
	v51 =	vmov v58;
	v21 =	vmul.f32 v28, v28;
	v28 =	vld.idx.msk [tilespmem:v10+s10+$0x0], $0xffff;
	v0 =	vadd.f32 v29, v0  }
0xb4: {  	v58 =	vmov v11;
	[tilespmem:$0x1F7A0] =	vst v10;
	v26 =	vor.u32 v53, v13;
	v2 =	vadd.f32 v27, v2;
	v27 =	vld.idx.msk [tilespmem:v33+s11+$0x0], $0xffff  }
0xb5: {  	v53 =	vmovc v10;
	v10 =	vor.u32 v60, v13;
	v60 =	vld [tilespmem:$0x1FDC0];
	v11 =	vor.u32 v22, v13;
	v0 =	vadd.f32 v46, v0  }
0xb6: {  	v22 =	vld.idx.msk [tilespmem:v16+s10+$0x0], $0xffff  }
0xb7: {  	v2 =	vadd.f32 v30, v2;
	v30 =	vmul.f32 v8, v8;
	v8 =	vld.idx.msk [tilespmem:v12+s11+$0x0], $0xffff;
	v0 =	vadd.f32 v21, v0  }
0xb8: {  	v46 =	vmul.f32 v24, v24;
	v24 =	vld [tilespmem:$0x1FDA0]  }
0xb9: {  	v29 =	vmul.f32 v19, v19;
	v18 =	vld.idx.msk [tilespmem:v26+s10+$0x0], $0xffff;
	v0 =	vadd.f32 v25, v0  }
0xba: {  	v31 =	vld.idx.msk [tilespmem:v11+s10+$0x0], $0xffff  }
0xbb: {  	v21 =	vmul.f32 v9, v9;
	v9 =	vld.idx.msk [tilespmem:v55+s11+$0x0], $0xffff;
	v0 =	vadd.f32 v29, v0  }
0xbc: {  	v57 =	vmov v26;
	[tilespmem:$0x1F7C0] =	vst v26;
	v19 =	vmul.f32 v28, v28;
	v29 =	vld [tilespmem:$0x1FDB0]  }
0xbd: {  	v62 =	vmov v11;
	[tilespmem:$0x1F7B0] =	vst v11;
	v26 =	vld.idx.msk [tilespmem:v10+s10+$0x0], $0xffff;
	v11 =	vor.u32 v20, v13;
	v0 =	vadd.f32 v46, v0  }
0xbe: {  	v2 =	vadd.f32 v17, v2;
	v59 =	vor.u32 v60, v13;
	v25 =	vmul.f32 v32, v32;
	v32 =	vld [tilespmem:$0x1FE00]  }
0xbf: {  	[tilespmem:$0x1F6C0] =	vst v14;
	v14 =	vor.u32 v24, v13;
	v24 =	vld [tilespmem:$0x1FDE0];
	v23 =	vmul.f32 v31, v31;
	v0 =	vadd.f32 v19, v0  }
0xc0: {  	[tilespmem:$0x1F730] =	vst v55;
	v2 =	vadd.f32 v21, v2;
	v28 =	vmul.f32 v18, v18;
	v19 =	vld [tilespmem:$0x1FDD0]  }
0xc1: {  	v12 =	vmul.f32 v9, v9;
	v9 =	vld.idx.msk [tilespmem:v63+s11+$0x0], $0xffff;
	v55 =	vor.u32 v29, v13;
	v0 =	vadd.f32 v23, v0  }
0xc2: {  	v2 =	vadd.f32 v25, v2;
	v31 =	vld.idx.msk [tilespmem:v11+s10+$0x0], $0xffff  }
0xc3: {  	v18 =	vmul.f32 v26, v26;
	v26 =	vld.idx.msk [tilespmem:v59+s10+$0x0], $0xffff;
	v46 =	vmul.f32 v22, v22;
	v0 =	vadd.f32 v28, v0  }
0xc4: {  	v2 =	vadd.f32 v30, v2;
	v17 =	vld.idx.msk [tilespmem:v14+s10+$0x0], $0xffff  }
0xc5: {  	[tilespmem:$0x1F760] =	vst v63;
	v28 =	vld [tilespmem:$0x1FDF0];
	v63 =	vor.u32 v19, v13;
	v0 =	vadd.f32 v46, v0  }
0xc6: {  	[tilespmem:$0x1F6D0] =	vst v56;
	v20 =	vmul.f32 v27, v27;
	v2 =	vadd.f32 v12, v2;
	v21 =	vld.idx.msk [tilespmem:v55+s10+$0x0], $0xffff  }
0xc7: {  	v29 =	vmul.f32 v9, v9;
	v9 =	vld.idx.msk [tilespmem:v15+s11+$0x0], $0xffff;
	v23 =	vmul.f32 v31, v31;
	v0 =	vadd.f32 v18, v0  }
0xc8: {  	v25 =	vmul.f32 v8, v8;
	v8 =	vld.idx.msk [tilespmem:v50+s11+$0x0], $0xffff;
	v56 =	vor.u32 v24, v13;
	v2 =	vadd.f32 v20, v2  }
0xc9: {  	v22 =	vld.idx.msk [tilespmem:v49+s11+$0x0], $0xffff;
	v27 =	vmul.f32 v17, v17;
	v0 =	vadd.f32 v23, v0  }
0xca: {  	[tilespmem:$0x1F740] =	vst v33;
	v33 =	vmov v11;
	v2 =	vadd.f32 v25, v2;
	v46 =	vor.u32 v32, v13;
	v30 =	vld.idx.msk [tilespmem:v63+s10+$0x0], $0xffff  }
0xcb: {  	[tilespmem:$0x1F7F0] =	vst v11;
	v25 =	vld [tilespmem:$0x1FE20];
	v11 =	vor.u32 v28, v13;
	v31 =	vmul.f32 v21, v21;
	v0 =	vadd.f32 v27, v0  }
0xcc: {  	v20 =	vmul.f32 v26, v26;
	v26 =	vmul.f32 v9, v9;
	v9 =	vld.idx.msk [tilespmem:v53+s11+$0x0], $0xffff  }
0xcd: {  	v18 =	vld.idx.msk [tilespmem:v56+s10+$0x0], $0xffff;
	v0 =	vadd.f32 v31, v0  }
0xce: {  	v21 =	vld [tilespmem:$0x1FE10]  }
0xcf: {  	v27 =	vld.idx.msk [tilespmem:v46+s10+$0x0], $0xffff;
	v24 =	vmul.f32 v30, v30;
	v0 =	vadd.f32 v20, v0  }
0xd0: {  	v23 =	vld.idx.msk [tilespmem:v11+s10+$0x0], $0xffff  }
0xd1: {  	v0 =	vadd.f32 v24, v0;
	v24 =	vmul.f32 v9, v9;
	v9 =	vld [tilespmem:$0x1FE60]  }
0xd2: {  	v17 =	vmul.f32 v22, v22;
	v2 =	vadd.f32 v29, v2  }
0xd3: {  	v47 =	vmov v10;
	v22 =	vmul.f32 v8, v8;
	v8 =	vld.idx.msk [tilespmem:v61+s11+$0x0], $0xffff  }
0xd4: {  	v19 =	vld.idx.msk [tilespmem:v58+s11+$0x0], $0xffff;
	v2 =	vadd.f32 v17, v2;
	v58 =	vmov v11;
	[tilespmem:$0x1F850] =	vst v11;
	v11 =	vor.u32 v25, v13  }
0xd5: {  	[tilespmem:$0x1F7E0] =	vst v10;
	v28 =	vmul.f32 v18, v18;
	v10 =	vor.u32 v21, v13;
	v18 =	vmul.f32 v23, v23;
	v23 =	vld [tilespmem:$0x1FE50]  }
0xd6: {  	v2 =	vadd.f32 v22, v2;
	v22 =	vmul.f32 v27, v27;
	v27 =	vor.u32 v9, v13;
	v9 =	vld [tilespmem:$0x1FE70]  }
0xd7: {  	v61 =	vmov v46;
	[tilespmem:$0x1F860] =	vst v46;
	v46 =	vld.idx.msk [tilespmem:v62+s11+$0x0], $0xffff  }
0xd8: {  	v20 =	vmul.f32 v8, v8;
	v8 =	vld.idx.msk [tilespmem:v57+s11+$0x0], $0xffff  }
0xd9: {  	v21 =	vld.idx.msk [tilespmem:v11+s10+$0x0], $0xffff  }
0xda: {  	v62 =	vmov v11;
	[tilespmem:$0x1F880] =	vst v11;
	v32 =	vld.idx.msk [tilespmem:v10+s10+$0x0], $0xffff;
	v11 =	vor.u32 v23, v13  }
0xdb: {  	v53 =	vmov v10;
	[tilespmem:$0x1F870] =	vst v10;
	v10 =	vor.u32 v9, v13;
	v9 =	vld [tilespmem:$0x1FE80]  }
0xdc: {  	v2 =	vadd.f32 v26, v2;
	v31 =	vmul.f32 v19, v19  }
0xdd: {  	v29 =	vld [tilespmem:$0x1FE30]  }
0xde: {  	v2 =	vadd.f32 v31, v2;
	v31 =	vld.idx.msk [tilespmem:v47+s11+$0x0], $0xffff  }
0xdf: {  	v60 =	vmul.f32 v8, v8;
	v8 =	vld.idx.msk [tilespmem:v11+s10+$0x0], $0xffff  }
0xe0: {  	v47 =	vmov v11;
	[tilespmem:$0x1F8B0] =	vst v11;
	v11 =	vor.u32 v9, v13;
	v9 =	vld [tilespmem:$0x1FE90];
	_ =	sdelay $0x1  }
0xe1: {  	v19 =	vld [tilespmem:$0x1FE40]  }
0xe2: {  	v30 =	vor.u32 v29, v13;
	_ =	sdelay $0x1  }
0xe3: {  	v2 =	vadd.f32 v20, v2;
	v0 =	vadd.f32 v28, v0;
	v20 =	vor.u32 v9, v13;
	v9 =	vld [tilespmem:$0x1FEA0];
	_ =	sdelay $0x1  }
0xe4: {  	[tilespmem:$0x1F770] =	vst v15;
	v15 =	vor.u32 v19, v13;
	v19 =	vld.idx.msk [tilespmem:v14+s11+$0x0], $0xffff;
	v0 =	vadd.f32 v18, v0  }
0xe5: {  	v25 =	vld.idx.msk [tilespmem:v30+s10+$0x0], $0xffff  }
0xe6: {  	[tilespmem:$0x1F800] =	vst v14;
	v0 =	vadd.f32 v22, v0;
	v22 =	vld.idx.msk [tilespmem:v10+s10+$0x0], $0xffff  }
0xe7: {  	v14 =	vmov v10;
	[tilespmem:$0x1F8D0] =	vst v10;
	v10 =	vor.u32 v9, v13;
	v9 =	vld [tilespmem:$0x1FEB0];
	_ =	sdelay $0x1  }
0xe8: {  	v26 =	vld.idx.msk [tilespmem:v16+s11+$0x0], $0xffff  }
0xe9: {  	[tilespmem:$0x1F810] =	vst v55;
	v23 =	vmul.f32 v8, v8;
	v8 =	vld.idx.msk [tilespmem:v55+s11+$0x0], $0xffff  }
0xea: {  	v2 =	vadd.f32 v24, v2;
	v28 =	vmul.f32 v46, v46;
	v4 =	vmul.f32 v25, v25;
	v25 =	vld.idx.msk [tilespmem:v11+s10+$0x0], $0xffff  }
0xeb: {  	v5 =	vmul.f32 v32, v32;
	v55 =	vmov v11;
	[tilespmem:$0x1F8E0] =	vst v11;
	v11 =	vor.u32 v9, v13;
	v9 =	vld [tilespmem:$0x1FEC0]  }
0xec: {  	[tilespmem:$0x1F7D0] =	vst v16;
	v2 =	vadd.f32 v28, v2;
	v29 =	vld.idx.msk [tilespmem:v15+s10+$0x0], $0xffff  }
0xed: {  	v16 =	vld.idx.msk [tilespmem:v33+s11+$0x0], $0xffff;
	v57 =	vmov v30;
	[tilespmem:$0x1F890] =	vst v30;
	v30 =	vmul.f32 v21, v21;
	v0 =	vadd.f32 v5, v0  }
0xee: {  	v1 =	vmul.f32 v26, v26;
	v2 =	vadd.f32 v60, v2  }
0xef: {  	v17 =	vld.idx.msk [tilespmem:v27+s10+$0x0], $0xffff;
	v0 =	vadd.f32 v30, v0  }
0xf0: {  	v21 =	vmul.f32 v31, v31;
	v1 =	vadd.f32 v1, v2;
	v31 =	vor.u32 v9, v13;
	v9 =	vld [tilespmem:$0x1FED0]  }
0xf1: {  	v18 =	vmul.f32 v29, v29;
	v0 =	vadd.f32 v4, v0  }
0xf2: {  	[tilespmem:$0x1F830] =	vst v63;
	v26 =	vld.idx.msk [tilespmem:v59+s11+$0x0], $0xffff;
	v24 =	vmul.f32 v16, v16;
	v1 =	vadd.f32 v21, v1  }
0xf3: {  	v33 =	vmov v27;
	[tilespmem:$0x1F8C0] =	vst v27;
	v27 =	vmul.f32 v19, v19;
	v30 =	vld.idx.msk [tilespmem:v63+s11+$0x0], $0xffff;
	v0 =	vadd.f32 v18, v0  }
0xf4: {  	v1 =	vadd.f32 v24, v1;
	v3 =	vmul.f32 v17, v17;
	v32 =	vmul.f32 v8, v8;
	v8 =	vld.idx.msk [tilespmem:v10+s10+$0x0], $0xffff  }
0xf5: {  	v0 =	vadd.f32 v23, v0;
	v63 =	vmov v10;
	[tilespmem:$0x1F900] =	vst v10;
	v10 =	vor.u32 v9, v13;
	v9 =	vld [tilespmem:$0x1FEE0]  }
0xf6: {  	[tilespmem:$0x1F820] =	vst v59;
	v60 =	vld.idx.msk [tilespmem:v56+s11+$0x0], $0xffff  }
0xf7: {  	v1 =	vadd.f32 v27, v1;
	v0 =	vadd.f32 v3, v0;
	v29 =	vmul.f32 v22, v22;
	v28 =	vld.idx.msk [tilespmem:v20+s10+$0x0], $0xffff  }
0xf8: {  	[tilespmem:$0x1F840] =	vst v56;
	v19 =	vld.idx.msk [tilespmem:v58+s11+$0x0], $0xffff  }
0xf9: {  	v16 =	vmul.f32 v26, v26;
	v0 =	vadd.f32 v29, v0;
	v1 =	vadd.f32 v32, v1;
	v17 =	vld.idx.msk [tilespmem:v11+s10+$0x0], $0xffff  }
0xfa: {  	v46 =	vmul.f32 v25, v25;
	v56 =	vmov v11;
	[tilespmem:$0x1F910] =	vst v11;
	v11 =	vor.u32 v9, v13;
	v9 =	vld [tilespmem:$0x1FEF0]  }
0xfb: {  	v27 =	vld.idx.msk [tilespmem:v53+s11+$0x0], $0xffff;
	v59 =	vmov v20;
	[tilespmem:$0x1F8F0] =	vst v20;
	v1 =	vadd.f32 v16, v1;
	v20 =	vmul.f32 v30, v30  }
0xfc: {  	v0 =	vadd.f32 v46, v0;
	v18 =	vmul.f32 v28, v28;
	v22 =	vmul.f32 v8, v8;
	v8 =	vld.idx.msk [tilespmem:v61+s11+$0x0], $0xffff  }
0xfd: {  	v24 =	vmul.f32 v60, v60;
	v1 =	vadd.f32 v20, v1;
	v21 =	vld.idx.msk [tilespmem:v31+s10+$0x0], $0xffff  }
0xfe: {  	v0 =	vadd.f32 v18, v0;
	v25 =	vld.idx.msk [tilespmem:v10+s10+$0x0], $0xffff  }
0xff: {  	v1 =	vadd.f32 v24, v1;
	v28 =	vmul.f32 v19, v19;
	v23 =	vor.u32 v9, v13;
	v9 =	vld [tilespmem:$0x1FF00]  }
0x100: {  	v18 =	vld.idx.msk [tilespmem:v57+s11+$0x0], $0xffff;
	v0 =	vadd.f32 v22, v0;
	v26 =	vmul.f32 v17, v17  }
0x101: {  	v1 =	vadd.f32 v28, v1;
	v58 =	vmov v31;
	[tilespmem:$0x1F920] =	vst v31;
	v31 =	vld.idx.msk [tilespmem:v62+s11+$0x0], $0xffff;
	v32 =	vmul.f32 v8, v8  }
0x102: {  	v0 =	vadd.f32 v26, v0;
	v30 =	vmul.f32 v21, v21;
	v29 =	vld.idx.msk [tilespmem:v11+s10+$0x0], $0xffff  }
0x103: {  	v19 =	vmul.f32 v27, v27;
	v22 =	vld.idx.msk [tilespmem:v15+s11+$0x0], $0xffff;
	v61 =	vmov v10;
	v1 =	vadd.f32 v32, v1  }
0x104: {  	[tilespmem:$0x1F930] =	vst v10;
	v0 =	vadd.f32 v30, v0;
	v46 =	vmul.f32 v25, v25;
	v10 =	vor.u32 v9, v13  }
0x105: {  	v1 =	vadd.f32 v19, v1;
	v53 =	vmov v11;
	v9 =	vadd.s32 $0x3F, v54;
	v8 =	vld.idx.msk [tilespmem:v23+s10+$0x0], $0xffff  }
0x106: {  	[tilespmem:$0x1F940] =	vst v11;
	v62 =	vmov v23;
	v0 =	vadd.f32 v46, v0;
	v46 =	vld.idx.msk [tilespmem:v14+s11+$0x0], $0xffff;
	v11 =	vor.u32 v9, v13  }
0x107: {  	[tilespmem:$0x1F950] =	vst v23;
	v21 =	vmul.f32 v29, v29;
	v23 =	vmul.f32 v31, v31;
	v29 =	vld.idx.msk [tilespmem:v33+s11+$0x0], $0xffff;
	v9 =	vor.u32 $0x40, v54  }
0x108: {  	v26 =	vmul.f32 v18, v18;
	v14 =	vld.idx.msk [tilespmem:v55+s11+$0x0], $0xffff;
	v60 =	vor.u32 v9, v13;
	v9 =	vadd.s32 $0x41, v54  }
0x109: {  	v57 =	vmov v10;
	[tilespmem:$0x1F960] =	vst v10;
	v1 =	vadd.f32 v23, v1;
	v20 =	vld.idx.msk [tilespmem:v10+s10+$0x0], $0xffff;
	v10 =	vor.u32 v9, v13  }
0x10a: {  	[tilespmem:$0x1F8A0] =	vst v15;
	v30 =	vmul.f32 v22, v22;
	v9 =	vadd.s32 $0x42, v54;
	v25 =	vmul.f32 v8, v8;
	v8 =	vld.idx.msk [tilespmem:v47+s11+$0x0], $0xffff  }
0x10b: {  	v15 =	vmov v11;
	[tilespmem:$0x1F970] =	vst v11;
	v1 =	vadd.f32 v26, v1;
	v24 =	vld.idx.msk [tilespmem:v11+s10+$0x0], $0xffff;
	v11 =	vor.u32 v9, v13  }
0x10c: {  	v0 =	vadd.f32 v21, v0;
	[tilespmem:$0x1F980] =	vst v60;
	v21 =	vmul.f32 v29, v29;
	v9 =	vadd.s32 $0x43, v54;
	v33 =	vmovc v10  }
0x10d: {  	[tilespmem:$0x1F990] =	vst v10;
	v1 =	vadd.f32 v30, v1;
	v27 =	vld.idx.msk [tilespmem:v60+s10+$0x0], $0xffff;
	v16 =	vor.u32 v9, v13;
	v9 =	vadd.s32 $0x44, v54  }
0x10e: {  	v0 =	vadd.f32 v25, v0;
	v25 =	vmul.f32 v46, v46;
	v31 =	vld.idx.msk [tilespmem:v10+s10+$0x0], $0xffff;
	v10 =	vor.u32 v9, v13  }
0x10f: {  	v47 =	vmovc v60;
	[tilespmem:$0x1F9A0] =	vst v11;
	v28 =	vmul.f32 v20, v20;
	v60 =	vmul.f32 v8, v8;
	v9 =	vadd.s32 $0x45, v54  }
0x110: {  	[tilespmem:$0x1F9B0] =	vst v16;
	v32 =	vmul.f32 v24, v24;
	v8 =	vld.idx.msk [tilespmem:v11+s10+$0x0], $0xffff;
	v17 =	vor.u32 v9, v13  }
0x111: {  	v9 =	vadd.s32 $0x46, v54;
	v24 =	vld.idx.msk [tilespmem:v59+s11+$0x0], $0xffff;
	v59 =	vmovc v10;
	v0 =	vadd.f32 v28, v0;
	v1 =	vadd.f32 v60, v1  }
0x112: {  	[tilespmem:$0x1F9C0] =	vst v10;
	v12 =	vmul.f32 v27, v27;
	v22 =	vld.idx.msk [tilespmem:v16+s10+$0x0], $0xffff;
	v18 =	vor.u32 v9, v13;
	v9 =	vadd.s32 $0x47, v54  }
0x113: {  	v28 =	vmul.f32 v14, v14;
	v0 =	vadd.f32 v32, v0;
	v1 =	vadd.f32 v21, v1;
	v26 =	vld.idx.msk [tilespmem:v10+s10+$0x0], $0xffff  }
0x114: {  	[tilespmem:$0x1F9D0] =	vst v17;
	v23 =	vmul.f32 v31, v31;
	v10 =	vor.u32 v9, v13;
	v9 =	vadd.s32 $0x48, v54;
	v31 =	vld.idx.msk [tilespmem:v56+s11+$0x0], $0xffff  }
0x115: {  	v0 =	vadd.f32 v12, v0;
	v27 =	vmul.f32 v8, v8;
	v8 =	vld.idx.msk [tilespmem:v63+s11+$0x0], $0xffff;
	v1 =	vadd.f32 v25, v1  }
0x116: {  	[tilespmem:$0x1F9E0] =	vst v18;
	v56 =	vld.idx.msk [tilespmem:v58+s11+$0x0], $0xffff;
	v19 =	vor.u32 v9, v13;
	v32 =	vmul.f32 v24, v24;
	v9 =	vadd.s32 $0x49, v54  }
0x117: {  	v29 =	vld.idx.msk [tilespmem:v17+s10+$0x0], $0xffff;
	[tilespmem:$0x1F9F0] =	vst v10;
	v30 =	vmul.f32 v22, v22;
	v20 =	vor.u32 v9, v13;
	v9 =	vadd.s32 $0x4A, v54  }
0x118: {  	v63 =	vld.idx.msk [tilespmem:v61+s11+$0x0], $0xffff;
	[tilespmem:$0x1FA00] =	vst v19;
	v0 =	vadd.f32 v23, v0;
	v21 =	vor.u32 v9, v13;
	v9 =	vadd.s32 $0x4B, v54  }
0x119: {  	v46 =	vld.idx.msk [tilespmem:v18+s10+$0x0], $0xffff;
	v1 =	vadd.f32 v28, v1;
	[tilespmem:$0x1FA10] =	vst v20;
	v22 =	vor.u32 v9, v13;
	v9 =	vadd.s32 $0x4C, v54  }
0x11a: {  	v0 =	vadd.f32 v27, v0;
	v55 =	vmul.f32 v26, v26;
	v58 =	vmul.f32 v8, v8;
	v8 =	vld.idx.msk [tilespmem:v10+s10+$0x0], $0xffff  }
0x11b: {  	v1 =	vadd.f32 v32, v1;
	v24 =	vmul.f32 v31, v31;
	v27 =	vld.idx.msk [tilespmem:v53+s11+$0x0], $0xffff;
	v28 =	vmul.f32 v56, v56  }
0x11c: {  	[tilespmem:$0x1FA20] =	vst v21;
	v31 =	vor.u32 v9, v13;
	v9 =	vadd.s32 $0x4D, v54;
	v25 =	vld.idx.msk [tilespmem:v19+s10+$0x0], $0xffff;
	v0 =	vadd.f32 v30, v0  }
0x11d: {  	v60 =	vmul.f32 v29, v29;
	v32 =	vmul.f32 v63, v63;
	v29 =	vld.idx.msk [tilespmem:v20+s10+$0x0], $0xffff;
	v1 =	vadd.f32 v58, v1  }
0x11e: {  	v23 =	vor.u32 v9, v13;
	v26 =	vmul.f32 v46, v46;
	v46 =	vld.idx.msk [tilespmem:v21+s10+$0x0], $0xffff;
	v0 =	vadd.f32 v55, v0  }
0x11f: {  	[tilespmem:$0x1FA30] =	vst v22;
	v9 =	vadd.s32 $0x4E, v54;
	v1 =	vadd.f32 v24, v1;
	v30 =	vmul.f32 v8, v8;
	v8 =	vld.idx.msk [tilespmem:v62+s11+$0x0], $0xffff  }
0x120: {  	v55 =	vld.idx.msk [tilespmem:v57+s11+$0x0], $0xffff;
	v56 =	vmul.f32 v27, v27;
	v24 =	vor.u32 v9, v13;
	v0 =	vadd.f32 v60, v0  }
0x121: {  	[tilespmem:$0x1FA40] =	vst v31;
	v57 =	vld.idx.msk [tilespmem:v22+s10+$0x0], $0xffff;
	v9 =	vadd.s32 $0x4F, v54;
	v53 =	vmul.f32 v25, v25;
	v1 =	vadd.f32 v28, v1  }
0x122: {  	[tilespmem:$0x1FA50] =	vst v23;
	v60 =	vld.idx.msk [tilespmem:v15+s11+$0x0], $0xffff;
	v63 =	vor.u32 v9, v13;
	v9 =	vor.u32 $0x50, v54;
	v0 =	vadd.f32 v26, v0  }
0x123: {  	v58 =	vmul.f32 v29, v29;
	v28 =	vld.idx.msk [tilespmem:v47+s11+$0x0], $0xffff;
	v25 =	vor.u32 v9, v13;
	v1 =	vadd.f32 v32, v1  }
0x124: {  	v15 =	vmovc v31;
	v9 =	vadd.s32 $0x51, v54;
	v0 =	vadd.f32 v30, v0;
	v61 =	vmul.f32 v8, v8;
	v8 =	vld.idx.msk [tilespmem:v31+s10+$0x0], $0xffff  }
0x125: {  	v62 =	vmul.f32 v46, v46;
	v26 =	vor.u32 v9, v13;
	v32 =	vld.idx.msk [tilespmem:v33+s11+$0x0], $0xffff;
	v1 =	vadd.f32 v56, v1  }
0x126: {  	[tilespmem:$0x1FA60] =	vst v24;
	v9 =	vadd.s32 $0x52, v54;
	v29 =	vmul.f32 v55, v55;
	v30 =	vld.idx.msk [tilespmem:v23+s10+$0x0], $0xffff;
	v0 =	vadd.f32 v53, v0  }
0x127: {  	v27 =	vor.u32 v9, v13;
	v46 =	vld.idx.msk [tilespmem:v24+s10+$0x0], $0xffff;
	v31 =	vmul.f32 v57, v57;
	v1 =	vadd.f32 v61, v1  }
0x128: {  	v33 =	vmul.f32 v60, v60;
	v55 =	vld.idx.msk [tilespmem:v63+s10+$0x0], $0xffff;
	v53 =	vmul.f32 v28, v28;
	v0 =	vadd.f32 v58, v0  }
0x129: {  	v9 =	vadd.s32 $0x53, v54;
	v1 =	vadd.f32 v29, v1;
	v47 =	vmul.f32 v8, v8;
	v8 =	vld.idx.msk [tilespmem:v11+s11+$0x0], $0xffff;
	[tilespmem:$0x1FA70] =	vst v63  }
0x12a: {  	v28 =	vor.u32 v9, v13;
	v9 =	vadd.s32 $0x54, v54;
	v0 =	vadd.f32 v62, v0;
	v57 =	vld.idx.msk [tilespmem:v16+s11+$0x0], $0xffff  }
0x12b: {  	v58 =	vmul.f32 v32, v32;
	v56 =	vmul.f32 v30, v30;
	v1 =	vadd.f32 v33, v1;
	v60 =	vld.idx.msk [tilespmem:v25+s10+$0x0], $0xffff  }
0x12c: {  	v29 =	vor.u32 v9, v13;
	v9 =	vadd.s32 $0x55, v54;
	v62 =	vld.idx.msk [tilespmem:v59+s11+$0x0], $0xffff;
	v0 =	vadd.f32 v31, v0  }
0x12d: {  	v30 =	vor.u32 v9, v13;
	v9 =	vadd.s32 $0x56, v54;
	v16 =	vld.idx.msk [tilespmem:v17+s11+$0x0], $0xffff;
	v1 =	vadd.f32 v53, v1  }
0x12e: {  	v61 =	vmul.f32 v46, v46;
	v33 =	vld.idx.msk [tilespmem:v27+s10+$0x0], $0xffff;
	v31 =	vor.u32 v9, v13;
	v0 =	vadd.f32 v47, v0  }
0x12f: {  	v14 =	vmovc v63;
	v9 =	vadd.s32 $0x57, v54;
	v1 =	vadd.f32 v58, v1;
	v63 =	vmul.f32 v8, v8;
	v8 =	vld.idx.msk [tilespmem:v26+s10+$0x0], $0xffff  }
0x130: {  	v12 =	vmul.f32 v55, v55;
	v55 =	vld.idx.msk [tilespmem:v28+s10+$0x0], $0xffff;
	v11 =	vor.u32 v9, v13;
	v0 =	vadd.f32 v56, v0  }
0x131: {  	v9 =	vadd.s32 $0x58, v54;
	v47 =	vld.idx.msk [tilespmem:v18+s11+$0x0], $0xffff;
	v17 =	vmul.f32 v57, v57;
	v1 =	vadd.f32 v63, v1  }
0x132: {  	v32 =	vor.u32 v9, v13;
	v58 =	vld.idx.msk [tilespmem:v29+s10+$0x0], $0xffff;
	v0 =	vadd.f32 v61, v0  }
0x133: {  	v46 =	vmul.f32 v60, v60;
	v53 =	vmul.f32 v62, v62;
	v60 =	vld.idx.msk [tilespmem:v19+s11+$0x0], $0xffff;
	v1 =	vadd.f32 v17, v1  }
0x134: {  	v0 =	vadd.f32 v12, v0;
	v56 =	vmul.f32 v8, v8;
	v8 =	vld.idx.msk [tilespmem:v10+s11+$0x0], $0xffff  }
0x135: {  	v9 =	vadd.s32 $0x59, v54;
	v57 =	vmul.f32 v16, v16;
	v62 =	vld.idx.msk [tilespmem:v30+s10+$0x0], $0xffff;
	v1 =	vadd.f32 v53, v1  }
0x136: {  	v59 =	vmul.f32 v33, v33;
	v61 =	vmul.f32 v47, v47;
	v12 =	vld.idx.msk [tilespmem:v20+s11+$0x0], $0xffff;
	v0 =	vadd.f32 v46, v0  }
0x137: {  	v33 =	vmul.f32 v58, v58;
	v10 =	vor.u32 v9, v13;
	v58 =	vld.idx.msk [tilespmem:v32+s10+$0x0], $0xffff;
	v1 =	vadd.f32 v57, v1  }
0x138: {  	v53 =	vld.idx.msk [tilespmem:v11+s10+$0x0], $0xffff;
	v0 =	vadd.f32 v56, v0  }
0x139: {  	v63 =	vmul.f32 v55, v55;
	v1 =	vadd.f32 v61, v1;
	v20 =	vmul.f32 v8, v8;
	v8 =	vld.idx.msk [tilespmem:v31+s10+$0x0], $0xffff  }
0x13a: {  	v9 =	vadd.s32 $0x5A, v54;
	v47 =	vmul.f32 v60, v60;
	v46 =	vld.idx.msk [tilespmem:v21+s11+$0x0], $0xffff;
	v0 =	vadd.f32 v59, v0  }
0x13b: {  	v55 =	vmul.f32 v62, v62;
	v16 =	vor.u32 v9, v13;
	v56 =	vld.idx.msk [tilespmem:v22+s11+$0x0], $0xffff;
	v1 =	vadd.f32 v20, v1  }
0x13c: {  	v9 =	vadd.s32 $0x5B, v54;
	v57 =	vmul.f32 v12, v12;
	v61 =	vld.idx.msk [tilespmem:v10+s10+$0x0], $0xffff;
	v0 =	vadd.f32 v63, v0  }
0x13d: {  	v12 =	vor.u32 v9, v13;
	v9 =	vadd.s32 $0x5C, v54;
	v1 =	vadd.f32 v47, v1  }
0x13e: {  	v62 =	vmul.f32 v53, v53;
	v0 =	vadd.f32 v33, v0;
	v59 =	vmul.f32 v8, v8;
	v8 =	vld.idx.msk [tilespmem:v15+s11+$0x0], $0xffff  }
0x13f: {  	v60 =	vmul.f32 v46, v46;
	v63 =	vld.idx.msk [tilespmem:v23+s11+$0x0], $0xffff;
	v23 =	vmul.f32 v58, v58;
	v1 =	vadd.f32 v57, v1  }
0x140: {  	v22 =	vld.idx.msk [tilespmem:v16+s10+$0x0], $0xffff;
	v21 =	vmul.f32 v56, v56;
	v15 =	vor.u32 v9, v13;
	v0 =	vadd.f32 v55, v0  }
0x141: {  	v53 =	vld.idx.msk [tilespmem:v14+s11+$0x0], $0xffff;
	v9 =	vadd.s32 $0x5D, v54;
	v47 =	vmul.f32 v61, v61;
	v1 =	vadd.f32 v60, v1  }
0x142: {  	v33 =	vld.idx.msk [tilespmem:v24+s11+$0x0], $0xffff;
	v17 =	vor.u32 v9, v13;
	v9 =	vadd.s32 $0x5E, v54;
	v0 =	vadd.f32 v59, v0  }
0x143: {  	v18 =	vor.u32 v9, v13;
	v1 =	vadd.f32 v21, v1;
	v46 =	vmul.f32 v8, v8;
	v8 =	vld.idx.msk [tilespmem:v12+s10+$0x0], $0xffff  }
0x144: {  	v58 =	vld.idx.msk [tilespmem:v25+s11+$0x0], $0xffff;
	v9 =	vadd.s32 $0x5F, v54;
	v55 =	vmul.f32 v63, v63;
	v0 =	vadd.f32 v62, v0  }
0x145: {  	[tilespmem:$0x1FA80] =	vst v25;
	v25 =	vld.idx.msk [tilespmem:v27+s11+$0x0], $0xffff;
	v14 =	vor.u32 v9, v13;
	v9 =	vor.u32 $0x60, v54;
	v1 =	vadd.f32 v46, v1  }
0x146: {  	v57 =	vmul.f32 v22, v22;
	v19 =	vor.u32 v9, v13;
	v56 =	vld.idx.msk [tilespmem:v15+s10+$0x0], $0xffff;
	v0 =	vadd.f32 v23, v0  }
0x147: {  	v9 =	vadd.s32 $0x61, v54;
	v59 =	vmul.f32 v33, v33;
	v60 =	vld.idx.msk [tilespmem:v17+s10+$0x0], $0xffff;
	v1 =	vadd.f32 v55, v1  }
0x148: {  	v20 =	vor.u32 v9, v13;
	v0 =	vadd.f32 v47, v0;
	v61 =	vmul.f32 v8, v8;
	v8 =	vld.idx.msk [tilespmem:v26+s11+$0x0], $0xffff  }
0x149: {  	v9 =	vadd.s32 $0x62, v54;
	v62 =	vmul.f32 v53, v53;
	v63 =	vld.idx.msk [tilespmem:v18+s10+$0x0], $0xffff;
	v1 =	vadd.f32 v59, v1  }
0x14a: {  	[tilespmem:$0x1FA90] =	vst v26;
	v21 =	vor.u32 v9, v13;
	v46 =	vld.idx.msk [tilespmem:v28+s11+$0x0], $0xffff;
	v0 =	vadd.f32 v57, v0  }
0x14b: {  	[tilespmem:$0x1FAA0] =	vst v27;
	v9 =	vadd.s32 $0x63, v54;
	v27 =	vld.idx.msk [tilespmem:v14+s10+$0x0], $0xffff;
	v26 =	vmul.f32 v58, v58;
	v1 =	vadd.f32 v62, v1  }
0x14c: {  	v22 =	vor.u32 v9, v13;
	v55 =	vld.idx.msk [tilespmem:v29+s11+$0x0], $0xffff;
	v24 =	vmul.f32 v56, v56;
	v0 =	vadd.f32 v61, v0  }
0x14d: {  	v1 =	vadd.f32 v26, v1;
	v47 =	vmul.f32 v8, v8;
	v8 =	vld.idx.msk [tilespmem:v19+s10+$0x0], $0xffff  }
0x14e: {  	[tilespmem:$0x1FAB0] =	vst v28;
	v9 =	vadd.s32 $0x64, v54;
	v33 =	vmul.f32 v60, v60;
	v59 =	vld.idx.msk [tilespmem:v30+s11+$0x0], $0xffff;
	v0 =	vadd.f32 v24, v0  }
0x14f: {  	v23 =	vor.u32 v9, v13;
	v56 =	vmul.f32 v25, v25;
	v57 =	vld.idx.msk [tilespmem:v20+s10+$0x0], $0xffff;
	v1 =	vadd.f32 v47, v1  }
0x150: {  	[tilespmem:$0x1FAD0] =	vst v30;
	v9 =	vadd.s32 $0x65, v54;
	v30 =	vld.idx.msk [tilespmem:v11+s11+$0x0], $0xffff;
	v53 =	vmul.f32 v63, v63;
	v0 =	vadd.f32 v33, v0  }
0x151: {  	v60 =	vmul.f32 v46, v46;
	v28 =	vld.idx.msk [tilespmem:v22+s10+$0x0], $0xffff;
	v58 =	vmul.f32 v27, v27;
	v1 =	vadd.f32 v56, v1  }
0x152: {  	v24 =	vor.u32 v9, v13;
	v0 =	vadd.f32 v53, v0;
	v62 =	vmul.f32 v8, v8;
	v8 =	vld.idx.msk [tilespmem:v31+s11+$0x0], $0xffff  }
0x153: {  	v61 =	vld.idx.msk [tilespmem:v21+s10+$0x0], $0xffff;
	v63 =	vmul.f32 v55, v55;
	v9 =	vadd.s32 $0x66, v54;
	v1 =	vadd.f32 v60, v1  }
0x154: {  	[tilespmem:$0x1FAC0] =	vst v29;
	v29 =	vmul.f32 v57, v57;
	v25 =	vor.u32 v9, v13;
	v0 =	vadd.f32 v58, v0  }
0x155: {  	[tilespmem:$0x1FAE0] =	vst v31;
	v9 =	vadd.s32 $0x67, v54;
	v47 =	vld.idx.msk [tilespmem:v32+s11+$0x0], $0xffff;
	v31 =	vmul.f32 v59, v59;
	v1 =	vadd.f32 v63, v1  }
0x156: {  	v55 =	vmul.f32 v28, v28;
	v57 =	vmul.f32 v30, v30;
	v33 =	vld.idx.msk [tilespmem:v23+s10+$0x0], $0xffff;
	v0 =	vadd.f32 v62, v0  }
0x157: {  	v26 =	vor.u32 v9, v13;
	v1 =	vadd.f32 v31, v1;
	v53 =	vmul.f32 v8, v8;
	v8 =	vld.idx.msk [tilespmem:v24+s10+$0x0], $0xffff  }
0x158: {  	v9 =	vadd.s32 $0x68, v54;
	v46 =	vmul.f32 v61, v61;
	v56 =	vld.idx.msk [tilespmem:v10+s11+$0x0], $0xffff;
	v0 =	vadd.f32 v29, v0  }
0x159: {  	v27 =	vor.u32 v9, v13;
	v9 =	vadd.s32 $0x69, v54;
	v60 =	vld.idx.msk [tilespmem:v16+s11+$0x0], $0xffff;
	v1 =	vadd.f32 v53, v1  }
0x15a: {  	v28 =	vor.u32 v9, v13;
	v9 =	vadd.s32 $0x6A, v54;
	v58 =	vld.idx.msk [tilespmem:v25+s10+$0x0], $0xffff;
	v0 =	vadd.f32 v46, v0  }
0x15b: {  	v61 =	vmul.f32 v47, v47;
	v47 =	vld.idx.msk [tilespmem:v15+s11+$0x0], $0xffff;
	v59 =	vmul.f32 v33, v33;
	v1 =	vadd.f32 v57, v1  }
0x15c: {  	v29 =	vor.u32 v9, v13;
	v0 =	vadd.f32 v55, v0;
	v63 =	vmul.f32 v8, v8;
	v8 =	vld.idx.msk [tilespmem:v12+s11+$0x0], $0xffff  }
0x15d: {  	[tilespmem:$0x1FB00] =	vst v32;
	v62 =	vld.idx.msk [tilespmem:v26+s10+$0x0], $0xffff;
	v32 =	vmul.f32 v56, v56;
	v1 =	vadd.f32 v61, v1  }
0x15e: {  	v33 =	vld.idx.msk [tilespmem:v27+s10+$0x0], $0xffff;
	v0 =	vadd.f32 v59, v0  }
0x15f: {  	v53 =	vmul.f32 v60, v60;
	v57 =	vld.idx.msk [tilespmem:v17+s11+$0x0], $0xffff;
	v1 =	vadd.f32 v32, v1  }
0x160: {  	v9 =	vadd.s32 $0x6B, v54;
	v46 =	vmul.f32 v58, v58;
	v55 =	vld.idx.msk [tilespmem:v28+s10+$0x0], $0xffff;
	v0 =	vadd.f32 v63, v0  }
0x161: {  	v60 =	vadd.s32 $0x6D, v54;
	v1 =	vadd.f32 v53, v1;
	v58 =	vmul.f32 v8, v8;
	v8 =	vld.idx.msk [tilespmem:v29+s10+$0x0], $0xffff  }
0x162: {  	v56 =	vmul.f32 v62, v62;
	v62 =	vld.idx.msk [tilespmem:v18+s11+$0x0], $0xffff;
	v32 =	vor.u32 v60, v13;
	v0 =	vadd.f32 v46, v0  }
0x163: {  	v30 =	vor.u32 v9, v13;
	v61 =	vmul.f32 v47, v47;
	v1 =	vadd.f32 v58, v1  }
0x164: {  	v9 =	vadd.s32 $0x6C, v54;
	v59 =	vmul.f32 v33, v33;
	v0 =	vadd.f32 v56, v0  }
0x165: {  	[tilespmem:$0x1FAF0] =	vst v11;
	v11 =	vld [tilespmem:$0x1FFB0];
	v31 =	vor.u32 v9, v13;
	v53 =	vmul.f32 v57, v57;
	v1 =	vadd.f32 v61, v1  }
0x166: {  	v9 =	vld [tilespmem:$0x1FCF0];
	v63 =	vmul.f32 v55, v55;
	v0 =	vadd.f32 v59, v0;
	v55 =	vmul.f32 v8, v8  }
0x167: {  	v59 =	vmul.f32 v62, v62;
	v62 =	vld.idx.msk [tilespmem:v32+s10+$0x0], $0xffff;
	v8 =	vor.u32 $0x70, v54;
	v1 =	vadd.f32 v53, v1  }
0x168: {  	v53 =	vor.u32 v8, v13;
	v8 =	vld [tilespmem:$0x1FC90];
	v0 =	vadd.f32 v63, v0  }
0x169: {  	v1 =	vadd.f32 v59, v1;
	v59 =	vld [tilespmem:$0x1FF80]  }
0x16a: {  	v0 =	vadd.f32 v55, v0;
	v55 =	vld [tilespmem:$0x1FF70]  }
0x16b: {  	v33 =	vld.idx.msk [tilespmem:v30+s10+$0x0], $0xffff  }
0x16c: {  	v9 =	vsel vm0, v9, v52;
	v57 =	vld.idx.msk [tilespmem:v14+s11+$0x0], $0xffff  }
0x16d: {  	v61 =	vld [tilespmem:$0x1FFA0];
	v8 =	vcombine.low v8, v9  }
0x16e: {  	v4 =	vmul.f32 v62, v62;
	v62 =	vld [tilespmem:$0x1FF90]  }
0x16f: {  	v47 =	vadd.s32 $0x6E, v54;
	v6 =	vsel vm0, v59, v55;
	v59 =	vor.u32 v8, v13;
	v8 =	vld.idx.msk [tilespmem:v20+s11+$0x0], $0xffff  }
0x170: {  	v46 =	vor.u32 v47, v13  }
0x171: {  	v58 =	vadd.s32 $0x6F, v54;
	v56 =	vld.idx.msk [tilespmem:v31+s10+$0x0], $0xffff  }
0x172: {  	[tilespmem:$0x1FB10] =	vst v10;
	v10 =	vld [tilespmem:$0x1FCA0];
	v60 =	vor.u32 v58, v13;
	v2 =	vmul.f32 v57, v57  }
0x173: {  	v5 =	vmul.f32 v33, v33;
	v63 =	vld.idx.msk [tilespmem:v19+s11+$0x0], $0xffff;
	v11 =	vsel vm0, v11, v61  }
0x174: {  	v1 =	vadd.f32 v2, v1;
	v2 =	vcombine.low v62, v11;
	v62 =	vmul.f32 v8, v8;
	v8 =	vld [tilespmem:$0x1FFC0]  }
0x175: {  	v3 =	vld.idx.msk [tilespmem:v46+s10+$0x0], $0xffff  }
0x176: {  	v47 =	vmul.f32 v56, v56;
	v61 =	vld.idx.msk [tilespmem:v21+s11+$0x0], $0xffff;
	v0 =	vadd.f32 v5, v0  }
0x177: {  	v5 =	vld.idx.msk [tilespmem:v60+s10+$0x0], $0xffff  }
0x178: {  	v63 =	vmul.f32 v63, v63;
	v0 =	vadd.f32 v47, v0;
	v47 =	vld.idx.msk [tilespmem:v53+s10+$0x0], $0xffff  }
0x179: {  	v10 =	vcombine.low v10, v6;
	v57 =	vor.u32 v8, v13;
	v8 =	vld [tilespmem:$0x1FF30]  }
0x17a: {  	v1 =	vadd.f32 v63, v1;
	v63 =	vld [tilespmem:$0x1FCC0]  }
0x17b: {  	v58 =	vor.u32 v10, v13;
	v10 =	vld [tilespmem:$0x1FF40]  }
0x17c: {  	v56 =	vor.u32 v2, v13;
	v2 =	vmul.f32 v61, v61;
	v61 =	vld [tilespmem:$0x1FD30]  }
0x17d: {  	v3 =	vmul.f32 v3, v3;
	v0 =	vadd.f32 v4, v0  }
0x17e: {  	v5 =	vmul.f32 v5, v5;
	v4 =	vld.idx.msk [tilespmem:v59+s10+$0x0], $0xffff;
	v8 =	vsel vm0, v52, v8  }
0x17f: {  	v0 =	vadd.f32 v3, v0;
	v1 =	vadd.f32 v62, v1;
	v62 =	vld [tilespmem:$0x1FFA0];
	v3 =	vcombine.low v8, v63  }
0x180: {  	v47 =	vmul.f32 v47, v47;
	v10 =	vsel vm0, v55, v10;
	v8 =	vld.idx.msk [tilespmem:v58+s10+$0x0], $0xffff  }
0x181: {  	v0 =	vadd.f32 v5, v0;
	v55 =	vor.u32 v3, v13;
	v3 =	vcombine.low v10, v61;
	v10 =	vld [tilespmem:$0x1FF60]  }
0x182: {  	v61 =	vld [tilespmem:$0x1FD40]  }
0x183: {  	v7 =	vld.idx.msk [tilespmem:v22+s11+$0x0], $0xffff;
	v0 =	vadd.f32 v47, v0;
	v4 =	vmul.f32 v4, v4  }
0x184: {  	v5 =	vld.idx.msk [tilespmem:v23+s11+$0x0], $0xffff  }
0x185: {  	v0 =	vadd.f32 v4, v0;
	v4 =	vmul.f32 v8, v8;
	v8 =	vld [tilespmem:$0x1FCD0]  }
0x186: {  	v47 =	vsel vm0, v62, v10;
	v10 =	vld [tilespmem:$0x1FCB0]  }
0x187: {  	v1 =	vadd.f32 v2, v1;
	v2 =	vcombine.low v47, v61;
	v47 =	vld [tilespmem:$0x1FD50]  }
0x188: {  	v7 =	vmul.f32 v7, v7;
	v63 =	vld.idx.msk [tilespmem:v56+s10+$0x0], $0xffff  }
0x189: {  	v61 =	vld [tilespmem:$0x1FD60]  }
0x18a: {  	v1 =	vadd.f32 v7, v1;
	v7 =	vld [tilespmem:$0x1FD70]  }
0x18b: {  	v33 =	vmovc v48;
	v48 =	vmov v53;
	v53 =	vor.u32 v3, v13;
	v3 =	vld.idx.msk [tilespmem:v57+s10+$0x0], $0xffff;
	v62 =	vsel vm0, v8, v10  }
0x18c: {  	v52 =	vor.u32 v2, v13;
	v2 =	vcombine.low v62, v47  }
0x18d: {  	v0 =	vadd.f32 v4, v0;
	v4 =	vmul.f32 v63, v63;
	v62 =	vld.idx.msk [tilespmem:v24+s11+$0x0], $0xffff  }
0x18e: {  	v63 =	vld.idx.msk [tilespmem:v55+s10+$0x0], $0xffff;
	v47 =	vor.u32 v2, v13;
	v2 =	vcombine.low v9, v61  }
0x18f: {  	v0 =	vadd.f32 v4, v0;
	v4 =	vmul.f32 v5, v5;
	v61 =	vld.idx.msk [tilespmem:v25+s11+$0x0], $0xffff  }
0x190: {  	v3 =	vmul.f32 v3, v3;
	v10 =	vor.u32 v2, v13;
	v2 =	vcombine.low v6, v7;
	v7 =	vld [tilespmem:$0x1FD80]  }
0x191: {  	v5 =	vld.idx.msk [tilespmem:v53+s10+$0x0], $0xffff  }
0x192: {  	v1 =	vadd.f32 v4, v1;
	v0 =	vadd.f32 v3, v0;
	v6 =	vld.idx.msk [tilespmem:v26+s11+$0x0], $0xffff;
	v3 =	vmul.f32 v62, v62  }
0x193: {  	v62 =	vld.idx.msk [tilespmem:v52+s10+$0x0], $0xffff  }
0x194: {  	v4 =	vmul.f32 v63, v63;
	v1 =	vadd.f32 v3, v1;
	v3 =	vmul.f32 v61, v61;
	v61 =	vld.idx.msk [tilespmem:v47+s10+$0x0], $0xffff  }
0x195: {  	v63 =	vor.u32 v2, v13;
	v2 =	vcombine.low v11, v7;
	v11 =	vld.idx.msk [tilespmem:v27+s11+$0x0], $0xffff  }
0x196: {  	v0 =	vadd.f32 v4, v0;
	v5 =	vmul.f32 v5, v5;
	v1 =	vadd.f32 v3, v1;
	v3 =	vld.idx.msk [tilespmem:v10+s10+$0x0], $0xffff  }
0x197: {  	v7 =	vld [tilespmem:$0x1FD00]  }
0x198: {  	v0 =	vadd.f32 v5, v0;
	v5 =	vmul.f32 v62, v62;
	v62 =	vld [tilespmem:$0x1FCE0];
	_ =	sdelay $0x1  }
0x199: {  	v4 =	vld.idx.msk [tilespmem:v29+s11+$0x0], $0xffff;
	v0 =	vadd.f32 v5, v0;
	v61 =	vmul.f32 v61, v61  }
0x19a: {  	v6 =	vmul.f32 v6, v6;
	v9 =	vor.u32 v2, v13;
	v2 =	vld.idx.msk [tilespmem:v28+s11+$0x0], $0xffff  }
0x19b: {  	v8 =	vor.u32 v7, v13;
	v0 =	vadd.f32 v61, v0;
	v61 =	vmul.f32 v3, v3;
	v7 =	vld [tilespmem:$0x1FD10]  }
0x19c: {  	v1 =	vadd.f32 v6, v1;
	v6 =	vmul.f32 v11, v11;
	v11 =	vld.idx.msk [tilespmem:v63+s10+$0x0], $0xffff;
	v62 =	vor.u32 v62, v13  }
0x19d: {  	v0 =	vadd.f32 v61, v0;
	v61 =	vld [tilespmem:$0x1FD20]  }
0x19e: {  	v5 =	vld.idx.msk [tilespmem:v30+s11+$0x0], $0xffff  }
0x19f: {  	v6 =	vadd.f32 v6, v1;
	v2 =	vmul.f32 v2, v2;
	v1 =	vld.idx.msk [tilespmem:v9+s10+$0x0], $0xffff  }
0x1a0: {  	v3 =	vld.idx.msk [tilespmem:v31+s11+$0x0], $0xffff;
	v7 =	vor.u32 v7, v13  }
0x1a1: {  	v4 =	vmul.f32 v4, v4;
	v2 =	vadd.f32 v2, v6;
	v6 =	vld.idx.msk [tilespmem:v62+s10+$0x0], $0xffff  }
0x1a2: {  	v11 =	vmul.f32 v11, v11;
	v13 =	vor.u32 v61, v13;
	v61 =	vld.idx.msk [tilespmem:v32+s11+$0x0], $0xffff  }
0x1a3: {  	v2 =	vadd.f32 v4, v2;
	v4 =	vmul.f32 v5, v5;
	v5 =	vld.idx.msk [tilespmem:v8+s10+$0x0], $0xffff  }
0x1a4: {  	v0 =	vadd.f32 v11, v0;
	v1 =	vmul.f32 v1, v1;
	v11 =	vld.idx.msk [tilespmem:v46+s11+$0x0], $0xffff  }
0x1a5: {  	v3 =	vmul.f32 v3, v3;
	v2 =	vadd.f32 v4, v2;
	v4 =	vld.idx.msk [tilespmem:v7+s10+$0x0], $0xffff  }
0x1a6: {  	[tilespmem:$0x1FB20] =	vst v46;
	v0 =	vadd.f32 v1, v0;
	v46 =	vmul.f32 v6, v6;
	v6 =	vld.idx.msk [tilespmem:v60+s11+$0x0], $0xffff  }
0x1a7: {  	v2 =	vadd.f32 v3, v2;
	v3 =	vmul.f32 v61, v61;
	v61 =	vld.idx.msk [tilespmem:v13+s10+$0x0], $0xffff  }
0x1a8: {  	v0 =	vadd.f32 v46, v0;
	v46 =	vmul.f32 v5, v5  }
0x1a9: {  	v5 =	vld.idx.msk [tilespmem:v48+s11+$0x0], $0xffff;
	v2 =	vadd.f32 v3, v2;
	v3 =	vmul.f32 v11, v11  }
0x1aa: {  	v0 =	vadd.f32 v46, v0;
	v46 =	vmul.f32 v4, v4  }
0x1ab: {  	[tilespmem:$0x1FB30] =	vst v60;
	v2 =	vadd.f32 v3, v2;
	v3 =	vld.idx.msk [tilespmem:v59+s11+$0x0], $0xffff  }
0x1ac: {  	v60 =	vmovc v48;
	v48 =	vmul.f32 v6, v6;
	v0 =	vadd.f32 v46, v0;
	v61 =	vmul.f32 v61, v61  }
0x1ad: {  	v6 =	vld.idx.msk [tilespmem:v58+s11+$0x0], $0xffff  }
0x1ae: {  	v1 =	vadd.f32 v48, v2;
	v46 =	vmul.f32 v5, v5;
	v0 =	vadd.f32 v61, v0  }
0x1af: {  	v4 =	vld.idx.msk [tilespmem:v56+s11+$0x0], $0xffff  }
0x1b0: {  	v1 =	vadd.f32 v46, v1;
	v48 =	vmul.f32 v3, v3;
	v0 =	vmax.f32 v0, $1.279999970e+00  }
0x1b1: {  	v3 =	vld.idx.msk [tilespmem:v57+s11+$0x0], $0xffff;
	v61 =	vshra.s32 v0, $0x1;
	v11 =	vmul.f32 $5.000000000e-01, v0  }
0x1b2: {  	v46 =	vmul.f32 v6, v6;
	v1 =	vadd.f32 v48, v1;
	v5 =	vsub.s32 $0x5F3759DF, v61  }
0x1b3: {  	v6 =	vld.idx.msk [tilespmem:v55+s11+$0x0], $0xffff;
	v48 =	vmul.f32 v5, v11  }
0x1b4: {  	v1 =	vadd.f32 v46, v1;
	v46 =	vmul.f32 v4, v4  }
0x1b5: {  	v61 =	vld.idx.msk [tilespmem:v53+s11+$0x0], $0xffff;
	v48 =	vmul.f32 v5, v48  }
0x1b6: {  	v1 =	vadd.f32 v46, v1;
	v46 =	vmul.f32 v3, v3  }
0x1b7: {  	v4 =	vld.idx.msk [tilespmem:v52+s11+$0x0], $0xffff;
	v48 =	vsub.f32 $1.500000000e+00, v48  }
0x1b8: {  	v1 =	vadd.f32 v46, v1;
	v46 =	vmul.f32 v6, v6  }
0x1b9: {  	v3 =	vmul.f32 v5, v48;
	v5 =	vld.idx.msk [tilespmem:v47+s11+$0x0], $0xffff  }
0x1ba: {  	v48 =	vmul.f32 v61, v61;
	v1 =	vadd.f32 v46, v1  }
0x1bb: {  	v6 =	vld.idx.msk [tilespmem:v10+s11+$0x0], $0xffff;
	v46 =	vmul.f32 v3, v11  }
0x1bc: {  	v1 =	vadd.f32 v48, v1;
	v48 =	vmul.f32 v4, v4  }
0x1bd: {  	v61 =	vld.idx.msk [tilespmem:v63+s11+$0x0], $0xffff;
	v46 =	vmul.f32 v46, v3  }
0x1be: {  	v1 =	vadd.f32 v48, v1;
	v48 =	vmul.f32 v5, v5  }
0x1bf: {  	v5 =	vld.idx.msk [tilespmem:v9+s11+$0x0], $0xffff;
	v4 =	vsub.f32 $1.500000000e+00, v46  }
0x1c0: {  	v46 =	vmul.f32 v6, v6;
	v1 =	vadd.f32 v48, v1  }
0x1c1: {  	v3 =	vmul.f32 v4, v3;
	v4 =	vld.idx.msk [tilespmem:v62+s11+$0x0], $0xffff  }
0x1c2: {  	v48 =	vmul.f32 v61, v61;
	v1 =	vadd.f32 v46, v1  }
0x1c3: {  	v61 =	vmul.f32 v3, v11;
	v11 =	vld.idx.msk [tilespmem:v8+s11+$0x0], $0xffff  }
0x1c4: {  	v46 =	vmul.f32 v5, v5;
	v1 =	vadd.f32 v48, v1;
	_ =	sdelay $0x1  }
0x1c5: {  	v48 =	vmul.f32 v61, v3;
	v1 =	vadd.f32 v46, v1;
	v61 =	vmul.f32 v4, v4  }
0x1c6: {  	v6 =	vld.idx.msk [tilespmem:v7+s11+$0x0], $0xffff  }
0x1c7: {  	v1 =	vadd.f32 v61, v1;
	v61 =	vmul.f32 v11, v11  }
0x1c8: {  	v46 =	vsub.f32 $1.500000000e+00, v48;
	v48 =	vld.idx.msk [tilespmem:v13+s11+$0x0], $0xffff  }
0x1c9: {  	v1 =	vadd.f32 v61, v1;
	v61 =	vld [tilespmem:$0x1F590]  }
0x1ca: {  	v3 =	vmul.f32 v46, v3  }
0x1cb: {  	v46 =	vmul.f32 v6, v6  }
0x1cc: {  	v0 =	vmul.f32 v3, v0  }
0x1cd: {  	v1 =	vadd.f32 v46, v1;
	v48 =	vmul.f32 v48, v48  }
0x1ce: {  	v0 =	vmul.f32 v0, v61  }
0x1cf: {  	v1 =	vadd.f32 v48, v1  }
0x1d0: {  	v6 =	vmul.f32 v0, v0  }
0x1d1: {  	v1 =	vmax.f32 v1, $1.000000000e-30  }
0x1d2: {  	v1 =	vmax.f32 v1, v6  }
0x1d3: {  	v2 =	vshra.s32 v1, $0x1;
	v1 =	vmul.f32 $5.000000000e-01, v1  }
0x1d4: {  	v2 =	vsub.s32 $0x5F3759DF, v2  }
0x1d5: {  	v46 =	vmul.f32 v2, v1;
	_ =	sdelay $0x1  }
0x1d6: {  	v3 =	vmul.f32 v2, v46;
	_ =	sdelay $0x1  }
0x1d7: {  	v3 =	vsub.f32 $1.500000000e+00, v3;
	_ =	sdelay $0x1  }
0x1d8: {  	v2 =	vmul.f32 v2, v3;
	_ =	sdelay $0x1  }
0x1d9: {  	v3 =	vmul.f32 v2, v1;
	_ =	sdelay $0x1  }
0x1da: {  	v3 =	vmul.f32 v3, v2;
	_ =	sdelay $0x1  }
0x1db: {  	v3 =	vsub.f32 $1.500000000e+00, v3;
	_ =	sdelay $0x1  }
0x1dc: {  	v2 =	vmul.f32 v3, v2;
	_ =	sdelay $0x1  }
0x1dd: {  	v1 =	vmul.f32 v2, v1;
	_ =	sdelay $0x1  }
0x1de: {  	v1 =	vmul.f32 v1, v2  }
0x1df: {  	v4 =	vld [tilespmem:$0x1F5C0]  }
0x1e0: {  	v61 =	vld [tilespmem:$0x1F5B0];
	v1 =	vsub.f32 $1.500000000e+00, v1  }
0x1e1: {  	v48 =	vld [tilespmem:$0x1F5A0]  }
0x1e2: {  	v1 =	vmul.f32 v1, v2;
	_ =	sdelay $0x1  }
0x1e3: {  	v0 =	vmul.f32 v1, v0;
	_ =	sdelay $0x1  }
0x1e4: {  	v1 =	vmul.f32 v0, v48;
	_ =	sdelay $0x1  }
0x1e5: {  	v5 =	vld [tilespmem:$0x1F5D0];
	[tilespmem:v61+s15+$0x0] =	vst.idx.msk $0xffff, v1  }
0x1e6: {  	v1 =	vld.idx.msk [tilespmem:v4+s11+$0x0], $0xffff;
	_ =	sdelay $0x4  }
0x1e7: {  	v1 =	vmul.f32 v0, v1;
	_ =	sdelay $0x1  }
0x1e8: {  	v6 =	vld [tilespmem:$0x1F5E0];
	[tilespmem:v4+s15+$0x0] =	vst.idx.msk $0xffff, v1  }
0x1e9: {  	v1 =	vld.idx.msk [tilespmem:v5+s11+$0x0], $0xffff;
	_ =	sdelay $0x4  }
0x1ea: {  	v1 =	vmul.f32 v0, v1;
	_ =	sdelay $0x1  }
0x1eb: {  	v46 =	vld [tilespmem:$0x1F5F0];
	[tilespmem:v5+s15+$0x0] =	vst.idx.msk $0xffff, v1  }
0x1ec: {  	v1 =	vld.idx.msk [tilespmem:v6+s11+$0x0], $0xffff;
	_ =	sdelay $0x4  }
0x1ed: {  	v1 =	vmul.f32 v0, v1;
	_ =	sdelay $0x1  }
0x1ee: {  	v48 =	vld [tilespmem:$0x1F600];
	[tilespmem:v6+s15+$0x0] =	vst.idx.msk $0xffff, v1  }
0x1ef: {  	v1 =	vld.idx.msk [tilespmem:v46+s11+$0x0], $0xffff;
	_ =	sdelay $0x4  }
0x1f0: {  	v1 =	vmul.f32 v0, v1;
	_ =	sdelay $0x1  }
0x1f1: {  	v61 =	vld [tilespmem:$0x1F610];
	[tilespmem:v46+s15+$0x0] =	vst.idx.msk $0xffff, v1  }
0x1f2: {  	v1 =	vld.idx.msk [tilespmem:v48+s11+$0x0], $0xffff;
	_ =	sdelay $0x4  }
0x1f3: {  	v1 =	vmul.f32 v0, v1;
	_ =	sdelay $0x1  }
0x1f4: {  	v4 =	vld [tilespmem:$0x1F620];
	[tilespmem:v48+s15+$0x0] =	vst.idx.msk $0xffff, v1  }
0x1f5: {  	v1 =	vld.idx.msk [tilespmem:v61+s11+$0x0], $0xffff;
	_ =	sdelay $0x4  }
0x1f6: {  	v1 =	vmul.f32 v0, v1;
	_ =	sdelay $0x1  }
0x1f7: {  	v5 =	vld [tilespmem:$0x1F630];
	[tilespmem:v61+s15+$0x0] =	vst.idx.msk $0xffff, v1  }
0x1f8: {  	v1 =	vld.idx.msk [tilespmem:v4+s11+$0x0], $0xffff;
	_ =	sdelay $0x4  }
0x1f9: {  	v1 =	vmul.f32 v0, v1;
	_ =	sdelay $0x1  }
0x1fa: {  	v6 =	vld [tilespmem:$0x1F640];
	[tilespmem:v4+s15+$0x0] =	vst.idx.msk $0xffff, v1  }
0x1fb: {  	v1 =	vld.idx.msk [tilespmem:v5+s11+$0x0], $0xffff;
	_ =	sdelay $0x4  }
0x1fc: {  	v1 =	vmul.f32 v0, v1;
	_ =	sdelay $0x1  }
0x1fd: {  	v46 =	vld [tilespmem:$0x1F650];
	[tilespmem:v5+s15+$0x0] =	vst.idx.msk $0xffff, v1  }
0x1fe: {  	v1 =	vld.idx.msk [tilespmem:v6+s11+$0x0], $0xffff;
	_ =	sdelay $0x4  }
0x1ff: {  	v1 =	vmul.f32 v0, v1;
	_ =	sdelay $0x1  }
0x200: {  	v48 =	vld [tilespmem:$0x1F660];
	[tilespmem:v6+s15+$0x0] =	vst.idx.msk $0xffff, v1  }
0x201: {  	v1 =	vld.idx.msk [tilespmem:v46+s11+$0x0], $0xffff;
	_ =	sdelay $0x4  }
0x202: {  	v1 =	vmul.f32 v0, v1;
	_ =	sdelay $0x1  }
0x203: {  	v61 =	vld [tilespmem:$0x1F670];
	[tilespmem:v46+s15+$0x0] =	vst.idx.msk $0xffff, v1  }
0x204: {  	v1 =	vld.idx.msk [tilespmem:v48+s11+$0x0], $0xffff;
	_ =	sdelay $0x4  }
0x205: {  	v1 =	vmul.f32 v0, v1;
	_ =	sdelay $0x1  }
0x206: {  	v4 =	vld [tilespmem:$0x1F680];
	[tilespmem:v48+s15+$0x0] =	vst.idx.msk $0xffff, v1  }
0x207: {  	v1 =	vld.idx.msk [tilespmem:v61+s11+$0x0], $0xffff;
	_ =	sdelay $0x4  }
0x208: {  	v1 =	vmul.f32 v0, v1;
	_ =	sdelay $0x1  }
0x209: {  	v5 =	vld [tilespmem:$0x1F690];
	[tilespmem:v61+s15+$0x0] =	vst.idx.msk $0xffff, v1  }
0x20a: {  	v1 =	vld.idx.msk [tilespmem:v4+s11+$0x0], $0xffff;
	_ =	sdelay $0x4  }
0x20b: {  	v1 =	vmul.f32 v0, v1;
	_ =	sdelay $0x1  }
0x20c: {  	v6 =	vld [tilespmem:$0x1F6A0];
	[tilespmem:v4+s15+$0x0] =	vst.idx.msk $0xffff, v1  }
0x20d: {  	v1 =	vld.idx.msk [tilespmem:v5+s11+$0x0], $0xffff;
	_ =	sdelay $0x4  }
0x20e: {  	v1 =	vmul.f32 v0, v1;
	_ =	sdelay $0x1  }
0x20f: {  	v46 =	vld [tilespmem:$0x1F6B0];
	[tilespmem:v5+s15+$0x0] =	vst.idx.msk $0xffff, v1  }
0x210: {  	v1 =	vld.idx.msk [tilespmem:v6+s11+$0x0], $0xffff;
	_ =	sdelay $0x4  }
0x211: {  	v1 =	vmul.f32 v0, v1;
	_ =	sdelay $0x1  }
0x212: {  	v48 =	vld [tilespmem:$0x1F6C0];
	[tilespmem:v6+s15+$0x0] =	vst.idx.msk $0xffff, v1  }
0x213: {  	v1 =	vld.idx.msk [tilespmem:v46+s11+$0x0], $0xffff;
	_ =	sdelay $0x4  }
0x214: {  	v1 =	vmul.f32 v0, v1;
	_ =	sdelay $0x1  }
0x215: {  	v61 =	vld [tilespmem:$0x1F6D0];
	[tilespmem:v46+s15+$0x0] =	vst.idx.msk $0xffff, v1  }
0x216: {  	v1 =	vld.idx.msk [tilespmem:v48+s11+$0x0], $0xffff;
	_ =	sdelay $0x4  }
0x217: {  	v1 =	vmul.f32 v0, v1;
	_ =	sdelay $0x1  }
0x218: {  	[tilespmem:v48+s15+$0x0] =	vst.idx.msk $0xffff, v1  }
0x219: {  	v1 =	vld.idx.msk [tilespmem:v61+s11+$0x0], $0xffff;
	_ =	sdelay $0x4  }
0x21a: {  	v1 =	vmul.f32 v0, v1;
	_ =	sdelay $0x1  }
0x21b: {  	v4 =	vld [tilespmem:$0x1F6E0];
	[tilespmem:v61+s15+$0x0] =	vst.idx.msk $0xffff, v1  }
0x21c: {  	v1 =	vld.idx.msk [tilespmem:v51+s11+$0x0], $0xffff;
	_ =	sdelay $0x4  }
0x21d: {  	v1 =	vmul.f32 v0, v1;
	_ =	sdelay $0x1  }
0x21e: {  	v5 =	vld [tilespmem:$0x1F6F0];
	[tilespmem:v51+s15+$0x0] =	vst.idx.msk $0xffff, v1  }
0x21f: {  	v1 =	vld.idx.msk [tilespmem:v4+s11+$0x0], $0xffff;
	_ =	sdelay $0x4  }
0x220: {  	v1 =	vmul.f32 v1, v0;
	_ =	sdelay $0x1  }
0x221: {  	v6 =	vld [tilespmem:$0x1F700];
	[tilespmem:v4+s15+$0x0] =	vst.idx.msk $0xffff, v1  }
0x222: {  	v1 =	vld.idx.msk [tilespmem:v5+s11+$0x0], $0xffff;
	_ =	sdelay $0x4  }
0x223: {  	v1 =	vmul.f32 v1, v0;
	_ =	sdelay $0x1  }
0x224: {  	v46 =	vld [tilespmem:$0x1F710];
	[tilespmem:v5+s15+$0x0] =	vst.idx.msk $0xffff, v1  }
0x225: {  	v1 =	vld.idx.msk [tilespmem:v6+s11+$0x0], $0xffff;
	_ =	sdelay $0x4  }
0x226: {  	v1 =	vmul.f32 v1, v0;
	_ =	sdelay $0x1  }
0x227: {  	v48 =	vld [tilespmem:$0x1F720];
	[tilespmem:v6+s15+$0x0] =	vst.idx.msk $0xffff, v1  }
0x228: {  	v1 =	vld.idx.msk [tilespmem:v46+s11+$0x0], $0xffff;
	_ =	sdelay $0x4  }
0x229: {  	v1 =	vmul.f32 v1, v0;
	_ =	sdelay $0x1  }
0x22a: {  	v51 =	vld [tilespmem:$0x1F730];
	[tilespmem:v46+s15+$0x0] =	vst.idx.msk $0xffff, v1  }
0x22b: {  	v1 =	vld.idx.msk [tilespmem:v48+s11+$0x0], $0xffff;
	_ =	sdelay $0x4  }
0x22c: {  	v1 =	vmul.f32 v1, v0;
	_ =	sdelay $0x1  }
0x22d: {  	v61 =	vld [tilespmem:$0x1F740];
	[tilespmem:v48+s15+$0x0] =	vst.idx.msk $0xffff, v1  }
0x22e: {  	v1 =	vld.idx.msk [tilespmem:v51+s11+$0x0], $0xffff;
	_ =	sdelay $0x4  }
0x22f: {  	v1 =	vmul.f32 v1, v0;
	_ =	sdelay $0x1  }
0x230: {  	v4 =	vld [tilespmem:$0x1F750];
	[tilespmem:v51+s15+$0x0] =	vst.idx.msk $0xffff, v1  }
0x231: {  	v1 =	vld.idx.msk [tilespmem:v61+s11+$0x0], $0xffff;
	_ =	sdelay $0x4  }
0x232: {  	v1 =	vmul.f32 v1, v0;
	_ =	sdelay $0x1  }
0x233: {  	v5 =	vld [tilespmem:$0x1F760];
	[tilespmem:v61+s15+$0x0] =	vst.idx.msk $0xffff, v1  }
0x234: {  	v1 =	vld.idx.msk [tilespmem:v4+s11+$0x0], $0xffff;
	_ =	sdelay $0x4  }
0x235: {  	v1 =	vmul.f32 v1, v0;
	_ =	sdelay $0x1  }
0x236: {  	[tilespmem:v4+s15+$0x0] =	vst.idx.msk $0xffff, v1  }
0x237: {  	v1 =	vld.idx.msk [tilespmem:v5+s11+$0x0], $0xffff;
	_ =	sdelay $0x4  }
0x238: {  	v1 =	vmul.f32 v1, v0;
	_ =	sdelay $0x1  }
0x239: {  	[tilespmem:v5+s15+$0x0] =	vst.idx.msk $0xffff, v1  }
0x23a: {  	v1 =	vld.idx.msk [tilespmem:v49+s11+$0x0], $0xffff;
	_ =	sdelay $0x4  }
0x23b: {  	v1 =	vmul.f32 v1, v0;
	_ =	sdelay $0x1  }
0x23c: {  	v6 =	vld [tilespmem:$0x1F770];
	[tilespmem:v49+s15+$0x0] =	vst.idx.msk $0xffff, v1  }
0x23d: {  	v1 =	vld.idx.msk [tilespmem:v50+s11+$0x0], $0xffff;
	_ =	sdelay $0x4  }
0x23e: {  	v1 =	vmul.f32 v1, v0;
	_ =	sdelay $0x1  }
0x23f: {  	v46 =	vld [tilespmem:$0x1F780];
	[tilespmem:v50+s15+$0x0] =	vst.idx.msk $0xffff, v1  }
0x240: {  	v1 =	vld.idx.msk [tilespmem:v6+s11+$0x0], $0xffff;
	_ =	sdelay $0x4  }
0x241: {  	v1 =	vmul.f32 v1, v0;
	_ =	sdelay $0x1  }
0x242: {  	v48 =	vld [tilespmem:$0x1F790];
	[tilespmem:v6+s15+$0x0] =	vst.idx.msk $0xffff, v1  }
0x243: {  	v1 =	vld.idx.msk [tilespmem:v46+s11+$0x0], $0xffff;
	_ =	sdelay $0x4  }
0x244: {  	v1 =	vmul.f32 v1, v0;
	_ =	sdelay $0x1  }
0x245: {  	v49 =	vld [tilespmem:$0x1F7A0];
	[tilespmem:v46+s15+$0x0] =	vst.idx.msk $0xffff, v1  }
0x246: {  	v1 =	vld.idx.msk [tilespmem:v48+s11+$0x0], $0xffff;
	_ =	sdelay $0x4  }
0x247: {  	v1 =	vmul.f32 v1, v0;
	_ =	sdelay $0x1  }
0x248: {  	v50 =	vld [tilespmem:$0x1F7B0];
	[tilespmem:v48+s15+$0x0] =	vst.idx.msk $0xffff, v1  }
0x249: {  	v1 =	vld.idx.msk [tilespmem:v49+s11+$0x0], $0xffff;
	_ =	sdelay $0x4  }
0x24a: {  	v1 =	vmul.f32 v1, v0;
	_ =	sdelay $0x1  }
0x24b: {  	v51 =	vld [tilespmem:$0x1F7C0];
	[tilespmem:v49+s15+$0x0] =	vst.idx.msk $0xffff, v1  }
0x24c: {  	v1 =	vld.idx.msk [tilespmem:v50+s11+$0x0], $0xffff;
	_ =	sdelay $0x4  }
0x24d: {  	v1 =	vmul.f32 v1, v0;
	_ =	sdelay $0x1  }
0x24e: {  	v61 =	vld [tilespmem:$0x1F7D0];
	[tilespmem:v50+s15+$0x0] =	vst.idx.msk $0xffff, v1  }
0x24f: {  	v1 =	vld.idx.msk [tilespmem:v51+s11+$0x0], $0xffff;
	_ =	sdelay $0x4  }
0x250: {  	v1 =	vmul.f32 v1, v0;
	_ =	sdelay $0x1  }
0x251: {  	v4 =	vld [tilespmem:$0x1F7E0];
	[tilespmem:v51+s15+$0x0] =	vst.idx.msk $0xffff, v1  }
0x252: {  	v1 =	vld.idx.msk [tilespmem:v61+s11+$0x0], $0xffff;
	_ =	sdelay $0x4  }
0x253: {  	v1 =	vmul.f32 v1, v0;
	_ =	sdelay $0x1  }
0x254: {  	v5 =	vld [tilespmem:$0x1F7F0];
	[tilespmem:v61+s15+$0x0] =	vst.idx.msk $0xffff, v1  }
0x255: {  	v1 =	vld.idx.msk [tilespmem:v4+s11+$0x0], $0xffff;
	_ =	sdelay $0x4  }
0x256: {  	v1 =	vmul.f32 v1, v0;
	_ =	sdelay $0x1  }
0x257: {  	v6 =	vld [tilespmem:$0x1F800];
	[tilespmem:v4+s15+$0x0] =	vst.idx.msk $0xffff, v1  }
0x258: {  	v1 =	vld.idx.msk [tilespmem:v5+s11+$0x0], $0xffff;
	_ =	sdelay $0x4  }
0x259: {  	v1 =	vmul.f32 v1, v0;
	_ =	sdelay $0x1  }
0x25a: {  	v46 =	vld [tilespmem:$0x1F810];
	[tilespmem:v5+s15+$0x0] =	vst.idx.msk $0xffff, v1  }
0x25b: {  	v1 =	vld.idx.msk [tilespmem:v6+s11+$0x0], $0xffff;
	_ =	sdelay $0x4  }
0x25c: {  	v1 =	vmul.f32 v1, v0;
	_ =	sdelay $0x1  }
0x25d: {  	v48 =	vld [tilespmem:$0x1F820];
	[tilespmem:v6+s15+$0x0] =	vst.idx.msk $0xffff, v1  }
0x25e: {  	v1 =	vld.idx.msk [tilespmem:v46+s11+$0x0], $0xffff;
	_ =	sdelay $0x4  }
0x25f: {  	v1 =	vmul.f32 v1, v0;
	_ =	sdelay $0x1  }
0x260: {  	v49 =	vld [tilespmem:$0x1F830];
	[tilespmem:v46+s15+$0x0] =	vst.idx.msk $0xffff, v1  }
0x261: {  	v1 =	vld.idx.msk [tilespmem:v48+s11+$0x0], $0xffff;
	_ =	sdelay $0x4  }
0x262: {  	v1 =	vmul.f32 v1, v0;
	_ =	sdelay $0x1  }
0x263: {  	v50 =	vld [tilespmem:$0x1F840];
	[tilespmem:v48+s15+$0x0] =	vst.idx.msk $0xffff, v1  }
0x264: {  	v1 =	vld.idx.msk [tilespmem:v49+s11+$0x0], $0xffff;
	_ =	sdelay $0x4  }
0x265: {  	v1 =	vmul.f32 v1, v0;
	_ =	sdelay $0x1  }
0x266: {  	v51 =	vld [tilespmem:$0x1F850];
	[tilespmem:v49+s15+$0x0] =	vst.idx.msk $0xffff, v1  }
0x267: {  	v1 =	vld.idx.msk [tilespmem:v50+s11+$0x0], $0xffff;
	_ =	sdelay $0x4  }
0x268: {  	v1 =	vmul.f32 v1, v0;
	_ =	sdelay $0x1  }
0x269: {  	v61 =	vld [tilespmem:$0x1F860];
	[tilespmem:v50+s15+$0x0] =	vst.idx.msk $0xffff, v1  }
0x26a: {  	v1 =	vld.idx.msk [tilespmem:v51+s11+$0x0], $0xffff;
	_ =	sdelay $0x4  }
0x26b: {  	v1 =	vmul.f32 v1, v0;
	_ =	sdelay $0x1  }
0x26c: {  	v4 =	vld [tilespmem:$0x1F870];
	[tilespmem:v51+s15+$0x0] =	vst.idx.msk $0xffff, v1  }
0x26d: {  	v1 =	vld.idx.msk [tilespmem:v61+s11+$0x0], $0xffff;
	_ =	sdelay $0x4  }
0x26e: {  	v1 =	vmul.f32 v1, v0;
	_ =	sdelay $0x1  }
0x26f: {  	v5 =	vld [tilespmem:$0x1F880];
	[tilespmem:v61+s15+$0x0] =	vst.idx.msk $0xffff, v1  }
0x270: {  	v1 =	vld.idx.msk [tilespmem:v4+s11+$0x0], $0xffff;
	_ =	sdelay $0x4  }
0x271: {  	v1 =	vmul.f32 v1, v0;
	_ =	sdelay $0x1  }
0x272: {  	v6 =	vld [tilespmem:$0x1F890];
	[tilespmem:v4+s15+$0x0] =	vst.idx.msk $0xffff, v1  }
0x273: {  	v1 =	vld.idx.msk [tilespmem:v5+s11+$0x0], $0xffff;
	_ =	sdelay $0x4  }
0x274: {  	v1 =	vmul.f32 v1, v0;
	_ =	sdelay $0x1  }
0x275: {  	v46 =	vld [tilespmem:$0x1F8A0];
	[tilespmem:v5+s15+$0x0] =	vst.idx.msk $0xffff, v1  }
0x276: {  	v1 =	vld.idx.msk [tilespmem:v6+s11+$0x0], $0xffff;
	_ =	sdelay $0x4  }
0x277: {  	v1 =	vmul.f32 v1, v0;
	_ =	sdelay $0x1  }
0x278: {  	v48 =	vld [tilespmem:$0x1F8B0];
	[tilespmem:v6+s15+$0x0] =	vst.idx.msk $0xffff, v1  }
0x279: {  	v1 =	vld.idx.msk [tilespmem:v46+s11+$0x0], $0xffff;
	_ =	sdelay $0x4  }
0x27a: {  	v1 =	vmul.f32 v1, v0;
	_ =	sdelay $0x1  }
0x27b: {  	v49 =	vld [tilespmem:$0x1F8C0];
	[tilespmem:v46+s15+$0x0] =	vst.idx.msk $0xffff, v1  }
0x27c: {  	v1 =	vld.idx.msk [tilespmem:v48+s11+$0x0], $0xffff;
	_ =	sdelay $0x4  }
0x27d: {  	v1 =	vmul.f32 v1, v0;
	_ =	sdelay $0x1  }
0x27e: {  	v50 =	vld [tilespmem:$0x1F8D0];
	[tilespmem:v48+s15+$0x0] =	vst.idx.msk $0xffff, v1  }
0x27f: {  	v1 =	vld.idx.msk [tilespmem:v49+s11+$0x0], $0xffff;
	_ =	sdelay $0x4  }
0x280: {  	v1 =	vmul.f32 v1, v0;
	_ =	sdelay $0x1  }
0x281: {  	v51 =	vld [tilespmem:$0x1F8E0];
	[tilespmem:v49+s15+$0x0] =	vst.idx.msk $0xffff, v1  }
0x282: {  	v1 =	vld.idx.msk [tilespmem:v50+s11+$0x0], $0xffff;
	_ =	sdelay $0x4  }
0x283: {  	v1 =	vmul.f32 v1, v0;
	_ =	sdelay $0x1  }
0x284: {  	v61 =	vld [tilespmem:$0x1F8F0];
	[tilespmem:v50+s15+$0x0] =	vst.idx.msk $0xffff, v1  }
0x285: {  	v1 =	vld.idx.msk [tilespmem:v51+s11+$0x0], $0xffff;
	_ =	sdelay $0x4  }
0x286: {  	v1 =	vmul.f32 v1, v0;
	_ =	sdelay $0x1  }
0x287: {  	v4 =	vld [tilespmem:$0x1F900];
	[tilespmem:v51+s15+$0x0] =	vst.idx.msk $0xffff, v1  }
0x288: {  	v1 =	vld.idx.msk [tilespmem:v61+s11+$0x0], $0xffff;
	_ =	sdelay $0x4  }
0x289: {  	v1 =	vmul.f32 v1, v0;
	_ =	sdelay $0x1  }
0x28a: {  	v5 =	vld [tilespmem:$0x1F910];
	[tilespmem:v61+s15+$0x0] =	vst.idx.msk $0xffff, v1  }
0x28b: {  	v1 =	vld.idx.msk [tilespmem:v4+s11+$0x0], $0xffff;
	_ =	sdelay $0x4  }
0x28c: {  	v1 =	vmul.f32 v1, v0;
	_ =	sdelay $0x1  }
0x28d: {  	v6 =	vld [tilespmem:$0x1F920];
	[tilespmem:v4+s15+$0x0] =	vst.idx.msk $0xffff, v1  }
0x28e: {  	v1 =	vld.idx.msk [tilespmem:v5+s11+$0x0], $0xffff;
	_ =	sdelay $0x4  }
0x28f: {  	v1 =	vmul.f32 v1, v0;
	_ =	sdelay $0x1  }
0x290: {  	v46 =	vld [tilespmem:$0x1F930];
	[tilespmem:v5+s15+$0x0] =	vst.idx.msk $0xffff, v1  }
0x291: {  	v1 =	vld.idx.msk [tilespmem:v6+s11+$0x0], $0xffff;
	_ =	sdelay $0x4  }
0x292: {  	v1 =	vmul.f32 v1, v0;
	_ =	sdelay $0x1  }
0x293: {  	v48 =	vld [tilespmem:$0x1F940];
	[tilespmem:v6+s15+$0x0] =	vst.idx.msk $0xffff, v1  }
0x294: {  	v1 =	vld.idx.msk [tilespmem:v46+s11+$0x0], $0xffff;
	_ =	sdelay $0x4  }
0x295: {  	v1 =	vmul.f32 v1, v0;
	_ =	sdelay $0x1  }
0x296: {  	v49 =	vld [tilespmem:$0x1F950];
	[tilespmem:v46+s15+$0x0] =	vst.idx.msk $0xffff, v1  }
0x297: {  	v1 =	vld.idx.msk [tilespmem:v48+s11+$0x0], $0xffff;
	_ =	sdelay $0x4  }
0x298: {  	v1 =	vmul.f32 v1, v0;
	_ =	sdelay $0x1  }
0x299: {  	v50 =	vld [tilespmem:$0x1F960];
	[tilespmem:v48+s15+$0x0] =	vst.idx.msk $0xffff, v1  }
0x29a: {  	v1 =	vld.idx.msk [tilespmem:v49+s11+$0x0], $0xffff;
	_ =	sdelay $0x4  }
0x29b: {  	v1 =	vmul.f32 v1, v0;
	_ =	sdelay $0x1  }
0x29c: {  	v51 =	vld [tilespmem:$0x1F970];
	[tilespmem:v49+s15+$0x0] =	vst.idx.msk $0xffff, v1  }
0x29d: {  	v1 =	vld.idx.msk [tilespmem:v50+s11+$0x0], $0xffff;
	_ =	sdelay $0x4  }
0x29e: {  	v1 =	vmul.f32 v1, v0;
	_ =	sdelay $0x1  }
0x29f: {  	v61 =	vld [tilespmem:$0x1F980];
	[tilespmem:v50+s15+$0x0] =	vst.idx.msk $0xffff, v1  }
0x2a0: {  	v1 =	vld.idx.msk [tilespmem:v51+s11+$0x0], $0xffff;
	_ =	sdelay $0x4  }
0x2a1: {  	v1 =	vmul.f32 v1, v0;
	_ =	sdelay $0x1  }
0x2a2: {  	v4 =	vld [tilespmem:$0x1F990];
	[tilespmem:v51+s15+$0x0] =	vst.idx.msk $0xffff, v1  }
0x2a3: {  	v1 =	vld.idx.msk [tilespmem:v61+s11+$0x0], $0xffff;
	_ =	sdelay $0x4  }
0x2a4: {  	v1 =	vmul.f32 v1, v0;
	_ =	sdelay $0x1  }
0x2a5: {  	v5 =	vld [tilespmem:$0x1F9A0];
	[tilespmem:v61+s15+$0x0] =	vst.idx.msk $0xffff, v1  }
0x2a6: {  	v1 =	vld.idx.msk [tilespmem:v4+s11+$0x0], $0xffff;
	_ =	sdelay $0x4  }
0x2a7: {  	v1 =	vmul.f32 v1, v0;
	_ =	sdelay $0x1  }
0x2a8: {  	v6 =	vld [tilespmem:$0x1F9B0];
	[tilespmem:v4+s15+$0x0] =	vst.idx.msk $0xffff, v1  }
0x2a9: {  	v1 =	vld.idx.msk [tilespmem:v5+s11+$0x0], $0xffff;
	_ =	sdelay $0x4  }
0x2aa: {  	v1 =	vmul.f32 v1, v0;
	_ =	sdelay $0x1  }
0x2ab: {  	v46 =	vld [tilespmem:$0x1F9C0];
	[tilespmem:v5+s15+$0x0] =	vst.idx.msk $0xffff, v1  }
0x2ac: {  	v1 =	vld.idx.msk [tilespmem:v6+s11+$0x0], $0xffff;
	_ =	sdelay $0x4  }
0x2ad: {  	v1 =	vmul.f32 v1, v0;
	_ =	sdelay $0x1  }
0x2ae: {  	v48 =	vld [tilespmem:$0x1F9D0];
	[tilespmem:v6+s15+$0x0] =	vst.idx.msk $0xffff, v1  }
0x2af: {  	v1 =	vld.idx.msk [tilespmem:v46+s11+$0x0], $0xffff;
	_ =	sdelay $0x4  }
0x2b0: {  	v1 =	vmul.f32 v1, v0;
	_ =	sdelay $0x1  }
0x2b1: {  	v49 =	vld [tilespmem:$0x1F9E0];
	[tilespmem:v46+s15+$0x0] =	vst.idx.msk $0xffff, v1  }
0x2b2: {  	v1 =	vld.idx.msk [tilespmem:v48+s11+$0x0], $0xffff;
	_ =	sdelay $0x4  }
0x2b3: {  	v1 =	vmul.f32 v1, v0;
	_ =	sdelay $0x1  }
0x2b4: {  	v50 =	vld [tilespmem:$0x1F9F0];
	[tilespmem:v48+s15+$0x0] =	vst.idx.msk $0xffff, v1  }
0x2b5: {  	v1 =	vld.idx.msk [tilespmem:v49+s11+$0x0], $0xffff;
	_ =	sdelay $0x4  }
0x2b6: {  	v1 =	vmul.f32 v1, v0;
	_ =	sdelay $0x1  }
0x2b7: {  	v51 =	vld [tilespmem:$0x1FA00];
	[tilespmem:v49+s15+$0x0] =	vst.idx.msk $0xffff, v1  }
0x2b8: {  	v1 =	vld.idx.msk [tilespmem:v50+s11+$0x0], $0xffff;
	_ =	sdelay $0x4  }
0x2b9: {  	v1 =	vmul.f32 v1, v0;
	_ =	sdelay $0x1  }
0x2ba: {  	v61 =	vld [tilespmem:$0x1FA10];
	[tilespmem:v50+s15+$0x0] =	vst.idx.msk $0xffff, v1  }
0x2bb: {  	v1 =	vld.idx.msk [tilespmem:v51+s11+$0x0], $0xffff;
	_ =	sdelay $0x4  }
0x2bc: {  	v1 =	vmul.f32 v1, v0;
	_ =	sdelay $0x1  }
0x2bd: {  	v4 =	vld [tilespmem:$0x1FA20];
	[tilespmem:v51+s15+$0x0] =	vst.idx.msk $0xffff, v1  }
0x2be: {  	v1 =	vld.idx.msk [tilespmem:v61+s11+$0x0], $0xffff;
	_ =	sdelay $0x4  }
0x2bf: {  	v1 =	vmul.f32 v1, v0;
	_ =	sdelay $0x1  }
0x2c0: {  	v5 =	vld [tilespmem:$0x1FA30];
	[tilespmem:v61+s15+$0x0] =	vst.idx.msk $0xffff, v1  }
0x2c1: {  	v1 =	vld.idx.msk [tilespmem:v4+s11+$0x0], $0xffff;
	_ =	sdelay $0x4  }
0x2c2: {  	v1 =	vmul.f32 v1, v0;
	_ =	sdelay $0x1  }
0x2c3: {  	v6 =	vld [tilespmem:$0x1FA40];
	[tilespmem:v4+s15+$0x0] =	vst.idx.msk $0xffff, v1  }
0x2c4: {  	v1 =	vld.idx.msk [tilespmem:v5+s11+$0x0], $0xffff;
	_ =	sdelay $0x4  }
0x2c5: {  	v1 =	vmul.f32 v1, v0;
	_ =	sdelay $0x1  }
0x2c6: {  	v46 =	vld [tilespmem:$0x1FA50];
	[tilespmem:v5+s15+$0x0] =	vst.idx.msk $0xffff, v1  }
0x2c7: {  	v1 =	vld.idx.msk [tilespmem:v6+s11+$0x0], $0xffff;
	_ =	sdelay $0x4  }
0x2c8: {  	v1 =	vmul.f32 v1, v0;
	_ =	sdelay $0x1  }
0x2c9: {  	v48 =	vld [tilespmem:$0x1FA60];
	[tilespmem:v6+s15+$0x0] =	vst.idx.msk $0xffff, v1  }
0x2ca: {  	v1 =	vld.idx.msk [tilespmem:v46+s11+$0x0], $0xffff;
	_ =	sdelay $0x4  }
0x2cb: {  	v1 =	vmul.f32 v1, v0;
	_ =	sdelay $0x1  }
0x2cc: {  	v49 =	vld [tilespmem:$0x1FA70];
	[tilespmem:v46+s15+$0x0] =	vst.idx.msk $0xffff, v1  }
0x2cd: {  	v1 =	vld.idx.msk [tilespmem:v48+s11+$0x0], $0xffff;
	_ =	sdelay $0x4  }
0x2ce: {  	v1 =	vmul.f32 v1, v0;
	_ =	sdelay $0x1  }
0x2cf: {  	v50 =	vld [tilespmem:$0x1FA80];
	[tilespmem:v48+s15+$0x0] =	vst.idx.msk $0xffff, v1  }
0x2d0: {  	v1 =	vld.idx.msk [tilespmem:v49+s11+$0x0], $0xffff;
	_ =	sdelay $0x4  }
0x2d1: {  	v1 =	vmul.f32 v1, v0;
	_ =	sdelay $0x1  }
0x2d2: {  	v51 =	vld [tilespmem:$0x1FA90];
	[tilespmem:v49+s15+$0x0] =	vst.idx.msk $0xffff, v1  }
0x2d3: {  	v1 =	vld.idx.msk [tilespmem:v50+s11+$0x0], $0xffff;
	_ =	sdelay $0x4  }
0x2d4: {  	v1 =	vmul.f32 v1, v0;
	_ =	sdelay $0x1  }
0x2d5: {  	v61 =	vld [tilespmem:$0x1FAA0];
	[tilespmem:v50+s15+$0x0] =	vst.idx.msk $0xffff, v1  }
0x2d6: {  	v1 =	vld.idx.msk [tilespmem:v51+s11+$0x0], $0xffff;
	_ =	sdelay $0x4  }
0x2d7: {  	v1 =	vmul.f32 v1, v0;
	_ =	sdelay $0x1  }
0x2d8: {  	v4 =	vld [tilespmem:$0x1FAB0];
	[tilespmem:v51+s15+$0x0] =	vst.idx.msk $0xffff, v1  }
0x2d9: {  	v1 =	vld.idx.msk [tilespmem:v61+s11+$0x0], $0xffff;
	_ =	sdelay $0x4  }
0x2da: {  	v1 =	vmul.f32 v1, v0;
	_ =	sdelay $0x1  }
0x2db: {  	v5 =	vld [tilespmem:$0x1FAC0];
	[tilespmem:v61+s15+$0x0] =	vst.idx.msk $0xffff, v1  }
0x2dc: {  	v1 =	vld.idx.msk [tilespmem:v4+s11+$0x0], $0xffff;
	_ =	sdelay $0x4  }
0x2dd: {  	v1 =	vmul.f32 v1, v0;
	_ =	sdelay $0x1  }
0x2de: {  	v6 =	vld [tilespmem:$0x1FAD0];
	[tilespmem:v4+s15+$0x0] =	vst.idx.msk $0xffff, v1  }
0x2df: {  	v1 =	vld.idx.msk [tilespmem:v5+s11+$0x0], $0xffff;
	_ =	sdelay $0x4  }
0x2e0: {  	v1 =	vmul.f32 v1, v0;
	_ =	sdelay $0x1  }
0x2e1: {  	v46 =	vld [tilespmem:$0x1FAE0];
	[tilespmem:v5+s15+$0x0] =	vst.idx.msk $0xffff, v1  }
0x2e2: {  	v1 =	vld.idx.msk [tilespmem:v6+s11+$0x0], $0xffff;
	_ =	sdelay $0x4  }
0x2e3: {  	v1 =	vmul.f32 v1, v0;
	_ =	sdelay $0x1  }
0x2e4: {  	v48 =	vld [tilespmem:$0x1FAF0];
	[tilespmem:v6+s15+$0x0] =	vst.idx.msk $0xffff, v1  }
0x2e5: {  	v1 =	vld.idx.msk [tilespmem:v46+s11+$0x0], $0xffff;
	_ =	sdelay $0x4  }
0x2e6: {  	v1 =	vmul.f32 v1, v0;
	_ =	sdelay $0x1  }
0x2e7: {  	v49 =	vld [tilespmem:$0x1FB00];
	[tilespmem:v46+s15+$0x0] =	vst.idx.msk $0xffff, v1  }
0x2e8: {  	v1 =	vld.idx.msk [tilespmem:v48+s11+$0x0], $0xffff;
	_ =	sdelay $0x4  }
0x2e9: {  	v1 =	vmul.f32 v1, v0;
	_ =	sdelay $0x1  }
0x2ea: {  	v50 =	vld [tilespmem:$0x1FB10];
	[tilespmem:v48+s15+$0x0] =	vst.idx.msk $0xffff, v1  }
0x2eb: {  	v1 =	vld.idx.msk [tilespmem:v49+s11+$0x0], $0xffff;
	_ =	sdelay $0x4  }
0x2ec: {  	v1 =	vmul.f32 v1, v0;
	_ =	sdelay $0x1  }
0x2ed: {  	[tilespmem:v49+s15+$0x0] =	vst.idx.msk $0xffff, v1  }
0x2ee: {  	v1 =	vld.idx.msk [tilespmem:v50+s11+$0x0], $0xffff;
	_ =	sdelay $0x4  }
0x2ef: {  	v1 =	vmul.f32 v1, v0;
	_ =	sdelay $0x1  }
0x2f0: {  	[tilespmem:v50+s15+$0x0] =	vst.idx.msk $0xffff, v1  }
0x2f1: {  	v1 =	vld.idx.msk [tilespmem:v16+s11+$0x0], $0xffff;
	_ =	sdelay $0x4  }
0x2f2: {  	v1 =	vmul.f32 v1, v0;
	_ =	sdelay $0x1  }
0x2f3: {  	[tilespmem:v16+s15+$0x0] =	vst.idx.msk $0xffff, v1  }
0x2f4: {  	v1 =	vld.idx.msk [tilespmem:v12+s11+$0x0], $0xffff;
	_ =	sdelay $0x4  }
0x2f5: {  	v1 =	vmul.f32 v1, v0;
	_ =	sdelay $0x1  }
0x2f6: {  	[tilespmem:v12+s15+$0x0] =	vst.idx.msk $0xffff, v1  }
0x2f7: {  	v1 =	vld.idx.msk [tilespmem:v15+s11+$0x0], $0xffff;
	_ =	sdelay $0x4  }
0x2f8: {  	v1 =	vmul.f32 v1, v0;
	_ =	sdelay $0x1  }
0x2f9: {  	[tilespmem:v15+s15+$0x0] =	vst.idx.msk $0xffff, v1  }
0x2fa: {  	v1 =	vld.idx.msk [tilespmem:v17+s11+$0x0], $0xffff;
	_ =	sdelay $0x4  }
0x2fb: {  	v1 =	vmul.f32 v1, v0;
	_ =	sdelay $0x1  }
0x2fc: {  	[tilespmem:v17+s15+$0x0] =	vst.idx.msk $0xffff, v1  }
0x2fd: {  	v1 =	vld.idx.msk [tilespmem:v18+s11+$0x0], $0xffff;
	_ =	sdelay $0x4  }
0x2fe: {  	v1 =	vmul.f32 v1, v0;
	_ =	sdelay $0x1  }
0x2ff: {  	[tilespmem:v18+s15+$0x0] =	vst.idx.msk $0xffff, v1  }
0x300: {  	v1 =	vld.idx.msk [tilespmem:v14+s11+$0x0], $0xffff;
	_ =	sdelay $0x4  }
0x301: {  	v1 =	vmul.f32 v1, v0;
	_ =	sdelay $0x1  }
0x302: {  	[tilespmem:v14+s15+$0x0] =	vst.idx.msk $0xffff, v1  }
0x303: {  	v1 =	vld.idx.msk [tilespmem:v19+s11+$0x0], $0xffff;
	_ =	sdelay $0x4  }
0x304: {  	v1 =	vmul.f32 v1, v0;
	_ =	sdelay $0x1  }
0x305: {  	[tilespmem:v19+s15+$0x0] =	vst.idx.msk $0xffff, v1  }
0x306: {  	v1 =	vld.idx.msk [tilespmem:v20+s11+$0x0], $0xffff;
	_ =	sdelay $0x4  }
0x307: {  	v1 =	vmul.f32 v1, v0;
	_ =	sdelay $0x1  }
0x308: {  	[tilespmem:v20+s15+$0x0] =	vst.idx.msk $0xffff, v1  }
0x309: {  	v1 =	vld.idx.msk [tilespmem:v21+s11+$0x0], $0xffff;
	_ =	sdelay $0x4  }
0x30a: {  	v1 =	vmul.f32 v1, v0;
	_ =	sdelay $0x1  }
0x30b: {  	[tilespmem:v21+s15+$0x0] =	vst.idx.msk $0xffff, v1  }
0x30c: {  	v1 =	vld.idx.msk [tilespmem:v22+s11+$0x0], $0xffff;
	_ =	sdelay $0x4  }
0x30d: {  	v1 =	vmul.f32 v1, v0;
	_ =	sdelay $0x1  }
0x30e: {  	[tilespmem:v22+s15+$0x0] =	vst.idx.msk $0xffff, v1  }
0x30f: {  	v1 =	vld.idx.msk [tilespmem:v23+s11+$0x0], $0xffff;
	_ =	sdelay $0x4  }
0x310: {  	v1 =	vmul.f32 v1, v0;
	_ =	sdelay $0x1  }
0x311: {  	[tilespmem:v23+s15+$0x0] =	vst.idx.msk $0xffff, v1  }
0x312: {  	v1 =	vld.idx.msk [tilespmem:v24+s11+$0x0], $0xffff;
	_ =	sdelay $0x4  }
0x313: {  	v1 =	vmul.f32 v1, v0;
	_ =	sdelay $0x1  }
0x314: {  	[tilespmem:v24+s15+$0x0] =	vst.idx.msk $0xffff, v1  }
0x315: {  	v1 =	vld.idx.msk [tilespmem:v25+s11+$0x0], $0xffff;
	_ =	sdelay $0x4  }
0x316: {  	v1 =	vmul.f32 v1, v0;
	_ =	sdelay $0x1  }
0x317: {  	[tilespmem:v25+s15+$0x0] =	vst.idx.msk $0xffff, v1  }
0x318: {  	v1 =	vld.idx.msk [tilespmem:v26+s11+$0x0], $0xffff;
	_ =	sdelay $0x4  }
0x319: {  	v1 =	vmul.f32 v1, v0;
	_ =	sdelay $0x1  }
0x31a: {  	[tilespmem:v26+s15+$0x0] =	vst.idx.msk $0xffff, v1  }
0x31b: {  	v1 =	vld.idx.msk [tilespmem:v27+s11+$0x0], $0xffff;
	_ =	sdelay $0x4  }
0x31c: {  	v1 =	vmul.f32 v1, v0;
	_ =	sdelay $0x1  }
0x31d: {  	[tilespmem:v27+s15+$0x0] =	vst.idx.msk $0xffff, v1  }
0x31e: {  	v1 =	vld.idx.msk [tilespmem:v28+s11+$0x0], $0xffff;
	_ =	sdelay $0x4  }
0x31f: {  	v1 =	vmul.f32 v1, v0;
	_ =	sdelay $0x1  }
0x320: {  	[tilespmem:v28+s15+$0x0] =	vst.idx.msk $0xffff, v1  }
0x321: {  	v1 =	vld.idx.msk [tilespmem:v29+s11+$0x0], $0xffff;
	_ =	sdelay $0x4  }
0x322: {  	v1 =	vmul.f32 v1, v0;
	_ =	sdelay $0x1  }
0x323: {  	[tilespmem:v29+s15+$0x0] =	vst.idx.msk $0xffff, v1  }
0x324: {  	v1 =	vld.idx.msk [tilespmem:v30+s11+$0x0], $0xffff;
	_ =	sdelay $0x4  }
0x325: {  	v1 =	vmul.f32 v1, v0;
	_ =	sdelay $0x1  }
0x326: {  	[tilespmem:v30+s15+$0x0] =	vst.idx.msk $0xffff, v1  }
0x327: {  	v1 =	vld.idx.msk [tilespmem:v31+s11+$0x0], $0xffff;
	_ =	sdelay $0x4  }
0x328: {  	v1 =	vmul.f32 v1, v0;
	_ =	sdelay $0x1  }
0x329: {  	v51 =	vld [tilespmem:$0x1FB20];
	[tilespmem:v31+s15+$0x0] =	vst.idx.msk $0xffff, v1  }
0x32a: {  	v1 =	vld.idx.msk [tilespmem:v32+s11+$0x0], $0xffff;
	_ =	sdelay $0x4  }
0x32b: {  	v1 =	vmul.f32 v1, v0;
	_ =	sdelay $0x1  }
0x32c: {  	v61 =	vld [tilespmem:$0x1FB30];
	[tilespmem:v32+s15+$0x0] =	vst.idx.msk $0xffff, v1  }
0x32d: {  	v1 =	vld.idx.msk [tilespmem:v51+s11+$0x0], $0xffff;
	_ =	sdelay $0x4  }
0x32e: {  	v1 =	vmul.f32 v1, v0;
	_ =	sdelay $0x1  }
0x32f: {  	[tilespmem:v51+s15+$0x0] =	vst.idx.msk $0xffff, v1  }
0x330: {  	v1 =	vld.idx.msk [tilespmem:v61+s11+$0x0], $0xffff;
	_ =	sdelay $0x4  }
0x331: {  	v1 =	vmul.f32 v1, v0;
	_ =	sdelay $0x1  }
0x332: {  	[tilespmem:v61+s15+$0x0] =	vst.idx.msk $0xffff, v1  }
0x333: {  	v1 =	vld.idx.msk [tilespmem:v60+s11+$0x0], $0xffff;
	_ =	sdelay $0x4  }
0x334: {  	v1 =	vmul.f32 v1, v0;
	_ =	sdelay $0x1  }
0x335: {  	[tilespmem:v60+s15+$0x0] =	vst.idx.msk $0xffff, v1  }
0x336: {  	v1 =	vld.idx.msk [tilespmem:v59+s11+$0x0], $0xffff;
	_ =	sdelay $0x4  }
0x337: {  	v1 =	vmul.f32 v1, v0;
	_ =	sdelay $0x1  }
0x338: {  	[tilespmem:v59+s15+$0x0] =	vst.idx.msk $0xffff, v1  }
0x339: {  	v1 =	vld.idx.msk [tilespmem:v58+s11+$0x0], $0xffff;
	_ =	sdelay $0x4  }
0x33a: {  	v1 =	vmul.f32 v1, v0;
	_ =	sdelay $0x1  }
0x33b: {  	[tilespmem:v58+s15+$0x0] =	vst.idx.msk $0xffff, v1  }
0x33c: {  	v1 =	vld.idx.msk [tilespmem:v56+s11+$0x0], $0xffff;
	_ =	sdelay $0x4  }
0x33d: {  	v1 =	vmul.f32 v1, v0;
	_ =	sdelay $0x1  }
0x33e: {  	[tilespmem:v56+s15+$0x0] =	vst.idx.msk $0xffff, v1  }
0x33f: {  	v1 =	vld.idx.msk [tilespmem:v57+s11+$0x0], $0xffff;
	_ =	sdelay $0x4  }
0x340: {  	v1 =	vmul.f32 v1, v0;
	_ =	sdelay $0x1  }
0x341: {  	[tilespmem:v57+s15+$0x0] =	vst.idx.msk $0xffff, v1  }
0x342: {  	v1 =	vld.idx.msk [tilespmem:v55+s11+$0x0], $0xffff;
	_ =	sdelay $0x4  }
0x343: {  	v1 =	vmul.f32 v1, v0;
	_ =	sdelay $0x1  }
0x344: {  	[tilespmem:v55+s15+$0x0] =	vst.idx.msk $0xffff, v1  }
0x345: {  	v1 =	vld.idx.msk [tilespmem:v53+s11+$0x0], $0xffff;
	_ =	sdelay $0x4  }
0x346: {  	v1 =	vmul.f32 v1, v0;
	_ =	sdelay $0x1  }
0x347: {  	[tilespmem:v53+s15+$0x0] =	vst.idx.msk $0xffff, v1  }
0x348: {  	v1 =	vld.idx.msk [tilespmem:v52+s11+$0x0], $0xffff;
	_ =	sdelay $0x4  }
0x349: {  	v1 =	vmul.f32 v1, v0;
	_ =	sdelay $0x1  }
0x34a: {  	[tilespmem:v52+s15+$0x0] =	vst.idx.msk $0xffff, v1  }
0x34b: {  	v1 =	vld.idx.msk [tilespmem:v47+s11+$0x0], $0xffff;
	_ =	sdelay $0x4  }
0x34c: {  	v1 =	vmul.f32 v1, v0;
	_ =	sdelay $0x1  }
0x34d: {  	[tilespmem:v47+s15+$0x0] =	vst.idx.msk $0xffff, v1  }
0x34e: {  	v1 =	vld.idx.msk [tilespmem:v10+s11+$0x0], $0xffff;
	_ =	sdelay $0x4  }
0x34f: {  	v1 =	vmul.f32 v1, v0;
	_ =	sdelay $0x1  }
0x350: {  	[tilespmem:v10+s15+$0x0] =	vst.idx.msk $0xffff, v1  }
0x351: {  	v1 =	vld.idx.msk [tilespmem:v63+s11+$0x0], $0xffff;
	_ =	sdelay $0x4  }
0x352: {  	v1 =	vmul.f32 v1, v0;
	_ =	sdelay $0x1  }
0x353: {  	[tilespmem:v63+s15+$0x0] =	vst.idx.msk $0xffff, v1  }
0x354: {  	v1 =	vld.idx.msk [tilespmem:v9+s11+$0x0], $0xffff;
	_ =	sdelay $0x4  }
0x355: {  	v1 =	vmul.f32 v1, v0;
	_ =	sdelay $0x1  }
0x356: {  	[tilespmem:v9+s15+$0x0] =	vst.idx.msk $0xffff, v1  }
0x357: {  	v1 =	vld.idx.msk [tilespmem:v62+s11+$0x0], $0xffff;
	_ =	sdelay $0x4  }
0x358: {  	v1 =	vmul.f32 v1, v0;
	_ =	sdelay $0x1  }
0x359: {  	[tilespmem:v62+s15+$0x0] =	vst.idx.msk $0xffff, v1  }
0x35a: {  	v1 =	vld.idx.msk [tilespmem:v8+s11+$0x0], $0xffff;
	_ =	sdelay $0x4  }
0x35b: {  	v1 =	vmul.f32 v1, v0;
	_ =	sdelay $0x1  }
0x35c: {  	[tilespmem:v8+s15+$0x0] =	vst.idx.msk $0xffff, v1  }
0x35d: {  	v1 =	vld.idx.msk [tilespmem:v7+s11+$0x0], $0xffff;
	_ =	sdelay $0x4  }
0x35e: {  	v1 =	vmul.f32 v1, v0;
	_ =	sdelay $0x1  }
0x35f: {  	[tilespmem:v7+s15+$0x0] =	vst.idx.msk $0xffff, v1  }
0x360: {  	v1 =	vld.idx.msk [tilespmem:v13+s11+$0x0], $0xffff;
	_ =	sdelay $0x1  }
0x361: {  	p0 =	sne.s32 s19, $0x70;
	v11 =	vld [tilespmem:$0x1FFF0]  }
.Ltmp0:
0x362: {  	v60 =	vld [tilespmem:$0x1FFE0];
	(pc) =	sbr.rel @p0 .LBB2_2-.Ltmp0, $4  }
0x363: {  	v59 =	vld [tilespmem:$0x1FFD0]  }
0x364: {  	v52 =	vld [tilespmem:$0x1FF50];
	v0 =	vmul.f32 v1, v0  }
0x365: {  	v47 =	vld [tilespmem:$0x1FF20]  }
0x366: {  	s18 =	sadd.s32 $0x10, s18;
	s19 =	sadd.s32 $0x10, s19;
	v10 =	vld [tilespmem:$0x1FF10];
	[tilespmem:v13+s15+$0x0] =	vst.idx.msk $0xffff, v0  }
0x367: {  	s17 =	sadd.s32 $0x1, s17  }
0x368: {  	p0 =	sne.s32 s17, s8  }
.Ltmp1:
0x369: {  	_ = 	snop;
	(pc) =	sbr.rel @p0 .LBB2_1-.Ltmp1, $4  }
0x36a: {  	[hbm4b:s3+s16] =	stream.indirect.scatter [tilespmem:s15], [sflag:$0x1], $0x80, s4, s16, $0xb8;
	[tilespmem:$0xC100] =	vst v63  }
0x36b: {  	_ =	swait.ge [sflag:s13], $0x4000  }
0x36c: {  	[sflag:s13] =	ssyncset.done $0x0  }
0x36d: {  	[sflag:s13] =	ssyncadd.s32 $0xFFFFC000  }
0x36e: {  	_ =	sfence.sel $0x180000  }
0x36f: {  	[bflag:$0x0] =	sbarrier.arrive $0xFFFF  }
0x370: {  	p0 =	sne.s32 s5, $0x0;
	_ =	strace $0x9000004A  }
0x371: {  	s0 =	sadd.s32 @!p0 $0x100000, s2;
	[bflag:$0x2] =	sbarrier.arrive $0xFFFF  }
0x372: {  	[sflag:s0] =	ssyncadd.tile.s32 @!p0 $0x1;
	_ =	shalt  }
.Lfunc_end2:
_tile_overlayer_lowered:
.L_overlay_start_2:
0x373: {  	(tag) =	ssettag $0x2  }
0x374: {  	s0 =	rddreg [dreg:$0x0];
	s2 =	stileid.u32  }
0x375: {  	s1 =	rddreg [dreg:$0x1];
	p0 =	sne.s32 s2, $0x0  }
0x376: {  	s3 =	rddreg [dreg:$0x2];
	[bflag:$0x3] =	sbarrier.arrive $0xFFFF;
	s2 =	simm.s32 @!p0 $0x1C04  }
0x377: {  	[timem:s3], [sflag:s2] =	dma.local @!p0 [hbm:s0], s1  }
0x378: {  	s0 =	simm.s32 @!p0 $0x4  }
0x379: {  	_ =	swait.ge @!p0 [sflag:s0], s1  }
0x37a: {  	s1 =	ssub.s32 @!p0 $0x0, s1;
	[sflag:s0] =	ssyncset.done @!p0 $0x0  }
0x37b: {  	[sflag:s0] =	ssyncadd.s32 @!p0 s1  }
0x37c: {  	[bflag:$0x3] =	sbarrier.arrive $0xFFFF  }
0x37d: {  	_ =	shalt  }

</sc_bundles>
